<compile_context>
chip_gen: v7x
topology: tpu7x:2x2x1
jax: 0.10.2.dev20260603
libtpu: 0.0.44.dev20260713+nightly
codegen_flags: <defaults>
</compile_context>

<pallas_src>
import functools

import jax
import jax.numpy as jnp
from jax import lax
from jax.experimental import pallas as pl
from jax.experimental.pallas import tpu as pltpu
from jax.experimental.pallas import tpu_sc as plsc

B = 16
V = 1_000_000
C = 131072
W = 1024
GBLK = 512

NW = 32
SC_M = 3
S = SC_M * C
CH = S // NW
KTC = (V - S + C - 1) // C
NB = (V + C - 1) // C


def _sc_stream_body(x_hbm, sp_hbm, buf, accmat, sem0, sem1):
    cid = lax.axis_index("c")
    sid = lax.axis_index("s")
    wid = cid * 16 + sid
    start = wid * CH
    lane = lax.broadcasted_iota(jnp.int32, (16,), 0)

    sems = (sem0, sem1)
    cps = [None, None]
    cps[0] = pltpu.async_copy(
        x_hbm.at[0, pl.ds(start, CH)], buf.at[0], sems[0]
    )
    for b in range(B):
        cur = b % 2
        nxt = (b + 1) % 2
        if b + 1 < B:
            cps[nxt] = pltpu.async_copy(
                x_hbm.at[b + 1, pl.ds(start, CH)], buf.at[nxt], sems[nxt]
            )
        cps[cur].wait()
        bref = buf.at[cur]

        def _inner(i, a, bref=bref):
            return a + jnp.exp(bref[pl.ds(i * 16, 16)])

        acc = lax.fori_loop(
            0, CH // 16, _inner, jnp.zeros((16,), jnp.float32), unroll=4
        )
        accmat[pl.ds(b * 16, 16)] = acc
    pltpu.sync_copy(accmat, sp_hbm.at[wid])


_sc_stream = functools.partial(
    pl.kernel,
    out_type=jax.ShapeDtypeStruct((NW, 256), jnp.float32),
    mesh=plsc.VectorSubcoreMesh(
        core_axis_name="c", subcore_axis_name="s", num_cores=2,
        num_subcores=16,
    ),
    scratch_types=[
        pltpu.VMEM((2, CH), jnp.float32),
        pltpu.VMEM((256,), jnp.float32),
        pltpu.SemaphoreType.DMA,
        pltpu.SemaphoreType.DMA,
    ],
)(_sc_stream_body)


def _tc_stream_body(x_ref, o_ref, s_acc):
    k = pl.program_id(0)

    @pl.when(k == 0)
    def _init():
        s_acc[...] = jnp.zeros((B, W), jnp.float32)

    @pl.when(k < KTC - 1)
    def _fast():
        acc = s_acc[...]
        for j in range(C // W):
            acc = acc + jnp.exp(x_ref[:, W * j:W * (j + 1)])
        s_acc[...] = acc

    @pl.when(k == KTC - 1)
    def _tail():
        lane = lax.broadcasted_iota(jnp.int32, (B, W), 1)
        acc = s_acc[...]
        for j in range(C // W):
            base = (NB - 1) * C + W * j
            e = jnp.exp(x_ref[:, W * j:W * (j + 1)])
            acc = acc + jnp.where(lane + base < V, e, 0.0)
        o_ref[...] = acc


def _gather_body(a_sref, x_ref, s_ref, sp_ref, o_ref):
    b = pl.program_id(0)
    a = a_sref[b]
    off = a - (a // GBLK) * GBLK
    row = lax.broadcasted_iota(jnp.int32, (8, GBLK), 0)
    lane = lax.broadcasted_iota(jnp.int32, (8, GBLK), 1)
    hit = jnp.logical_and(row == b % 8, lane == off)
    g = jnp.sum(jnp.where(hit, x_ref[...], 0.0))
    st_tc = jnp.sum(s_ref[...], axis=1, keepdims=True)
    sp2 = sp_ref[...]
    z = lax.dot_general(
        sp2, jnp.ones((16, 1), jnp.float32), (((1,), (0,)), ((), ()))
    )
    rr = lax.broadcasted_iota(jnp.int32, (NW * 16, B), 0) % 16
    bb = lax.broadcasted_iota(jnp.int32, (NW * 16, B), 1)
    p = (rr == bb).astype(jnp.float32)
    st_sc = lax.dot_general(p, z, (((0,), (0,)), ((), ())))
    st = st_tc + st_sc
    rows16 = lax.broadcasted_iota(jnp.int32, (B, 1), 0)
    o_ref[...] = jnp.where(rows16 == b, g - jnp.log(st), o_ref[...])


def kernel(logits, actions):
    a = actions.astype(jnp.int32).reshape(B)

    sp = _sc_stream(logits)

    s_lanes = pl.pallas_call(
        _tc_stream_body,
        grid=(KTC,),
        in_specs=[pl.BlockSpec((B, C), lambda k: (0, k + SC_M))],
        out_specs=pl.BlockSpec((B, W), lambda k: (0, 0)),
        out_shape=jax.ShapeDtypeStruct((B, W), jnp.float32),
        scratch_shapes=[pltpu.VMEM((B, W), jnp.float32)],
    )(logits)

    out = pl.pallas_call(
        _gather_body,
        grid_spec=pltpu.PrefetchScalarGridSpec(
            num_scalar_prefetch=1,
            grid=(B,),
            in_specs=[
                pl.BlockSpec(
                    (8, GBLK), lambda b, a_arr: (b // 8, a_arr[b] // GBLK)
                ),
                pl.BlockSpec((B, W), lambda b, a_arr: (0, 0)),
                pl.BlockSpec((NW * 16, 16), lambda b, a_arr: (0, 0)),
            ],
            out_specs=pl.BlockSpec((B, 1), lambda b, a_arr: (0, 0)),
        ),
        out_shape=jax.ShapeDtypeStruct((B, 1), jnp.float32),
    )(a, logits, s_lanes, sp.reshape(NW * 16, 16))
    return out

# --- scband reference (transcript-rebuilt; emitter-appended) ---
"""Pipeline reference for scband-fixed-categorical-64699387347775 (READ-ONLY COPY).

The authoritative reference and input builder live on the scoring server;
editing this copy changes nothing except your own understanding.
"""

import jax, jax.numpy as jnp
import numpy as np

def setup_inputs(seed: int = 0) -> dict:
    key = jax.random.key(seed)
    k1, k2 = jax.random.split(key)
    logits = jax.random.normal(k1, (16, 1000000), dtype=jnp.float32)
    actions = jax.random.randint(k2, (16, 1), 0, 1000000, dtype=jnp.int64)
    return {"logits": logits, "actions": actions}

def reference(logits, actions):
    # FixedCategorical.log_probs: Categorical(logits).log_prob(actions.squeeze(-1))
    #   .view(B, -1).sum(-1).unsqueeze(-1)
    logp = jax.nn.log_softmax(logits, axis=-1)
    a = actions.squeeze(-1)
    lp = jnp.take_along_axis(logp, a[:, None], axis=-1).squeeze(-1)
    out = lp.reshape(actions.shape[0], -1).sum(-1)[:, None]
    return out

if __name__ == "__main__":
    import jax
    _d = setup_inputs()
    print(jax.jit(kernel)(*tuple(_d.values())))

</pallas_src>

<mosaic_0001>
#map = affine_map<(d0, d1) -> (0, 0)>
module attributes {stable_mosaic.version = 14 : i64} {
  func.func @_sc_stream_body(%arg0: i32, %arg1: i32, %arg2: memref<16x1000000xf32, #tpu.memory_space<hbm>>, %arg3: memref<32x256xf32, #tpu.memory_space<hbm>>, %arg4: memref<2x12288xf32, #tpu.memory_space<vmem>>, %arg5: memref<256xf32, #tpu.memory_space<vmem>>, %arg6: memref<!tpu.dma_semaphore, #tpu.memory_space<semaphore_mem>>, %arg7: memref<!tpu.dma_semaphore, #tpu.memory_space<semaphore_mem>>) attributes {dimension_semantics = [#tpu.dimension_semantics<core_parallel>, #tpu.dimension_semantics<subcore_parallel>], iteration_bounds = array<i64: 2, 16>, scalar_prefetch = 0 : i64, scratch_operands = 4 : i64, tpu.core_type = #tpu.core_type<sc_vector_subcore>, window_params = [{transform_indices = #map}, {transform_indices = #map}]} {
    %mul3A = arith.constant 16 : i32
    %mul3A_0 = arith.muli %arg0, %mul3A : i32
    %add3A = arith.addi %mul3A_0, %arg1 : i32
    %mul3A_1 = arith.constant 12288 : i32
    %mul3A_2 = arith.muli %add3A, %mul3A_1 : i32
    %iota3A = tpu.iota {dimensions = array<i32: 0>} : vector<16xi32>
    %dma_start3A = arith.constant 0 : i32
    %dma_start3A_3 = arith.constant 0 : i32
    %dma_start3A_4 = arith.constant 0 : i32
    %dma_start3A_5 = tpu.memref_slice %arg4[%dma_start3A_3, %dma_start3A_4] : memref<2x12288xf32, #tpu.memory_space<vmem>> -> memref<1x12288xf32, #tpu.memory_space<vmem>>
    %dma_start3A_6 = tpu.memref_squeeze %dma_start3A_5 : memref<1x12288xf32, #tpu.memory_space<vmem>> -> memref<12288xf32, #tpu.memory_space<vmem>>
    %dma_start3A_7 = tpu.memref_slice %arg2[%dma_start3A, %mul3A_2] : memref<16x1000000xf32, #tpu.memory_space<hbm>> -> memref<1x12288xf32, #tpu.memory_space<hbm>>
    %dma_start3A_8 = tpu.memref_squeeze %dma_start3A_7 : memref<1x12288xf32, #tpu.memory_space<hbm>> -> memref<12288xf32, #tpu.memory_space<hbm>>
    %dma_start3A_9 = arith.constant 0 : i32
    %dma_start3A_10 = tpu.memref_slice %arg4[%dma_start3A_3, %dma_start3A_9] : memref<2x12288xf32, #tpu.memory_space<vmem>> -> memref<1x12288xf32, #tpu.memory_space<vmem>>
    %dma_start3A_11 = tpu.memref_squeeze %dma_start3A_10 : memref<1x12288xf32, #tpu.memory_space<vmem>> -> memref<12288xf32, #tpu.memory_space<vmem>>
    %dma_start3A_12 = tpu.memref_slice %arg2[%dma_start3A, %mul3A_2] : memref<16x1000000xf32, #tpu.memory_space<hbm>> -> memref<1x12288xf32, #tpu.memory_space<hbm>>
    %dma_start3A_13 = tpu.memref_squeeze %dma_start3A_12 : memref<1x12288xf32, #tpu.memory_space<hbm>> -> memref<12288xf32, #tpu.memory_space<hbm>>
    tpu.enqueue_dma source(%dma_start3A_13 : memref<12288xf32, #tpu.memory_space<hbm>>) target(%dma_start3A_11 : memref<12288xf32, #tpu.memory_space<vmem>>) target_semaphore(%arg6 : memref<!tpu.dma_semaphore, #tpu.memory_space<semaphore_mem>>)
    %dma_start3A_14 = arith.constant 1 : i32
    %dma_start3A_15 = arith.constant 1 : i32
    %dma_start3A_16 = arith.constant 0 : i32
    %dma_start3A_17 = tpu.memref_slice %arg4[%dma_start3A_15, %dma_start3A_16] : memref<2x12288xf32, #tpu.memory_space<vmem>> -> memref<1x12288xf32, #tpu.memory_space<vmem>>
    %dma_start3A_18 = tpu.memref_squeeze %dma_start3A_17 : memref<1x12288xf32, #tpu.memory_space<vmem>> -> memref<12288xf32, #tpu.memory_space<vmem>>
    %dma_start3A_19 = tpu.memref_slice %arg2[%dma_start3A_14, %mul3A_2] : memref<16x1000000xf32, #tpu.memory_space<hbm>> -> memref<1x12288xf32, #tpu.memory_space<hbm>>
    %dma_start3A_20 = tpu.memref_squeeze %dma_start3A_19 : memref<1x12288xf32, #tpu.memory_space<hbm>> -> memref<12288xf32, #tpu.memory_space<hbm>>
    %dma_start3A_21 = arith.constant 0 : i32
    %dma_start3A_22 = tpu.memref_slice %arg4[%dma_start3A_15, %dma_start3A_21] : memref<2x12288xf32, #tpu.memory_space<vmem>> -> memref<1x12288xf32, #tpu.memory_space<vmem>>
    %dma_start3A_23 = tpu.memref_squeeze %dma_start3A_22 : memref<1x12288xf32, #tpu.memory_space<vmem>> -> memref<12288xf32, #tpu.memory_space<vmem>>
    %dma_start3A_24 = tpu.memref_slice %arg2[%dma_start3A_14, %mul3A_2] : memref<16x1000000xf32, #tpu.memory_space<hbm>> -> memref<1x12288xf32, #tpu.memory_space<hbm>>
    %dma_start3A_25 = tpu.memref_squeeze %dma_start3A_24 : memref<1x12288xf32, #tpu.memory_space<hbm>> -> memref<12288xf32, #tpu.memory_space<hbm>>
    tpu.enqueue_dma source(%dma_start3A_25 : memref<12288xf32, #tpu.memory_space<hbm>>) target(%dma_start3A_23 : memref<12288xf32, #tpu.memory_space<vmem>>) target_semaphore(%arg7 : memref<!tpu.dma_semaphore, #tpu.memory_space<semaphore_mem>>)
    %dma_wait3A = arith.constant 0 : i32
    %dma_wait3A_26 = arith.constant 0 : i32
    %dma_wait3A_27 = arith.constant 0 : i32
    %dma_wait3A_28 = tpu.memref_slice %arg4[%dma_wait3A_26, %dma_wait3A_27] : memref<2x12288xf32, #tpu.memory_space<vmem>> -> memref<1x12288xf32, #tpu.memory_space<vmem>>
    %dma_wait3A_29 = tpu.memref_squeeze %dma_wait3A_28 : memref<1x12288xf32, #tpu.memory_space<vmem>> -> memref<12288xf32, #tpu.memory_space<vmem>>
    %dma_wait3A_30 = tpu.memref_slice %arg2[%dma_wait3A, %mul3A_2] : memref<16x1000000xf32, #tpu.memory_space<hbm>> -> memref<1x12288xf32, #tpu.memory_space<hbm>>
    %dma_wait3A_31 = tpu.memref_squeeze %dma_wait3A_30 : memref<1x12288xf32, #tpu.memory_space<hbm>> -> memref<12288xf32, #tpu.memory_space<hbm>>
    %dma_wait3A_32 = arith.constant 0 : i32
    %dma_wait3A_33 = tpu.memref_slice %arg4[%dma_wait3A_26, %dma_wait3A_32] : memref<2x12288xf32, #tpu.memory_space<vmem>> -> memref<1x12288xf32, #tpu.memory_space<vmem>>
    %dma_wait3A_34 = tpu.memref_squeeze %dma_wait3A_33 : memref<1x12288xf32, #tpu.memory_space<vmem>> -> memref<12288xf32, #tpu.memory_space<vmem>>
    %dma_wait3A_35 = tpu.memref_slice %arg2[%dma_wait3A, %mul3A_2] : memref<16x1000000xf32, #tpu.memory_space<hbm>> -> memref<1x12288xf32, #tpu.memory_space<hbm>>
    %dma_wait3A_36 = tpu.memref_squeeze %dma_wait3A_35 : memref<1x12288xf32, #tpu.memory_space<hbm>> -> memref<12288xf32, #tpu.memory_space<hbm>>
    tpu.wait_dma2 semaphore(%arg6 : memref<!tpu.dma_semaphore, #tpu.memory_space<semaphore_mem>>) src(%dma_wait3A_36 : memref<12288xf32, #tpu.memory_space<hbm>>) dst(%dma_wait3A_34 : memref<12288xf32, #tpu.memory_space<vmem>>)
    %broadcast_in_dim3A = arith.constant 0.000000e+00 : f32
    %broadcast_in_dim3A_37 = vector.broadcast %broadcast_in_dim3A : f32 to vector<16xf32>
    %scan3A = arith.constant 0 : i32
    %scan3A_38 = arith.constant 0 : i32
    %scan3A_39 = arith.constant 768 : i32
    %scan3A_40 = arith.addi %scan3A_38, %scan3A_39 : i32
    %scan3A_41 = arith.constant 4 : i32
    %scan3A_42 = scf.for %scan3A_590 = %scan3A_38 to %scan3A_40 step %scan3A_41 iter_args(%scan3A_591 = %broadcast_in_dim3A_37) -> (vector<16xf32>)  : i32 {
      %mul3A_592 = arith.constant 16 : i32
      %mul3A_593 = arith.muli %scan3A_590, %mul3A_592 : i32
      %get3A = arith.constant 0 : i32
      %get3A_594 = tpu.memref_slice %arg4[%scan3A, %get3A] : memref<2x12288xf32, #tpu.memory_space<vmem>> -> memref<1x12288xf32, #tpu.memory_space<vmem>>
      %get3A_595 = tpu.memref_squeeze %get3A_594 : memref<1x12288xf32, #tpu.memory_space<vmem>> -> memref<12288xf32, #tpu.memory_space<vmem>>
      %get3A_596 = arith.index_cast %mul3A_593 : i32 to index
      %get3A_597 = tpu.vector_load %get3A_595[%get3A_596] {strides = array<i32>} : memref<12288xf32, #tpu.memory_space<vmem>>, vector<16xf32>,
      %get3A_598 = vector.shape_cast %get3A_597 : vector<16xf32> to vector<16xf32>
      %exp3A = math.exp %get3A_598 : vector<16xf32>
      %add3A_599 = arith.addf %scan3A_591, %exp3A : vector<16xf32>
      %scan3A_600 = arith.constant 1 : i32
      %scan3A_601 = arith.addi %scan3A_590, %scan3A_600 : i32
      %mul3A_602 = arith.constant 16 : i32
      %mul3A_603 = arith.muli %scan3A_601, %mul3A_602 : i32
      %get3A_604 = arith.constant 0 : i32
      %get3A_605 = tpu.memref_slice %arg4[%scan3A, %get3A_604] : memref<2x12288xf32, #tpu.memory_space<vmem>> -> memref<1x12288xf32, #tpu.memory_space<vmem>>
      %get3A_606 = tpu.memref_squeeze %get3A_605 : memref<1x12288xf32, #tpu.memory_space<vmem>> -> memref<12288xf32, #tpu.memory_space<vmem>>
      %get3A_607 = arith.index_cast %mul3A_603 : i32 to index
      %get3A_608 = tpu.vector_load %get3A_606[%get3A_607] {strides = array<i32>} : memref<12288xf32, #tpu.memory_space<vmem>>, vector<16xf32>,
      %get3A_609 = vector.shape_cast %get3A_608 : vector<16xf32> to vector<16xf32>
      %exp3A_610 = math.exp %get3A_609 : vector<16xf32>
      %add3A_611 = arith.addf %add3A_599, %exp3A_610 : vector<16xf32>
      %scan3A_612 = arith.constant 2 : i32
      %scan3A_613 = arith.addi %scan3A_590, %scan3A_612 : i32
      %mul3A_614 = arith.constant 16 : i32
      %mul3A_615 = arith.muli %scan3A_613, %mul3A_614 : i32
      %get3A_616 = arith.constant 0 : i32
      %get3A_617 = tpu.memref_slice %arg4[%scan3A, %get3A_616] : memref<2x12288xf32, #tpu.memory_space<vmem>> -> memref<1x12288xf32, #tpu.memory_space<vmem>>
      %get3A_618 = tpu.memref_squeeze %get3A_617 : memref<1x12288xf32, #tpu.memory_space<vmem>> -> memref<12288xf32, #tpu.memory_space<vmem>>
      %get3A_619 = arith.index_cast %mul3A_615 : i32 to index
      %get3A_620 = tpu.vector_load %get3A_618[%get3A_619] {strides = array<i32>} : memref<12288xf32, #tpu.memory_space<vmem>>, vector<16xf32>,
      %get3A_621 = vector.shape_cast %get3A_620 : vector<16xf32> to vector<16xf32>
      %exp3A_622 = math.exp %get3A_621 : vector<16xf32>
      %add3A_623 = arith.addf %add3A_611, %exp3A_622 : vector<16xf32>
      %scan3A_624 = arith.constant 3 : i32
      %scan3A_625 = arith.addi %scan3A_590, %scan3A_624 : i32
      %mul3A_626 = arith.constant 16 : i32
      %mul3A_627 = arith.muli %scan3A_625, %mul3A_626 : i32
      %get3A_628 = arith.constant 0 : i32
      %get3A_629 = tpu.memref_slice %arg4[%scan3A, %get3A_628] : memref<2x12288xf32, #tpu.memory_space<vmem>> -> memref<1x12288xf32, #tpu.memory_space<vmem>>
      %get3A_630 = tpu.memref_squeeze %get3A_629 : memref<1x12288xf32, #tpu.memory_space<vmem>> -> memref<12288xf32, #tpu.memory_space<vmem>>
      %get3A_631 = arith.index_cast %mul3A_627 : i32 to index
      %get3A_632 = tpu.vector_load %get3A_630[%get3A_631] {strides = array<i32>} : memref<12288xf32, #tpu.memory_space<vmem>>, vector<16xf32>,
      %get3A_633 = vector.shape_cast %get3A_632 : vector<16xf32> to vector<16xf32>
      %exp3A_634 = math.exp %get3A_633 : vector<16xf32>
      %add3A_635 = arith.addf %add3A_623, %exp3A_634 : vector<16xf32>
      scf.yield %add3A_635 : vector<16xf32>
    }
    %scan3A_43 = arith.constant 768 : i32
    %swap3A = arith.constant 0 : index
    %swap3A_44 = tpu.vector_load %arg5[%swap3A] {strides = array<i32>} : memref<256xf32, #tpu.memory_space<vmem>>, vector<16xf32>,
    %swap3A_45 = vector.shape_cast %swap3A_44 : vector<16xf32> to vector<16xf32>
    %swap3A_46 = vector.shape_cast %scan3A_42 : vector<16xf32> to vector<16xf32>
    tpu.vector_store %arg5[%swap3A], %swap3A_46 {strides = array<i32>} : memref<256xf32, #tpu.memory_space<vmem>>, vector<16xf32>,
    %dma_start3A_47 = arith.constant 2 : i32
    %dma_start3A_48 = arith.constant 0 : i32
    %dma_start3A_49 = arith.constant 0 : i32
    %dma_start3A_50 = tpu.memref_slice %arg4[%dma_start3A_48, %dma_start3A_49] : memref<2x12288xf32, #tpu.memory_space<vmem>> -> memref<1x12288xf32, #tpu.memory_space<vmem>>
    %dma_start3A_51 = tpu.memref_squeeze %dma_start3A_50 : memref<1x12288xf32, #tpu.memory_space<vmem>> -> memref<12288xf32, #tpu.memory_space<vmem>>
    %dma_start3A_52 = tpu.memref_slice %arg2[%dma_start3A_47, %mul3A_2] : memref<16x1000000xf32, #tpu.memory_space<hbm>> -> memref<1x12288xf32, #tpu.memory_space<hbm>>
    %dma_start3A_53 = tpu.memref_squeeze %dma_start3A_52 : memref<1x12288xf32, #tpu.memory_space<hbm>> -> memref<12288xf32, #tpu.memory_space<hbm>>
    %dma_start3A_54 = arith.constant 0 : i32
    %dma_start3A_55 = tpu.memref_slice %arg4[%dma_start3A_48, %dma_start3A_54] : memref<2x12288xf32, #tpu.memory_space<vmem>> -> memref<1x12288xf32, #tpu.memory_space<vmem>>
    %dma_start3A_56 = tpu.memref_squeeze %dma_start3A_55 : memref<1x12288xf32, #tpu.memory_space<vmem>> -> memref<12288xf32, #tpu.memory_space<vmem>>
    %dma_start3A_57 = tpu.memref_slice %arg2[%dma_start3A_47, %mul3A_2] : memref<16x1000000xf32, #tpu.memory_space<hbm>> -> memref<1x12288xf32, #tpu.memory_space<hbm>>
    %dma_start3A_58 = tpu.memref_squeeze %dma_start3A_57 : memref<1x12288xf32, #tpu.memory_space<hbm>> -> memref<12288xf32, #tpu.memory_space<hbm>>
    tpu.enqueue_dma source(%dma_start3A_58 : memref<12288xf32, #tpu.memory_space<hbm>>) target(%dma_start3A_56 : memref<12288xf32, #tpu.memory_space<vmem>>) target_semaphore(%arg6 : memref<!tpu.dma_semaphore, #tpu.memory_space<semaphore_mem>>)
    %dma_wait3A_59 = arith.constant 1 : i32
    %dma_wait3A_60 = arith.constant 1 : i32
    %dma_wait3A_61 = arith.constant 0 : i32
    %dma_wait3A_62 = tpu.memref_slice %arg4[%dma_wait3A_60, %dma_wait3A_61] : memref<2x12288xf32, #tpu.memory_space<vmem>> -> memref<1x12288xf32, #tpu.memory_space<vmem>>
    %dma_wait3A_63 = tpu.memref_squeeze %dma_wait3A_62 : memref<1x12288xf32, #tpu.memory_space<vmem>> -> memref<12288xf32, #tpu.memory_space<vmem>>
    %dma_wait3A_64 = tpu.memref_slice %arg2[%dma_wait3A_59, %mul3A_2] : memref<16x1000000xf32, #tpu.memory_space<hbm>> -> memref<1x12288xf32, #tpu.memory_space<hbm>>
    %dma_wait3A_65 = tpu.memref_squeeze %dma_wait3A_64 : memref<1x12288xf32, #tpu.memory_space<hbm>> -> memref<12288xf32, #tpu.memory_space<hbm>>
    %dma_wait3A_66 = arith.constant 0 : i32
    %dma_wait3A_67 = tpu.memref_slice %arg4[%dma_wait3A_60, %dma_wait3A_66] : memref<2x12288xf32, #tpu.memory_space<vmem>> -> memref<1x12288xf32, #tpu.memory_space<vmem>>
    %dma_wait3A_68 = tpu.memref_squeeze %dma_wait3A_67 : memref<1x12288xf32, #tpu.memory_space<vmem>> -> memref<12288xf32, #tpu.memory_space<vmem>>
    %dma_wait3A_69 = tpu.memref_slice %arg2[%dma_wait3A_59, %mul3A_2] : memref<16x1000000xf32, #tpu.memory_space<hbm>> -> memref<1x12288xf32, #tpu.memory_space<hbm>>
    %dma_wait3A_70 = tpu.memref_squeeze %dma_wait3A_69 : memref<1x12288xf32, #tpu.memory_space<hbm>> -> memref<12288xf32, #tpu.memory_space<hbm>>
    tpu.wait_dma2 semaphore(%arg7 : memref<!tpu.dma_semaphore, #tpu.memory_space<semaphore_mem>>) src(%dma_wait3A_70 : memref<12288xf32, #tpu.memory_space<hbm>>) dst(%dma_wait3A_68 : memref<12288xf32, #tpu.memory_space<vmem>>)
    %broadcast_in_dim3A_71 = arith.constant 0.000000e+00 : f32
    %broadcast_in_dim3A_72 = vector.broadcast %broadcast_in_dim3A_71 : f32 to vector<16xf32>
    %scan3A_73 = arith.constant 1 : i32
    %scan3A_74 = arith.constant 0 : i32
    %scan3A_75 = arith.constant 768 : i32
    %scan3A_76 = arith.addi %scan3A_74, %scan3A_75 : i32
    %scan3A_77 = arith.constant 4 : i32
    %scan3A_78 = scf.for %scan3A_590 = %scan3A_74 to %scan3A_76 step %scan3A_77 iter_args(%scan3A_591 = %broadcast_in_dim3A_72) -> (vector<16xf32>)  : i32 {
      %mul3A_592 = arith.constant 16 : i32
      %mul3A_593 = arith.muli %scan3A_590, %mul3A_592 : i32
      %get3A = arith.constant 0 : i32
      %get3A_594 = tpu.memref_slice %arg4[%scan3A_73, %get3A] : memref<2x12288xf32, #tpu.memory_space<vmem>> -> memref<1x12288xf32, #tpu.memory_space<vmem>>
      %get3A_595 = tpu.memref_squeeze %get3A_594 : memref<1x12288xf32, #tpu.memory_space<vmem>> -> memref<12288xf32, #tpu.memory_space<vmem>>
      %get3A_596 = arith.index_cast %mul3A_593 : i32 to index
      %get3A_597 = tpu.vector_load %get3A_595[%get3A_596] {strides = array<i32>} : memref<12288xf32, #tpu.memory_space<vmem>>, vector<16xf32>,
      %get3A_598 = vector.shape_cast %get3A_597 : vector<16xf32> to vector<16xf32>
      %exp3A = math.exp %get3A_598 : vector<16xf32>
      %add3A_599 = arith.addf %scan3A_591, %exp3A : vector<16xf32>
      %scan3A_600 = arith.constant 1 : i32
      %scan3A_601 = arith.addi %scan3A_590, %scan3A_600 : i32
      %mul3A_602 = arith.constant 16 : i32
      %mul3A_603 = arith.muli %scan3A_601, %mul3A_602 : i32
      %get3A_604 = arith.constant 0 : i32
      %get3A_605 = tpu.memref_slice %arg4[%scan3A_73, %get3A_604] : memref<2x12288xf32, #tpu.memory_space<vmem>> -> memref<1x12288xf32, #tpu.memory_space<vmem>>
      %get3A_606 = tpu.memref_squeeze %get3A_605 : memref<1x12288xf32, #tpu.memory_space<vmem>> -> memref<12288xf32, #tpu.memory_space<vmem>>
      %get3A_607 = arith.index_cast %mul3A_603 : i32 to index
      %get3A_608 = tpu.vector_load %get3A_606[%get3A_607] {strides = array<i32>} : memref<12288xf32, #tpu.memory_space<vmem>>, vector<16xf32>,
      %get3A_609 = vector.shape_cast %get3A_608 : vector<16xf32> to vector<16xf32>
      %exp3A_610 = math.exp %get3A_609 : vector<16xf32>
      %add3A_611 = arith.addf %add3A_599, %exp3A_610 : vector<16xf32>
      %scan3A_612 = arith.constant 2 : i32
      %scan3A_613 = arith.addi %scan3A_590, %scan3A_612 : i32
      %mul3A_614 = arith.constant 16 : i32
      %mul3A_615 = arith.muli %scan3A_613, %mul3A_614 : i32
      %get3A_616 = arith.constant 0 : i32
      %get3A_617 = tpu.memref_slice %arg4[%scan3A_73, %get3A_616] : memref<2x12288xf32, #tpu.memory_space<vmem>> -> memref<1x12288xf32, #tpu.memory_space<vmem>>
      %get3A_618 = tpu.memref_squeeze %get3A_617 : memref<1x12288xf32, #tpu.memory_space<vmem>> -> memref<12288xf32, #tpu.memory_space<vmem>>
      %get3A_619 = arith.index_cast %mul3A_615 : i32 to index
      %get3A_620 = tpu.vector_load %get3A_618[%get3A_619] {strides = array<i32>} : memref<12288xf32, #tpu.memory_space<vmem>>, vector<16xf32>,
      %get3A_621 = vector.shape_cast %get3A_620 : vector<16xf32> to vector<16xf32>
      %exp3A_622 = math.exp %get3A_621 : vector<16xf32>
      %add3A_623 = arith.addf %add3A_611, %exp3A_622 : vector<16xf32>
      %scan3A_624 = arith.constant 3 : i32
      %scan3A_625 = arith.addi %scan3A_590, %scan3A_624 : i32
      %mul3A_626 = arith.constant 16 : i32
      %mul3A_627 = arith.muli %scan3A_625, %mul3A_626 : i32
      %get3A_628 = arith.constant 0 : i32
      %get3A_629 = tpu.memref_slice %arg4[%scan3A_73, %get3A_628] : memref<2x12288xf32, #tpu.memory_space<vmem>> -> memref<1x12288xf32, #tpu.memory_space<vmem>>
      %get3A_630 = tpu.memref_squeeze %get3A_629 : memref<1x12288xf32, #tpu.memory_space<vmem>> -> memref<12288xf32, #tpu.memory_space<vmem>>
      %get3A_631 = arith.index_cast %mul3A_627 : i32 to index
      %get3A_632 = tpu.vector_load %get3A_630[%get3A_631] {strides = array<i32>} : memref<12288xf32, #tpu.memory_space<vmem>>, vector<16xf32>,
      %get3A_633 = vector.shape_cast %get3A_632 : vector<16xf32> to vector<16xf32>
      %exp3A_634 = math.exp %get3A_633 : vector<16xf32>
      %add3A_635 = arith.addf %add3A_623, %exp3A_634 : vector<16xf32>
      scf.yield %add3A_635 : vector<16xf32>
    }
    %scan3A_79 = arith.constant 768 : i32
    %swap3A_80 = arith.constant 16 : index
    %swap3A_81 = tpu.vector_load %arg5[%swap3A_80] {strides = array<i32>} : memref<256xf32, #tpu.memory_space<vmem>>, vector<16xf32>,
    %swap3A_82 = vector.shape_cast %swap3A_81 : vector<16xf32> to vector<16xf32>
    %swap3A_83 = vector.shape_cast %scan3A_78 : vector<16xf32> to vector<16xf32>
    tpu.vector_store %arg5[%swap3A_80], %swap3A_83 {strides = array<i32>} : memref<256xf32, #tpu.memory_space<vmem>>, vector<16xf32>,
    %dma_start3A_84 = arith.constant 3 : i32
    %dma_start3A_85 = arith.constant 1 : i32
    %dma_start3A_86 = arith.constant 0 : i32
    %dma_start3A_87 = tpu.memref_slice %arg4[%dma_start3A_85, %dma_start3A_86] : memref<2x12288xf32, #tpu.memory_space<vmem>> -> memref<1x12288xf32, #tpu.memory_space<vmem>>
    %dma_start3A_88 = tpu.memref_squeeze %dma_start3A_87 : memref<1x12288xf32, #tpu.memory_space<vmem>> -> memref<12288xf32, #tpu.memory_space<vmem>>
    %dma_start3A_89 = tpu.memref_slice %arg2[%dma_start3A_84, %mul3A_2] : memref<16x1000000xf32, #tpu.memory_space<hbm>> -> memref<1x12288xf32, #tpu.memory_space<hbm>>
    %dma_start3A_90 = tpu.memref_squeeze %dma_start3A_89 : memref<1x12288xf32, #tpu.memory_space<hbm>> -> memref<12288xf32, #tpu.memory_space<hbm>>
    %dma_start3A_91 = arith.constant 0 : i32
    %dma_start3A_92 = tpu.memref_slice %arg4[%dma_start3A_85, %dma_start3A_91] : memref<2x12288xf32, #tpu.memory_space<vmem>> -> memref<1x12288xf32, #tpu.memory_space<vmem>>
    %dma_start3A_93 = tpu.memref_squeeze %dma_start3A_92 : memref<1x12288xf32, #tpu.memory_space<vmem>> -> memref<12288xf32, #tpu.memory_space<vmem>>
    %dma_start3A_94 = tpu.memref_slice %arg2[%dma_start3A_84, %mul3A_2] : memref<16x1000000xf32, #tpu.memory_space<hbm>> -> memref<1x12288xf32, #tpu.memory_space<hbm>>
    %dma_start3A_95 = tpu.memref_squeeze %dma_start3A_94 : memref<1x12288xf32, #tpu.memory_space<hbm>> -> memref<12288xf32, #tpu.memory_space<hbm>>
    tpu.enqueue_dma source(%dma_start3A_95 : memref<12288xf32, #tpu.memory_space<hbm>>) target(%dma_start3A_93 : memref<12288xf32, #tpu.memory_space<vmem>>) target_semaphore(%arg7 : memref<!tpu.dma_semaphore, #tpu.memory_space<semaphore_mem>>)
    %dma_wait3A_96 = arith.constant 2 : i32
    %dma_wait3A_97 = arith.constant 0 : i32
    %dma_wait3A_98 = arith.constant 0 : i32
    %dma_wait3A_99 = tpu.memref_slice %arg4[%dma_wait3A_97, %dma_wait3A_98] : memref<2x12288xf32, #tpu.memory_space<vmem>> -> memref<1x12288xf32, #tpu.memory_space<vmem>>
    %dma_wait3A_100 = tpu.memref_squeeze %dma_wait3A_99 : memref<1x12288xf32, #tpu.memory_space<vmem>> -> memref<12288xf32, #tpu.memory_space<vmem>>
    %dma_wait3A_101 = tpu.memref_slice %arg2[%dma_wait3A_96, %mul3A_2] : memref<16x1000000xf32, #tpu.memory_space<hbm>> -> memref<1x12288xf32, #tpu.memory_space<hbm>>
    %dma_wait3A_102 = tpu.memref_squeeze %dma_wait3A_101 : memref<1x12288xf32, #tpu.memory_space<hbm>> -> memref<12288xf32, #tpu.memory_space<hbm>>
    %dma_wait3A_103 = arith.constant 0 : i32
    %dma_wait3A_104 = tpu.memref_slice %arg4[%dma_wait3A_97, %dma_wait3A_103] : memref<2x12288xf32, #tpu.memory_space<vmem>> -> memref<1x12288xf32, #tpu.memory_space<vmem>>
    %dma_wait3A_105 = tpu.memref_squeeze %dma_wait3A_104 : memref<1x12288xf32, #tpu.memory_space<vmem>> -> memref<12288xf32, #tpu.memory_space<vmem>>
    %dma_wait3A_106 = tpu.memref_slice %arg2[%dma_wait3A_96, %mul3A_2] : memref<16x1000000xf32, #tpu.memory_space<hbm>> -> memref<1x12288xf32, #tpu.memory_space<hbm>>
    %dma_wait3A_107 = tpu.memref_squeeze %dma_wait3A_106 : memref<1x12288xf32, #tpu.memory_space<hbm>> -> memref<12288xf32, #tpu.memory_space<hbm>>
    tpu.wait_dma2 semaphore(%arg6 : memref<!tpu.dma_semaphore, #tpu.memory_space<semaphore_mem>>) src(%dma_wait3A_107 : memref<12288xf32, #tpu.memory_space<hbm>>) dst(%dma_wait3A_105 : memref<12288xf32, #tpu.memory_space<vmem>>)
    %broadcast_in_dim3A_108 = arith.constant 0.000000e+00 : f32
    %broadcast_in_dim3A_109 = vector.broadcast %broadcast_in_dim3A_108 : f32 to vector<16xf32>
    %scan3A_110 = arith.constant 0 : i32
    %scan3A_111 = arith.constant 0 : i32
    %scan3A_112 = arith.constant 768 : i32
    %scan3A_113 = arith.addi %scan3A_111, %scan3A_112 : i32
    %scan3A_114 = arith.constant 4 : i32
    %scan3A_115 = scf.for %scan3A_590 = %scan3A_111 to %scan3A_113 step %scan3A_114 iter_args(%scan3A_591 = %broadcast_in_dim3A_109) -> (vector<16xf32>)  : i32 {
      %mul3A_592 = arith.constant 16 : i32
      %mul3A_593 = arith.muli %scan3A_590, %mul3A_592 : i32
      %get3A = arith.constant 0 : i32
      %get3A_594 = tpu.memref_slice %arg4[%scan3A_110, %get3A] : memref<2x12288xf32, #tpu.memory_space<vmem>> -> memref<1x12288xf32, #tpu.memory_space<vmem>>
      %get3A_595 = tpu.memref_squeeze %get3A_594 : memref<1x12288xf32, #tpu.memory_space<vmem>> -> memref<12288xf32, #tpu.memory_space<vmem>>
      %get3A_596 = arith.index_cast %mul3A_593 : i32 to index
      %get3A_597 = tpu.vector_load %get3A_595[%get3A_596] {strides = array<i32>} : memref<12288xf32, #tpu.memory_space<vmem>>, vector<16xf32>,
      %get3A_598 = vector.shape_cast %get3A_597 : vector<16xf32> to vector<16xf32>
      %exp3A = math.exp %get3A_598 : vector<16xf32>
      %add3A_599 = arith.addf %scan3A_591, %exp3A : vector<16xf32>
      %scan3A_600 = arith.constant 1 : i32
      %scan3A_601 = arith.addi %scan3A_590, %scan3A_600 : i32
      %mul3A_602 = arith.constant 16 : i32
      %mul3A_603 = arith.muli %scan3A_601, %mul3A_602 : i32
      %get3A_604 = arith.constant 0 : i32
      %get3A_605 = tpu.memref_slice %arg4[%scan3A_110, %get3A_604] : memref<2x12288xf32, #tpu.memory_space<vmem>> -> memref<1x12288xf32, #tpu.memory_space<vmem>>
      %get3A_606 = tpu.memref_squeeze %get3A_605 : memref<1x12288xf32, #tpu.memory_space<vmem>> -> memref<12288xf32, #tpu.memory_space<vmem>>
      %get3A_607 = arith.index_cast %mul3A_603 : i32 to index
      %get3A_608 = tpu.vector_load %get3A_606[%get3A_607] {strides = array<i32>} : memref<12288xf32, #tpu.memory_space<vmem>>, vector<16xf32>,
      %get3A_609 = vector.shape_cast %get3A_608 : vector<16xf32> to vector<16xf32>
      %exp3A_610 = math.exp %get3A_609 : vector<16xf32>
      %add3A_611 = arith.addf %add3A_599, %exp3A_610 : vector<16xf32>
      %scan3A_612 = arith.constant 2 : i32
      %scan3A_613 = arith.addi %scan3A_590, %scan3A_612 : i32
      %mul3A_614 = arith.constant 16 : i32
      %mul3A_615 = arith.muli %scan3A_613, %mul3A_614 : i32
      %get3A_616 = arith.constant 0 : i32
      %get3A_617 = tpu.memref_slice %arg4[%scan3A_110, %get3A_616] : memref<2x12288xf32, #tpu.memory_space<vmem>> -> memref<1x12288xf32, #tpu.memory_space<vmem>>
      %get3A_618 = tpu.memref_squeeze %get3A_617 : memref<1x12288xf32, #tpu.memory_space<vmem>> -> memref<12288xf32, #tpu.memory_space<vmem>>
      %get3A_619 = arith.index_cast %mul3A_615 : i32 to index
      %get3A_620 = tpu.vector_load %get3A_618[%get3A_619] {strides = array<i32>} : memref<12288xf32, #tpu.memory_space<vmem>>, vector<16xf32>,
      %get3A_621 = vector.shape_cast %get3A_620 : vector<16xf32> to vector<16xf32>
      %exp3A_622 = math.exp %get3A_621 : vector<16xf32>
      %add3A_623 = arith.addf %add3A_611, %exp3A_622 : vector<16xf32>
      %scan3A_624 = arith.constant 3 : i32
      %scan3A_625 = arith.addi %scan3A_590, %scan3A_624 : i32
      %mul3A_626 = arith.constant 16 : i32
      %mul3A_627 = arith.muli %scan3A_625, %mul3A_626 : i32
      %get3A_628 = arith.constant 0 : i32
      %get3A_629 = tpu.memref_slice %arg4[%scan3A_110, %get3A_628] : memref<2x12288xf32, #tpu.memory_space<vmem>> -> memref<1x12288xf32, #tpu.memory_space<vmem>>
      %get3A_630 = tpu.memref_squeeze %get3A_629 : memref<1x12288xf32, #tpu.memory_space<vmem>> -> memref<12288xf32, #tpu.memory_space<vmem>>
      %get3A_631 = arith.index_cast %mul3A_627 : i32 to index
      %get3A_632 = tpu.vector_load %get3A_630[%get3A_631] {strides = array<i32>} : memref<12288xf32, #tpu.memory_space<vmem>>, vector<16xf32>,
      %get3A_633 = vector.shape_cast %get3A_632 : vector<16xf32> to vector<16xf32>
      %exp3A_634 = math.exp %get3A_633 : vector<16xf32>
      %add3A_635 = arith.addf %add3A_623, %exp3A_634 : vector<16xf32>
      scf.yield %add3A_635 : vector<16xf32>
    }
    %scan3A_116 = arith.constant 768 : i32
    %swap3A_117 = arith.constant 32 : index
    %swap3A_118 = tpu.vector_load %arg5[%swap3A_117] {strides = array<i32>} : memref<256xf32, #tpu.memory_space<vmem>>, vector<16xf32>,
    %swap3A_119 = vector.shape_cast %swap3A_118 : vector<16xf32> to vector<16xf32>
    %swap3A_120 = vector.shape_cast %scan3A_115 : vector<16xf32> to vector<16xf32>
    tpu.vector_store %arg5[%swap3A_117], %swap3A_120 {strides = array<i32>} : memref<256xf32, #tpu.memory_space<vmem>>, vector<16xf32>,
    %dma_start3A_121 = arith.constant 4 : i32
    %dma_start3A_122 = arith.constant 0 : i32
    %dma_start3A_123 = arith.constant 0 : i32
    %dma_start3A_124 = tpu.memref_slice %arg4[%dma_start3A_122, %dma_start3A_123] : memref<2x12288xf32, #tpu.memory_space<vmem>> -> memref<1x12288xf32, #tpu.memory_space<vmem>>
    %dma_start3A_125 = tpu.memref_squeeze %dma_start3A_124 : memref<1x12288xf32, #tpu.memory_space<vmem>> -> memref<12288xf32, #tpu.memory_space<vmem>>
    %dma_start3A_126 = tpu.memref_slice %arg2[%dma_start3A_121, %mul3A_2] : memref<16x1000000xf32, #tpu.memory_space<hbm>> -> memref<1x12288xf32, #tpu.memory_space<hbm>>
    %dma_start3A_127 = tpu.memref_squeeze %dma_start3A_126 : memref<1x12288xf32, #tpu.memory_space<hbm>> -> memref<12288xf32, #tpu.memory_space<hbm>>
    %dma_start3A_128 = arith.constant 0 : i32
    %dma_start3A_129 = tpu.memref_slice %arg4[%dma_start3A_122, %dma_start3A_128] : memref<2x12288xf32, #tpu.memory_space<vmem>> -> memref<1x12288xf32, #tpu.memory_space<vmem>>
    %dma_start3A_130 = tpu.memref_squeeze %dma_start3A_129 : memref<1x12288xf32, #tpu.memory_space<vmem>> -> memref<12288xf32, #tpu.memory_space<vmem>>
    %dma_start3A_131 = tpu.memref_slice %arg2[%dma_start3A_121, %mul3A_2] : memref<16x1000000xf32, #tpu.memory_space<hbm>> -> memref<1x12288xf32, #tpu.memory_space<hbm>>
    %dma_start3A_132 = tpu.memref_squeeze %dma_start3A_131 : memref<1x12288xf32, #tpu.memory_space<hbm>> -> memref<12288xf32, #tpu.memory_space<hbm>>
    tpu.enqueue_dma source(%dma_start3A_132 : memref<12288xf32, #tpu.memory_space<hbm>>) target(%dma_start3A_130 : memref<12288xf32, #tpu.memory_space<vmem>>) target_semaphore(%arg6 : memref<!tpu.dma_semaphore, #tpu.memory_space<semaphore_mem>>)
    %dma_wait3A_133 = arith.constant 3 : i32
    %dma_wait3A_134 = arith.constant 1 : i32
    %dma_wait3A_135 = arith.constant 0 : i32
    %dma_wait3A_136 = tpu.memref_slice %arg4[%dma_wait3A_134, %dma_wait3A_135] : memref<2x12288xf32, #tpu.memory_space<vmem>> -> memref<1x12288xf32, #tpu.memory_space<vmem>>
    %dma_wait3A_137 = tpu.memref_squeeze %dma_wait3A_136 : memref<1x12288xf32, #tpu.memory_space<vmem>> -> memref<12288xf32, #tpu.memory_space<vmem>>
    %dma_wait3A_138 = tpu.memref_slice %arg2[%dma_wait3A_133, %mul3A_2] : memref<16x1000000xf32, #tpu.memory_space<hbm>> -> memref<1x12288xf32, #tpu.memory_space<hbm>>
    %dma_wait3A_139 = tpu.memref_squeeze %dma_wait3A_138 : memref<1x12288xf32, #tpu.memory_space<hbm>> -> memref<12288xf32, #tpu.memory_space<hbm>>
    %dma_wait3A_140 = arith.constant 0 : i32
    %dma_wait3A_141 = tpu.memref_slice %arg4[%dma_wait3A_134, %dma_wait3A_140] : memref<2x12288xf32, #tpu.memory_space<vmem>> -> memref<1x12288xf32, #tpu.memory_space<vmem>>
    %dma_wait3A_142 = tpu.memref_squeeze %dma_wait3A_141 : memref<1x12288xf32, #tpu.memory_space<vmem>> -> memref<12288xf32, #tpu.memory_space<vmem>>
    %dma_wait3A_143 = tpu.memref_slice %arg2[%dma_wait3A_133, %mul3A_2] : memref<16x1000000xf32, #tpu.memory_space<hbm>> -> memref<1x12288xf32, #tpu.memory_space<hbm>>
    %dma_wait3A_144 = tpu.memref_squeeze %dma_wait3A_143 : memref<1x12288xf32, #tpu.memory_space<hbm>> -> memref<12288xf32, #tpu.memory_space<hbm>>
    tpu.wait_dma2 semaphore(%arg7 : memref<!tpu.dma_semaphore, #tpu.memory_space<semaphore_mem>>) src(%dma_wait3A_144 : memref<12288xf32, #tpu.memory_space<hbm>>) dst(%dma_wait3A_142 : memref<12288xf32, #tpu.memory_space<vmem>>)
    %broadcast_in_dim3A_145 = arith.constant 0.000000e+00 : f32
    %broadcast_in_dim3A_146 = vector.broadcast %broadcast_in_dim3A_145 : f32 to vector<16xf32>
    %scan3A_147 = arith.constant 1 : i32
    %scan3A_148 = arith.constant 0 : i32
    %scan3A_149 = arith.constant 768 : i32
    %scan3A_150 = arith.addi %scan3A_148, %scan3A_149 : i32
    %scan3A_151 = arith.constant 4 : i32
    %scan3A_152 = scf.for %scan3A_590 = %scan3A_148 to %scan3A_150 step %scan3A_151 iter_args(%scan3A_591 = %broadcast_in_dim3A_146) -> (vector<16xf32>)  : i32 {
      %mul3A_592 = arith.constant 16 : i32
      %mul3A_593 = arith.muli %scan3A_590, %mul3A_592 : i32
      %get3A = arith.constant 0 : i32
      %get3A_594 = tpu.memref_slice %arg4[%scan3A_147, %get3A] : memref<2x12288xf32, #tpu.memory_space<vmem>> -> memref<1x12288xf32, #tpu.memory_space<vmem>>
      %get3A_595 = tpu.memref_squeeze %get3A_594 : memref<1x12288xf32, #tpu.memory_space<vmem>> -> memref<12288xf32, #tpu.memory_space<vmem>>
      %get3A_596 = arith.index_cast %mul3A_593 : i32 to index
      %get3A_597 = tpu.vector_load %get3A_595[%get3A_596] {strides = array<i32>} : memref<12288xf32, #tpu.memory_space<vmem>>, vector<16xf32>,
      %get3A_598 = vector.shape_cast %get3A_597 : vector<16xf32> to vector<16xf32>
      %exp3A = math.exp %get3A_598 : vector<16xf32>
      %add3A_599 = arith.addf %scan3A_591, %exp3A : vector<16xf32>
      %scan3A_600 = arith.constant 1 : i32
      %scan3A_601 = arith.addi %scan3A_590, %scan3A_600 : i32
      %mul3A_602 = arith.constant 16 : i32
      %mul3A_603 = arith.muli %scan3A_601, %mul3A_602 : i32
      %get3A_604 = arith.constant 0 : i32
      %get3A_605 = tpu.memref_slice %arg4[%scan3A_147, %get3A_604] : memref<2x12288xf32, #tpu.memory_space<vmem>> -> memref<1x12288xf32, #tpu.memory_space<vmem>>
      %get3A_606 = tpu.memref_squeeze %get3A_605 : memref<1x12288xf32, #tpu.memory_space<vmem>> -> memref<12288xf32, #tpu.memory_space<vmem>>
      %get3A_607 = arith.index_cast %mul3A_603 : i32 to index
      %get3A_608 = tpu.vector_load %get3A_606[%get3A_607] {strides = array<i32>} : memref<12288xf32, #tpu.memory_space<vmem>>, vector<16xf32>,
      %get3A_609 = vector.shape_cast %get3A_608 : vector<16xf32> to vector<16xf32>
      %exp3A_610 = math.exp %get3A_609 : vector<16xf32>
      %add3A_611 = arith.addf %add3A_599, %exp3A_610 : vector<16xf32>
      %scan3A_612 = arith.constant 2 : i32
      %scan3A_613 = arith.addi %scan3A_590, %scan3A_612 : i32
      %mul3A_614 = arith.constant 16 : i32
      %mul3A_615 = arith.muli %scan3A_613, %mul3A_614 : i32
      %get3A_616 = arith.constant 0 : i32
      %get3A_617 = tpu.memref_slice %arg4[%scan3A_147, %get3A_616] : memref<2x12288xf32, #tpu.memory_space<vmem>> -> memref<1x12288xf32, #tpu.memory_space<vmem>>
      %get3A_618 = tpu.memref_squeeze %get3A_617 : memref<1x12288xf32, #tpu.memory_space<vmem>> -> memref<12288xf32, #tpu.memory_space<vmem>>
      %get3A_619 = arith.index_cast %mul3A_615 : i32 to index
      %get3A_620 = tpu.vector_load %get3A_618[%get3A_619] {strides = array<i32>} : memref<12288xf32, #tpu.memory_space<vmem>>, vector<16xf32>,
      %get3A_621 = vector.shape_cast %get3A_620 : vector<16xf32> to vector<16xf32>
      %exp3A_622 = math.exp %get3A_621 : vector<16xf32>
      %add3A_623 = arith.addf %add3A_611, %exp3A_622 : vector<16xf32>
      %scan3A_624 = arith.constant 3 : i32
      %scan3A_625 = arith.addi %scan3A_590, %scan3A_624 : i32
      %mul3A_626 = arith.constant 16 : i32
      %mul3A_627 = arith.muli %scan3A_625, %mul3A_626 : i32
      %get3A_628 = arith.constant 0 : i32
      %get3A_629 = tpu.memref_slice %arg4[%scan3A_147, %get3A_628] : memref<2x12288xf32, #tpu.memory_space<vmem>> -> memref<1x12288xf32, #tpu.memory_space<vmem>>
      %get3A_630 = tpu.memref_squeeze %get3A_629 : memref<1x12288xf32, #tpu.memory_space<vmem>> -> memref<12288xf32, #tpu.memory_space<vmem>>
      %get3A_631 = arith.index_cast %mul3A_627 : i32 to index
      %get3A_632 = tpu.vector_load %get3A_630[%get3A_631] {strides = array<i32>} : memref<12288xf32, #tpu.memory_space<vmem>>, vector<16xf32>,
      %get3A_633 = vector.shape_cast %get3A_632 : vector<16xf32> to vector<16xf32>
      %exp3A_634 = math.exp %get3A_633 : vector<16xf32>
      %add3A_635 = arith.addf %add3A_623, %exp3A_634 : vector<16xf32>
      scf.yield %add3A_635 : vector<16xf32>
    }
    %scan3A_153 = arith.constant 768 : i32
    %swap3A_154 = arith.constant 48 : index
    %swap3A_155 = tpu.vector_load %arg5[%swap3A_154] {strides = array<i32>} : memref<256xf32, #tpu.memory_space<vmem>>, vector<16xf32>,
    %swap3A_156 = vector.shape_cast %swap3A_155 : vector<16xf32> to vector<16xf32>
    %swap3A_157 = vector.shape_cast %scan3A_152 : vector<16xf32> to vector<16xf32>
    tpu.vector_store %arg5[%swap3A_154], %swap3A_157 {strides = array<i32>} : memref<256xf32, #tpu.memory_space<vmem>>, vector<16xf32>,
    %dma_start3A_158 = arith.constant 5 : i32
    %dma_start3A_159 = arith.constant 1 : i32
    %dma_start3A_160 = arith.constant 0 : i32
    %dma_start3A_161 = tpu.memref_slice %arg4[%dma_start3A_159, %dma_start3A_160] : memref<2x12288xf32, #tpu.memory_space<vmem>> -> memref<1x12288xf32, #tpu.memory_space<vmem>>
    %dma_start3A_162 = tpu.memref_squeeze %dma_start3A_161 : memref<1x12288xf32, #tpu.memory_space<vmem>> -> memref<12288xf32, #tpu.memory_space<vmem>>
    %dma_start3A_163 = tpu.memref_slice %arg2[%dma_start3A_158, %mul3A_2] : memref<16x1000000xf32, #tpu.memory_space<hbm>> -> memref<1x12288xf32, #tpu.memory_space<hbm>>
    %dma_start3A_164 = tpu.memref_squeeze %dma_start3A_163 : memref<1x12288xf32, #tpu.memory_space<hbm>> -> memref<12288xf32, #tpu.memory_space<hbm>>
    %dma_start3A_165 = arith.constant 0 : i32
    %dma_start3A_166 = tpu.memref_slice %arg4[%dma_start3A_159, %dma_start3A_165] : memref<2x12288xf32, #tpu.memory_space<vmem>> -> memref<1x12288xf32, #tpu.memory_space<vmem>>
    %dma_start3A_167 = tpu.memref_squeeze %dma_start3A_166 : memref<1x12288xf32, #tpu.memory_space<vmem>> -> memref<12288xf32, #tpu.memory_space<vmem>>
    %dma_start3A_168 = tpu.memref_slice %arg2[%dma_start3A_158, %mul3A_2] : memref<16x1000000xf32, #tpu.memory_space<hbm>> -> memref<1x12288xf32, #tpu.memory_space<hbm>>
    %dma_start3A_169 = tpu.memref_squeeze %dma_start3A_168 : memref<1x12288xf32, #tpu.memory_space<hbm>> -> memref<12288xf32, #tpu.memory_space<hbm>>
    tpu.enqueue_dma source(%dma_start3A_169 : memref<12288xf32, #tpu.memory_space<hbm>>) target(%dma_start3A_167 : memref<12288xf32, #tpu.memory_space<vmem>>) target_semaphore(%arg7 : memref<!tpu.dma_semaphore, #tpu.memory_space<semaphore_mem>>)
    %dma_wait3A_170 = arith.constant 4 : i32
    %dma_wait3A_171 = arith.constant 0 : i32
    %dma_wait3A_172 = arith.constant 0 : i32
    %dma_wait3A_173 = tpu.memref_slice %arg4[%dma_wait3A_171, %dma_wait3A_172] : memref<2x12288xf32, #tpu.memory_space<vmem>> -> memref<1x12288xf32, #tpu.memory_space<vmem>>
    %dma_wait3A_174 = tpu.memref_squeeze %dma_wait3A_173 : memref<1x12288xf32, #tpu.memory_space<vmem>> -> memref<12288xf32, #tpu.memory_space<vmem>>
    %dma_wait3A_175 = tpu.memref_slice %arg2[%dma_wait3A_170, %mul3A_2] : memref<16x1000000xf32, #tpu.memory_space<hbm>> -> memref<1x12288xf32, #tpu.memory_space<hbm>>
    %dma_wait3A_176 = tpu.memref_squeeze %dma_wait3A_175 : memref<1x12288xf32, #tpu.memory_space<hbm>> -> memref<12288xf32, #tpu.memory_space<hbm>>
    %dma_wait3A_177 = arith.constant 0 : i32
    %dma_wait3A_178 = tpu.memref_slice %arg4[%dma_wait3A_171, %dma_wait3A_177] : memref<2x12288xf32, #tpu.memory_space<vmem>> -> memref<1x12288xf32, #tpu.memory_space<vmem>>
    %dma_wait3A_179 = tpu.memref_squeeze %dma_wait3A_178 : memref<1x12288xf32, #tpu.memory_space<vmem>> -> memref<12288xf32, #tpu.memory_space<vmem>>
    %dma_wait3A_180 = tpu.memref_slice %arg2[%dma_wait3A_170, %mul3A_2] : memref<16x1000000xf32, #tpu.memory_space<hbm>> -> memref<1x12288xf32, #tpu.memory_space<hbm>>
    %dma_wait3A_181 = tpu.memref_squeeze %dma_wait3A_180 : memref<1x12288xf32, #tpu.memory_space<hbm>> -> memref<12288xf32, #tpu.memory_space<hbm>>
    tpu.wait_dma2 semaphore(%arg6 : memref<!tpu.dma_semaphore, #tpu.memory_space<semaphore_mem>>) src(%dma_wait3A_181 : memref<12288xf32, #tpu.memory_space<hbm>>) dst(%dma_wait3A_179 : memref<12288xf32, #tpu.memory_space<vmem>>)
    %broadcast_in_dim3A_182 = arith.constant 0.000000e+00 : f32
    %broadcast_in_dim3A_183 = vector.broadcast %broadcast_in_dim3A_182 : f32 to vector<16xf32>
    %scan3A_184 = arith.constant 0 : i32
    %scan3A_185 = arith.constant 0 : i32
    %scan3A_186 = arith.constant 768 : i32
    %scan3A_187 = arith.addi %scan3A_185, %scan3A_186 : i32
    %scan3A_188 = arith.constant 4 : i32
    %scan3A_189 = scf.for %scan3A_590 = %scan3A_185 to %scan3A_187 step %scan3A_188 iter_args(%scan3A_591 = %broadcast_in_dim3A_183) -> (vector<16xf32>)  : i32 {
      %mul3A_592 = arith.constant 16 : i32
      %mul3A_593 = arith.muli %scan3A_590, %mul3A_592 : i32
      %get3A = arith.constant 0 : i32
      %get3A_594 = tpu.memref_slice %arg4[%scan3A_184, %get3A] : memref<2x12288xf32, #tpu.memory_space<vmem>> -> memref<1x12288xf32, #tpu.memory_space<vmem>>
      %get3A_595 = tpu.memref_squeeze %get3A_594 : memref<1x12288xf32, #tpu.memory_space<vmem>> -> memref<12288xf32, #tpu.memory_space<vmem>>
      %get3A_596 = arith.index_cast %mul3A_593 : i32 to index
      %get3A_597 = tpu.vector_load %get3A_595[%get3A_596] {strides = array<i32>} : memref<12288xf32, #tpu.memory_space<vmem>>, vector<16xf32>,
      %get3A_598 = vector.shape_cast %get3A_597 : vector<16xf32> to vector<16xf32>
      %exp3A = math.exp %get3A_598 : vector<16xf32>
      %add3A_599 = arith.addf %scan3A_591, %exp3A : vector<16xf32>
      %scan3A_600 = arith.constant 1 : i32
      %scan3A_601 = arith.addi %scan3A_590, %scan3A_600 : i32
      %mul3A_602 = arith.constant 16 : i32
      %mul3A_603 = arith.muli %scan3A_601, %mul3A_602 : i32
      %get3A_604 = arith.constant 0 : i32
      %get3A_605 = tpu.memref_slice %arg4[%scan3A_184, %get3A_604] : memref<2x12288xf32, #tpu.memory_space<vmem>> -> memref<1x12288xf32, #tpu.memory_space<vmem>>
      %get3A_606 = tpu.memref_squeeze %get3A_605 : memref<1x12288xf32, #tpu.memory_space<vmem>> -> memref<12288xf32, #tpu.memory_space<vmem>>
      %get3A_607 = arith.index_cast %mul3A_603 : i32 to index
      %get3A_608 = tpu.vector_load %get3A_606[%get3A_607] {strides = array<i32>} : memref<12288xf32, #tpu.memory_space<vmem>>, vector<16xf32>,
      %get3A_609 = vector.shape_cast %get3A_608 : vector<16xf32> to vector<16xf32>
      %exp3A_610 = math.exp %get3A_609 : vector<16xf32>
      %add3A_611 = arith.addf %add3A_599, %exp3A_610 : vector<16xf32>
      %scan3A_612 = arith.constant 2 : i32
      %scan3A_613 = arith.addi %scan3A_590, %scan3A_612 : i32
      %mul3A_614 = arith.constant 16 : i32
      %mul3A_615 = arith.muli %scan3A_613, %mul3A_614 : i32
      %get3A_616 = arith.constant 0 : i32
      %get3A_617 = tpu.memref_slice %arg4[%scan3A_184, %get3A_616] : memref<2x12288xf32, #tpu.memory_space<vmem>> -> memref<1x12288xf32, #tpu.memory_space<vmem>>
      %get3A_618 = tpu.memref_squeeze %get3A_617 : memref<1x12288xf32, #tpu.memory_space<vmem>> -> memref<12288xf32, #tpu.memory_space<vmem>>
      %get3A_619 = arith.index_cast %mul3A_615 : i32 to index
      %get3A_620 = tpu.vector_load %get3A_618[%get3A_619] {strides = array<i32>} : memref<12288xf32, #tpu.memory_space<vmem>>, vector<16xf32>,
      %get3A_621 = vector.shape_cast %get3A_620 : vector<16xf32> to vector<16xf32>
      %exp3A_622 = math.exp %get3A_621 : vector<16xf32>
      %add3A_623 = arith.addf %add3A_611, %exp3A_622 : vector<16xf32>
      %scan3A_624 = arith.constant 3 : i32
      %scan3A_625 = arith.addi %scan3A_590, %scan3A_624 : i32
      %mul3A_626 = arith.constant 16 : i32
      %mul3A_627 = arith.muli %scan3A_625, %mul3A_626 : i32
      %get3A_628 = arith.constant 0 : i32
      %get3A_629 = tpu.memref_slice %arg4[%scan3A_184, %get3A_628] : memref<2x12288xf32, #tpu.memory_space<vmem>> -> memref<1x12288xf32, #tpu.memory_space<vmem>>
      %get3A_630 = tpu.memref_squeeze %get3A_629 : memref<1x12288xf32, #tpu.memory_space<vmem>> -> memref<12288xf32, #tpu.memory_space<vmem>>
      %get3A_631 = arith.index_cast %mul3A_627 : i32 to index
      %get3A_632 = tpu.vector_load %get3A_630[%get3A_631] {strides = array<i32>} : memref<12288xf32, #tpu.memory_space<vmem>>, vector<16xf32>,
      %get3A_633 = vector.shape_cast %get3A_632 : vector<16xf32> to vector<16xf32>
      %exp3A_634 = math.exp %get3A_633 : vector<16xf32>
      %add3A_635 = arith.addf %add3A_623, %exp3A_634 : vector<16xf32>
      scf.yield %add3A_635 : vector<16xf32>
    }
    %scan3A_190 = arith.constant 768 : i32
    %swap3A_191 = arith.constant 64 : index
    %swap3A_192 = tpu.vector_load %arg5[%swap3A_191] {strides = array<i32>} : memref<256xf32, #tpu.memory_space<vmem>>, vector<16xf32>,
    %swap3A_193 = vector.shape_cast %swap3A_192 : vector<16xf32> to vector<16xf32>
    %swap3A_194 = vector.shape_cast %scan3A_189 : vector<16xf32> to vector<16xf32>
    tpu.vector_store %arg5[%swap3A_191], %swap3A_194 {strides = array<i32>} : memref<256xf32, #tpu.memory_space<vmem>>, vector<16xf32>,
    %dma_start3A_195 = arith.constant 6 : i32
    %dma_start3A_196 = arith.constant 0 : i32
    %dma_start3A_197 = arith.constant 0 : i32
    %dma_start3A_198 = tpu.memref_slice %arg4[%dma_start3A_196, %dma_start3A_197] : memref<2x12288xf32, #tpu.memory_space<vmem>> -> memref<1x12288xf32, #tpu.memory_space<vmem>>
    %dma_start3A_199 = tpu.memref_squeeze %dma_start3A_198 : memref<1x12288xf32, #tpu.memory_space<vmem>> -> memref<12288xf32, #tpu.memory_space<vmem>>
    %dma_start3A_200 = tpu.memref_slice %arg2[%dma_start3A_195, %mul3A_2] : memref<16x1000000xf32, #tpu.memory_space<hbm>> -> memref<1x12288xf32, #tpu.memory_space<hbm>>
    %dma_start3A_201 = tpu.memref_squeeze %dma_start3A_200 : memref<1x12288xf32, #tpu.memory_space<hbm>> -> memref<12288xf32, #tpu.memory_space<hbm>>
    %dma_start3A_202 = arith.constant 0 : i32
    %dma_start3A_203 = tpu.memref_slice %arg4[%dma_start3A_196, %dma_start3A_202] : memref<2x12288xf32, #tpu.memory_space<vmem>> -> memref<1x12288xf32, #tpu.memory_space<vmem>>
    %dma_start3A_204 = tpu.memref_squeeze %dma_start3A_203 : memref<1x12288xf32, #tpu.memory_space<vmem>> -> memref<12288xf32, #tpu.memory_space<vmem>>
    %dma_start3A_205 = tpu.memref_slice %arg2[%dma_start3A_195, %mul3A_2] : memref<16x1000000xf32, #tpu.memory_space<hbm>> -> memref<1x12288xf32, #tpu.memory_space<hbm>>
    %dma_start3A_206 = tpu.memref_squeeze %dma_start3A_205 : memref<1x12288xf32, #tpu.memory_space<hbm>> -> memref<12288xf32, #tpu.memory_space<hbm>>
    tpu.enqueue_dma source(%dma_start3A_206 : memref<12288xf32, #tpu.memory_space<hbm>>) target(%dma_start3A_204 : memref<12288xf32, #tpu.memory_space<vmem>>) target_semaphore(%arg6 : memref<!tpu.dma_semaphore, #tpu.memory_space<semaphore_mem>>)
    %dma_wait3A_207 = arith.constant 5 : i32
    %dma_wait3A_208 = arith.constant 1 : i32
    %dma_wait3A_209 = arith.constant 0 : i32
    %dma_wait3A_210 = tpu.memref_slice %arg4[%dma_wait3A_208, %dma_wait3A_209] : memref<2x12288xf32, #tpu.memory_space<vmem>> -> memref<1x12288xf32, #tpu.memory_space<vmem>>
    %dma_wait3A_211 = tpu.memref_squeeze %dma_wait3A_210 : memref<1x12288xf32, #tpu.memory_space<vmem>> -> memref<12288xf32, #tpu.memory_space<vmem>>
    %dma_wait3A_212 = tpu.memref_slice %arg2[%dma_wait3A_207, %mul3A_2] : memref<16x1000000xf32, #tpu.memory_space<hbm>> -> memref<1x12288xf32, #tpu.memory_space<hbm>>
    %dma_wait3A_213 = tpu.memref_squeeze %dma_wait3A_212 : memref<1x12288xf32, #tpu.memory_space<hbm>> -> memref<12288xf32, #tpu.memory_space<hbm>>
    %dma_wait3A_214 = arith.constant 0 : i32
    %dma_wait3A_215 = tpu.memref_slice %arg4[%dma_wait3A_208, %dma_wait3A_214] : memref<2x12288xf32, #tpu.memory_space<vmem>> -> memref<1x12288xf32, #tpu.memory_space<vmem>>
    %dma_wait3A_216 = tpu.memref_squeeze %dma_wait3A_215 : memref<1x12288xf32, #tpu.memory_space<vmem>> -> memref<12288xf32, #tpu.memory_space<vmem>>
    %dma_wait3A_217 = tpu.memref_slice %arg2[%dma_wait3A_207, %mul3A_2] : memref<16x1000000xf32, #tpu.memory_space<hbm>> -> memref<1x12288xf32, #tpu.memory_space<hbm>>
    %dma_wait3A_218 = tpu.memref_squeeze %dma_wait3A_217 : memref<1x12288xf32, #tpu.memory_space<hbm>> -> memref<12288xf32, #tpu.memory_space<hbm>>
    tpu.wait_dma2 semaphore(%arg7 : memref<!tpu.dma_semaphore, #tpu.memory_space<semaphore_mem>>) src(%dma_wait3A_218 : memref<12288xf32, #tpu.memory_space<hbm>>) dst(%dma_wait3A_216 : memref<12288xf32, #tpu.memory_space<vmem>>)
    %broadcast_in_dim3A_219 = arith.constant 0.000000e+00 : f32
    %broadcast_in_dim3A_220 = vector.broadcast %broadcast_in_dim3A_219 : f32 to vector<16xf32>
    %scan3A_221 = arith.constant 1 : i32
    %scan3A_222 = arith.constant 0 : i32
    %scan3A_223 = arith.constant 768 : i32
    %scan3A_224 = arith.addi %scan3A_222, %scan3A_223 : i32
    %scan3A_225 = arith.constant 4 : i32
    %scan3A_226 = scf.for %scan3A_590 = %scan3A_222 to %scan3A_224 step %scan3A_225 iter_args(%scan3A_591 = %broadcast_in_dim3A_220) -> (vector<16xf32>)  : i32 {
      %mul3A_592 = arith.constant 16 : i32
      %mul3A_593 = arith.muli %scan3A_590, %mul3A_592 : i32
      %get3A = arith.constant 0 : i32
      %get3A_594 = tpu.memref_slice %arg4[%scan3A_221, %get3A] : memref<2x12288xf32, #tpu.memory_space<vmem>> -> memref<1x12288xf32, #tpu.memory_space<vmem>>
      %get3A_595 = tpu.memref_squeeze %get3A_594 : memref<1x12288xf32, #tpu.memory_space<vmem>> -> memref<12288xf32, #tpu.memory_space<vmem>>
      %get3A_596 = arith.index_cast %mul3A_593 : i32 to index
      %get3A_597 = tpu.vector_load %get3A_595[%get3A_596] {strides = array<i32>} : memref<12288xf32, #tpu.memory_space<vmem>>, vector<16xf32>,
      %get3A_598 = vector.shape_cast %get3A_597 : vector<16xf32> to vector<16xf32>
      %exp3A = math.exp %get3A_598 : vector<16xf32>
      %add3A_599 = arith.addf %scan3A_591, %exp3A : vector<16xf32>
      %scan3A_600 = arith.constant 1 : i32
      %scan3A_601 = arith.addi %scan3A_590, %scan3A_600 : i32
      %mul3A_602 = arith.constant 16 : i32
      %mul3A_603 = arith.muli %scan3A_601, %mul3A_602 : i32
      %get3A_604 = arith.constant 0 : i32
      %get3A_605 = tpu.memref_slice %arg4[%scan3A_221, %get3A_604] : memref<2x12288xf32, #tpu.memory_space<vmem>> -> memref<1x12288xf32, #tpu.memory_space<vmem>>
      %get3A_606 = tpu.memref_squeeze %get3A_605 : memref<1x12288xf32, #tpu.memory_space<vmem>> -> memref<12288xf32, #tpu.memory_space<vmem>>
      %get3A_607 = arith.index_cast %mul3A_603 : i32 to index
      %get3A_608 = tpu.vector_load %get3A_606[%get3A_607] {strides = array<i32>} : memref<12288xf32, #tpu.memory_space<vmem>>, vector<16xf32>,
      %get3A_609 = vector.shape_cast %get3A_608 : vector<16xf32> to vector<16xf32>
      %exp3A_610 = math.exp %get3A_609 : vector<16xf32>
      %add3A_611 = arith.addf %add3A_599, %exp3A_610 : vector<16xf32>
      %scan3A_612 = arith.constant 2 : i32
      %scan3A_613 = arith.addi %scan3A_590, %scan3A_612 : i32
      %mul3A_614 = arith.constant 16 : i32
      %mul3A_615 = arith.muli %scan3A_613, %mul3A_614 : i32
      %get3A_616 = arith.constant 0 : i32
      %get3A_617 = tpu.memref_slice %arg4[%scan3A_221, %get3A_616] : memref<2x12288xf32, #tpu.memory_space<vmem>> -> memref<1x12288xf32, #tpu.memory_space<vmem>>
      %get3A_618 = tpu.memref_squeeze %get3A_617 : memref<1x12288xf32, #tpu.memory_space<vmem>> -> memref<12288xf32, #tpu.memory_space<vmem>>
      %get3A_619 = arith.index_cast %mul3A_615 : i32 to index
      %get3A_620 = tpu.vector_load %get3A_618[%get3A_619] {strides = array<i32>} : memref<12288xf32, #tpu.memory_space<vmem>>, vector<16xf32>,
      %get3A_621 = vector.shape_cast %get3A_620 : vector<16xf32> to vector<16xf32>
      %exp3A_622 = math.exp %get3A_621 : vector<16xf32>
      %add3A_623 = arith.addf %add3A_611, %exp3A_622 : vector<16xf32>
      %scan3A_624 = arith.constant 3 : i32
      %scan3A_625 = arith.addi %scan3A_590, %scan3A_624 : i32
      %mul3A_626 = arith.constant 16 : i32
      %mul3A_627 = arith.muli %scan3A_625, %mul3A_626 : i32
      %get3A_628 = arith.constant 0 : i32
      %get3A_629 = tpu.memref_slice %arg4[%scan3A_221, %get3A_628] : memref<2x12288xf32, #tpu.memory_space<vmem>> -> memref<1x12288xf32, #tpu.memory_space<vmem>>
      %get3A_630 = tpu.memref_squeeze %get3A_629 : memref<1x12288xf32, #tpu.memory_space<vmem>> -> memref<12288xf32, #tpu.memory_space<vmem>>
      %get3A_631 = arith.index_cast %mul3A_627 : i32 to index
      %get3A_632 = tpu.vector_load %get3A_630[%get3A_631] {strides = array<i32>} : memref<12288xf32, #tpu.memory_space<vmem>>, vector<16xf32>,
      %get3A_633 = vector.shape_cast %get3A_632 : vector<16xf32> to vector<16xf32>
      %exp3A_634 = math.exp %get3A_633 : vector<16xf32>
      %add3A_635 = arith.addf %add3A_623, %exp3A_634 : vector<16xf32>
      scf.yield %add3A_635 : vector<16xf32>
    }
    %scan3A_227 = arith.constant 768 : i32
    %swap3A_228 = arith.constant 80 : index
    %swap3A_229 = tpu.vector_load %arg5[%swap3A_228] {strides = array<i32>} : memref<256xf32, #tpu.memory_space<vmem>>, vector<16xf32>,
    %swap3A_230 = vector.shape_cast %swap3A_229 : vector<16xf32> to vector<16xf32>
    %swap3A_231 = vector.shape_cast %scan3A_226 : vector<16xf32> to vector<16xf32>
    tpu.vector_store %arg5[%swap3A_228], %swap3A_231 {strides = array<i32>} : memref<256xf32, #tpu.memory_space<vmem>>, vector<16xf32>,
    %dma_start3A_232 = arith.constant 7 : i32
    %dma_start3A_233 = arith.constant 1 : i32
    %dma_start3A_234 = arith.constant 0 : i32
    %dma_start3A_235 = tpu.memref_slice %arg4[%dma_start3A_233, %dma_start3A_234] : memref<2x12288xf32, #tpu.memory_space<vmem>> -> memref<1x12288xf32, #tpu.memory_space<vmem>>
    %dma_start3A_236 = tpu.memref_squeeze %dma_start3A_235 : memref<1x12288xf32, #tpu.memory_space<vmem>> -> memref<12288xf32, #tpu.memory_space<vmem>>
    %dma_start3A_237 = tpu.memref_slice %arg2[%dma_start3A_232, %mul3A_2] : memref<16x1000000xf32, #tpu.memory_space<hbm>> -> memref<1x12288xf32, #tpu.memory_space<hbm>>
    %dma_start3A_238 = tpu.memref_squeeze %dma_start3A_237 : memref<1x12288xf32, #tpu.memory_space<hbm>> -> memref<12288xf32, #tpu.memory_space<hbm>>
    %dma_start3A_239 = arith.constant 0 : i32
    %dma_start3A_240 = tpu.memref_slice %arg4[%dma_start3A_233, %dma_start3A_239] : memref<2x12288xf32, #tpu.memory_space<vmem>> -> memref<1x12288xf32, #tpu.memory_space<vmem>>
    %dma_start3A_241 = tpu.memref_squeeze %dma_start3A_240 : memref<1x12288xf32, #tpu.memory_space<vmem>> -> memref<12288xf32, #tpu.memory_space<vmem>>
    %dma_start3A_242 = tpu.memref_slice %arg2[%dma_start3A_232, %mul3A_2] : memref<16x1000000xf32, #tpu.memory_space<hbm>> -> memref<1x12288xf32, #tpu.memory_space<hbm>>
    %dma_start3A_243 = tpu.memref_squeeze %dma_start3A_242 : memref<1x12288xf32, #tpu.memory_space<hbm>> -> memref<12288xf32, #tpu.memory_space<hbm>>
    tpu.enqueue_dma source(%dma_start3A_243 : memref<12288xf32, #tpu.memory_space<hbm>>) target(%dma_start3A_241 : memref<12288xf32, #tpu.memory_space<vmem>>) target_semaphore(%arg7 : memref<!tpu.dma_semaphore, #tpu.memory_space<semaphore_mem>>)
    %dma_wait3A_244 = arith.constant 6 : i32
    %dma_wait3A_245 = arith.constant 0 : i32
    %dma_wait3A_246 = arith.constant 0 : i32
    %dma_wait3A_247 = tpu.memref_slice %arg4[%dma_wait3A_245, %dma_wait3A_246] : memref<2x12288xf32, #tpu.memory_space<vmem>> -> memref<1x12288xf32, #tpu.memory_space<vmem>>
    %dma_wait3A_248 = tpu.memref_squeeze %dma_wait3A_247 : memref<1x12288xf32, #tpu.memory_space<vmem>> -> memref<12288xf32, #tpu.memory_space<vmem>>
    %dma_wait3A_249 = tpu.memref_slice %arg2[%dma_wait3A_244, %mul3A_2] : memref<16x1000000xf32, #tpu.memory_space<hbm>> -> memref<1x12288xf32, #tpu.memory_space<hbm>>
    %dma_wait3A_250 = tpu.memref_squeeze %dma_wait3A_249 : memref<1x12288xf32, #tpu.memory_space<hbm>> -> memref<12288xf32, #tpu.memory_space<hbm>>
    %dma_wait3A_251 = arith.constant 0 : i32
    %dma_wait3A_252 = tpu.memref_slice %arg4[%dma_wait3A_245, %dma_wait3A_251] : memref<2x12288xf32, #tpu.memory_space<vmem>> -> memref<1x12288xf32, #tpu.memory_space<vmem>>
    %dma_wait3A_253 = tpu.memref_squeeze %dma_wait3A_252 : memref<1x12288xf32, #tpu.memory_space<vmem>> -> memref<12288xf32, #tpu.memory_space<vmem>>
    %dma_wait3A_254 = tpu.memref_slice %arg2[%dma_wait3A_244, %mul3A_2] : memref<16x1000000xf32, #tpu.memory_space<hbm>> -> memref<1x12288xf32, #tpu.memory_space<hbm>>
    %dma_wait3A_255 = tpu.memref_squeeze %dma_wait3A_254 : memref<1x12288xf32, #tpu.memory_space<hbm>> -> memref<12288xf32, #tpu.memory_space<hbm>>
    tpu.wait_dma2 semaphore(%arg6 : memref<!tpu.dma_semaphore, #tpu.memory_space<semaphore_mem>>) src(%dma_wait3A_255 : memref<12288xf32, #tpu.memory_space<hbm>>) dst(%dma_wait3A_253 : memref<12288xf32, #tpu.memory_space<vmem>>)
    %broadcast_in_dim3A_256 = arith.constant 0.000000e+00 : f32
    %broadcast_in_dim3A_257 = vector.broadcast %broadcast_in_dim3A_256 : f32 to vector<16xf32>
    %scan3A_258 = arith.constant 0 : i32
    %scan3A_259 = arith.constant 0 : i32
    %scan3A_260 = arith.constant 768 : i32
    %scan3A_261 = arith.addi %scan3A_259, %scan3A_260 : i32
    %scan3A_262 = arith.constant 4 : i32
    %scan3A_263 = scf.for %scan3A_590 = %scan3A_259 to %scan3A_261 step %scan3A_262 iter_args(%scan3A_591 = %broadcast_in_dim3A_257) -> (vector<16xf32>)  : i32 {
      %mul3A_592 = arith.constant 16 : i32
      %mul3A_593 = arith.muli %scan3A_590, %mul3A_592 : i32
      %get3A = arith.constant 0 : i32
      %get3A_594 = tpu.memref_slice %arg4[%scan3A_258, %get3A] : memref<2x12288xf32, #tpu.memory_space<vmem>> -> memref<1x12288xf32, #tpu.memory_space<vmem>>
      %get3A_595 = tpu.memref_squeeze %get3A_594 : memref<1x12288xf32, #tpu.memory_space<vmem>> -> memref<12288xf32, #tpu.memory_space<vmem>>
      %get3A_596 = arith.index_cast %mul3A_593 : i32 to index
      %get3A_597 = tpu.vector_load %get3A_595[%get3A_596] {strides = array<i32>} : memref<12288xf32, #tpu.memory_space<vmem>>, vector<16xf32>,
      %get3A_598 = vector.shape_cast %get3A_597 : vector<16xf32> to vector<16xf32>
      %exp3A = math.exp %get3A_598 : vector<16xf32>
      %add3A_599 = arith.addf %scan3A_591, %exp3A : vector<16xf32>
      %scan3A_600 = arith.constant 1 : i32
      %scan3A_601 = arith.addi %scan3A_590, %scan3A_600 : i32
      %mul3A_602 = arith.constant 16 : i32
      %mul3A_603 = arith.muli %scan3A_601, %mul3A_602 : i32
      %get3A_604 = arith.constant 0 : i32
      %get3A_605 = tpu.memref_slice %arg4[%scan3A_258, %get3A_604] : memref<2x12288xf32, #tpu.memory_space<vmem>> -> memref<1x12288xf32, #tpu.memory_space<vmem>>
      %get3A_606 = tpu.memref_squeeze %get3A_605 : memref<1x12288xf32, #tpu.memory_space<vmem>> -> memref<12288xf32, #tpu.memory_space<vmem>>
      %get3A_607 = arith.index_cast %mul3A_603 : i32 to index
      %get3A_608 = tpu.vector_load %get3A_606[%get3A_607] {strides = array<i32>} : memref<12288xf32, #tpu.memory_space<vmem>>, vector<16xf32>,
      %get3A_609 = vector.shape_cast %get3A_608 : vector<16xf32> to vector<16xf32>
      %exp3A_610 = math.exp %get3A_609 : vector<16xf32>
      %add3A_611 = arith.addf %add3A_599, %exp3A_610 : vector<16xf32>
      %scan3A_612 = arith.constant 2 : i32
      %scan3A_613 = arith.addi %scan3A_590, %scan3A_612 : i32
      %mul3A_614 = arith.constant 16 : i32
      %mul3A_615 = arith.muli %scan3A_613, %mul3A_614 : i32
      %get3A_616 = arith.constant 0 : i32
      %get3A_617 = tpu.memref_slice %arg4[%scan3A_258, %get3A_616] : memref<2x12288xf32, #tpu.memory_space<vmem>> -> memref<1x12288xf32, #tpu.memory_space<vmem>>
      %get3A_618 = tpu.memref_squeeze %get3A_617 : memref<1x12288xf32, #tpu.memory_space<vmem>> -> memref<12288xf32, #tpu.memory_space<vmem>>
      %get3A_619 = arith.index_cast %mul3A_615 : i32 to index
      %get3A_620 = tpu.vector_load %get3A_618[%get3A_619] {strides = array<i32>} : memref<12288xf32, #tpu.memory_space<vmem>>, vector<16xf32>,
      %get3A_621 = vector.shape_cast %get3A_620 : vector<16xf32> to vector<16xf32>
      %exp3A_622 = math.exp %get3A_621 : vector<16xf32>
      %add3A_623 = arith.addf %add3A_611, %exp3A_622 : vector<16xf32>
      %scan3A_624 = arith.constant 3 : i32
      %scan3A_625 = arith.addi %scan3A_590, %scan3A_624 : i32
      %mul3A_626 = arith.constant 16 : i32
      %mul3A_627 = arith.muli %scan3A_625, %mul3A_626 : i32
      %get3A_628 = arith.constant 0 : i32
      %get3A_629 = tpu.memref_slice %arg4[%scan3A_258, %get3A_628] : memref<2x12288xf32, #tpu.memory_space<vmem>> -> memref<1x12288xf32, #tpu.memory_space<vmem>>
      %get3A_630 = tpu.memref_squeeze %get3A_629 : memref<1x12288xf32, #tpu.memory_space<vmem>> -> memref<12288xf32, #tpu.memory_space<vmem>>
      %get3A_631 = arith.index_cast %mul3A_627 : i32 to index
      %get3A_632 = tpu.vector_load %get3A_630[%get3A_631] {strides = array<i32>} : memref<12288xf32, #tpu.memory_space<vmem>>, vector<16xf32>,
      %get3A_633 = vector.shape_cast %get3A_632 : vector<16xf32> to vector<16xf32>
      %exp3A_634 = math.exp %get3A_633 : vector<16xf32>
      %add3A_635 = arith.addf %add3A_623, %exp3A_634 : vector<16xf32>
      scf.yield %add3A_635 : vector<16xf32>
    }
    %scan3A_264 = arith.constant 768 : i32
    %swap3A_265 = arith.constant 96 : index
    %swap3A_266 = tpu.vector_load %arg5[%swap3A_265] {strides = array<i32>} : memref<256xf32, #tpu.memory_space<vmem>>, vector<16xf32>,
    %swap3A_267 = vector.shape_cast %swap3A_266 : vector<16xf32> to vector<16xf32>
    %swap3A_268 = vector.shape_cast %scan3A_263 : vector<16xf32> to vector<16xf32>
    tpu.vector_store %arg5[%swap3A_265], %swap3A_268 {strides = array<i32>} : memref<256xf32, #tpu.memory_space<vmem>>, vector<16xf32>,
    %dma_start3A_269 = arith.constant 8 : i32
    %dma_start3A_270 = arith.constant 0 : i32
    %dma_start3A_271 = arith.constant 0 : i32
    %dma_start3A_272 = tpu.memref_slice %arg4[%dma_start3A_270, %dma_start3A_271] : memref<2x12288xf32, #tpu.memory_space<vmem>> -> memref<1x12288xf32, #tpu.memory_space<vmem>>
    %dma_start3A_273 = tpu.memref_squeeze %dma_start3A_272 : memref<1x12288xf32, #tpu.memory_space<vmem>> -> memref<12288xf32, #tpu.memory_space<vmem>>
    %dma_start3A_274 = tpu.memref_slice %arg2[%dma_start3A_269, %mul3A_2] : memref<16x1000000xf32, #tpu.memory_space<hbm>> -> memref<1x12288xf32, #tpu.memory_space<hbm>>
    %dma_start3A_275 = tpu.memref_squeeze %dma_start3A_274 : memref<1x12288xf32, #tpu.memory_space<hbm>> -> memref<12288xf32, #tpu.memory_space<hbm>>
    %dma_start3A_276 = arith.constant 0 : i32
    %dma_start3A_277 = tpu.memref_slice %arg4[%dma_start3A_270, %dma_start3A_276] : memref<2x12288xf32, #tpu.memory_space<vmem>> -> memref<1x12288xf32, #tpu.memory_space<vmem>>
    %dma_start3A_278 = tpu.memref_squeeze %dma_start3A_277 : memref<1x12288xf32, #tpu.memory_space<vmem>> -> memref<12288xf32, #tpu.memory_space<vmem>>
    %dma_start3A_279 = tpu.memref_slice %arg2[%dma_start3A_269, %mul3A_2] : memref<16x1000000xf32, #tpu.memory_space<hbm>> -> memref<1x12288xf32, #tpu.memory_space<hbm>>
    %dma_start3A_280 = tpu.memref_squeeze %dma_start3A_279 : memref<1x12288xf32, #tpu.memory_space<hbm>> -> memref<12288xf32, #tpu.memory_space<hbm>>
    tpu.enqueue_dma source(%dma_start3A_280 : memref<12288xf32, #tpu.memory_space<hbm>>) target(%dma_start3A_278 : memref<12288xf32, #tpu.memory_space<vmem>>) target_semaphore(%arg6 : memref<!tpu.dma_semaphore, #tpu.memory_space<semaphore_mem>>)
    %dma_wait3A_281 = arith.constant 7 : i32
    %dma_wait3A_282 = arith.constant 1 : i32
    %dma_wait3A_283 = arith.constant 0 : i32
    %dma_wait3A_284 = tpu.memref_slice %arg4[%dma_wait3A_282, %dma_wait3A_283] : memref<2x12288xf32, #tpu.memory_space<vmem>> -> memref<1x12288xf32, #tpu.memory_space<vmem>>
    %dma_wait3A_285 = tpu.memref_squeeze %dma_wait3A_284 : memref<1x12288xf32, #tpu.memory_space<vmem>> -> memref<12288xf32, #tpu.memory_space<vmem>>
    %dma_wait3A_286 = tpu.memref_slice %arg2[%dma_wait3A_281, %mul3A_2] : memref<16x1000000xf32, #tpu.memory_space<hbm>> -> memref<1x12288xf32, #tpu.memory_space<hbm>>
    %dma_wait3A_287 = tpu.memref_squeeze %dma_wait3A_286 : memref<1x12288xf32, #tpu.memory_space<hbm>> -> memref<12288xf32, #tpu.memory_space<hbm>>
    %dma_wait3A_288 = arith.constant 0 : i32
    %dma_wait3A_289 = tpu.memref_slice %arg4[%dma_wait3A_282, %dma_wait3A_288] : memref<2x12288xf32, #tpu.memory_space<vmem>> -> memref<1x12288xf32, #tpu.memory_space<vmem>>
    %dma_wait3A_290 = tpu.memref_squeeze %dma_wait3A_289 : memref<1x12288xf32, #tpu.memory_space<vmem>> -> memref<12288xf32, #tpu.memory_space<vmem>>
    %dma_wait3A_291 = tpu.memref_slice %arg2[%dma_wait3A_281, %mul3A_2] : memref<16x1000000xf32, #tpu.memory_space<hbm>> -> memref<1x12288xf32, #tpu.memory_space<hbm>>
    %dma_wait3A_292 = tpu.memref_squeeze %dma_wait3A_291 : memref<1x12288xf32, #tpu.memory_space<hbm>> -> memref<12288xf32, #tpu.memory_space<hbm>>
    tpu.wait_dma2 semaphore(%arg7 : memref<!tpu.dma_semaphore, #tpu.memory_space<semaphore_mem>>) src(%dma_wait3A_292 : memref<12288xf32, #tpu.memory_space<hbm>>) dst(%dma_wait3A_290 : memref<12288xf32, #tpu.memory_space<vmem>>)
    %broadcast_in_dim3A_293 = arith.constant 0.000000e+00 : f32
    %broadcast_in_dim3A_294 = vector.broadcast %broadcast_in_dim3A_293 : f32 to vector<16xf32>
    %scan3A_295 = arith.constant 1 : i32
    %scan3A_296 = arith.constant 0 : i32
    %scan3A_297 = arith.constant 768 : i32
    %scan3A_298 = arith.addi %scan3A_296, %scan3A_297 : i32
    %scan3A_299 = arith.constant 4 : i32
    %scan3A_300 = scf.for %scan3A_590 = %scan3A_296 to %scan3A_298 step %scan3A_299 iter_args(%scan3A_591 = %broadcast_in_dim3A_294) -> (vector<16xf32>)  : i32 {
      %mul3A_592 = arith.constant 16 : i32
      %mul3A_593 = arith.muli %scan3A_590, %mul3A_592 : i32
      %get3A = arith.constant 0 : i32
      %get3A_594 = tpu.memref_slice %arg4[%scan3A_295, %get3A] : memref<2x12288xf32, #tpu.memory_space<vmem>> -> memref<1x12288xf32, #tpu.memory_space<vmem>>
      %get3A_595 = tpu.memref_squeeze %get3A_594 : memref<1x12288xf32, #tpu.memory_space<vmem>> -> memref<12288xf32, #tpu.memory_space<vmem>>
      %get3A_596 = arith.index_cast %mul3A_593 : i32 to index
      %get3A_597 = tpu.vector_load %get3A_595[%get3A_596] {strides = array<i32>} : memref<12288xf32, #tpu.memory_space<vmem>>, vector<16xf32>,
      %get3A_598 = vector.shape_cast %get3A_597 : vector<16xf32> to vector<16xf32>
      %exp3A = math.exp %get3A_598 : vector<16xf32>
      %add3A_599 = arith.addf %scan3A_591, %exp3A : vector<16xf32>
      %scan3A_600 = arith.constant 1 : i32
      %scan3A_601 = arith.addi %scan3A_590, %scan3A_600 : i32
      %mul3A_602 = arith.constant 16 : i32
      %mul3A_603 = arith.muli %scan3A_601, %mul3A_602 : i32
      %get3A_604 = arith.constant 0 : i32
      %get3A_605 = tpu.memref_slice %arg4[%scan3A_295, %get3A_604] : memref<2x12288xf32, #tpu.memory_space<vmem>> -> memref<1x12288xf32, #tpu.memory_space<vmem>>
      %get3A_606 = tpu.memref_squeeze %get3A_605 : memref<1x12288xf32, #tpu.memory_space<vmem>> -> memref<12288xf32, #tpu.memory_space<vmem>>
      %get3A_607 = arith.index_cast %mul3A_603 : i32 to index
      %get3A_608 = tpu.vector_load %get3A_606[%get3A_607] {strides = array<i32>} : memref<12288xf32, #tpu.memory_space<vmem>>, vector<16xf32>,
      %get3A_609 = vector.shape_cast %get3A_608 : vector<16xf32> to vector<16xf32>
      %exp3A_610 = math.exp %get3A_609 : vector<16xf32>
      %add3A_611 = arith.addf %add3A_599, %exp3A_610 : vector<16xf32>
      %scan3A_612 = arith.constant 2 : i32
      %scan3A_613 = arith.addi %scan3A_590, %scan3A_612 : i32
      %mul3A_614 = arith.constant 16 : i32
      %mul3A_615 = arith.muli %scan3A_613, %mul3A_614 : i32
      %get3A_616 = arith.constant 0 : i32
      %get3A_617 = tpu.memref_slice %arg4[%scan3A_295, %get3A_616] : memref<2x12288xf32, #tpu.memory_space<vmem>> -> memref<1x12288xf32, #tpu.memory_space<vmem>>
      %get3A_618 = tpu.memref_squeeze %get3A_617 : memref<1x12288xf32, #tpu.memory_space<vmem>> -> memref<12288xf32, #tpu.memory_space<vmem>>
      %get3A_619 = arith.index_cast %mul3A_615 : i32 to index
      %get3A_620 = tpu.vector_load %get3A_618[%get3A_619] {strides = array<i32>} : memref<12288xf32, #tpu.memory_space<vmem>>, vector<16xf32>,
      %get3A_621 = vector.shape_cast %get3A_620 : vector<16xf32> to vector<16xf32>
      %exp3A_622 = math.exp %get3A_621 : vector<16xf32>
      %add3A_623 = arith.addf %add3A_611, %exp3A_622 : vector<16xf32>
      %scan3A_624 = arith.constant 3 : i32
      %scan3A_625 = arith.addi %scan3A_590, %scan3A_624 : i32
      %mul3A_626 = arith.constant 16 : i32
      %mul3A_627 = arith.muli %scan3A_625, %mul3A_626 : i32
      %get3A_628 = arith.constant 0 : i32
      %get3A_629 = tpu.memref_slice %arg4[%scan3A_295, %get3A_628] : memref<2x12288xf32, #tpu.memory_space<vmem>> -> memref<1x12288xf32, #tpu.memory_space<vmem>>
      %get3A_630 = tpu.memref_squeeze %get3A_629 : memref<1x12288xf32, #tpu.memory_space<vmem>> -> memref<12288xf32, #tpu.memory_space<vmem>>
      %get3A_631 = arith.index_cast %mul3A_627 : i32 to index
      %get3A_632 = tpu.vector_load %get3A_630[%get3A_631] {strides = array<i32>} : memref<12288xf32, #tpu.memory_space<vmem>>, vector<16xf32>,
      %get3A_633 = vector.shape_cast %get3A_632 : vector<16xf32> to vector<16xf32>
      %exp3A_634 = math.exp %get3A_633 : vector<16xf32>
      %add3A_635 = arith.addf %add3A_623, %exp3A_634 : vector<16xf32>
      scf.yield %add3A_635 : vector<16xf32>
    }
    %scan3A_301 = arith.constant 768 : i32
    %swap3A_302 = arith.constant 112 : index
    %swap3A_303 = tpu.vector_load %arg5[%swap3A_302] {strides = array<i32>} : memref<256xf32, #tpu.memory_space<vmem>>, vector<16xf32>,
    %swap3A_304 = vector.shape_cast %swap3A_303 : vector<16xf32> to vector<16xf32>
    %swap3A_305 = vector.shape_cast %scan3A_300 : vector<16xf32> to vector<16xf32>
    tpu.vector_store %arg5[%swap3A_302], %swap3A_305 {strides = array<i32>} : memref<256xf32, #tpu.memory_space<vmem>>, vector<16xf32>,
    %dma_start3A_306 = arith.constant 9 : i32
    %dma_start3A_307 = arith.constant 1 : i32
    %dma_start3A_308 = arith.constant 0 : i32
    %dma_start3A_309 = tpu.memref_slice %arg4[%dma_start3A_307, %dma_start3A_308] : memref<2x12288xf32, #tpu.memory_space<vmem>> -> memref<1x12288xf32, #tpu.memory_space<vmem>>
    %dma_start3A_310 = tpu.memref_squeeze %dma_start3A_309 : memref<1x12288xf32, #tpu.memory_space<vmem>> -> memref<12288xf32, #tpu.memory_space<vmem>>
    %dma_start3A_311 = tpu.memref_slice %arg2[%dma_start3A_306, %mul3A_2] : memref<16x1000000xf32, #tpu.memory_space<hbm>> -> memref<1x12288xf32, #tpu.memory_space<hbm>>
    %dma_start3A_312 = tpu.memref_squeeze %dma_start3A_311 : memref<1x12288xf32, #tpu.memory_space<hbm>> -> memref<12288xf32, #tpu.memory_space<hbm>>
    %dma_start3A_313 = arith.constant 0 : i32
    %dma_start3A_314 = tpu.memref_slice %arg4[%dma_start3A_307, %dma_start3A_313] : memref<2x12288xf32, #tpu.memory_space<vmem>> -> memref<1x12288xf32, #tpu.memory_space<vmem>>
    %dma_start3A_315 = tpu.memref_squeeze %dma_start3A_314 : memref<1x12288xf32, #tpu.memory_space<vmem>> -> memref<12288xf32, #tpu.memory_space<vmem>>
    %dma_start3A_316 = tpu.memref_slice %arg2[%dma_start3A_306, %mul3A_2] : memref<16x1000000xf32, #tpu.memory_space<hbm>> -> memref<1x12288xf32, #tpu.memory_space<hbm>>
    %dma_start3A_317 = tpu.memref_squeeze %dma_start3A_316 : memref<1x12288xf32, #tpu.memory_space<hbm>> -> memref<12288xf32, #tpu.memory_space<hbm>>
    tpu.enqueue_dma source(%dma_start3A_317 : memref<12288xf32, #tpu.memory_space<hbm>>) target(%dma_start3A_315 : memref<12288xf32, #tpu.memory_space<vmem>>) target_semaphore(%arg7 : memref<!tpu.dma_semaphore, #tpu.memory_space<semaphore_mem>>)
    %dma_wait3A_318 = arith.constant 8 : i32
    %dma_wait3A_319 = arith.constant 0 : i32
    %dma_wait3A_320 = arith.constant 0 : i32
    %dma_wait3A_321 = tpu.memref_slice %arg4[%dma_wait3A_319, %dma_wait3A_320] : memref<2x12288xf32, #tpu.memory_space<vmem>> -> memref<1x12288xf32, #tpu.memory_space<vmem>>
    %dma_wait3A_322 = tpu.memref_squeeze %dma_wait3A_321 : memref<1x12288xf32, #tpu.memory_space<vmem>> -> memref<12288xf32, #tpu.memory_space<vmem>>
    %dma_wait3A_323 = tpu.memref_slice %arg2[%dma_wait3A_318, %mul3A_2] : memref<16x1000000xf32, #tpu.memory_space<hbm>> -> memref<1x12288xf32, #tpu.memory_space<hbm>>
    %dma_wait3A_324 = tpu.memref_squeeze %dma_wait3A_323 : memref<1x12288xf32, #tpu.memory_space<hbm>> -> memref<12288xf32, #tpu.memory_space<hbm>>
    %dma_wait3A_325 = arith.constant 0 : i32
    %dma_wait3A_326 = tpu.memref_slice %arg4[%dma_wait3A_319, %dma_wait3A_325] : memref<2x12288xf32, #tpu.memory_space<vmem>> -> memref<1x12288xf32, #tpu.memory_space<vmem>>
    %dma_wait3A_327 = tpu.memref_squeeze %dma_wait3A_326 : memref<1x12288xf32, #tpu.memory_space<vmem>> -> memref<12288xf32, #tpu.memory_space<vmem>>
    %dma_wait3A_328 = tpu.memref_slice %arg2[%dma_wait3A_318, %mul3A_2] : memref<16x1000000xf32, #tpu.memory_space<hbm>> -> memref<1x12288xf32, #tpu.memory_space<hbm>>
    %dma_wait3A_329 = tpu.memref_squeeze %dma_wait3A_328 : memref<1x12288xf32, #tpu.memory_space<hbm>> -> memref<12288xf32, #tpu.memory_space<hbm>>
    tpu.wait_dma2 semaphore(%arg6 : memref<!tpu.dma_semaphore, #tpu.memory_space<semaphore_mem>>) src(%dma_wait3A_329 : memref<12288xf32, #tpu.memory_space<hbm>>) dst(%dma_wait3A_327 : memref<12288xf32, #tpu.memory_space<vmem>>)
    %broadcast_in_dim3A_330 = arith.constant 0.000000e+00 : f32
    %broadcast_in_dim3A_331 = vector.broadcast %broadcast_in_dim3A_330 : f32 to vector<16xf32>
    %scan3A_332 = arith.constant 0 : i32
    %scan3A_333 = arith.constant 0 : i32
    %scan3A_334 = arith.constant 768 : i32
    %scan3A_335 = arith.addi %scan3A_333, %scan3A_334 : i32
    %scan3A_336 = arith.constant 4 : i32
    %scan3A_337 = scf.for %scan3A_590 = %scan3A_333 to %scan3A_335 step %scan3A_336 iter_args(%scan3A_591 = %broadcast_in_dim3A_331) -> (vector<16xf32>)  : i32 {
      %mul3A_592 = arith.constant 16 : i32
      %mul3A_593 = arith.muli %scan3A_590, %mul3A_592 : i32
      %get3A = arith.constant 0 : i32
      %get3A_594 = tpu.memref_slice %arg4[%scan3A_332, %get3A] : memref<2x12288xf32, #tpu.memory_space<vmem>> -> memref<1x12288xf32, #tpu.memory_space<vmem>>
      %get3A_595 = tpu.memref_squeeze %get3A_594 : memref<1x12288xf32, #tpu.memory_space<vmem>> -> memref<12288xf32, #tpu.memory_space<vmem>>
      %get3A_596 = arith.index_cast %mul3A_593 : i32 to index
      %get3A_597 = tpu.vector_load %get3A_595[%get3A_596] {strides = array<i32>} : memref<12288xf32, #tpu.memory_space<vmem>>, vector<16xf32>,
      %get3A_598 = vector.shape_cast %get3A_597 : vector<16xf32> to vector<16xf32>
      %exp3A = math.exp %get3A_598 : vector<16xf32>
      %add3A_599 = arith.addf %scan3A_591, %exp3A : vector<16xf32>
      %scan3A_600 = arith.constant 1 : i32
      %scan3A_601 = arith.addi %scan3A_590, %scan3A_600 : i32
      %mul3A_602 = arith.constant 16 : i32
      %mul3A_603 = arith.muli %scan3A_601, %mul3A_602 : i32
      %get3A_604 = arith.constant 0 : i32
      %get3A_605 = tpu.memref_slice %arg4[%scan3A_332, %get3A_604] : memref<2x12288xf32, #tpu.memory_space<vmem>> -> memref<1x12288xf32, #tpu.memory_space<vmem>>
      %get3A_606 = tpu.memref_squeeze %get3A_605 : memref<1x12288xf32, #tpu.memory_space<vmem>> -> memref<12288xf32, #tpu.memory_space<vmem>>
      %get3A_607 = arith.index_cast %mul3A_603 : i32 to index
      %get3A_608 = tpu.vector_load %get3A_606[%get3A_607] {strides = array<i32>} : memref<12288xf32, #tpu.memory_space<vmem>>, vector<16xf32>,
      %get3A_609 = vector.shape_cast %get3A_608 : vector<16xf32> to vector<16xf32>
      %exp3A_610 = math.exp %get3A_609 : vector<16xf32>
      %add3A_611 = arith.addf %add3A_599, %exp3A_610 : vector<16xf32>
      %scan3A_612 = arith.constant 2 : i32
      %scan3A_613 = arith.addi %scan3A_590, %scan3A_612 : i32
      %mul3A_614 = arith.constant 16 : i32
      %mul3A_615 = arith.muli %scan3A_613, %mul3A_614 : i32
      %get3A_616 = arith.constant 0 : i32
      %get3A_617 = tpu.memref_slice %arg4[%scan3A_332, %get3A_616] : memref<2x12288xf32, #tpu.memory_space<vmem>> -> memref<1x12288xf32, #tpu.memory_space<vmem>>
      %get3A_618 = tpu.memref_squeeze %get3A_617 : memref<1x12288xf32, #tpu.memory_space<vmem>> -> memref<12288xf32, #tpu.memory_space<vmem>>
      %get3A_619 = arith.index_cast %mul3A_615 : i32 to index
      %get3A_620 = tpu.vector_load %get3A_618[%get3A_619] {strides = array<i32>} : memref<12288xf32, #tpu.memory_space<vmem>>, vector<16xf32>,
      %get3A_621 = vector.shape_cast %get3A_620 : vector<16xf32> to vector<16xf32>
      %exp3A_622 = math.exp %get3A_621 : vector<16xf32>
      %add3A_623 = arith.addf %add3A_611, %exp3A_622 : vector<16xf32>
      %scan3A_624 = arith.constant 3 : i32
      %scan3A_625 = arith.addi %scan3A_590, %scan3A_624 : i32
      %mul3A_626 = arith.constant 16 : i32
      %mul3A_627 = arith.muli %scan3A_625, %mul3A_626 : i32
      %get3A_628 = arith.constant 0 : i32
      %get3A_629 = tpu.memref_slice %arg4[%scan3A_332, %get3A_628] : memref<2x12288xf32, #tpu.memory_space<vmem>> -> memref<1x12288xf32, #tpu.memory_space<vmem>>
      %get3A_630 = tpu.memref_squeeze %get3A_629 : memref<1x12288xf32, #tpu.memory_space<vmem>> -> memref<12288xf32, #tpu.memory_space<vmem>>
      %get3A_631 = arith.index_cast %mul3A_627 : i32 to index
      %get3A_632 = tpu.vector_load %get3A_630[%get3A_631] {strides = array<i32>} : memref<12288xf32, #tpu.memory_space<vmem>>, vector<16xf32>,
      %get3A_633 = vector.shape_cast %get3A_632 : vector<16xf32> to vector<16xf32>
      %exp3A_634 = math.exp %get3A_633 : vector<16xf32>
      %add3A_635 = arith.addf %add3A_623, %exp3A_634 : vector<16xf32>
      scf.yield %add3A_635 : vector<16xf32>
    }
    %scan3A_338 = arith.constant 768 : i32
    %swap3A_339 = arith.constant 128 : index
    %swap3A_340 = tpu.vector_load %arg5[%swap3A_339] {strides = array<i32>} : memref<256xf32, #tpu.memory_space<vmem>>, vector<16xf32>,
    %swap3A_341 = vector.shape_cast %swap3A_340 : vector<16xf32> to vector<16xf32>
    %swap3A_342 = vector.shape_cast %scan3A_337 : vector<16xf32> to vector<16xf32>
    tpu.vector_store %arg5[%swap3A_339], %swap3A_342 {strides = array<i32>} : memref<256xf32, #tpu.memory_space<vmem>>, vector<16xf32>,
    %dma_start3A_343 = arith.constant 10 : i32
    %dma_start3A_344 = arith.constant 0 : i32
    %dma_start3A_345 = arith.constant 0 : i32
    %dma_start3A_346 = tpu.memref_slice %arg4[%dma_start3A_344, %dma_start3A_345] : memref<2x12288xf32, #tpu.memory_space<vmem>> -> memref<1x12288xf32, #tpu.memory_space<vmem>>
    %dma_start3A_347 = tpu.memref_squeeze %dma_start3A_346 : memref<1x12288xf32, #tpu.memory_space<vmem>> -> memref<12288xf32, #tpu.memory_space<vmem>>
    %dma_start3A_348 = tpu.memref_slice %arg2[%dma_start3A_343, %mul3A_2] : memref<16x1000000xf32, #tpu.memory_space<hbm>> -> memref<1x12288xf32, #tpu.memory_space<hbm>>
    %dma_start3A_349 = tpu.memref_squeeze %dma_start3A_348 : memref<1x12288xf32, #tpu.memory_space<hbm>> -> memref<12288xf32, #tpu.memory_space<hbm>>
    %dma_start3A_350 = arith.constant 0 : i32
    %dma_start3A_351 = tpu.memref_slice %arg4[%dma_start3A_344, %dma_start3A_350] : memref<2x12288xf32, #tpu.memory_space<vmem>> -> memref<1x12288xf32, #tpu.memory_space<vmem>>
    %dma_start3A_352 = tpu.memref_squeeze %dma_start3A_351 : memref<1x12288xf32, #tpu.memory_space<vmem>> -> memref<12288xf32, #tpu.memory_space<vmem>>
    %dma_start3A_353 = tpu.memref_slice %arg2[%dma_start3A_343, %mul3A_2] : memref<16x1000000xf32, #tpu.memory_space<hbm>> -> memref<1x12288xf32, #tpu.memory_space<hbm>>
    %dma_start3A_354 = tpu.memref_squeeze %dma_start3A_353 : memref<1x12288xf32, #tpu.memory_space<hbm>> -> memref<12288xf32, #tpu.memory_space<hbm>>
    tpu.enqueue_dma source(%dma_start3A_354 : memref<12288xf32, #tpu.memory_space<hbm>>) target(%dma_start3A_352 : memref<12288xf32, #tpu.memory_space<vmem>>) target_semaphore(%arg6 : memref<!tpu.dma_semaphore, #tpu.memory_space<semaphore_mem>>)
    %dma_wait3A_355 = arith.constant 9 : i32
    %dma_wait3A_356 = arith.constant 1 : i32
    %dma_wait3A_357 = arith.constant 0 : i32
    %dma_wait3A_358 = tpu.memref_slice %arg4[%dma_wait3A_356, %dma_wait3A_357] : memref<2x12288xf32, #tpu.memory_space<vmem>> -> memref<1x12288xf32, #tpu.memory_space<vmem>>
    %dma_wait3A_359 = tpu.memref_squeeze %dma_wait3A_358 : memref<1x12288xf32, #tpu.memory_space<vmem>> -> memref<12288xf32, #tpu.memory_space<vmem>>
    %dma_wait3A_360 = tpu.memref_slice %arg2[%dma_wait3A_355, %mul3A_2] : memref<16x1000000xf32, #tpu.memory_space<hbm>> -> memref<1x12288xf32, #tpu.memory_space<hbm>>
    %dma_wait3A_361 = tpu.memref_squeeze %dma_wait3A_360 : memref<1x12288xf32, #tpu.memory_space<hbm>> -> memref<12288xf32, #tpu.memory_space<hbm>>
    %dma_wait3A_362 = arith.constant 0 : i32
    %dma_wait3A_363 = tpu.memref_slice %arg4[%dma_wait3A_356, %dma_wait3A_362] : memref<2x12288xf32, #tpu.memory_space<vmem>> -> memref<1x12288xf32, #tpu.memory_space<vmem>>
    %dma_wait3A_364 = tpu.memref_squeeze %dma_wait3A_363 : memref<1x12288xf32, #tpu.memory_space<vmem>> -> memref<12288xf32, #tpu.memory_space<vmem>>
    %dma_wait3A_365 = tpu.memref_slice %arg2[%dma_wait3A_355, %mul3A_2] : memref<16x1000000xf32, #tpu.memory_space<hbm>> -> memref<1x12288xf32, #tpu.memory_space<hbm>>
    %dma_wait3A_366 = tpu.memref_squeeze %dma_wait3A_365 : memref<1x12288xf32, #tpu.memory_space<hbm>> -> memref<12288xf32, #tpu.memory_space<hbm>>
    tpu.wait_dma2 semaphore(%arg7 : memref<!tpu.dma_semaphore, #tpu.memory_space<semaphore_mem>>) src(%dma_wait3A_366 : memref<12288xf32, #tpu.memory_space<hbm>>) dst(%dma_wait3A_364 : memref<12288xf32, #tpu.memory_space<vmem>>)
    %broadcast_in_dim3A_367 = arith.constant 0.000000e+00 : f32
    %broadcast_in_dim3A_368 = vector.broadcast %broadcast_in_dim3A_367 : f32 to vector<16xf32>
    %scan3A_369 = arith.constant 1 : i32
    %scan3A_370 = arith.constant 0 : i32
    %scan3A_371 = arith.constant 768 : i32
    %scan3A_372 = arith.addi %scan3A_370, %scan3A_371 : i32
    %scan3A_373 = arith.constant 4 : i32
    %scan3A_374 = scf.for %scan3A_590 = %scan3A_370 to %scan3A_372 step %scan3A_373 iter_args(%scan3A_591 = %broadcast_in_dim3A_368) -> (vector<16xf32>)  : i32 {
      %mul3A_592 = arith.constant 16 : i32
      %mul3A_593 = arith.muli %scan3A_590, %mul3A_592 : i32
      %get3A = arith.constant 0 : i32
      %get3A_594 = tpu.memref_slice %arg4[%scan3A_369, %get3A] : memref<2x12288xf32, #tpu.memory_space<vmem>> -> memref<1x12288xf32, #tpu.memory_space<vmem>>
      %get3A_595 = tpu.memref_squeeze %get3A_594 : memref<1x12288xf32, #tpu.memory_space<vmem>> -> memref<12288xf32, #tpu.memory_space<vmem>>
      %get3A_596 = arith.index_cast %mul3A_593 : i32 to index
      %get3A_597 = tpu.vector_load %get3A_595[%get3A_596] {strides = array<i32>} : memref<12288xf32, #tpu.memory_space<vmem>>, vector<16xf32>,
      %get3A_598 = vector.shape_cast %get3A_597 : vector<16xf32> to vector<16xf32>
      %exp3A = math.exp %get3A_598 : vector<16xf32>
      %add3A_599 = arith.addf %scan3A_591, %exp3A : vector<16xf32>
      %scan3A_600 = arith.constant 1 : i32
      %scan3A_601 = arith.addi %scan3A_590, %scan3A_600 : i32
      %mul3A_602 = arith.constant 16 : i32
      %mul3A_603 = arith.muli %scan3A_601, %mul3A_602 : i32
      %get3A_604 = arith.constant 0 : i32
      %get3A_605 = tpu.memref_slice %arg4[%scan3A_369, %get3A_604] : memref<2x12288xf32, #tpu.memory_space<vmem>> -> memref<1x12288xf32, #tpu.memory_space<vmem>>
      %get3A_606 = tpu.memref_squeeze %get3A_605 : memref<1x12288xf32, #tpu.memory_space<vmem>> -> memref<12288xf32, #tpu.memory_space<vmem>>
      %get3A_607 = arith.index_cast %mul3A_603 : i32 to index
      %get3A_608 = tpu.vector_load %get3A_606[%get3A_607] {strides = array<i32>} : memref<12288xf32, #tpu.memory_space<vmem>>, vector<16xf32>,
      %get3A_609 = vector.shape_cast %get3A_608 : vector<16xf32> to vector<16xf32>
      %exp3A_610 = math.exp %get3A_609 : vector<16xf32>
      %add3A_611 = arith.addf %add3A_599, %exp3A_610 : vector<16xf32>
      %scan3A_612 = arith.constant 2 : i32
      %scan3A_613 = arith.addi %scan3A_590, %scan3A_612 : i32
      %mul3A_614 = arith.constant 16 : i32
      %mul3A_615 = arith.muli %scan3A_613, %mul3A_614 : i32
      %get3A_616 = arith.constant 0 : i32
      %get3A_617 = tpu.memref_slice %arg4[%scan3A_369, %get3A_616] : memref<2x12288xf32, #tpu.memory_space<vmem>> -> memref<1x12288xf32, #tpu.memory_space<vmem>>
      %get3A_618 = tpu.memref_squeeze %get3A_617 : memref<1x12288xf32, #tpu.memory_space<vmem>> -> memref<12288xf32, #tpu.memory_space<vmem>>
      %get3A_619 = arith.index_cast %mul3A_615 : i32 to index
      %get3A_620 = tpu.vector_load %get3A_618[%get3A_619] {strides = array<i32>} : memref<12288xf32, #tpu.memory_space<vmem>>, vector<16xf32>,
      %get3A_621 = vector.shape_cast %get3A_620 : vector<16xf32> to vector<16xf32>
      %exp3A_622 = math.exp %get3A_621 : vector<16xf32>
      %add3A_623 = arith.addf %add3A_611, %exp3A_622 : vector<16xf32>
      %scan3A_624 = arith.constant 3 : i32
      %scan3A_625 = arith.addi %scan3A_590, %scan3A_624 : i32
      %mul3A_626 = arith.constant 16 : i32
      %mul3A_627 = arith.muli %scan3A_625, %mul3A_626 : i32
      %get3A_628 = arith.constant 0 : i32
      %get3A_629 = tpu.memref_slice %arg4[%scan3A_369, %get3A_628] : memref<2x12288xf32, #tpu.memory_space<vmem>> -> memref<1x12288xf32, #tpu.memory_space<vmem>>
      %get3A_630 = tpu.memref_squeeze %get3A_629 : memref<1x12288xf32, #tpu.memory_space<vmem>> -> memref<12288xf32, #tpu.memory_space<vmem>>
      %get3A_631 = arith.index_cast %mul3A_627 : i32 to index
      %get3A_632 = tpu.vector_load %get3A_630[%get3A_631] {strides = array<i32>} : memref<12288xf32, #tpu.memory_space<vmem>>, vector<16xf32>,
      %get3A_633 = vector.shape_cast %get3A_632 : vector<16xf32> to vector<16xf32>
      %exp3A_634 = math.exp %get3A_633 : vector<16xf32>
      %add3A_635 = arith.addf %add3A_623, %exp3A_634 : vector<16xf32>
      scf.yield %add3A_635 : vector<16xf32>
    }
    %scan3A_375 = arith.constant 768 : i32
    %swap3A_376 = arith.constant 144 : index
    %swap3A_377 = tpu.vector_load %arg5[%swap3A_376] {strides = array<i32>} : memref<256xf32, #tpu.memory_space<vmem>>, vector<16xf32>,
    %swap3A_378 = vector.shape_cast %swap3A_377 : vector<16xf32> to vector<16xf32>
    %swap3A_379 = vector.shape_cast %scan3A_374 : vector<16xf32> to vector<16xf32>
    tpu.vector_store %arg5[%swap3A_376], %swap3A_379 {strides = array<i32>} : memref<256xf32, #tpu.memory_space<vmem>>, vector<16xf32>,
    %dma_start3A_380 = arith.constant 11 : i32
    %dma_start3A_381 = arith.constant 1 : i32
    %dma_start3A_382 = arith.constant 0 : i32
    %dma_start3A_383 = tpu.memref_slice %arg4[%dma_start3A_381, %dma_start3A_382] : memref<2x12288xf32, #tpu.memory_space<vmem>> -> memref<1x12288xf32, #tpu.memory_space<vmem>>
    %dma_start3A_384 = tpu.memref_squeeze %dma_start3A_383 : memref<1x12288xf32, #tpu.memory_space<vmem>> -> memref<12288xf32, #tpu.memory_space<vmem>>
    %dma_start3A_385 = tpu.memref_slice %arg2[%dma_start3A_380, %mul3A_2] : memref<16x1000000xf32, #tpu.memory_space<hbm>> -> memref<1x12288xf32, #tpu.memory_space<hbm>>
    %dma_start3A_386 = tpu.memref_squeeze %dma_start3A_385 : memref<1x12288xf32, #tpu.memory_space<hbm>> -> memref<12288xf32, #tpu.memory_space<hbm>>
    %dma_start3A_387 = arith.constant 0 : i32
    %dma_start3A_388 = tpu.memref_slice %arg4[%dma_start3A_381, %dma_start3A_387] : memref<2x12288xf32, #tpu.memory_space<vmem>> -> memref<1x12288xf32, #tpu.memory_space<vmem>>
    %dma_start3A_389 = tpu.memref_squeeze %dma_start3A_388 : memref<1x12288xf32, #tpu.memory_space<vmem>> -> memref<12288xf32, #tpu.memory_space<vmem>>
    %dma_start3A_390 = tpu.memref_slice %arg2[%dma_start3A_380, %mul3A_2] : memref<16x1000000xf32, #tpu.memory_space<hbm>> -> memref<1x12288xf32, #tpu.memory_space<hbm>>
    %dma_start3A_391 = tpu.memref_squeeze %dma_start3A_390 : memref<1x12288xf32, #tpu.memory_space<hbm>> -> memref<12288xf32, #tpu.memory_space<hbm>>
    tpu.enqueue_dma source(%dma_start3A_391 : memref<12288xf32, #tpu.memory_space<hbm>>) target(%dma_start3A_389 : memref<12288xf32, #tpu.memory_space<vmem>>) target_semaphore(%arg7 : memref<!tpu.dma_semaphore, #tpu.memory_space<semaphore_mem>>)
    %dma_wait3A_392 = arith.constant 10 : i32
    %dma_wait3A_393 = arith.constant 0 : i32
    %dma_wait3A_394 = arith.constant 0 : i32
    %dma_wait3A_395 = tpu.memref_slice %arg4[%dma_wait3A_393, %dma_wait3A_394] : memref<2x12288xf32, #tpu.memory_space<vmem>> -> memref<1x12288xf32, #tpu.memory_space<vmem>>
    %dma_wait3A_396 = tpu.memref_squeeze %dma_wait3A_395 : memref<1x12288xf32, #tpu.memory_space<vmem>> -> memref<12288xf32, #tpu.memory_space<vmem>>
    %dma_wait3A_397 = tpu.memref_slice %arg2[%dma_wait3A_392, %mul3A_2] : memref<16x1000000xf32, #tpu.memory_space<hbm>> -> memref<1x12288xf32, #tpu.memory_space<hbm>>
    %dma_wait3A_398 = tpu.memref_squeeze %dma_wait3A_397 : memref<1x12288xf32, #tpu.memory_space<hbm>> -> memref<12288xf32, #tpu.memory_space<hbm>>
    %dma_wait3A_399 = arith.constant 0 : i32
    %dma_wait3A_400 = tpu.memref_slice %arg4[%dma_wait3A_393, %dma_wait3A_399] : memref<2x12288xf32, #tpu.memory_space<vmem>> -> memref<1x12288xf32, #tpu.memory_space<vmem>>
    %dma_wait3A_401 = tpu.memref_squeeze %dma_wait3A_400 : memref<1x12288xf32, #tpu.memory_space<vmem>> -> memref<12288xf32, #tpu.memory_space<vmem>>
    %dma_wait3A_402 = tpu.memref_slice %arg2[%dma_wait3A_392, %mul3A_2] : memref<16x1000000xf32, #tpu.memory_space<hbm>> -> memref<1x12288xf32, #tpu.memory_space<hbm>>
    %dma_wait3A_403 = tpu.memref_squeeze %dma_wait3A_402 : memref<1x12288xf32, #tpu.memory_space<hbm>> -> memref<12288xf32, #tpu.memory_space<hbm>>
    tpu.wait_dma2 semaphore(%arg6 : memref<!tpu.dma_semaphore, #tpu.memory_space<semaphore_mem>>) src(%dma_wait3A_403 : memref<12288xf32, #tpu.memory_space<hbm>>) dst(%dma_wait3A_401 : memref<12288xf32, #tpu.memory_space<vmem>>)
    %broadcast_in_dim3A_404 = arith.constant 0.000000e+00 : f32
    %broadcast_in_dim3A_405 = vector.broadcast %broadcast_in_dim3A_404 : f32 to vector<16xf32>
    %scan3A_406 = arith.constant 0 : i32
    %scan3A_407 = arith.constant 0 : i32
    %scan3A_408 = arith.constant 768 : i32
    %scan3A_409 = arith.addi %scan3A_407, %scan3A_408 : i32
    %scan3A_410 = arith.constant 4 : i32
    %scan3A_411 = scf.for %scan3A_590 = %scan3A_407 to %scan3A_409 step %scan3A_410 iter_args(%scan3A_591 = %broadcast_in_dim3A_405) -> (vector<16xf32>)  : i32 {
      %mul3A_592 = arith.constant 16 : i32
      %mul3A_593 = arith.muli %scan3A_590, %mul3A_592 : i32
      %get3A = arith.constant 0 : i32
      %get3A_594 = tpu.memref_slice %arg4[%scan3A_406, %get3A] : memref<2x12288xf32, #tpu.memory_space<vmem>> -> memref<1x12288xf32, #tpu.memory_space<vmem>>
      %get3A_595 = tpu.memref_squeeze %get3A_594 : memref<1x12288xf32, #tpu.memory_space<vmem>> -> memref<12288xf32, #tpu.memory_space<vmem>>
      %get3A_596 = arith.index_cast %mul3A_593 : i32 to index
      %get3A_597 = tpu.vector_load %get3A_595[%get3A_596] {strides = array<i32>} : memref<12288xf32, #tpu.memory_space<vmem>>, vector<16xf32>,
      %get3A_598 = vector.shape_cast %get3A_597 : vector<16xf32> to vector<16xf32>
      %exp3A = math.exp %get3A_598 : vector<16xf32>
      %add3A_599 = arith.addf %scan3A_591, %exp3A : vector<16xf32>
      %scan3A_600 = arith.constant 1 : i32
      %scan3A_601 = arith.addi %scan3A_590, %scan3A_600 : i32
      %mul3A_602 = arith.constant 16 : i32
      %mul3A_603 = arith.muli %scan3A_601, %mul3A_602 : i32
      %get3A_604 = arith.constant 0 : i32
      %get3A_605 = tpu.memref_slice %arg4[%scan3A_406, %get3A_604] : memref<2x12288xf32, #tpu.memory_space<vmem>> -> memref<1x12288xf32, #tpu.memory_space<vmem>>
      %get3A_606 = tpu.memref_squeeze %get3A_605 : memref<1x12288xf32, #tpu.memory_space<vmem>> -> memref<12288xf32, #tpu.memory_space<vmem>>
      %get3A_607 = arith.index_cast %mul3A_603 : i32 to index
      %get3A_608 = tpu.vector_load %get3A_606[%get3A_607] {strides = array<i32>} : memref<12288xf32, #tpu.memory_space<vmem>>, vector<16xf32>,
      %get3A_609 = vector.shape_cast %get3A_608 : vector<16xf32> to vector<16xf32>
      %exp3A_610 = math.exp %get3A_609 : vector<16xf32>
      %add3A_611 = arith.addf %add3A_599, %exp3A_610 : vector<16xf32>
      %scan3A_612 = arith.constant 2 : i32
      %scan3A_613 = arith.addi %scan3A_590, %scan3A_612 : i32
      %mul3A_614 = arith.constant 16 : i32
      %mul3A_615 = arith.muli %scan3A_613, %mul3A_614 : i32
      %get3A_616 = arith.constant 0 : i32
      %get3A_617 = tpu.memref_slice %arg4[%scan3A_406, %get3A_616] : memref<2x12288xf32, #tpu.memory_space<vmem>> -> memref<1x12288xf32, #tpu.memory_space<vmem>>
      %get3A_618 = tpu.memref_squeeze %get3A_617 : memref<1x12288xf32, #tpu.memory_space<vmem>> -> memref<12288xf32, #tpu.memory_space<vmem>>
      %get3A_619 = arith.index_cast %mul3A_615 : i32 to index
      %get3A_620 = tpu.vector_load %get3A_618[%get3A_619] {strides = array<i32>} : memref<12288xf32, #tpu.memory_space<vmem>>, vector<16xf32>,
      %get3A_621 = vector.shape_cast %get3A_620 : vector<16xf32> to vector<16xf32>
      %exp3A_622 = math.exp %get3A_621 : vector<16xf32>
      %add3A_623 = arith.addf %add3A_611, %exp3A_622 : vector<16xf32>
      %scan3A_624 = arith.constant 3 : i32
      %scan3A_625 = arith.addi %scan3A_590, %scan3A_624 : i32
      %mul3A_626 = arith.constant 16 : i32
      %mul3A_627 = arith.muli %scan3A_625, %mul3A_626 : i32
      %get3A_628 = arith.constant 0 : i32
      %get3A_629 = tpu.memref_slice %arg4[%scan3A_406, %get3A_628] : memref<2x12288xf32, #tpu.memory_space<vmem>> -> memref<1x12288xf32, #tpu.memory_space<vmem>>
      %get3A_630 = tpu.memref_squeeze %get3A_629 : memref<1x12288xf32, #tpu.memory_space<vmem>> -> memref<12288xf32, #tpu.memory_space<vmem>>
      %get3A_631 = arith.index_cast %mul3A_627 : i32 to index
      %get3A_632 = tpu.vector_load %get3A_630[%get3A_631] {strides = array<i32>} : memref<12288xf32, #tpu.memory_space<vmem>>, vector<16xf32>,
      %get3A_633 = vector.shape_cast %get3A_632 : vector<16xf32> to vector<16xf32>
      %exp3A_634 = math.exp %get3A_633 : vector<16xf32>
      %add3A_635 = arith.addf %add3A_623, %exp3A_634 : vector<16xf32>
      scf.yield %add3A_635 : vector<16xf32>
    }
    %scan3A_412 = arith.constant 768 : i32
    %swap3A_413 = arith.constant 160 : index
    %swap3A_414 = tpu.vector_load %arg5[%swap3A_413] {strides = array<i32>} : memref<256xf32, #tpu.memory_space<vmem>>, vector<16xf32>,
    %swap3A_415 = vector.shape_cast %swap3A_414 : vector<16xf32> to vector<16xf32>
    %swap3A_416 = vector.shape_cast %scan3A_411 : vector<16xf32> to vector<16xf32>
    tpu.vector_store %arg5[%swap3A_413], %swap3A_416 {strides = array<i32>} : memref<256xf32, #tpu.memory_space<vmem>>, vector<16xf32>,
    %dma_start3A_417 = arith.constant 12 : i32
    %dma_start3A_418 = arith.constant 0 : i32
    %dma_start3A_419 = arith.constant 0 : i32
    %dma_start3A_420 = tpu.memref_slice %arg4[%dma_start3A_418, %dma_start3A_419] : memref<2x12288xf32, #tpu.memory_space<vmem>> -> memref<1x12288xf32, #tpu.memory_space<vmem>>
    %dma_start3A_421 = tpu.memref_squeeze %dma_start3A_420 : memref<1x12288xf32, #tpu.memory_space<vmem>> -> memref<12288xf32, #tpu.memory_space<vmem>>
    %dma_start3A_422 = tpu.memref_slice %arg2[%dma_start3A_417, %mul3A_2] : memref<16x1000000xf32, #tpu.memory_space<hbm>> -> memref<1x12288xf32, #tpu.memory_space<hbm>>
    %dma_start3A_423 = tpu.memref_squeeze %dma_start3A_422 : memref<1x12288xf32, #tpu.memory_space<hbm>> -> memref<12288xf32, #tpu.memory_space<hbm>>
    %dma_start3A_424 = arith.constant 0 : i32
    %dma_start3A_425 = tpu.memref_slice %arg4[%dma_start3A_418, %dma_start3A_424] : memref<2x12288xf32, #tpu.memory_space<vmem>> -> memref<1x12288xf32, #tpu.memory_space<vmem>>
    %dma_start3A_426 = tpu.memref_squeeze %dma_start3A_425 : memref<1x12288xf32, #tpu.memory_space<vmem>> -> memref<12288xf32, #tpu.memory_space<vmem>>
    %dma_start3A_427 = tpu.memref_slice %arg2[%dma_start3A_417, %mul3A_2] : memref<16x1000000xf32, #tpu.memory_space<hbm>> -> memref<1x12288xf32, #tpu.memory_space<hbm>>
    %dma_start3A_428 = tpu.memref_squeeze %dma_start3A_427 : memref<1x12288xf32, #tpu.memory_space<hbm>> -> memref<12288xf32, #tpu.memory_space<hbm>>
    tpu.enqueue_dma source(%dma_start3A_428 : memref<12288xf32, #tpu.memory_space<hbm>>) target(%dma_start3A_426 : memref<12288xf32, #tpu.memory_space<vmem>>) target_semaphore(%arg6 : memref<!tpu.dma_semaphore, #tpu.memory_space<semaphore_mem>>)
    %dma_wait3A_429 = arith.constant 11 : i32
    %dma_wait3A_430 = arith.constant 1 : i32
    %dma_wait3A_431 = arith.constant 0 : i32
    %dma_wait3A_432 = tpu.memref_slice %arg4[%dma_wait3A_430, %dma_wait3A_431] : memref<2x12288xf32, #tpu.memory_space<vmem>> -> memref<1x12288xf32, #tpu.memory_space<vmem>>
    %dma_wait3A_433 = tpu.memref_squeeze %dma_wait3A_432 : memref<1x12288xf32, #tpu.memory_space<vmem>> -> memref<12288xf32, #tpu.memory_space<vmem>>
    %dma_wait3A_434 = tpu.memref_slice %arg2[%dma_wait3A_429, %mul3A_2] : memref<16x1000000xf32, #tpu.memory_space<hbm>> -> memref<1x12288xf32, #tpu.memory_space<hbm>>
    %dma_wait3A_435 = tpu.memref_squeeze %dma_wait3A_434 : memref<1x12288xf32, #tpu.memory_space<hbm>> -> memref<12288xf32, #tpu.memory_space<hbm>>
    %dma_wait3A_436 = arith.constant 0 : i32
    %dma_wait3A_437 = tpu.memref_slice %arg4[%dma_wait3A_430, %dma_wait3A_436] : memref<2x12288xf32, #tpu.memory_space<vmem>> -> memref<1x12288xf32, #tpu.memory_space<vmem>>
    %dma_wait3A_438 = tpu.memref_squeeze %dma_wait3A_437 : memref<1x12288xf32, #tpu.memory_space<vmem>> -> memref<12288xf32, #tpu.memory_space<vmem>>
    %dma_wait3A_439 = tpu.memref_slice %arg2[%dma_wait3A_429, %mul3A_2] : memref<16x1000000xf32, #tpu.memory_space<hbm>> -> memref<1x12288xf32, #tpu.memory_space<hbm>>
    %dma_wait3A_440 = tpu.memref_squeeze %dma_wait3A_439 : memref<1x12288xf32, #tpu.memory_space<hbm>> -> memref<12288xf32, #tpu.memory_space<hbm>>
    tpu.wait_dma2 semaphore(%arg7 : memref<!tpu.dma_semaphore, #tpu.memory_space<semaphore_mem>>) src(%dma_wait3A_440 : memref<12288xf32, #tpu.memory_space<hbm>>) dst(%dma_wait3A_438 : memref<12288xf32, #tpu.memory_space<vmem>>)
    %broadcast_in_dim3A_441 = arith.constant 0.000000e+00 : f32
    %broadcast_in_dim3A_442 = vector.broadcast %broadcast_in_dim3A_441 : f32 to vector<16xf32>
    %scan3A_443 = arith.constant 1 : i32
    %scan3A_444 = arith.constant 0 : i32
    %scan3A_445 = arith.constant 768 : i32
    %scan3A_446 = arith.addi %scan3A_444, %scan3A_445 : i32
    %scan3A_447 = arith.constant 4 : i32
    %scan3A_448 = scf.for %scan3A_590 = %scan3A_444 to %scan3A_446 step %scan3A_447 iter_args(%scan3A_591 = %broadcast_in_dim3A_442) -> (vector<16xf32>)  : i32 {
      %mul3A_592 = arith.constant 16 : i32
      %mul3A_593 = arith.muli %scan3A_590, %mul3A_592 : i32
      %get3A = arith.constant 0 : i32
      %get3A_594 = tpu.memref_slice %arg4[%scan3A_443, %get3A] : memref<2x12288xf32, #tpu.memory_space<vmem>> -> memref<1x12288xf32, #tpu.memory_space<vmem>>
      %get3A_595 = tpu.memref_squeeze %get3A_594 : memref<1x12288xf32, #tpu.memory_space<vmem>> -> memref<12288xf32, #tpu.memory_space<vmem>>
      %get3A_596 = arith.index_cast %mul3A_593 : i32 to index
      %get3A_597 = tpu.vector_load %get3A_595[%get3A_596] {strides = array<i32>} : memref<12288xf32, #tpu.memory_space<vmem>>, vector<16xf32>,
      %get3A_598 = vector.shape_cast %get3A_597 : vector<16xf32> to vector<16xf32>
      %exp3A = math.exp %get3A_598 : vector<16xf32>
      %add3A_599 = arith.addf %scan3A_591, %exp3A : vector<16xf32>
      %scan3A_600 = arith.constant 1 : i32
      %scan3A_601 = arith.addi %scan3A_590, %scan3A_600 : i32
      %mul3A_602 = arith.constant 16 : i32
      %mul3A_603 = arith.muli %scan3A_601, %mul3A_602 : i32
      %get3A_604 = arith.constant 0 : i32
      %get3A_605 = tpu.memref_slice %arg4[%scan3A_443, %get3A_604] : memref<2x12288xf32, #tpu.memory_space<vmem>> -> memref<1x12288xf32, #tpu.memory_space<vmem>>
      %get3A_606 = tpu.memref_squeeze %get3A_605 : memref<1x12288xf32, #tpu.memory_space<vmem>> -> memref<12288xf32, #tpu.memory_space<vmem>>
      %get3A_607 = arith.index_cast %mul3A_603 : i32 to index
      %get3A_608 = tpu.vector_load %get3A_606[%get3A_607] {strides = array<i32>} : memref<12288xf32, #tpu.memory_space<vmem>>, vector<16xf32>,
      %get3A_609 = vector.shape_cast %get3A_608 : vector<16xf32> to vector<16xf32>
      %exp3A_610 = math.exp %get3A_609 : vector<16xf32>
      %add3A_611 = arith.addf %add3A_599, %exp3A_610 : vector<16xf32>
      %scan3A_612 = arith.constant 2 : i32
      %scan3A_613 = arith.addi %scan3A_590, %scan3A_612 : i32
      %mul3A_614 = arith.constant 16 : i32
      %mul3A_615 = arith.muli %scan3A_613, %mul3A_614 : i32
      %get3A_616 = arith.constant 0 : i32
      %get3A_617 = tpu.memref_slice %arg4[%scan3A_443, %get3A_616] : memref<2x12288xf32, #tpu.memory_space<vmem>> -> memref<1x12288xf32, #tpu.memory_space<vmem>>
      %get3A_618 = tpu.memref_squeeze %get3A_617 : memref<1x12288xf32, #tpu.memory_space<vmem>> -> memref<12288xf32, #tpu.memory_space<vmem>>
      %get3A_619 = arith.index_cast %mul3A_615 : i32 to index
      %get3A_620 = tpu.vector_load %get3A_618[%get3A_619] {strides = array<i32>} : memref<12288xf32, #tpu.memory_space<vmem>>, vector<16xf32>,
      %get3A_621 = vector.shape_cast %get3A_620 : vector<16xf32> to vector<16xf32>
      %exp3A_622 = math.exp %get3A_621 : vector<16xf32>
      %add3A_623 = arith.addf %add3A_611, %exp3A_622 : vector<16xf32>
      %scan3A_624 = arith.constant 3 : i32
      %scan3A_625 = arith.addi %scan3A_590, %scan3A_624 : i32
      %mul3A_626 = arith.constant 16 : i32
      %mul3A_627 = arith.muli %scan3A_625, %mul3A_626 : i32
      %get3A_628 = arith.constant 0 : i32
      %get3A_629 = tpu.memref_slice %arg4[%scan3A_443, %get3A_628] : memref<2x12288xf32, #tpu.memory_space<vmem>> -> memref<1x12288xf32, #tpu.memory_space<vmem>>
      %get3A_630 = tpu.memref_squeeze %get3A_629 : memref<1x12288xf32, #tpu.memory_space<vmem>> -> memref<12288xf32, #tpu.memory_space<vmem>>
      %get3A_631 = arith.index_cast %mul3A_627 : i32 to index
      %get3A_632 = tpu.vector_load %get3A_630[%get3A_631] {strides = array<i32>} : memref<12288xf32, #tpu.memory_space<vmem>>, vector<16xf32>,
      %get3A_633 = vector.shape_cast %get3A_632 : vector<16xf32> to vector<16xf32>
      %exp3A_634 = math.exp %get3A_633 : vector<16xf32>
      %add3A_635 = arith.addf %add3A_623, %exp3A_634 : vector<16xf32>
      scf.yield %add3A_635 : vector<16xf32>
    }
    %scan3A_449 = arith.constant 768 : i32
    %swap3A_450 = arith.constant 176 : index
    %swap3A_451 = tpu.vector_load %arg5[%swap3A_450] {strides = array<i32>} : memref<256xf32, #tpu.memory_space<vmem>>, vector<16xf32>,
    %swap3A_452 = vector.shape_cast %swap3A_451 : vector<16xf32> to vector<16xf32>
    %swap3A_453 = vector.shape_cast %scan3A_448 : vector<16xf32> to vector<16xf32>
    tpu.vector_store %arg5[%swap3A_450], %swap3A_453 {strides = array<i32>} : memref<256xf32, #tpu.memory_space<vmem>>, vector<16xf32>,
    %dma_start3A_454 = arith.constant 13 : i32
    %dma_start3A_455 = arith.constant 1 : i32
    %dma_start3A_456 = arith.constant 0 : i32
    %dma_start3A_457 = tpu.memref_slice %arg4[%dma_start3A_455, %dma_start3A_456] : memref<2x12288xf32, #tpu.memory_space<vmem>> -> memref<1x12288xf32, #tpu.memory_space<vmem>>
    %dma_start3A_458 = tpu.memref_squeeze %dma_start3A_457 : memref<1x12288xf32, #tpu.memory_space<vmem>> -> memref<12288xf32, #tpu.memory_space<vmem>>
    %dma_start3A_459 = tpu.memref_slice %arg2[%dma_start3A_454, %mul3A_2] : memref<16x1000000xf32, #tpu.memory_space<hbm>> -> memref<1x12288xf32, #tpu.memory_space<hbm>>
    %dma_start3A_460 = tpu.memref_squeeze %dma_start3A_459 : memref<1x12288xf32, #tpu.memory_space<hbm>> -> memref<12288xf32, #tpu.memory_space<hbm>>
    %dma_start3A_461 = arith.constant 0 : i32
    %dma_start3A_462 = tpu.memref_slice %arg4[%dma_start3A_455, %dma_start3A_461] : memref<2x12288xf32, #tpu.memory_space<vmem>> -> memref<1x12288xf32, #tpu.memory_space<vmem>>
    %dma_start3A_463 = tpu.memref_squeeze %dma_start3A_462 : memref<1x12288xf32, #tpu.memory_space<vmem>> -> memref<12288xf32, #tpu.memory_space<vmem>>
    %dma_start3A_464 = tpu.memref_slice %arg2[%dma_start3A_454, %mul3A_2] : memref<16x1000000xf32, #tpu.memory_space<hbm>> -> memref<1x12288xf32, #tpu.memory_space<hbm>>
    %dma_start3A_465 = tpu.memref_squeeze %dma_start3A_464 : memref<1x12288xf32, #tpu.memory_space<hbm>> -> memref<12288xf32, #tpu.memory_space<hbm>>
    tpu.enqueue_dma source(%dma_start3A_465 : memref<12288xf32, #tpu.memory_space<hbm>>) target(%dma_start3A_463 : memref<12288xf32, #tpu.memory_space<vmem>>) target_semaphore(%arg7 : memref<!tpu.dma_semaphore, #tpu.memory_space<semaphore_mem>>)
    %dma_wait3A_466 = arith.constant 12 : i32
    %dma_wait3A_467 = arith.constant 0 : i32
    %dma_wait3A_468 = arith.constant 0 : i32
    %dma_wait3A_469 = tpu.memref_slice %arg4[%dma_wait3A_467, %dma_wait3A_468] : memref<2x12288xf32, #tpu.memory_space<vmem>> -> memref<1x12288xf32, #tpu.memory_space<vmem>>
    %dma_wait3A_470 = tpu.memref_squeeze %dma_wait3A_469 : memref<1x12288xf32, #tpu.memory_space<vmem>> -> memref<12288xf32, #tpu.memory_space<vmem>>
    %dma_wait3A_471 = tpu.memref_slice %arg2[%dma_wait3A_466, %mul3A_2] : memref<16x1000000xf32, #tpu.memory_space<hbm>> -> memref<1x12288xf32, #tpu.memory_space<hbm>>
    %dma_wait3A_472 = tpu.memref_squeeze %dma_wait3A_471 : memref<1x12288xf32, #tpu.memory_space<hbm>> -> memref<12288xf32, #tpu.memory_space<hbm>>
    %dma_wait3A_473 = arith.constant 0 : i32
    %dma_wait3A_474 = tpu.memref_slice %arg4[%dma_wait3A_467, %dma_wait3A_473] : memref<2x12288xf32, #tpu.memory_space<vmem>> -> memref<1x12288xf32, #tpu.memory_space<vmem>>
    %dma_wait3A_475 = tpu.memref_squeeze %dma_wait3A_474 : memref<1x12288xf32, #tpu.memory_space<vmem>> -> memref<12288xf32, #tpu.memory_space<vmem>>
    %dma_wait3A_476 = tpu.memref_slice %arg2[%dma_wait3A_466, %mul3A_2] : memref<16x1000000xf32, #tpu.memory_space<hbm>> -> memref<1x12288xf32, #tpu.memory_space<hbm>>
    %dma_wait3A_477 = tpu.memref_squeeze %dma_wait3A_476 : memref<1x12288xf32, #tpu.memory_space<hbm>> -> memref<12288xf32, #tpu.memory_space<hbm>>
    tpu.wait_dma2 semaphore(%arg6 : memref<!tpu.dma_semaphore, #tpu.memory_space<semaphore_mem>>) src(%dma_wait3A_477 : memref<12288xf32, #tpu.memory_space<hbm>>) dst(%dma_wait3A_475 : memref<12288xf32, #tpu.memory_space<vmem>>)
    %broadcast_in_dim3A_478 = arith.constant 0.000000e+00 : f32
    %broadcast_in_dim3A_479 = vector.broadcast %broadcast_in_dim3A_478 : f32 to vector<16xf32>
    %scan3A_480 = arith.constant 0 : i32
    %scan3A_481 = arith.constant 0 : i32
    %scan3A_482 = arith.constant 768 : i32
    %scan3A_483 = arith.addi %scan3A_481, %scan3A_482 : i32
    %scan3A_484 = arith.constant 4 : i32
    %scan3A_485 = scf.for %scan3A_590 = %scan3A_481 to %scan3A_483 step %scan3A_484 iter_args(%scan3A_591 = %broadcast_in_dim3A_479) -> (vector<16xf32>)  : i32 {
      %mul3A_592 = arith.constant 16 : i32
      %mul3A_593 = arith.muli %scan3A_590, %mul3A_592 : i32
      %get3A = arith.constant 0 : i32
      %get3A_594 = tpu.memref_slice %arg4[%scan3A_480, %get3A] : memref<2x12288xf32, #tpu.memory_space<vmem>> -> memref<1x12288xf32, #tpu.memory_space<vmem>>
      %get3A_595 = tpu.memref_squeeze %get3A_594 : memref<1x12288xf32, #tpu.memory_space<vmem>> -> memref<12288xf32, #tpu.memory_space<vmem>>
      %get3A_596 = arith.index_cast %mul3A_593 : i32 to index
      %get3A_597 = tpu.vector_load %get3A_595[%get3A_596] {strides = array<i32>} : memref<12288xf32, #tpu.memory_space<vmem>>, vector<16xf32>,
      %get3A_598 = vector.shape_cast %get3A_597 : vector<16xf32> to vector<16xf32>
      %exp3A = math.exp %get3A_598 : vector<16xf32>
      %add3A_599 = arith.addf %scan3A_591, %exp3A : vector<16xf32>
      %scan3A_600 = arith.constant 1 : i32
      %scan3A_601 = arith.addi %scan3A_590, %scan3A_600 : i32
      %mul3A_602 = arith.constant 16 : i32
      %mul3A_603 = arith.muli %scan3A_601, %mul3A_602 : i32
      %get3A_604 = arith.constant 0 : i32
      %get3A_605 = tpu.memref_slice %arg4[%scan3A_480, %get3A_604] : memref<2x12288xf32, #tpu.memory_space<vmem>> -> memref<1x12288xf32, #tpu.memory_space<vmem>>
      %get3A_606 = tpu.memref_squeeze %get3A_605 : memref<1x12288xf32, #tpu.memory_space<vmem>> -> memref<12288xf32, #tpu.memory_space<vmem>>
      %get3A_607 = arith.index_cast %mul3A_603 : i32 to index
      %get3A_608 = tpu.vector_load %get3A_606[%get3A_607] {strides = array<i32>} : memref<12288xf32, #tpu.memory_space<vmem>>, vector<16xf32>,
      %get3A_609 = vector.shape_cast %get3A_608 : vector<16xf32> to vector<16xf32>
      %exp3A_610 = math.exp %get3A_609 : vector<16xf32>
      %add3A_611 = arith.addf %add3A_599, %exp3A_610 : vector<16xf32>
      %scan3A_612 = arith.constant 2 : i32
      %scan3A_613 = arith.addi %scan3A_590, %scan3A_612 : i32
      %mul3A_614 = arith.constant 16 : i32
      %mul3A_615 = arith.muli %scan3A_613, %mul3A_614 : i32
      %get3A_616 = arith.constant 0 : i32
      %get3A_617 = tpu.memref_slice %arg4[%scan3A_480, %get3A_616] : memref<2x12288xf32, #tpu.memory_space<vmem>> -> memref<1x12288xf32, #tpu.memory_space<vmem>>
      %get3A_618 = tpu.memref_squeeze %get3A_617 : memref<1x12288xf32, #tpu.memory_space<vmem>> -> memref<12288xf32, #tpu.memory_space<vmem>>
      %get3A_619 = arith.index_cast %mul3A_615 : i32 to index
      %get3A_620 = tpu.vector_load %get3A_618[%get3A_619] {strides = array<i32>} : memref<12288xf32, #tpu.memory_space<vmem>>, vector<16xf32>,
      %get3A_621 = vector.shape_cast %get3A_620 : vector<16xf32> to vector<16xf32>
      %exp3A_622 = math.exp %get3A_621 : vector<16xf32>
      %add3A_623 = arith.addf %add3A_611, %exp3A_622 : vector<16xf32>
      %scan3A_624 = arith.constant 3 : i32
      %scan3A_625 = arith.addi %scan3A_590, %scan3A_624 : i32
      %mul3A_626 = arith.constant 16 : i32
      %mul3A_627 = arith.muli %scan3A_625, %mul3A_626 : i32
      %get3A_628 = arith.constant 0 : i32
      %get3A_629 = tpu.memref_slice %arg4[%scan3A_480, %get3A_628] : memref<2x12288xf32, #tpu.memory_space<vmem>> -> memref<1x12288xf32, #tpu.memory_space<vmem>>
      %get3A_630 = tpu.memref_squeeze %get3A_629 : memref<1x12288xf32, #tpu.memory_space<vmem>> -> memref<12288xf32, #tpu.memory_space<vmem>>
      %get3A_631 = arith.index_cast %mul3A_627 : i32 to index
      %get3A_632 = tpu.vector_load %get3A_630[%get3A_631] {strides = array<i32>} : memref<12288xf32, #tpu.memory_space<vmem>>, vector<16xf32>,
      %get3A_633 = vector.shape_cast %get3A_632 : vector<16xf32> to vector<16xf32>
      %exp3A_634 = math.exp %get3A_633 : vector<16xf32>
      %add3A_635 = arith.addf %add3A_623, %exp3A_634 : vector<16xf32>
      scf.yield %add3A_635 : vector<16xf32>
    }
    %scan3A_486 = arith.constant 768 : i32
    %swap3A_487 = arith.constant 192 : index
    %swap3A_488 = tpu.vector_load %arg5[%swap3A_487] {strides = array<i32>} : memref<256xf32, #tpu.memory_space<vmem>>, vector<16xf32>,
    %swap3A_489 = vector.shape_cast %swap3A_488 : vector<16xf32> to vector<16xf32>
    %swap3A_490 = vector.shape_cast %scan3A_485 : vector<16xf32> to vector<16xf32>
    tpu.vector_store %arg5[%swap3A_487], %swap3A_490 {strides = array<i32>} : memref<256xf32, #tpu.memory_space<vmem>>, vector<16xf32>,
    %dma_start3A_491 = arith.constant 14 : i32
    %dma_start3A_492 = arith.constant 0 : i32
    %dma_start3A_493 = arith.constant 0 : i32
    %dma_start3A_494 = tpu.memref_slice %arg4[%dma_start3A_492, %dma_start3A_493] : memref<2x12288xf32, #tpu.memory_space<vmem>> -> memref<1x12288xf32, #tpu.memory_space<vmem>>
    %dma_start3A_495 = tpu.memref_squeeze %dma_start3A_494 : memref<1x12288xf32, #tpu.memory_space<vmem>> -> memref<12288xf32, #tpu.memory_space<vmem>>
    %dma_start3A_496 = tpu.memref_slice %arg2[%dma_start3A_491, %mul3A_2] : memref<16x1000000xf32, #tpu.memory_space<hbm>> -> memref<1x12288xf32, #tpu.memory_space<hbm>>
    %dma_start3A_497 = tpu.memref_squeeze %dma_start3A_496 : memref<1x12288xf32, #tpu.memory_space<hbm>> -> memref<12288xf32, #tpu.memory_space<hbm>>
    %dma_start3A_498 = arith.constant 0 : i32
    %dma_start3A_499 = tpu.memref_slice %arg4[%dma_start3A_492, %dma_start3A_498] : memref<2x12288xf32, #tpu.memory_space<vmem>> -> memref<1x12288xf32, #tpu.memory_space<vmem>>
    %dma_start3A_500 = tpu.memref_squeeze %dma_start3A_499 : memref<1x12288xf32, #tpu.memory_space<vmem>> -> memref<12288xf32, #tpu.memory_space<vmem>>
    %dma_start3A_501 = tpu.memref_slice %arg2[%dma_start3A_491, %mul3A_2] : memref<16x1000000xf32, #tpu.memory_space<hbm>> -> memref<1x12288xf32, #tpu.memory_space<hbm>>
    %dma_start3A_502 = tpu.memref_squeeze %dma_start3A_501 : memref<1x12288xf32, #tpu.memory_space<hbm>> -> memref<12288xf32, #tpu.memory_space<hbm>>
    tpu.enqueue_dma source(%dma_start3A_502 : memref<12288xf32, #tpu.memory_space<hbm>>) target(%dma_start3A_500 : memref<12288xf32, #tpu.memory_space<vmem>>) target_semaphore(%arg6 : memref<!tpu.dma_semaphore, #tpu.memory_space<semaphore_mem>>)
    %dma_wait3A_503 = arith.constant 13 : i32
    %dma_wait3A_504 = arith.constant 1 : i32
    %dma_wait3A_505 = arith.constant 0 : i32
    %dma_wait3A_506 = tpu.memref_slice %arg4[%dma_wait3A_504, %dma_wait3A_505] : memref<2x12288xf32, #tpu.memory_space<vmem>> -> memref<1x12288xf32, #tpu.memory_space<vmem>>
    %dma_wait3A_507 = tpu.memref_squeeze %dma_wait3A_506 : memref<1x12288xf32, #tpu.memory_space<vmem>> -> memref<12288xf32, #tpu.memory_space<vmem>>
    %dma_wait3A_508 = tpu.memref_slice %arg2[%dma_wait3A_503, %mul3A_2] : memref<16x1000000xf32, #tpu.memory_space<hbm>> -> memref<1x12288xf32, #tpu.memory_space<hbm>>
    %dma_wait3A_509 = tpu.memref_squeeze %dma_wait3A_508 : memref<1x12288xf32, #tpu.memory_space<hbm>> -> memref<12288xf32, #tpu.memory_space<hbm>>
    %dma_wait3A_510 = arith.constant 0 : i32
    %dma_wait3A_511 = tpu.memref_slice %arg4[%dma_wait3A_504, %dma_wait3A_510] : memref<2x12288xf32, #tpu.memory_space<vmem>> -> memref<1x12288xf32, #tpu.memory_space<vmem>>
    %dma_wait3A_512 = tpu.memref_squeeze %dma_wait3A_511 : memref<1x12288xf32, #tpu.memory_space<vmem>> -> memref<12288xf32, #tpu.memory_space<vmem>>
    %dma_wait3A_513 = tpu.memref_slice %arg2[%dma_wait3A_503, %mul3A_2] : memref<16x1000000xf32, #tpu.memory_space<hbm>> -> memref<1x12288xf32, #tpu.memory_space<hbm>>
    %dma_wait3A_514 = tpu.memref_squeeze %dma_wait3A_513 : memref<1x12288xf32, #tpu.memory_space<hbm>> -> memref<12288xf32, #tpu.memory_space<hbm>>
    tpu.wait_dma2 semaphore(%arg7 : memref<!tpu.dma_semaphore, #tpu.memory_space<semaphore_mem>>) src(%dma_wait3A_514 : memref<12288xf32, #tpu.memory_space<hbm>>) dst(%dma_wait3A_512 : memref<12288xf32, #tpu.memory_space<vmem>>)
    %broadcast_in_dim3A_515 = arith.constant 0.000000e+00 : f32
    %broadcast_in_dim3A_516 = vector.broadcast %broadcast_in_dim3A_515 : f32 to vector<16xf32>
    %scan3A_517 = arith.constant 1 : i32
    %scan3A_518 = arith.constant 0 : i32
    %scan3A_519 = arith.constant 768 : i32
    %scan3A_520 = arith.addi %scan3A_518, %scan3A_519 : i32
    %scan3A_521 = arith.constant 4 : i32
    %scan3A_522 = scf.for %scan3A_590 = %scan3A_518 to %scan3A_520 step %scan3A_521 iter_args(%scan3A_591 = %broadcast_in_dim3A_516) -> (vector<16xf32>)  : i32 {
      %mul3A_592 = arith.constant 16 : i32
      %mul3A_593 = arith.muli %scan3A_590, %mul3A_592 : i32
      %get3A = arith.constant 0 : i32
      %get3A_594 = tpu.memref_slice %arg4[%scan3A_517, %get3A] : memref<2x12288xf32, #tpu.memory_space<vmem>> -> memref<1x12288xf32, #tpu.memory_space<vmem>>
      %get3A_595 = tpu.memref_squeeze %get3A_594 : memref<1x12288xf32, #tpu.memory_space<vmem>> -> memref<12288xf32, #tpu.memory_space<vmem>>
      %get3A_596 = arith.index_cast %mul3A_593 : i32 to index
      %get3A_597 = tpu.vector_load %get3A_595[%get3A_596] {strides = array<i32>} : memref<12288xf32, #tpu.memory_space<vmem>>, vector<16xf32>,
      %get3A_598 = vector.shape_cast %get3A_597 : vector<16xf32> to vector<16xf32>
      %exp3A = math.exp %get3A_598 : vector<16xf32>
      %add3A_599 = arith.addf %scan3A_591, %exp3A : vector<16xf32>
      %scan3A_600 = arith.constant 1 : i32
      %scan3A_601 = arith.addi %scan3A_590, %scan3A_600 : i32
      %mul3A_602 = arith.constant 16 : i32
      %mul3A_603 = arith.muli %scan3A_601, %mul3A_602 : i32
      %get3A_604 = arith.constant 0 : i32
      %get3A_605 = tpu.memref_slice %arg4[%scan3A_517, %get3A_604] : memref<2x12288xf32, #tpu.memory_space<vmem>> -> memref<1x12288xf32, #tpu.memory_space<vmem>>
      %get3A_606 = tpu.memref_squeeze %get3A_605 : memref<1x12288xf32, #tpu.memory_space<vmem>> -> memref<12288xf32, #tpu.memory_space<vmem>>
      %get3A_607 = arith.index_cast %mul3A_603 : i32 to index
      %get3A_608 = tpu.vector_load %get3A_606[%get3A_607] {strides = array<i32>} : memref<12288xf32, #tpu.memory_space<vmem>>, vector<16xf32>,
      %get3A_609 = vector.shape_cast %get3A_608 : vector<16xf32> to vector<16xf32>
      %exp3A_610 = math.exp %get3A_609 : vector<16xf32>
      %add3A_611 = arith.addf %add3A_599, %exp3A_610 : vector<16xf32>
      %scan3A_612 = arith.constant 2 : i32
      %scan3A_613 = arith.addi %scan3A_590, %scan3A_612 : i32
      %mul3A_614 = arith.constant 16 : i32
      %mul3A_615 = arith.muli %scan3A_613, %mul3A_614 : i32
      %get3A_616 = arith.constant 0 : i32
      %get3A_617 = tpu.memref_slice %arg4[%scan3A_517, %get3A_616] : memref<2x12288xf32, #tpu.memory_space<vmem>> -> memref<1x12288xf32, #tpu.memory_space<vmem>>
      %get3A_618 = tpu.memref_squeeze %get3A_617 : memref<1x12288xf32, #tpu.memory_space<vmem>> -> memref<12288xf32, #tpu.memory_space<vmem>>
      %get3A_619 = arith.index_cast %mul3A_615 : i32 to index
      %get3A_620 = tpu.vector_load %get3A_618[%get3A_619] {strides = array<i32>} : memref<12288xf32, #tpu.memory_space<vmem>>, vector<16xf32>,
      %get3A_621 = vector.shape_cast %get3A_620 : vector<16xf32> to vector<16xf32>
      %exp3A_622 = math.exp %get3A_621 : vector<16xf32>
      %add3A_623 = arith.addf %add3A_611, %exp3A_622 : vector<16xf32>
      %scan3A_624 = arith.constant 3 : i32
      %scan3A_625 = arith.addi %scan3A_590, %scan3A_624 : i32
      %mul3A_626 = arith.constant 16 : i32
      %mul3A_627 = arith.muli %scan3A_625, %mul3A_626 : i32
      %get3A_628 = arith.constant 0 : i32
      %get3A_629 = tpu.memref_slice %arg4[%scan3A_517, %get3A_628] : memref<2x12288xf32, #tpu.memory_space<vmem>> -> memref<1x12288xf32, #tpu.memory_space<vmem>>
      %get3A_630 = tpu.memref_squeeze %get3A_629 : memref<1x12288xf32, #tpu.memory_space<vmem>> -> memref<12288xf32, #tpu.memory_space<vmem>>
      %get3A_631 = arith.index_cast %mul3A_627 : i32 to index
      %get3A_632 = tpu.vector_load %get3A_630[%get3A_631] {strides = array<i32>} : memref<12288xf32, #tpu.memory_space<vmem>>, vector<16xf32>,
      %get3A_633 = vector.shape_cast %get3A_632 : vector<16xf32> to vector<16xf32>
      %exp3A_634 = math.exp %get3A_633 : vector<16xf32>
      %add3A_635 = arith.addf %add3A_623, %exp3A_634 : vector<16xf32>
      scf.yield %add3A_635 : vector<16xf32>
    }
    %scan3A_523 = arith.constant 768 : i32
    %swap3A_524 = arith.constant 208 : index
    %swap3A_525 = tpu.vector_load %arg5[%swap3A_524] {strides = array<i32>} : memref<256xf32, #tpu.memory_space<vmem>>, vector<16xf32>,
    %swap3A_526 = vector.shape_cast %swap3A_525 : vector<16xf32> to vector<16xf32>
    %swap3A_527 = vector.shape_cast %scan3A_522 : vector<16xf32> to vector<16xf32>
    tpu.vector_store %arg5[%swap3A_524], %swap3A_527 {strides = array<i32>} : memref<256xf32, #tpu.memory_space<vmem>>, vector<16xf32>,
    %dma_start3A_528 = arith.constant 15 : i32
    %dma_start3A_529 = arith.constant 1 : i32
    %dma_start3A_530 = arith.constant 0 : i32
    %dma_start3A_531 = tpu.memref_slice %arg4[%dma_start3A_529, %dma_start3A_530] : memref<2x12288xf32, #tpu.memory_space<vmem>> -> memref<1x12288xf32, #tpu.memory_space<vmem>>
    %dma_start3A_532 = tpu.memref_squeeze %dma_start3A_531 : memref<1x12288xf32, #tpu.memory_space<vmem>> -> memref<12288xf32, #tpu.memory_space<vmem>>
    %dma_start3A_533 = tpu.memref_slice %arg2[%dma_start3A_528, %mul3A_2] : memref<16x1000000xf32, #tpu.memory_space<hbm>> -> memref<1x12288xf32, #tpu.memory_space<hbm>>
    %dma_start3A_534 = tpu.memref_squeeze %dma_start3A_533 : memref<1x12288xf32, #tpu.memory_space<hbm>> -> memref<12288xf32, #tpu.memory_space<hbm>>
    %dma_start3A_535 = arith.constant 0 : i32
    %dma_start3A_536 = tpu.memref_slice %arg4[%dma_start3A_529, %dma_start3A_535] : memref<2x12288xf32, #tpu.memory_space<vmem>> -> memref<1x12288xf32, #tpu.memory_space<vmem>>
    %dma_start3A_537 = tpu.memref_squeeze %dma_start3A_536 : memref<1x12288xf32, #tpu.memory_space<vmem>> -> memref<12288xf32, #tpu.memory_space<vmem>>
    %dma_start3A_538 = tpu.memref_slice %arg2[%dma_start3A_528, %mul3A_2] : memref<16x1000000xf32, #tpu.memory_space<hbm>> -> memref<1x12288xf32, #tpu.memory_space<hbm>>
    %dma_start3A_539 = tpu.memref_squeeze %dma_start3A_538 : memref<1x12288xf32, #tpu.memory_space<hbm>> -> memref<12288xf32, #tpu.memory_space<hbm>>
    tpu.enqueue_dma source(%dma_start3A_539 : memref<12288xf32, #tpu.memory_space<hbm>>) target(%dma_start3A_537 : memref<12288xf32, #tpu.memory_space<vmem>>) target_semaphore(%arg7 : memref<!tpu.dma_semaphore, #tpu.memory_space<semaphore_mem>>)
    %dma_wait3A_540 = arith.constant 14 : i32
    %dma_wait3A_541 = arith.constant 0 : i32
    %dma_wait3A_542 = arith.constant 0 : i32
    %dma_wait3A_543 = tpu.memref_slice %arg4[%dma_wait3A_541, %dma_wait3A_542] : memref<2x12288xf32, #tpu.memory_space<vmem>> -> memref<1x12288xf32, #tpu.memory_space<vmem>>
    %dma_wait3A_544 = tpu.memref_squeeze %dma_wait3A_543 : memref<1x12288xf32, #tpu.memory_space<vmem>> -> memref<12288xf32, #tpu.memory_space<vmem>>
    %dma_wait3A_545 = tpu.memref_slice %arg2[%dma_wait3A_540, %mul3A_2] : memref<16x1000000xf32, #tpu.memory_space<hbm>> -> memref<1x12288xf32, #tpu.memory_space<hbm>>
    %dma_wait3A_546 = tpu.memref_squeeze %dma_wait3A_545 : memref<1x12288xf32, #tpu.memory_space<hbm>> -> memref<12288xf32, #tpu.memory_space<hbm>>
    %dma_wait3A_547 = arith.constant 0 : i32
    %dma_wait3A_548 = tpu.memref_slice %arg4[%dma_wait3A_541, %dma_wait3A_547] : memref<2x12288xf32, #tpu.memory_space<vmem>> -> memref<1x12288xf32, #tpu.memory_space<vmem>>
    %dma_wait3A_549 = tpu.memref_squeeze %dma_wait3A_548 : memref<1x12288xf32, #tpu.memory_space<vmem>> -> memref<12288xf32, #tpu.memory_space<vmem>>
    %dma_wait3A_550 = tpu.memref_slice %arg2[%dma_wait3A_540, %mul3A_2] : memref<16x1000000xf32, #tpu.memory_space<hbm>> -> memref<1x12288xf32, #tpu.memory_space<hbm>>
    %dma_wait3A_551 = tpu.memref_squeeze %dma_wait3A_550 : memref<1x12288xf32, #tpu.memory_space<hbm>> -> memref<12288xf32, #tpu.memory_space<hbm>>
    tpu.wait_dma2 semaphore(%arg6 : memref<!tpu.dma_semaphore, #tpu.memory_space<semaphore_mem>>) src(%dma_wait3A_551 : memref<12288xf32, #tpu.memory_space<hbm>>) dst(%dma_wait3A_549 : memref<12288xf32, #tpu.memory_space<vmem>>)
    %broadcast_in_dim3A_552 = arith.constant 0.000000e+00 : f32
    %broadcast_in_dim3A_553 = vector.broadcast %broadcast_in_dim3A_552 : f32 to vector<16xf32>
    %scan3A_554 = arith.constant 0 : i32
    %scan3A_555 = arith.constant 0 : i32
    %scan3A_556 = arith.constant 768 : i32
    %scan3A_557 = arith.addi %scan3A_555, %scan3A_556 : i32
    %scan3A_558 = arith.constant 4 : i32
    %scan3A_559 = scf.for %scan3A_590 = %scan3A_555 to %scan3A_557 step %scan3A_558 iter_args(%scan3A_591 = %broadcast_in_dim3A_553) -> (vector<16xf32>)  : i32 {
      %mul3A_592 = arith.constant 16 : i32
      %mul3A_593 = arith.muli %scan3A_590, %mul3A_592 : i32
      %get3A = arith.constant 0 : i32
      %get3A_594 = tpu.memref_slice %arg4[%scan3A_554, %get3A] : memref<2x12288xf32, #tpu.memory_space<vmem>> -> memref<1x12288xf32, #tpu.memory_space<vmem>>
      %get3A_595 = tpu.memref_squeeze %get3A_594 : memref<1x12288xf32, #tpu.memory_space<vmem>> -> memref<12288xf32, #tpu.memory_space<vmem>>
      %get3A_596 = arith.index_cast %mul3A_593 : i32 to index
      %get3A_597 = tpu.vector_load %get3A_595[%get3A_596] {strides = array<i32>} : memref<12288xf32, #tpu.memory_space<vmem>>, vector<16xf32>,
      %get3A_598 = vector.shape_cast %get3A_597 : vector<16xf32> to vector<16xf32>
      %exp3A = math.exp %get3A_598 : vector<16xf32>
      %add3A_599 = arith.addf %scan3A_591, %exp3A : vector<16xf32>
      %scan3A_600 = arith.constant 1 : i32
      %scan3A_601 = arith.addi %scan3A_590, %scan3A_600 : i32
      %mul3A_602 = arith.constant 16 : i32
      %mul3A_603 = arith.muli %scan3A_601, %mul3A_602 : i32
      %get3A_604 = arith.constant 0 : i32
      %get3A_605 = tpu.memref_slice %arg4[%scan3A_554, %get3A_604] : memref<2x12288xf32, #tpu.memory_space<vmem>> -> memref<1x12288xf32, #tpu.memory_space<vmem>>
      %get3A_606 = tpu.memref_squeeze %get3A_605 : memref<1x12288xf32, #tpu.memory_space<vmem>> -> memref<12288xf32, #tpu.memory_space<vmem>>
      %get3A_607 = arith.index_cast %mul3A_603 : i32 to index
      %get3A_608 = tpu.vector_load %get3A_606[%get3A_607] {strides = array<i32>} : memref<12288xf32, #tpu.memory_space<vmem>>, vector<16xf32>,
      %get3A_609 = vector.shape_cast %get3A_608 : vector<16xf32> to vector<16xf32>
      %exp3A_610 = math.exp %get3A_609 : vector<16xf32>
      %add3A_611 = arith.addf %add3A_599, %exp3A_610 : vector<16xf32>
      %scan3A_612 = arith.constant 2 : i32
      %scan3A_613 = arith.addi %scan3A_590, %scan3A_612 : i32
      %mul3A_614 = arith.constant 16 : i32
      %mul3A_615 = arith.muli %scan3A_613, %mul3A_614 : i32
      %get3A_616 = arith.constant 0 : i32
      %get3A_617 = tpu.memref_slice %arg4[%scan3A_554, %get3A_616] : memref<2x12288xf32, #tpu.memory_space<vmem>> -> memref<1x12288xf32, #tpu.memory_space<vmem>>
      %get3A_618 = tpu.memref_squeeze %get3A_617 : memref<1x12288xf32, #tpu.memory_space<vmem>> -> memref<12288xf32, #tpu.memory_space<vmem>>
      %get3A_619 = arith.index_cast %mul3A_615 : i32 to index
      %get3A_620 = tpu.vector_load %get3A_618[%get3A_619] {strides = array<i32>} : memref<12288xf32, #tpu.memory_space<vmem>>, vector<16xf32>,
      %get3A_621 = vector.shape_cast %get3A_620 : vector<16xf32> to vector<16xf32>
      %exp3A_622 = math.exp %get3A_621 : vector<16xf32>
      %add3A_623 = arith.addf %add3A_611, %exp3A_622 : vector<16xf32>
      %scan3A_624 = arith.constant 3 : i32
      %scan3A_625 = arith.addi %scan3A_590, %scan3A_624 : i32
      %mul3A_626 = arith.constant 16 : i32
      %mul3A_627 = arith.muli %scan3A_625, %mul3A_626 : i32
      %get3A_628 = arith.constant 0 : i32
      %get3A_629 = tpu.memref_slice %arg4[%scan3A_554, %get3A_628] : memref<2x12288xf32, #tpu.memory_space<vmem>> -> memref<1x12288xf32, #tpu.memory_space<vmem>>
      %get3A_630 = tpu.memref_squeeze %get3A_629 : memref<1x12288xf32, #tpu.memory_space<vmem>> -> memref<12288xf32, #tpu.memory_space<vmem>>
      %get3A_631 = arith.index_cast %mul3A_627 : i32 to index
      %get3A_632 = tpu.vector_load %get3A_630[%get3A_631] {strides = array<i32>} : memref<12288xf32, #tpu.memory_space<vmem>>, vector<16xf32>,
      %get3A_633 = vector.shape_cast %get3A_632 : vector<16xf32> to vector<16xf32>
      %exp3A_634 = math.exp %get3A_633 : vector<16xf32>
      %add3A_635 = arith.addf %add3A_623, %exp3A_634 : vector<16xf32>
      scf.yield %add3A_635 : vector<16xf32>
    }
    %scan3A_560 = arith.constant 768 : i32
    %swap3A_561 = arith.constant 224 : index
    %swap3A_562 = tpu.vector_load %arg5[%swap3A_561] {strides = array<i32>} : memref<256xf32, #tpu.memory_space<vmem>>, vector<16xf32>,
    %swap3A_563 = vector.shape_cast %swap3A_562 : vector<16xf32> to vector<16xf32>
    %swap3A_564 = vector.shape_cast %scan3A_559 : vector<16xf32> to vector<16xf32>
    tpu.vector_store %arg5[%swap3A_561], %swap3A_564 {strides = array<i32>} : memref<256xf32, #tpu.memory_space<vmem>>, vector<16xf32>,
    %dma_wait3A_565 = arith.constant 15 : i32
    %dma_wait3A_566 = arith.constant 1 : i32
    %dma_wait3A_567 = arith.constant 0 : i32
    %dma_wait3A_568 = tpu.memref_slice %arg4[%dma_wait3A_566, %dma_wait3A_567] : memref<2x12288xf32, #tpu.memory_space<vmem>> -> memref<1x12288xf32, #tpu.memory_space<vmem>>
    %dma_wait3A_569 = tpu.memref_squeeze %dma_wait3A_568 : memref<1x12288xf32, #tpu.memory_space<vmem>> -> memref<12288xf32, #tpu.memory_space<vmem>>
    %dma_wait3A_570 = tpu.memref_slice %arg2[%dma_wait3A_565, %mul3A_2] : memref<16x1000000xf32, #tpu.memory_space<hbm>> -> memref<1x12288xf32, #tpu.memory_space<hbm>>
    %dma_wait3A_571 = tpu.memref_squeeze %dma_wait3A_570 : memref<1x12288xf32, #tpu.memory_space<hbm>> -> memref<12288xf32, #tpu.memory_space<hbm>>
    %dma_wait3A_572 = arith.constant 0 : i32
    %dma_wait3A_573 = tpu.memref_slice %arg4[%dma_wait3A_566, %dma_wait3A_572] : memref<2x12288xf32, #tpu.memory_space<vmem>> -> memref<1x12288xf32, #tpu.memory_space<vmem>>
    %dma_wait3A_574 = tpu.memref_squeeze %dma_wait3A_573 : memref<1x12288xf32, #tpu.memory_space<vmem>> -> memref<12288xf32, #tpu.memory_space<vmem>>
    %dma_wait3A_575 = tpu.memref_slice %arg2[%dma_wait3A_565, %mul3A_2] : memref<16x1000000xf32, #tpu.memory_space<hbm>> -> memref<1x12288xf32, #tpu.memory_space<hbm>>
    %dma_wait3A_576 = tpu.memref_squeeze %dma_wait3A_575 : memref<1x12288xf32, #tpu.memory_space<hbm>> -> memref<12288xf32, #tpu.memory_space<hbm>>
    tpu.wait_dma2 semaphore(%arg7 : memref<!tpu.dma_semaphore, #tpu.memory_space<semaphore_mem>>) src(%dma_wait3A_576 : memref<12288xf32, #tpu.memory_space<hbm>>) dst(%dma_wait3A_574 : memref<12288xf32, #tpu.memory_space<vmem>>)
    %broadcast_in_dim3A_577 = arith.constant 0.000000e+00 : f32
    %broadcast_in_dim3A_578 = vector.broadcast %broadcast_in_dim3A_577 : f32 to vector<16xf32>
    %scan3A_579 = arith.constant 1 : i32
    %scan3A_580 = arith.constant 0 : i32
    %scan3A_581 = arith.constant 768 : i32
    %scan3A_582 = arith.addi %scan3A_580, %scan3A_581 : i32
    %scan3A_583 = arith.constant 4 : i32
    %scan3A_584 = scf.for %scan3A_590 = %scan3A_580 to %scan3A_582 step %scan3A_583 iter_args(%scan3A_591 = %broadcast_in_dim3A_578) -> (vector<16xf32>)  : i32 {
      %mul3A_592 = arith.constant 16 : i32
      %mul3A_593 = arith.muli %scan3A_590, %mul3A_592 : i32
      %get3A = arith.constant 0 : i32
      %get3A_594 = tpu.memref_slice %arg4[%scan3A_579, %get3A] : memref<2x12288xf32, #tpu.memory_space<vmem>> -> memref<1x12288xf32, #tpu.memory_space<vmem>>
      %get3A_595 = tpu.memref_squeeze %get3A_594 : memref<1x12288xf32, #tpu.memory_space<vmem>> -> memref<12288xf32, #tpu.memory_space<vmem>>
      %get3A_596 = arith.index_cast %mul3A_593 : i32 to index
      %get3A_597 = tpu.vector_load %get3A_595[%get3A_596] {strides = array<i32>} : memref<12288xf32, #tpu.memory_space<vmem>>, vector<16xf32>,
      %get3A_598 = vector.shape_cast %get3A_597 : vector<16xf32> to vector<16xf32>
      %exp3A = math.exp %get3A_598 : vector<16xf32>
      %add3A_599 = arith.addf %scan3A_591, %exp3A : vector<16xf32>
      %scan3A_600 = arith.constant 1 : i32
      %scan3A_601 = arith.addi %scan3A_590, %scan3A_600 : i32
      %mul3A_602 = arith.constant 16 : i32
      %mul3A_603 = arith.muli %scan3A_601, %mul3A_602 : i32
      %get3A_604 = arith.constant 0 : i32
      %get3A_605 = tpu.memref_slice %arg4[%scan3A_579, %get3A_604] : memref<2x12288xf32, #tpu.memory_space<vmem>> -> memref<1x12288xf32, #tpu.memory_space<vmem>>
      %get3A_606 = tpu.memref_squeeze %get3A_605 : memref<1x12288xf32, #tpu.memory_space<vmem>> -> memref<12288xf32, #tpu.memory_space<vmem>>
      %get3A_607 = arith.index_cast %mul3A_603 : i32 to index
      %get3A_608 = tpu.vector_load %get3A_606[%get3A_607] {strides = array<i32>} : memref<12288xf32, #tpu.memory_space<vmem>>, vector<16xf32>,
      %get3A_609 = vector.shape_cast %get3A_608 : vector<16xf32> to vector<16xf32>
      %exp3A_610 = math.exp %get3A_609 : vector<16xf32>
      %add3A_611 = arith.addf %add3A_599, %exp3A_610 : vector<16xf32>
      %scan3A_612 = arith.constant 2 : i32
      %scan3A_613 = arith.addi %scan3A_590, %scan3A_612 : i32
      %mul3A_614 = arith.constant 16 : i32
      %mul3A_615 = arith.muli %scan3A_613, %mul3A_614 : i32
      %get3A_616 = arith.constant 0 : i32
      %get3A_617 = tpu.memref_slice %arg4[%scan3A_579, %get3A_616] : memref<2x12288xf32, #tpu.memory_space<vmem>> -> memref<1x12288xf32, #tpu.memory_space<vmem>>
      %get3A_618 = tpu.memref_squeeze %get3A_617 : memref<1x12288xf32, #tpu.memory_space<vmem>> -> memref<12288xf32, #tpu.memory_space<vmem>>
      %get3A_619 = arith.index_cast %mul3A_615 : i32 to index
      %get3A_620 = tpu.vector_load %get3A_618[%get3A_619] {strides = array<i32>} : memref<12288xf32, #tpu.memory_space<vmem>>, vector<16xf32>,
      %get3A_621 = vector.shape_cast %get3A_620 : vector<16xf32> to vector<16xf32>
      %exp3A_622 = math.exp %get3A_621 : vector<16xf32>
      %add3A_623 = arith.addf %add3A_611, %exp3A_622 : vector<16xf32>
      %scan3A_624 = arith.constant 3 : i32
      %scan3A_625 = arith.addi %scan3A_590, %scan3A_624 : i32
      %mul3A_626 = arith.constant 16 : i32
      %mul3A_627 = arith.muli %scan3A_625, %mul3A_626 : i32
      %get3A_628 = arith.constant 0 : i32
      %get3A_629 = tpu.memref_slice %arg4[%scan3A_579, %get3A_628] : memref<2x12288xf32, #tpu.memory_space<vmem>> -> memref<1x12288xf32, #tpu.memory_space<vmem>>
      %get3A_630 = tpu.memref_squeeze %get3A_629 : memref<1x12288xf32, #tpu.memory_space<vmem>> -> memref<12288xf32, #tpu.memory_space<vmem>>
      %get3A_631 = arith.index_cast %mul3A_627 : i32 to index
      %get3A_632 = tpu.vector_load %get3A_630[%get3A_631] {strides = array<i32>} : memref<12288xf32, #tpu.memory_space<vmem>>, vector<16xf32>,
      %get3A_633 = vector.shape_cast %get3A_632 : vector<16xf32> to vector<16xf32>
      %exp3A_634 = math.exp %get3A_633 : vector<16xf32>
      %add3A_635 = arith.addf %add3A_623, %exp3A_634 : vector<16xf32>
      scf.yield %add3A_635 : vector<16xf32>
    }
    %scan3A_585 = arith.constant 768 : i32
    %swap3A_586 = arith.constant 240 : index
    %swap3A_587 = tpu.vector_load %arg5[%swap3A_586] {strides = array<i32>} : memref<256xf32, #tpu.memory_space<vmem>>, vector<16xf32>,
    %swap3A_588 = vector.shape_cast %swap3A_587 : vector<16xf32> to vector<16xf32>
    %swap3A_589 = vector.shape_cast %scan3A_584 : vector<16xf32> to vector<16xf32>
    tpu.vector_store %arg5[%swap3A_586], %swap3A_589 {strides = array<i32>} : memref<256xf32, #tpu.memory_space<vmem>>, vector<16xf32>,
    "tpu.region"() ({
      %run_scoped3A = tpu.sem_alloc : memref<!tpu.dma_semaphore, #tpu.memory_space<semaphore_mem>>
      %dma_start3A_590 = arith.constant 0 : i32
      %dma_start3A_591 = tpu.memref_slice %arg3[%add3A, %dma_start3A_590] : memref<32x256xf32, #tpu.memory_space<hbm>> -> memref<1x256xf32, #tpu.memory_space<hbm>>
      %dma_start3A_592 = tpu.memref_squeeze %dma_start3A_591 : memref<1x256xf32, #tpu.memory_space<hbm>> -> memref<256xf32, #tpu.memory_space<hbm>>
      %dma_start3A_593 = arith.constant 0 : i32
      %dma_start3A_594 = tpu.memref_slice %arg3[%add3A, %dma_start3A_593] : memref<32x256xf32, #tpu.memory_space<hbm>> -> memref<1x256xf32, #tpu.memory_space<hbm>>
      %dma_start3A_595 = tpu.memref_squeeze %dma_start3A_594 : memref<1x256xf32, #tpu.memory_space<hbm>> -> memref<256xf32, #tpu.memory_space<hbm>>
      tpu.enqueue_dma source(%arg5 : memref<256xf32, #tpu.memory_space<vmem>>) target(%dma_start3A_595 : memref<256xf32, #tpu.memory_space<hbm>>) target_semaphore(%run_scoped3A : memref<!tpu.dma_semaphore, #tpu.memory_space<semaphore_mem>>)
      %dma_wait3A_596 = arith.constant 0 : i32
      %dma_wait3A_597 = tpu.memref_slice %arg3[%add3A, %dma_wait3A_596] : memref<32x256xf32, #tpu.memory_space<hbm>> -> memref<1x256xf32, #tpu.memory_space<hbm>>
      %dma_wait3A_598 = tpu.memref_squeeze %dma_wait3A_597 : memref<1x256xf32, #tpu.memory_space<hbm>> -> memref<256xf32, #tpu.memory_space<hbm>>
      %dma_wait3A_599 = arith.constant 0 : i32
      %dma_wait3A_600 = tpu.memref_slice %arg3[%add3A, %dma_wait3A_599] : memref<32x256xf32, #tpu.memory_space<hbm>> -> memref<1x256xf32, #tpu.memory_space<hbm>>
      %dma_wait3A_601 = tpu.memref_squeeze %dma_wait3A_600 : memref<1x256xf32, #tpu.memory_space<hbm>> -> memref<256xf32, #tpu.memory_space<hbm>>
      tpu.wait_dma2 semaphore(%run_scoped3A : memref<!tpu.dma_semaphore, #tpu.memory_space<semaphore_mem>>) src(%arg5 : memref<256xf32, #tpu.memory_space<vmem>>) dst(%dma_wait3A_601 : memref<256xf32, #tpu.memory_space<hbm>>)
      tpu.yield
    }) : () -> ()
    return
  }
}

module attributes {stable_mosaic.version = 14 : i64} {
  func.func @_gather_body(%arg0: i32, %arg1: memref<16xi32, #tpu.memory_space<smem>>, %arg2: memref<8x512xf32, #tpu.memory_space<vmem>>, %arg3: memref<16x1024xf32, #tpu.memory_space<vmem>>, %arg4: memref<512x16xf32, #tpu.memory_space<vmem>>, %arg5: memref<16x1xf32, #tpu.memory_space<vmem>>) attributes {dimension_semantics = [#tpu.dimension_semantics<arbitrary>], iteration_bounds = array<i64: 16>, scalar_prefetch = 1 : i64, scratch_operands = 0 : i64, tpu.core_type = #tpu.core_type<tc>, window_params = [{transform_indices = @transform_0, window_bounds = array<i64: 8, 512>}, {pipeline_mode = #tpu.pipeline_mode<synchronous>, transform_indices = @transform_1, window_bounds = array<i64: 16, 1024>}, {pipeline_mode = #tpu.pipeline_mode<synchronous>, transform_indices = @transform_2, window_bounds = array<i64: 512, 16>}, {pipeline_mode = #tpu.pipeline_mode<synchronous>, transform_indices = @transform_3, window_bounds = array<i64: 16, 1>}]} {
    %get3A = arith.index_cast %arg0 : i32 to index
    %get3A_0 = memref.load %arg1[%get3A] : memref<16xi32, #tpu.memory_space<smem>>
    %jit3A = arith.constant 512 : i32
    %div3A = arith.divsi %get3A_0, %jit3A : i32
    %sign3A = arith.constant 0 : i32
    %sign3A_1 = arith.cmpi sgt, %get3A_0, %sign3A : i32
    %sign3A_2 = arith.extui %sign3A_1 : i1 to i32
    %sign3A_3 = arith.constant 0 : i32
    %sign3A_4 = arith.cmpi slt, %get3A_0, %sign3A_3 : i32
    %sign3A_5 = arith.extui %sign3A_4 : i1 to i32
    %sign3A_6 = arith.subi %sign3A_2, %sign3A_5 : i32
    %sign3A_7 = arith.constant 0 : i32
    %sign3A_8 = arith.cmpi sgt, %jit3A, %sign3A_7 : i32
    %sign3A_9 = arith.extui %sign3A_8 : i1 to i32
    %sign3A_10 = arith.constant 0 : i32
    %sign3A_11 = arith.cmpi slt, %jit3A, %sign3A_10 : i32
    %sign3A_12 = arith.extui %sign3A_11 : i1 to i32
    %sign3A_13 = arith.subi %sign3A_9, %sign3A_12 : i32
    %ne3A = arith.cmpi ne, %sign3A_6, %sign3A_13 : i32
    %rem3A = arith.remsi %get3A_0, %jit3A : i32
    %ne3A_14 = arith.constant 0 : i32
    %ne3A_15 = arith.cmpi ne, %rem3A, %ne3A_14 : i32
    %and3A = arith.andi %ne3A, %ne3A_15 : i1
    %sub3A = arith.constant 1 : i32
    %sub3A_16 = arith.subi %div3A, %sub3A : i32
    %select_n3A = arith.select %and3A, %sub3A_16, %div3A : i32
    %mul3A = arith.constant 512 : i32
    %mul3A_17 = arith.muli %select_n3A, %mul3A : i32
    %sub3A_18 = arith.subi %get3A_0, %mul3A_17 : i32
    %iota3A = tpu.iota {dimensions = array<i32: 0>} : vector<8x512xi32>
    %iota3A_19 = tpu.iota {dimensions = array<i32: 1>} : vector<8x512xi32>
    %jit3A_20 = arith.constant 8 : i32
    %eq3A = arith.constant 0 : i32
    %eq3A_21 = arith.cmpi eq, %jit3A_20, %eq3A : i32
    %jit3A_22 = arith.constant 1 : i32
    %select_n3A_23 = arith.select %eq3A_21, %jit3A_22, %jit3A_20 : i32
    %rem3A_24 = arith.remsi %arg0, %select_n3A_23 : i32
    %ne3A_25 = arith.constant 0 : i32
    %ne3A_26 = arith.cmpi ne, %rem3A_24, %ne3A_25 : i32
    %lt3A = arith.constant 0 : i32
    %lt3A_27 = arith.cmpi slt, %rem3A_24, %lt3A : i32
    %lt3A_28 = arith.constant 0 : i32
    %lt3A_29 = arith.cmpi slt, %select_n3A_23, %lt3A_28 : i32
    %ne3A_30 = arith.xori %lt3A_27, %lt3A_29 : i1
    %and3A_31 = arith.andi %ne3A_30, %ne3A_26 : i1
    %add3A = arith.addi %rem3A_24, %select_n3A_23 : i32
    %select_n3A_32 = arith.select %and3A_31, %add3A, %rem3A_24 : i32
    %eq3A_33 = vector.broadcast %select_n3A_32 : i32 to vector<8x512xi32>
    %eq3A_34 = arith.cmpi eq, %iota3A, %eq3A_33 : vector<8x512xi32>
    %eq3A_35 = vector.broadcast %sub3A_18 : i32 to vector<8x512xi32>
    %eq3A_36 = arith.cmpi eq, %iota3A_19, %eq3A_35 : vector<8x512xi32>
    %and3A_37 = arith.andi %eq3A_34, %eq3A_36 : vector<8x512xi1>
    %get3A_38 = arith.constant 0 : index
    %get3A_39 = arith.constant 0 : index
    %get3A_40 = vector.load %arg2[%get3A_38, %get3A_39] : memref<8x512xf32, #tpu.memory_space<vmem>>, vector<8x512xf32>
    %jit3A_41 = arith.constant 0.000000e+00 : f32
    %broadcast_in_dim3A = vector.broadcast %jit3A_41 : f32 to vector<8x512xf32>
    %select_n3A_42 = arith.select %and3A_37, %get3A_40, %broadcast_in_dim3A : vector<8x512xi1>, vector<8x512xf32>
    %reduce_sum3A = vector.shape_cast %select_n3A_42 : vector<8x512xf32> to vector<1x8x512xf32>
    %reduce_sum3A_43 = arith.constant dense<0.000000e+00> : vector<1xf32>
    %reduce_sum3A_44 = vector.multi_reduction <add>, %reduce_sum3A, %reduce_sum3A_43 [1, 2] : vector<1x8x512xf32> to vector<1xf32>
    %reduce_sum3A_45 = vector.shape_cast %reduce_sum3A_44 : vector<1xf32> to vector<1x1x1xf32>
    %reduce_sum3A_46 = vector.extract %reduce_sum3A_45[0, 0, 0] : f32 from vector<1x1x1xf32>
    %get3A_47 = arith.constant 0 : index
    %get3A_48 = arith.constant 0 : index
    %get3A_49 = vector.load %arg3[%get3A_47, %get3A_48] : memref<16x1024xf32, #tpu.memory_space<vmem>>, vector<16x1024xf32>
    %reduce_sum3A_50 = arith.constant dense<0.000000e+00> : vector<16xf32>
    %reduce_sum3A_51 = vector.multi_reduction <add>, %get3A_49, %reduce_sum3A_50 [1] : vector<16x1024xf32> to vector<16xf32>
    %broadcast_in_dim3A_52 = vector.shape_cast %reduce_sum3A_51 : vector<16xf32> to vector<16x1xf32>
    %get3A_53 = arith.constant 0 : index
    %get3A_54 = arith.constant 0 : index
    %get3A_55 = vector.load %arg4[%get3A_53, %get3A_54] : memref<512x16xf32, #tpu.memory_space<vmem>>, vector<512x16xf32>
    %broadcast_in_dim3A_56 = arith.constant 1.000000e+00 : f32
    %broadcast_in_dim3A_57 = vector.broadcast %broadcast_in_dim3A_56 : f32 to vector<16x1xf32>
    %dot_general3A = arith.constant dense<0.000000e+00> : vector<512x1xf32>
    %dot_general3A_58 = tpu.matmul %get3A_55, %broadcast_in_dim3A_57, %dot_general3A {dimension_numbers = #tpu.dot_dimension_numbers<[1], [0], [0], [1], [0, 0, 1, 1], [], []>, transpose_lhs_hint = false} : vector<512x16xf32>, vector<16x1xf32>, vector<512x1xf32> -> vector<512x1xf32>
    %iota3A_59 = tpu.iota {dimensions = array<i32: 0>} : vector<512x16xi32>
    %jit3A_60 = arith.constant 16 : i32
    %eq3A_61 = arith.constant 0 : i32
    %eq3A_62 = arith.cmpi eq, %jit3A_60, %eq3A_61 : i32
    %jit3A_63 = arith.constant 1 : i32
    %select_n3A_64 = arith.select %eq3A_62, %jit3A_63, %jit3A_60 : i32
    %rem3A_65 = vector.broadcast %select_n3A_64 : i32 to vector<512x16xi32>
    %rem3A_66 = arith.remsi %iota3A_59, %rem3A_65 : vector<512x16xi32>
    %ne3A_67 = arith.constant 0 : i32
    %ne3A_68 = vector.broadcast %ne3A_67 : i32 to vector<512x16xi32>
    %ne3A_69 = arith.cmpi ne, %rem3A_66, %ne3A_68 : vector<512x16xi32>
    %lt3A_70 = arith.constant 0 : i32
    %lt3A_71 = vector.broadcast %lt3A_70 : i32 to vector<512x16xi32>
    %lt3A_72 = arith.cmpi slt, %rem3A_66, %lt3A_71 : vector<512x16xi32>
    %lt3A_73 = arith.constant 0 : i32
    %lt3A_74 = arith.cmpi slt, %select_n3A_64, %lt3A_73 : i32
    %ne3A_75 = vector.broadcast %lt3A_74 : i1 to vector<512x16xi1>
    %ne3A_76 = vector.broadcast %ne3A_75 : vector<512x16xi1> to vector<512x16xi1>
    %ne3A_77 = arith.xori %lt3A_72, %ne3A_76 : vector<512x16xi1>
    %and3A_78 = arith.andi %ne3A_77, %ne3A_69 : vector<512x16xi1>
    %add3A_79 = vector.broadcast %select_n3A_64 : i32 to vector<512x16xi32>
    %add3A_80 = arith.addi %rem3A_66, %add3A_79 : vector<512x16xi32>
    %select_n3A_81 = arith.select %and3A_78, %add3A_80, %rem3A_66 : vector<512x16xi1>, vector<512x16xi32>
    %iota3A_82 = tpu.iota {dimensions = array<i32: 1>} : vector<512x16xi32>
    %eq3A_83 = arith.cmpi eq, %select_n3A_81, %iota3A_82 : vector<512x16xi32>
    %convert_element_type3A = arith.extui %eq3A_83 : vector<512x16xi1> to vector<512x16xi32>
    %convert_element_type3A_84 = arith.sitofp %convert_element_type3A : vector<512x16xi32> to vector<512x16xf32>
    %dot_general3A_85 = arith.constant dense<0.000000e+00> : vector<16x1xf32>
    %dot_general3A_86 = tpu.matmul %convert_element_type3A_84, %dot_general3A_58, %dot_general3A_85 {dimension_numbers = #tpu.dot_dimension_numbers<[0], [0], [1], [1], [0, 1, 1, 1], [], []>, transpose_lhs_hint = false} : vector<512x16xf32>, vector<512x1xf32>, vector<16x1xf32> -> vector<16x1xf32>
    %add3A_87 = arith.addf %broadcast_in_dim3A_52, %dot_general3A_86 : vector<16x1xf32>
    %iota3A_88 = tpu.iota {dimensions = array<i32: 0>} : vector<16x1xi32>
    %eq3A_89 = vector.broadcast %arg0 : i32 to vector<16x1xi32>
    %eq3A_90 = arith.cmpi eq, %iota3A_88, %eq3A_89 : vector<16x1xi32>
    %log3A = math.log %add3A_87 : vector<16x1xf32>
    %sub3A_91 = vector.broadcast %reduce_sum3A_46 : f32 to vector<16x1xf32>
    %sub3A_92 = arith.subf %sub3A_91, %log3A : vector<16x1xf32>
    %get3A_93 = arith.constant 0 : index
    %get3A_94 = arith.constant 0 : index
    %get3A_95 = vector.load %arg5[%get3A_93, %get3A_94] : memref<16x1xf32, #tpu.memory_space<vmem>>, vector<16x1xf32>
    %select_n3A_96 = arith.select %eq3A_90, %sub3A_92, %get3A_95 : vector<16x1xi1>, vector<16x1xf32>
    %swap3A = arith.constant 0 : index
    %swap3A_97 = arith.constant 0 : index
    %swap3A_98 = vector.load %arg5[%swap3A, %swap3A_97] : memref<16x1xf32, #tpu.memory_space<vmem>>, vector<16x1xf32>
    tpu.vector_store %arg5[%swap3A, %swap3A_97], %select_n3A_96 {strides = array<i32>} : memref<16x1xf32, #tpu.memory_space<vmem>>, vector<16x1xf32>,
    return
  }
  func.func @transform_0(%arg0: i32, %arg1: memref<16xi32, #tpu.memory_space<smem>>) -> (i32, i32) {
    %jit3A = arith.constant 8 : i32
    %div3A = arith.divsi %arg0, %jit3A : i32
    %sign3A = arith.constant 0 : i32
    %sign3A_0 = arith.cmpi sgt, %arg0, %sign3A : i32
    %sign3A_1 = arith.extui %sign3A_0 : i1 to i32
    %sign3A_2 = arith.constant 0 : i32
    %sign3A_3 = arith.cmpi slt, %arg0, %sign3A_2 : i32
    %sign3A_4 = arith.extui %sign3A_3 : i1 to i32
    %sign3A_5 = arith.subi %sign3A_1, %sign3A_4 : i32
    %sign3A_6 = arith.constant 0 : i32
    %sign3A_7 = arith.cmpi sgt, %jit3A, %sign3A_6 : i32
    %sign3A_8 = arith.extui %sign3A_7 : i1 to i32
    %sign3A_9 = arith.constant 0 : i32
    %sign3A_10 = arith.cmpi slt, %jit3A, %sign3A_9 : i32
    %sign3A_11 = arith.extui %sign3A_10 : i1 to i32
    %sign3A_12 = arith.subi %sign3A_8, %sign3A_11 : i32
    %ne3A = arith.cmpi ne, %sign3A_5, %sign3A_12 : i32
    %rem3A = arith.remsi %arg0, %jit3A : i32
    %ne3A_13 = arith.constant 0 : i32
    %ne3A_14 = arith.cmpi ne, %rem3A, %ne3A_13 : i32
    %and3A = arith.andi %ne3A, %ne3A_14 : i1
    %sub3A = arith.constant 1 : i32
    %sub3A_15 = arith.subi %div3A, %sub3A : i32
    %select_n3A = arith.select %and3A, %sub3A_15, %div3A : i32
    %get3A = arith.index_cast %arg0 : i32 to index
    %get3A_16 = memref.load %arg1[%get3A] : memref<16xi32, #tpu.memory_space<smem>>
    %jit3A_17 = arith.constant 512 : i32
    %div3A_18 = arith.divsi %get3A_16, %jit3A_17 : i32
    %sign3A_19 = arith.constant 0 : i32
    %sign3A_20 = arith.cmpi sgt, %get3A_16, %sign3A_19 : i32
    %sign3A_21 = arith.extui %sign3A_20 : i1 to i32
    %sign3A_22 = arith.constant 0 : i32
    %sign3A_23 = arith.cmpi slt, %get3A_16, %sign3A_22 : i32
    %sign3A_24 = arith.extui %sign3A_23 : i1 to i32
    %sign3A_25 = arith.subi %sign3A_21, %sign3A_24 : i32
    %sign3A_26 = arith.constant 0 : i32
    %sign3A_27 = arith.cmpi sgt, %jit3A_17, %sign3A_26 : i32
    %sign3A_28 = arith.extui %sign3A_27 : i1 to i32
    %sign3A_29 = arith.constant 0 : i32
    %sign3A_30 = arith.cmpi slt, %jit3A_17, %sign3A_29 : i32
    %sign3A_31 = arith.extui %sign3A_30 : i1 to i32
    %sign3A_32 = arith.subi %sign3A_28, %sign3A_31 : i32
    %ne3A_33 = arith.cmpi ne, %sign3A_25, %sign3A_32 : i32
    %rem3A_34 = arith.remsi %get3A_16, %jit3A_17 : i32
    %ne3A_35 = arith.constant 0 : i32
    %ne3A_36 = arith.cmpi ne, %rem3A_34, %ne3A_35 : i32
    %and3A_37 = arith.andi %ne3A_33, %ne3A_36 : i1
    %sub3A_38 = arith.constant 1 : i32
    %sub3A_39 = arith.subi %div3A_18, %sub3A_38 : i32
    %select_n3A_40 = arith.select %and3A_37, %sub3A_39, %div3A_18 : i32
    %c0_i32 = arith.constant 0 : i32
    return %select_n3A, %select_n3A_40 : i32, i32
  }
  func.func @transform_1(%arg0: i32, %arg1: memref<16xi32, #tpu.memory_space<smem>>) -> (i32, i32) {
    %c0_i32 = arith.constant 0 : i32
    %c0_i32_0 = arith.constant 0 : i32
    %c0_i32_1 = arith.constant 0 : i32
    return %c0_i32, %c0_i32_0 : i32, i32
  }
  func.func @transform_2(%arg0: i32, %arg1: memref<16xi32, #tpu.memory_space<smem>>) -> (i32, i32) {
    %c0_i32 = arith.constant 0 : i32
    %c0_i32_0 = arith.constant 0 : i32
    %c0_i32_1 = arith.constant 0 : i32
    return %c0_i32, %c0_i32_0 : i32, i32
  }
  func.func @transform_3(%arg0: i32, %arg1: memref<16xi32, #tpu.memory_space<smem>>) -> (i32, i32) {
    %c0_i32 = arith.constant 0 : i32
    %c0_i32_0 = arith.constant 0 : i32
    %c0_i32_1 = arith.constant 0 : i32
    return %c0_i32, %c0_i32_0 : i32, i32
  }
}

module attributes {stable_mosaic.version = 14 : i64} {
  func.func @_tc_stream_body(%arg0: i32, %arg1: memref<16x131072xf32, #tpu.memory_space<vmem>>, %arg2: memref<16x1024xf32, #tpu.memory_space<vmem>>, %arg3: memref<16x1024xf32, #tpu.memory_space<vmem>>) attributes {dimension_semantics = [#tpu.dimension_semantics<arbitrary>], iteration_bounds = array<i64: 5>, scalar_prefetch = 0 : i64, scratch_operands = 1 : i64, tpu.core_type = #tpu.core_type<tc>, window_params = [{transform_indices = @transform_0, window_bounds = array<i64: 16, 131072>}, {pipeline_mode = #tpu.pipeline_mode<synchronous>, transform_indices = @transform_1, window_bounds = array<i64: 16, 1024>}]} {
    %eq3A = arith.constant 0 : i32
    %eq3A_0 = arith.cmpi eq, %arg0, %eq3A : i32
    %convert_element_type3A = arith.extui %eq3A_0 : i1 to i32
    %cond3A = arith.constant 0 : i32
    %cond3A_1 = arith.cmpi ne, %convert_element_type3A, %cond3A : i32
    scf.if %cond3A_1 {
      %broadcast_in_dim3A = arith.constant 0.000000e+00 : f32
      %broadcast_in_dim3A_11 = vector.broadcast %broadcast_in_dim3A : f32 to vector<16x1024xf32>
      %swap3A = arith.constant 0 : index
      %swap3A_12 = arith.constant 0 : index
      %swap3A_13 = vector.load %arg3[%swap3A, %swap3A_12] : memref<16x1024xf32, #tpu.memory_space<vmem>>, vector<16x1024xf32>
      tpu.vector_store %arg3[%swap3A, %swap3A_12], %broadcast_in_dim3A_11 {strides = array<i32>} : memref<16x1024xf32, #tpu.memory_space<vmem>>, vector<16x1024xf32>,
    } else {
    }
    %lt3A = arith.constant 4 : i32
    %lt3A_2 = arith.cmpi slt, %arg0, %lt3A : i32
    %convert_element_type3A_3 = arith.extui %lt3A_2 : i1 to i32
    %cond3A_4 = arith.constant 0 : i32
    %cond3A_5 = arith.cmpi ne, %convert_element_type3A_3, %cond3A_4 : i32
    scf.if %cond3A_5 {
      %get3A = arith.constant 0 : index
      %get3A_11 = arith.constant 0 : index
      %get3A_12 = vector.load %arg3[%get3A, %get3A_11] : memref<16x1024xf32, #tpu.memory_space<vmem>>, vector<16x1024xf32>
      %get3A_13 = arith.constant 0 : index
      %get3A_14 = arith.constant 0 : index
      %get3A_15 = vector.load %arg1[%get3A_13, %get3A_14] : memref<16x131072xf32, #tpu.memory_space<vmem>>, vector<16x1024xf32>
      %exp3A = math.exp %get3A_15 : vector<16x1024xf32>
      %add3A = arith.addf %get3A_12, %exp3A : vector<16x1024xf32>
      %get3A_16 = arith.constant 0 : index
      %get3A_17 = arith.constant 1024 : index
      %get3A_18 = vector.load %arg1[%get3A_16, %get3A_17] : memref<16x131072xf32, #tpu.memory_space<vmem>>, vector<16x1024xf32>
      %exp3A_19 = math.exp %get3A_18 : vector<16x1024xf32>
      %add3A_20 = arith.addf %add3A, %exp3A_19 : vector<16x1024xf32>
      %get3A_21 = arith.constant 0 : index
      %get3A_22 = arith.constant 2048 : index
      %get3A_23 = vector.load %arg1[%get3A_21, %get3A_22] : memref<16x131072xf32, #tpu.memory_space<vmem>>, vector<16x1024xf32>
      %exp3A_24 = math.exp %get3A_23 : vector<16x1024xf32>
      %add3A_25 = arith.addf %add3A_20, %exp3A_24 : vector<16x1024xf32>
      %get3A_26 = arith.constant 0 : index
      %get3A_27 = arith.constant 3072 : index
      %get3A_28 = vector.load %arg1[%get3A_26, %get3A_27] : memref<16x131072xf32, #tpu.memory_space<vmem>>, vector<16x1024xf32>
      %exp3A_29 = math.exp %get3A_28 : vector<16x1024xf32>
      %add3A_30 = arith.addf %add3A_25, %exp3A_29 : vector<16x1024xf32>
      %get3A_31 = arith.constant 0 : index
      %get3A_32 = arith.constant 4096 : index
      %get3A_33 = vector.load %arg1[%get3A_31, %get3A_32] : memref<16x131072xf32, #tpu.memory_space<vmem>>, vector<16x1024xf32>
      %exp3A_34 = math.exp %get3A_33 : vector<16x1024xf32>
      %add3A_35 = arith.addf %add3A_30, %exp3A_34 : vector<16x1024xf32>
      %get3A_36 = arith.constant 0 : index
      %get3A_37 = arith.constant 5120 : index
      %get3A_38 = vector.load %arg1[%get3A_36, %get3A_37] : memref<16x131072xf32, #tpu.memory_space<vmem>>, vector<16x1024xf32>
      %exp3A_39 = math.exp %get3A_38 : vector<16x1024xf32>
      %add3A_40 = arith.addf %add3A_35, %exp3A_39 : vector<16x1024xf32>
      %get3A_41 = arith.constant 0 : index
      %get3A_42 = arith.constant 6144 : index
      %get3A_43 = vector.load %arg1[%get3A_41, %get3A_42] : memref<16x131072xf32, #tpu.memory_space<vmem>>, vector<16x1024xf32>
      %exp3A_44 = math.exp %get3A_43 : vector<16x1024xf32>
      %add3A_45 = arith.addf %add3A_40, %exp3A_44 : vector<16x1024xf32>
      %get3A_46 = arith.constant 0 : index
      %get3A_47 = arith.constant 7168 : index
      %get3A_48 = vector.load %arg1[%get3A_46, %get3A_47] : memref<16x131072xf32, #tpu.memory_space<vmem>>, vector<16x1024xf32>
      %exp3A_49 = math.exp %get3A_48 : vector<16x1024xf32>
      %add3A_50 = arith.addf %add3A_45, %exp3A_49 : vector<16x1024xf32>
      %get3A_51 = arith.constant 0 : index
      %get3A_52 = arith.constant 8192 : index
      %get3A_53 = vector.load %arg1[%get3A_51, %get3A_52] : memref<16x131072xf32, #tpu.memory_space<vmem>>, vector<16x1024xf32>
      %exp3A_54 = math.exp %get3A_53 : vector<16x1024xf32>
      %add3A_55 = arith.addf %add3A_50, %exp3A_54 : vector<16x1024xf32>
      %get3A_56 = arith.constant 0 : index
      %get3A_57 = arith.constant 9216 : index
      %get3A_58 = vector.load %arg1[%get3A_56, %get3A_57] : memref<16x131072xf32, #tpu.memory_space<vmem>>, vector<16x1024xf32>
      %exp3A_59 = math.exp %get3A_58 : vector<16x1024xf32>
      %add3A_60 = arith.addf %add3A_55, %exp3A_59 : vector<16x1024xf32>
      %get3A_61 = arith.constant 0 : index
      %get3A_62 = arith.constant 10240 : index
      %get3A_63 = vector.load %arg1[%get3A_61, %get3A_62] : memref<16x131072xf32, #tpu.memory_space<vmem>>, vector<16x1024xf32>
      %exp3A_64 = math.exp %get3A_63 : vector<16x1024xf32>
      %add3A_65 = arith.addf %add3A_60, %exp3A_64 : vector<16x1024xf32>
      %get3A_66 = arith.constant 0 : index
      %get3A_67 = arith.constant 11264 : index
      %get3A_68 = vector.load %arg1[%get3A_66, %get3A_67] : memref<16x131072xf32, #tpu.memory_space<vmem>>, vector<16x1024xf32>
      %exp3A_69 = math.exp %get3A_68 : vector<16x1024xf32>
      %add3A_70 = arith.addf %add3A_65, %exp3A_69 : vector<16x1024xf32>
      %get3A_71 = arith.constant 0 : index
      %get3A_72 = arith.constant 12288 : index
      %get3A_73 = vector.load %arg1[%get3A_71, %get3A_72] : memref<16x131072xf32, #tpu.memory_space<vmem>>, vector<16x1024xf32>
      %exp3A_74 = math.exp %get3A_73 : vector<16x1024xf32>
      %add3A_75 = arith.addf %add3A_70, %exp3A_74 : vector<16x1024xf32>
      %get3A_76 = arith.constant 0 : index
      %get3A_77 = arith.constant 13312 : index
      %get3A_78 = vector.load %arg1[%get3A_76, %get3A_77] : memref<16x131072xf32, #tpu.memory_space<vmem>>, vector<16x1024xf32>
      %exp3A_79 = math.exp %get3A_78 : vector<16x1024xf32>
      %add3A_80 = arith.addf %add3A_75, %exp3A_79 : vector<16x1024xf32>
      %get3A_81 = arith.constant 0 : index
      %get3A_82 = arith.constant 14336 : index
      %get3A_83 = vector.load %arg1[%get3A_81, %get3A_82] : memref<16x131072xf32, #tpu.memory_space<vmem>>, vector<16x1024xf32>
      %exp3A_84 = math.exp %get3A_83 : vector<16x1024xf32>
      %add3A_85 = arith.addf %add3A_80, %exp3A_84 : vector<16x1024xf32>
      %get3A_86 = arith.constant 0 : index
      %get3A_87 = arith.constant 15360 : index
      %get3A_88 = vector.load %arg1[%get3A_86, %get3A_87] : memref<16x131072xf32, #tpu.memory_space<vmem>>, vector<16x1024xf32>
      %exp3A_89 = math.exp %get3A_88 : vector<16x1024xf32>
      %add3A_90 = arith.addf %add3A_85, %exp3A_89 : vector<16x1024xf32>
      %get3A_91 = arith.constant 0 : index
      %get3A_92 = arith.constant 16384 : index
      %get3A_93 = vector.load %arg1[%get3A_91, %get3A_92] : memref<16x131072xf32, #tpu.memory_space<vmem>>, vector<16x1024xf32>
      %exp3A_94 = math.exp %get3A_93 : vector<16x1024xf32>
      %add3A_95 = arith.addf %add3A_90, %exp3A_94 : vector<16x1024xf32>
      %get3A_96 = arith.constant 0 : index
      %get3A_97 = arith.constant 17408 : index
      %get3A_98 = vector.load %arg1[%get3A_96, %get3A_97] : memref<16x131072xf32, #tpu.memory_space<vmem>>, vector<16x1024xf32>
      %exp3A_99 = math.exp %get3A_98 : vector<16x1024xf32>
      %add3A_100 = arith.addf %add3A_95, %exp3A_99 : vector<16x1024xf32>
      %get3A_101 = arith.constant 0 : index
      %get3A_102 = arith.constant 18432 : index
      %get3A_103 = vector.load %arg1[%get3A_101, %get3A_102] : memref<16x131072xf32, #tpu.memory_space<vmem>>, vector<16x1024xf32>
      %exp3A_104 = math.exp %get3A_103 : vector<16x1024xf32>
      %add3A_105 = arith.addf %add3A_100, %exp3A_104 : vector<16x1024xf32>
      %get3A_106 = arith.constant 0 : index
      %get3A_107 = arith.constant 19456 : index
      %get3A_108 = vector.load %arg1[%get3A_106, %get3A_107] : memref<16x131072xf32, #tpu.memory_space<vmem>>, vector<16x1024xf32>
      %exp3A_109 = math.exp %get3A_108 : vector<16x1024xf32>
      %add3A_110 = arith.addf %add3A_105, %exp3A_109 : vector<16x1024xf32>
      %get3A_111 = arith.constant 0 : index
      %get3A_112 = arith.constant 20480 : index
      %get3A_113 = vector.load %arg1[%get3A_111, %get3A_112] : memref<16x131072xf32, #tpu.memory_space<vmem>>, vector<16x1024xf32>
      %exp3A_114 = math.exp %get3A_113 : vector<16x1024xf32>
      %add3A_115 = arith.addf %add3A_110, %exp3A_114 : vector<16x1024xf32>
      %get3A_116 = arith.constant 0 : index
      %get3A_117 = arith.constant 21504 : index
      %get3A_118 = vector.load %arg1[%get3A_116, %get3A_117] : memref<16x131072xf32, #tpu.memory_space<vmem>>, vector<16x1024xf32>
      %exp3A_119 = math.exp %get3A_118 : vector<16x1024xf32>
      %add3A_120 = arith.addf %add3A_115, %exp3A_119 : vector<16x1024xf32>
      %get3A_121 = arith.constant 0 : index
      %get3A_122 = arith.constant 22528 : index
      %get3A_123 = vector.load %arg1[%get3A_121, %get3A_122] : memref<16x131072xf32, #tpu.memory_space<vmem>>, vector<16x1024xf32>
      %exp3A_124 = math.exp %get3A_123 : vector<16x1024xf32>
      %add3A_125 = arith.addf %add3A_120, %exp3A_124 : vector<16x1024xf32>
      %get3A_126 = arith.constant 0 : index
      %get3A_127 = arith.constant 23552 : index
      %get3A_128 = vector.load %arg1[%get3A_126, %get3A_127] : memref<16x131072xf32, #tpu.memory_space<vmem>>, vector<16x1024xf32>
      %exp3A_129 = math.exp %get3A_128 : vector<16x1024xf32>
      %add3A_130 = arith.addf %add3A_125, %exp3A_129 : vector<16x1024xf32>
      %get3A_131 = arith.constant 0 : index
      %get3A_132 = arith.constant 24576 : index
      %get3A_133 = vector.load %arg1[%get3A_131, %get3A_132] : memref<16x131072xf32, #tpu.memory_space<vmem>>, vector<16x1024xf32>
      %exp3A_134 = math.exp %get3A_133 : vector<16x1024xf32>
      %add3A_135 = arith.addf %add3A_130, %exp3A_134 : vector<16x1024xf32>
      %get3A_136 = arith.constant 0 : index
      %get3A_137 = arith.constant 25600 : index
      %get3A_138 = vector.load %arg1[%get3A_136, %get3A_137] : memref<16x131072xf32, #tpu.memory_space<vmem>>, vector<16x1024xf32>
      %exp3A_139 = math.exp %get3A_138 : vector<16x1024xf32>
      %add3A_140 = arith.addf %add3A_135, %exp3A_139 : vector<16x1024xf32>
      %get3A_141 = arith.constant 0 : index
      %get3A_142 = arith.constant 26624 : index
      %get3A_143 = vector.load %arg1[%get3A_141, %get3A_142] : memref<16x131072xf32, #tpu.memory_space<vmem>>, vector<16x1024xf32>
      %exp3A_144 = math.exp %get3A_143 : vector<16x1024xf32>
      %add3A_145 = arith.addf %add3A_140, %exp3A_144 : vector<16x1024xf32>
      %get3A_146 = arith.constant 0 : index
      %get3A_147 = arith.constant 27648 : index
      %get3A_148 = vector.load %arg1[%get3A_146, %get3A_147] : memref<16x131072xf32, #tpu.memory_space<vmem>>, vector<16x1024xf32>
      %exp3A_149 = math.exp %get3A_148 : vector<16x1024xf32>
      %add3A_150 = arith.addf %add3A_145, %exp3A_149 : vector<16x1024xf32>
      %get3A_151 = arith.constant 0 : index
      %get3A_152 = arith.constant 28672 : index
      %get3A_153 = vector.load %arg1[%get3A_151, %get3A_152] : memref<16x131072xf32, #tpu.memory_space<vmem>>, vector<16x1024xf32>
      %exp3A_154 = math.exp %get3A_153 : vector<16x1024xf32>
      %add3A_155 = arith.addf %add3A_150, %exp3A_154 : vector<16x1024xf32>
      %get3A_156 = arith.constant 0 : index
      %get3A_157 = arith.constant 29696 : index
      %get3A_158 = vector.load %arg1[%get3A_156, %get3A_157] : memref<16x131072xf32, #tpu.memory_space<vmem>>, vector<16x1024xf32>
      %exp3A_159 = math.exp %get3A_158 : vector<16x1024xf32>
      %add3A_160 = arith.addf %add3A_155, %exp3A_159 : vector<16x1024xf32>
      %get3A_161 = arith.constant 0 : index
      %get3A_162 = arith.constant 30720 : index
      %get3A_163 = vector.load %arg1[%get3A_161, %get3A_162] : memref<16x131072xf32, #tpu.memory_space<vmem>>, vector<16x1024xf32>
      %exp3A_164 = math.exp %get3A_163 : vector<16x1024xf32>
      %add3A_165 = arith.addf %add3A_160, %exp3A_164 : vector<16x1024xf32>
      %get3A_166 = arith.constant 0 : index
      %get3A_167 = arith.constant 31744 : index
      %get3A_168 = vector.load %arg1[%get3A_166, %get3A_167] : memref<16x131072xf32, #tpu.memory_space<vmem>>, vector<16x1024xf32>
      %exp3A_169 = math.exp %get3A_168 : vector<16x1024xf32>
      %add3A_170 = arith.addf %add3A_165, %exp3A_169 : vector<16x1024xf32>
      %get3A_171 = arith.constant 0 : index
      %get3A_172 = arith.constant 32768 : index
      %get3A_173 = vector.load %arg1[%get3A_171, %get3A_172] : memref<16x131072xf32, #tpu.memory_space<vmem>>, vector<16x1024xf32>
      %exp3A_174 = math.exp %get3A_173 : vector<16x1024xf32>
      %add3A_175 = arith.addf %add3A_170, %exp3A_174 : vector<16x1024xf32>
      %get3A_176 = arith.constant 0 : index
      %get3A_177 = arith.constant 33792 : index
      %get3A_178 = vector.load %arg1[%get3A_176, %get3A_177] : memref<16x131072xf32, #tpu.memory_space<vmem>>, vector<16x1024xf32>
      %exp3A_179 = math.exp %get3A_178 : vector<16x1024xf32>
      %add3A_180 = arith.addf %add3A_175, %exp3A_179 : vector<16x1024xf32>
      %get3A_181 = arith.constant 0 : index
      %get3A_182 = arith.constant 34816 : index
      %get3A_183 = vector.load %arg1[%get3A_181, %get3A_182] : memref<16x131072xf32, #tpu.memory_space<vmem>>, vector<16x1024xf32>
      %exp3A_184 = math.exp %get3A_183 : vector<16x1024xf32>
      %add3A_185 = arith.addf %add3A_180, %exp3A_184 : vector<16x1024xf32>
      %get3A_186 = arith.constant 0 : index
      %get3A_187 = arith.constant 35840 : index
      %get3A_188 = vector.load %arg1[%get3A_186, %get3A_187] : memref<16x131072xf32, #tpu.memory_space<vmem>>, vector<16x1024xf32>
      %exp3A_189 = math.exp %get3A_188 : vector<16x1024xf32>
      %add3A_190 = arith.addf %add3A_185, %exp3A_189 : vector<16x1024xf32>
      %get3A_191 = arith.constant 0 : index
      %get3A_192 = arith.constant 36864 : index
      %get3A_193 = vector.load %arg1[%get3A_191, %get3A_192] : memref<16x131072xf32, #tpu.memory_space<vmem>>, vector<16x1024xf32>
      %exp3A_194 = math.exp %get3A_193 : vector<16x1024xf32>
      %add3A_195 = arith.addf %add3A_190, %exp3A_194 : vector<16x1024xf32>
      %get3A_196 = arith.constant 0 : index
      %get3A_197 = arith.constant 37888 : index
      %get3A_198 = vector.load %arg1[%get3A_196, %get3A_197] : memref<16x131072xf32, #tpu.memory_space<vmem>>, vector<16x1024xf32>
      %exp3A_199 = math.exp %get3A_198 : vector<16x1024xf32>
      %add3A_200 = arith.addf %add3A_195, %exp3A_199 : vector<16x1024xf32>
      %get3A_201 = arith.constant 0 : index
      %get3A_202 = arith.constant 38912 : index
      %get3A_203 = vector.load %arg1[%get3A_201, %get3A_202] : memref<16x131072xf32, #tpu.memory_space<vmem>>, vector<16x1024xf32>
      %exp3A_204 = math.exp %get3A_203 : vector<16x1024xf32>
      %add3A_205 = arith.addf %add3A_200, %exp3A_204 : vector<16x1024xf32>
      %get3A_206 = arith.constant 0 : index
      %get3A_207 = arith.constant 39936 : index
      %get3A_208 = vector.load %arg1[%get3A_206, %get3A_207] : memref<16x131072xf32, #tpu.memory_space<vmem>>, vector<16x1024xf32>
      %exp3A_209 = math.exp %get3A_208 : vector<16x1024xf32>
      %add3A_210 = arith.addf %add3A_205, %exp3A_209 : vector<16x1024xf32>
      %get3A_211 = arith.constant 0 : index
      %get3A_212 = arith.constant 40960 : index
      %get3A_213 = vector.load %arg1[%get3A_211, %get3A_212] : memref<16x131072xf32, #tpu.memory_space<vmem>>, vector<16x1024xf32>
      %exp3A_214 = math.exp %get3A_213 : vector<16x1024xf32>
      %add3A_215 = arith.addf %add3A_210, %exp3A_214 : vector<16x1024xf32>
      %get3A_216 = arith.constant 0 : index
      %get3A_217 = arith.constant 41984 : index
      %get3A_218 = vector.load %arg1[%get3A_216, %get3A_217] : memref<16x131072xf32, #tpu.memory_space<vmem>>, vector<16x1024xf32>
      %exp3A_219 = math.exp %get3A_218 : vector<16x1024xf32>
      %add3A_220 = arith.addf %add3A_215, %exp3A_219 : vector<16x1024xf32>
      %get3A_221 = arith.constant 0 : index
      %get3A_222 = arith.constant 43008 : index
      %get3A_223 = vector.load %arg1[%get3A_221, %get3A_222] : memref<16x131072xf32, #tpu.memory_space<vmem>>, vector<16x1024xf32>
      %exp3A_224 = math.exp %get3A_223 : vector<16x1024xf32>
      %add3A_225 = arith.addf %add3A_220, %exp3A_224 : vector<16x1024xf32>
      %get3A_226 = arith.constant 0 : index
      %get3A_227 = arith.constant 44032 : index
      %get3A_228 = vector.load %arg1[%get3A_226, %get3A_227] : memref<16x131072xf32, #tpu.memory_space<vmem>>, vector<16x1024xf32>
      %exp3A_229 = math.exp %get3A_228 : vector<16x1024xf32>
      %add3A_230 = arith.addf %add3A_225, %exp3A_229 : vector<16x1024xf32>
      %get3A_231 = arith.constant 0 : index
      %get3A_232 = arith.constant 45056 : index
      %get3A_233 = vector.load %arg1[%get3A_231, %get3A_232] : memref<16x131072xf32, #tpu.memory_space<vmem>>, vector<16x1024xf32>
      %exp3A_234 = math.exp %get3A_233 : vector<16x1024xf32>
      %add3A_235 = arith.addf %add3A_230, %exp3A_234 : vector<16x1024xf32>
      %get3A_236 = arith.constant 0 : index
      %get3A_237 = arith.constant 46080 : index
      %get3A_238 = vector.load %arg1[%get3A_236, %get3A_237] : memref<16x131072xf32, #tpu.memory_space<vmem>>, vector<16x1024xf32>
      %exp3A_239 = math.exp %get3A_238 : vector<16x1024xf32>
      %add3A_240 = arith.addf %add3A_235, %exp3A_239 : vector<16x1024xf32>
      %get3A_241 = arith.constant 0 : index
      %get3A_242 = arith.constant 47104 : index
      %get3A_243 = vector.load %arg1[%get3A_241, %get3A_242] : memref<16x131072xf32, #tpu.memory_space<vmem>>, vector<16x1024xf32>
      %exp3A_244 = math.exp %get3A_243 : vector<16x1024xf32>
      %add3A_245 = arith.addf %add3A_240, %exp3A_244 : vector<16x1024xf32>
      %get3A_246 = arith.constant 0 : index
      %get3A_247 = arith.constant 48128 : index
      %get3A_248 = vector.load %arg1[%get3A_246, %get3A_247] : memref<16x131072xf32, #tpu.memory_space<vmem>>, vector<16x1024xf32>
      %exp3A_249 = math.exp %get3A_248 : vector<16x1024xf32>
      %add3A_250 = arith.addf %add3A_245, %exp3A_249 : vector<16x1024xf32>
      %get3A_251 = arith.constant 0 : index
      %get3A_252 = arith.constant 49152 : index
      %get3A_253 = vector.load %arg1[%get3A_251, %get3A_252] : memref<16x131072xf32, #tpu.memory_space<vmem>>, vector<16x1024xf32>
      %exp3A_254 = math.exp %get3A_253 : vector<16x1024xf32>
      %add3A_255 = arith.addf %add3A_250, %exp3A_254 : vector<16x1024xf32>
      %get3A_256 = arith.constant 0 : index
      %get3A_257 = arith.constant 50176 : index
      %get3A_258 = vector.load %arg1[%get3A_256, %get3A_257] : memref<16x131072xf32, #tpu.memory_space<vmem>>, vector<16x1024xf32>
      %exp3A_259 = math.exp %get3A_258 : vector<16x1024xf32>
      %add3A_260 = arith.addf %add3A_255, %exp3A_259 : vector<16x1024xf32>
      %get3A_261 = arith.constant 0 : index
      %get3A_262 = arith.constant 51200 : index
      %get3A_263 = vector.load %arg1[%get3A_261, %get3A_262] : memref<16x131072xf32, #tpu.memory_space<vmem>>, vector<16x1024xf32>
      %exp3A_264 = math.exp %get3A_263 : vector<16x1024xf32>
      %add3A_265 = arith.addf %add3A_260, %exp3A_264 : vector<16x1024xf32>
      %get3A_266 = arith.constant 0 : index
      %get3A_267 = arith.constant 52224 : index
      %get3A_268 = vector.load %arg1[%get3A_266, %get3A_267] : memref<16x131072xf32, #tpu.memory_space<vmem>>, vector<16x1024xf32>
      %exp3A_269 = math.exp %get3A_268 : vector<16x1024xf32>
      %add3A_270 = arith.addf %add3A_265, %exp3A_269 : vector<16x1024xf32>
      %get3A_271 = arith.constant 0 : index
      %get3A_272 = arith.constant 53248 : index
      %get3A_273 = vector.load %arg1[%get3A_271, %get3A_272] : memref<16x131072xf32, #tpu.memory_space<vmem>>, vector<16x1024xf32>
      %exp3A_274 = math.exp %get3A_273 : vector<16x1024xf32>
      %add3A_275 = arith.addf %add3A_270, %exp3A_274 : vector<16x1024xf32>
      %get3A_276 = arith.constant 0 : index
      %get3A_277 = arith.constant 54272 : index
      %get3A_278 = vector.load %arg1[%get3A_276, %get3A_277] : memref<16x131072xf32, #tpu.memory_space<vmem>>, vector<16x1024xf32>
      %exp3A_279 = math.exp %get3A_278 : vector<16x1024xf32>
      %add3A_280 = arith.addf %add3A_275, %exp3A_279 : vector<16x1024xf32>
      %get3A_281 = arith.constant 0 : index
      %get3A_282 = arith.constant 55296 : index
      %get3A_283 = vector.load %arg1[%get3A_281, %get3A_282] : memref<16x131072xf32, #tpu.memory_space<vmem>>, vector<16x1024xf32>
      %exp3A_284 = math.exp %get3A_283 : vector<16x1024xf32>
      %add3A_285 = arith.addf %add3A_280, %exp3A_284 : vector<16x1024xf32>
      %get3A_286 = arith.constant 0 : index
      %get3A_287 = arith.constant 56320 : index
      %get3A_288 = vector.load %arg1[%get3A_286, %get3A_287] : memref<16x131072xf32, #tpu.memory_space<vmem>>, vector<16x1024xf32>
      %exp3A_289 = math.exp %get3A_288 : vector<16x1024xf32>
      %add3A_290 = arith.addf %add3A_285, %exp3A_289 : vector<16x1024xf32>
      %get3A_291 = arith.constant 0 : index
      %get3A_292 = arith.constant 57344 : index
      %get3A_293 = vector.load %arg1[%get3A_291, %get3A_292] : memref<16x131072xf32, #tpu.memory_space<vmem>>, vector<16x1024xf32>
      %exp3A_294 = math.exp %get3A_293 : vector<16x1024xf32>
      %add3A_295 = arith.addf %add3A_290, %exp3A_294 : vector<16x1024xf32>
      %get3A_296 = arith.constant 0 : index
      %get3A_297 = arith.constant 58368 : index
      %get3A_298 = vector.load %arg1[%get3A_296, %get3A_297] : memref<16x131072xf32, #tpu.memory_space<vmem>>, vector<16x1024xf32>
      %exp3A_299 = math.exp %get3A_298 : vector<16x1024xf32>
      %add3A_300 = arith.addf %add3A_295, %exp3A_299 : vector<16x1024xf32>
      %get3A_301 = arith.constant 0 : index
      %get3A_302 = arith.constant 59392 : index
      %get3A_303 = vector.load %arg1[%get3A_301, %get3A_302] : memref<16x131072xf32, #tpu.memory_space<vmem>>, vector<16x1024xf32>
      %exp3A_304 = math.exp %get3A_303 : vector<16x1024xf32>
      %add3A_305 = arith.addf %add3A_300, %exp3A_304 : vector<16x1024xf32>
      %get3A_306 = arith.constant 0 : index
      %get3A_307 = arith.constant 60416 : index
      %get3A_308 = vector.load %arg1[%get3A_306, %get3A_307] : memref<16x131072xf32, #tpu.memory_space<vmem>>, vector<16x1024xf32>
      %exp3A_309 = math.exp %get3A_308 : vector<16x1024xf32>
      %add3A_310 = arith.addf %add3A_305, %exp3A_309 : vector<16x1024xf32>
      %get3A_311 = arith.constant 0 : index
      %get3A_312 = arith.constant 61440 : index
      %get3A_313 = vector.load %arg1[%get3A_311, %get3A_312] : memref<16x131072xf32, #tpu.memory_space<vmem>>, vector<16x1024xf32>
      %exp3A_314 = math.exp %get3A_313 : vector<16x1024xf32>
      %add3A_315 = arith.addf %add3A_310, %exp3A_314 : vector<16x1024xf32>
      %get3A_316 = arith.constant 0 : index
      %get3A_317 = arith.constant 62464 : index
      %get3A_318 = vector.load %arg1[%get3A_316, %get3A_317] : memref<16x131072xf32, #tpu.memory_space<vmem>>, vector<16x1024xf32>
      %exp3A_319 = math.exp %get3A_318 : vector<16x1024xf32>
      %add3A_320 = arith.addf %add3A_315, %exp3A_319 : vector<16x1024xf32>
      %get3A_321 = arith.constant 0 : index
      %get3A_322 = arith.constant 63488 : index
      %get3A_323 = vector.load %arg1[%get3A_321, %get3A_322] : memref<16x131072xf32, #tpu.memory_space<vmem>>, vector<16x1024xf32>
      %exp3A_324 = math.exp %get3A_323 : vector<16x1024xf32>
      %add3A_325 = arith.addf %add3A_320, %exp3A_324 : vector<16x1024xf32>
      %get3A_326 = arith.constant 0 : index
      %get3A_327 = arith.constant 64512 : index
      %get3A_328 = vector.load %arg1[%get3A_326, %get3A_327] : memref<16x131072xf32, #tpu.memory_space<vmem>>, vector<16x1024xf32>
      %exp3A_329 = math.exp %get3A_328 : vector<16x1024xf32>
      %add3A_330 = arith.addf %add3A_325, %exp3A_329 : vector<16x1024xf32>
      %get3A_331 = arith.constant 0 : index
      %get3A_332 = arith.constant 65536 : index
      %get3A_333 = vector.load %arg1[%get3A_331, %get3A_332] : memref<16x131072xf32, #tpu.memory_space<vmem>>, vector<16x1024xf32>
      %exp3A_334 = math.exp %get3A_333 : vector<16x1024xf32>
      %add3A_335 = arith.addf %add3A_330, %exp3A_334 : vector<16x1024xf32>
      %get3A_336 = arith.constant 0 : index
      %get3A_337 = arith.constant 66560 : index
      %get3A_338 = vector.load %arg1[%get3A_336, %get3A_337] : memref<16x131072xf32, #tpu.memory_space<vmem>>, vector<16x1024xf32>
      %exp3A_339 = math.exp %get3A_338 : vector<16x1024xf32>
      %add3A_340 = arith.addf %add3A_335, %exp3A_339 : vector<16x1024xf32>
      %get3A_341 = arith.constant 0 : index
      %get3A_342 = arith.constant 67584 : index
      %get3A_343 = vector.load %arg1[%get3A_341, %get3A_342] : memref<16x131072xf32, #tpu.memory_space<vmem>>, vector<16x1024xf32>
      %exp3A_344 = math.exp %get3A_343 : vector<16x1024xf32>
      %add3A_345 = arith.addf %add3A_340, %exp3A_344 : vector<16x1024xf32>
      %get3A_346 = arith.constant 0 : index
      %get3A_347 = arith.constant 68608 : index
      %get3A_348 = vector.load %arg1[%get3A_346, %get3A_347] : memref<16x131072xf32, #tpu.memory_space<vmem>>, vector<16x1024xf32>
      %exp3A_349 = math.exp %get3A_348 : vector<16x1024xf32>
      %add3A_350 = arith.addf %add3A_345, %exp3A_349 : vector<16x1024xf32>
      %get3A_351 = arith.constant 0 : index
      %get3A_352 = arith.constant 69632 : index
      %get3A_353 = vector.load %arg1[%get3A_351, %get3A_352] : memref<16x131072xf32, #tpu.memory_space<vmem>>, vector<16x1024xf32>
      %exp3A_354 = math.exp %get3A_353 : vector<16x1024xf32>
      %add3A_355 = arith.addf %add3A_350, %exp3A_354 : vector<16x1024xf32>
      %get3A_356 = arith.constant 0 : index
      %get3A_357 = arith.constant 70656 : index
      %get3A_358 = vector.load %arg1[%get3A_356, %get3A_357] : memref<16x131072xf32, #tpu.memory_space<vmem>>, vector<16x1024xf32>
      %exp3A_359 = math.exp %get3A_358 : vector<16x1024xf32>
      %add3A_360 = arith.addf %add3A_355, %exp3A_359 : vector<16x1024xf32>
      %get3A_361 = arith.constant 0 : index
      %get3A_362 = arith.constant 71680 : index
      %get3A_363 = vector.load %arg1[%get3A_361, %get3A_362] : memref<16x131072xf32, #tpu.memory_space<vmem>>, vector<16x1024xf32>
      %exp3A_364 = math.exp %get3A_363 : vector<16x1024xf32>
      %add3A_365 = arith.addf %add3A_360, %exp3A_364 : vector<16x1024xf32>
      %get3A_366 = arith.constant 0 : index
      %get3A_367 = arith.constant 72704 : index
      %get3A_368 = vector.load %arg1[%get3A_366, %get3A_367] : memref<16x131072xf32, #tpu.memory_space<vmem>>, vector<16x1024xf32>
      %exp3A_369 = math.exp %get3A_368 : vector<16x1024xf32>
      %add3A_370 = arith.addf %add3A_365, %exp3A_369 : vector<16x1024xf32>
      %get3A_371 = arith.constant 0 : index
      %get3A_372 = arith.constant 73728 : index
      %get3A_373 = vector.load %arg1[%get3A_371, %get3A_372] : memref<16x131072xf32, #tpu.memory_space<vmem>>, vector<16x1024xf32>
      %exp3A_374 = math.exp %get3A_373 : vector<16x1024xf32>
      %add3A_375 = arith.addf %add3A_370, %exp3A_374 : vector<16x1024xf32>
      %get3A_376 = arith.constant 0 : index
      %get3A_377 = arith.constant 74752 : index
      %get3A_378 = vector.load %arg1[%get3A_376, %get3A_377] : memref<16x131072xf32, #tpu.memory_space<vmem>>, vector<16x1024xf32>
      %exp3A_379 = math.exp %get3A_378 : vector<16x1024xf32>
      %add3A_380 = arith.addf %add3A_375, %exp3A_379 : vector<16x1024xf32>
      %get3A_381 = arith.constant 0 : index
      %get3A_382 = arith.constant 75776 : index
      %get3A_383 = vector.load %arg1[%get3A_381, %get3A_382] : memref<16x131072xf32, #tpu.memory_space<vmem>>, vector<16x1024xf32>
      %exp3A_384 = math.exp %get3A_383 : vector<16x1024xf32>
      %add3A_385 = arith.addf %add3A_380, %exp3A_384 : vector<16x1024xf32>
      %get3A_386 = arith.constant 0 : index
      %get3A_387 = arith.constant 76800 : index
      %get3A_388 = vector.load %arg1[%get3A_386, %get3A_387] : memref<16x131072xf32, #tpu.memory_space<vmem>>, vector<16x1024xf32>
      %exp3A_389 = math.exp %get3A_388 : vector<16x1024xf32>
      %add3A_390 = arith.addf %add3A_385, %exp3A_389 : vector<16x1024xf32>
      %get3A_391 = arith.constant 0 : index
      %get3A_392 = arith.constant 77824 : index
      %get3A_393 = vector.load %arg1[%get3A_391, %get3A_392] : memref<16x131072xf32, #tpu.memory_space<vmem>>, vector<16x1024xf32>
      %exp3A_394 = math.exp %get3A_393 : vector<16x1024xf32>
      %add3A_395 = arith.addf %add3A_390, %exp3A_394 : vector<16x1024xf32>
      %get3A_396 = arith.constant 0 : index
      %get3A_397 = arith.constant 78848 : index
      %get3A_398 = vector.load %arg1[%get3A_396, %get3A_397] : memref<16x131072xf32, #tpu.memory_space<vmem>>, vector<16x1024xf32>
      %exp3A_399 = math.exp %get3A_398 : vector<16x1024xf32>
      %add3A_400 = arith.addf %add3A_395, %exp3A_399 : vector<16x1024xf32>
      %get3A_401 = arith.constant 0 : index
      %get3A_402 = arith.constant 79872 : index
      %get3A_403 = vector.load %arg1[%get3A_401, %get3A_402] : memref<16x131072xf32, #tpu.memory_space<vmem>>, vector<16x1024xf32>
      %exp3A_404 = math.exp %get3A_403 : vector<16x1024xf32>
      %add3A_405 = arith.addf %add3A_400, %exp3A_404 : vector<16x1024xf32>
      %get3A_406 = arith.constant 0 : index
      %get3A_407 = arith.constant 80896 : index
      %get3A_408 = vector.load %arg1[%get3A_406, %get3A_407] : memref<16x131072xf32, #tpu.memory_space<vmem>>, vector<16x1024xf32>
      %exp3A_409 = math.exp %get3A_408 : vector<16x1024xf32>
      %add3A_410 = arith.addf %add3A_405, %exp3A_409 : vector<16x1024xf32>
      %get3A_411 = arith.constant 0 : index
      %get3A_412 = arith.constant 81920 : index
      %get3A_413 = vector.load %arg1[%get3A_411, %get3A_412] : memref<16x131072xf32, #tpu.memory_space<vmem>>, vector<16x1024xf32>
      %exp3A_414 = math.exp %get3A_413 : vector<16x1024xf32>
      %add3A_415 = arith.addf %add3A_410, %exp3A_414 : vector<16x1024xf32>
      %get3A_416 = arith.constant 0 : index
      %get3A_417 = arith.constant 82944 : index
      %get3A_418 = vector.load %arg1[%get3A_416, %get3A_417] : memref<16x131072xf32, #tpu.memory_space<vmem>>, vector<16x1024xf32>
      %exp3A_419 = math.exp %get3A_418 : vector<16x1024xf32>
      %add3A_420 = arith.addf %add3A_415, %exp3A_419 : vector<16x1024xf32>
      %get3A_421 = arith.constant 0 : index
      %get3A_422 = arith.constant 83968 : index
      %get3A_423 = vector.load %arg1[%get3A_421, %get3A_422] : memref<16x131072xf32, #tpu.memory_space<vmem>>, vector<16x1024xf32>
      %exp3A_424 = math.exp %get3A_423 : vector<16x1024xf32>
      %add3A_425 = arith.addf %add3A_420, %exp3A_424 : vector<16x1024xf32>
      %get3A_426 = arith.constant 0 : index
      %get3A_427 = arith.constant 84992 : index
      %get3A_428 = vector.load %arg1[%get3A_426, %get3A_427] : memref<16x131072xf32, #tpu.memory_space<vmem>>, vector<16x1024xf32>
      %exp3A_429 = math.exp %get3A_428 : vector<16x1024xf32>
      %add3A_430 = arith.addf %add3A_425, %exp3A_429 : vector<16x1024xf32>
      %get3A_431 = arith.constant 0 : index
      %get3A_432 = arith.constant 86016 : index
      %get3A_433 = vector.load %arg1[%get3A_431, %get3A_432] : memref<16x131072xf32, #tpu.memory_space<vmem>>, vector<16x1024xf32>
      %exp3A_434 = math.exp %get3A_433 : vector<16x1024xf32>
      %add3A_435 = arith.addf %add3A_430, %exp3A_434 : vector<16x1024xf32>
      %get3A_436 = arith.constant 0 : index
      %get3A_437 = arith.constant 87040 : index
      %get3A_438 = vector.load %arg1[%get3A_436, %get3A_437] : memref<16x131072xf32, #tpu.memory_space<vmem>>, vector<16x1024xf32>
      %exp3A_439 = math.exp %get3A_438 : vector<16x1024xf32>
      %add3A_440 = arith.addf %add3A_435, %exp3A_439 : vector<16x1024xf32>
      %get3A_441 = arith.constant 0 : index
      %get3A_442 = arith.constant 88064 : index
      %get3A_443 = vector.load %arg1[%get3A_441, %get3A_442] : memref<16x131072xf32, #tpu.memory_space<vmem>>, vector<16x1024xf32>
      %exp3A_444 = math.exp %get3A_443 : vector<16x1024xf32>
      %add3A_445 = arith.addf %add3A_440, %exp3A_444 : vector<16x1024xf32>
      %get3A_446 = arith.constant 0 : index
      %get3A_447 = arith.constant 89088 : index
      %get3A_448 = vector.load %arg1[%get3A_446, %get3A_447] : memref<16x131072xf32, #tpu.memory_space<vmem>>, vector<16x1024xf32>
      %exp3A_449 = math.exp %get3A_448 : vector<16x1024xf32>
      %add3A_450 = arith.addf %add3A_445, %exp3A_449 : vector<16x1024xf32>
      %get3A_451 = arith.constant 0 : index
      %get3A_452 = arith.constant 90112 : index
      %get3A_453 = vector.load %arg1[%get3A_451, %get3A_452] : memref<16x131072xf32, #tpu.memory_space<vmem>>, vector<16x1024xf32>
      %exp3A_454 = math.exp %get3A_453 : vector<16x1024xf32>
      %add3A_455 = arith.addf %add3A_450, %exp3A_454 : vector<16x1024xf32>
      %get3A_456 = arith.constant 0 : index
      %get3A_457 = arith.constant 91136 : index
      %get3A_458 = vector.load %arg1[%get3A_456, %get3A_457] : memref<16x131072xf32, #tpu.memory_space<vmem>>, vector<16x1024xf32>
      %exp3A_459 = math.exp %get3A_458 : vector<16x1024xf32>
      %add3A_460 = arith.addf %add3A_455, %exp3A_459 : vector<16x1024xf32>
      %get3A_461 = arith.constant 0 : index
      %get3A_462 = arith.constant 92160 : index
      %get3A_463 = vector.load %arg1[%get3A_461, %get3A_462] : memref<16x131072xf32, #tpu.memory_space<vmem>>, vector<16x1024xf32>
      %exp3A_464 = math.exp %get3A_463 : vector<16x1024xf32>
      %add3A_465 = arith.addf %add3A_460, %exp3A_464 : vector<16x1024xf32>
      %get3A_466 = arith.constant 0 : index
      %get3A_467 = arith.constant 93184 : index
      %get3A_468 = vector.load %arg1[%get3A_466, %get3A_467] : memref<16x131072xf32, #tpu.memory_space<vmem>>, vector<16x1024xf32>
      %exp3A_469 = math.exp %get3A_468 : vector<16x1024xf32>
      %add3A_470 = arith.addf %add3A_465, %exp3A_469 : vector<16x1024xf32>
      %get3A_471 = arith.constant 0 : index
      %get3A_472 = arith.constant 94208 : index
      %get3A_473 = vector.load %arg1[%get3A_471, %get3A_472] : memref<16x131072xf32, #tpu.memory_space<vmem>>, vector<16x1024xf32>
      %exp3A_474 = math.exp %get3A_473 : vector<16x1024xf32>
      %add3A_475 = arith.addf %add3A_470, %exp3A_474 : vector<16x1024xf32>
      %get3A_476 = arith.constant 0 : index
      %get3A_477 = arith.constant 95232 : index
      %get3A_478 = vector.load %arg1[%get3A_476, %get3A_477] : memref<16x131072xf32, #tpu.memory_space<vmem>>, vector<16x1024xf32>
      %exp3A_479 = math.exp %get3A_478 : vector<16x1024xf32>
      %add3A_480 = arith.addf %add3A_475, %exp3A_479 : vector<16x1024xf32>
      %get3A_481 = arith.constant 0 : index
      %get3A_482 = arith.constant 96256 : index
      %get3A_483 = vector.load %arg1[%get3A_481, %get3A_482] : memref<16x131072xf32, #tpu.memory_space<vmem>>, vector<16x1024xf32>
      %exp3A_484 = math.exp %get3A_483 : vector<16x1024xf32>
      %add3A_485 = arith.addf %add3A_480, %exp3A_484 : vector<16x1024xf32>
      %get3A_486 = arith.constant 0 : index
      %get3A_487 = arith.constant 97280 : index
      %get3A_488 = vector.load %arg1[%get3A_486, %get3A_487] : memref<16x131072xf32, #tpu.memory_space<vmem>>, vector<16x1024xf32>
      %exp3A_489 = math.exp %get3A_488 : vector<16x1024xf32>
      %add3A_490 = arith.addf %add3A_485, %exp3A_489 : vector<16x1024xf32>
      %get3A_491 = arith.constant 0 : index
      %get3A_492 = arith.constant 98304 : index
      %get3A_493 = vector.load %arg1[%get3A_491, %get3A_492] : memref<16x131072xf32, #tpu.memory_space<vmem>>, vector<16x1024xf32>
      %exp3A_494 = math.exp %get3A_493 : vector<16x1024xf32>
      %add3A_495 = arith.addf %add3A_490, %exp3A_494 : vector<16x1024xf32>
      %get3A_496 = arith.constant 0 : index
      %get3A_497 = arith.constant 99328 : index
      %get3A_498 = vector.load %arg1[%get3A_496, %get3A_497] : memref<16x131072xf32, #tpu.memory_space<vmem>>, vector<16x1024xf32>
      %exp3A_499 = math.exp %get3A_498 : vector<16x1024xf32>
      %add3A_500 = arith.addf %add3A_495, %exp3A_499 : vector<16x1024xf32>
      %get3A_501 = arith.constant 0 : index
      %get3A_502 = arith.constant 100352 : index
      %get3A_503 = vector.load %arg1[%get3A_501, %get3A_502] : memref<16x131072xf32, #tpu.memory_space<vmem>>, vector<16x1024xf32>
      %exp3A_504 = math.exp %get3A_503 : vector<16x1024xf32>
      %add3A_505 = arith.addf %add3A_500, %exp3A_504 : vector<16x1024xf32>
      %get3A_506 = arith.constant 0 : index
      %get3A_507 = arith.constant 101376 : index
      %get3A_508 = vector.load %arg1[%get3A_506, %get3A_507] : memref<16x131072xf32, #tpu.memory_space<vmem>>, vector<16x1024xf32>
      %exp3A_509 = math.exp %get3A_508 : vector<16x1024xf32>
      %add3A_510 = arith.addf %add3A_505, %exp3A_509 : vector<16x1024xf32>
      %get3A_511 = arith.constant 0 : index
      %get3A_512 = arith.constant 102400 : index
      %get3A_513 = vector.load %arg1[%get3A_511, %get3A_512] : memref<16x131072xf32, #tpu.memory_space<vmem>>, vector<16x1024xf32>
      %exp3A_514 = math.exp %get3A_513 : vector<16x1024xf32>
      %add3A_515 = arith.addf %add3A_510, %exp3A_514 : vector<16x1024xf32>
      %get3A_516 = arith.constant 0 : index
      %get3A_517 = arith.constant 103424 : index
      %get3A_518 = vector.load %arg1[%get3A_516, %get3A_517] : memref<16x131072xf32, #tpu.memory_space<vmem>>, vector<16x1024xf32>
      %exp3A_519 = math.exp %get3A_518 : vector<16x1024xf32>
      %add3A_520 = arith.addf %add3A_515, %exp3A_519 : vector<16x1024xf32>
      %get3A_521 = arith.constant 0 : index
      %get3A_522 = arith.constant 104448 : index
      %get3A_523 = vector.load %arg1[%get3A_521, %get3A_522] : memref<16x131072xf32, #tpu.memory_space<vmem>>, vector<16x1024xf32>
      %exp3A_524 = math.exp %get3A_523 : vector<16x1024xf32>
      %add3A_525 = arith.addf %add3A_520, %exp3A_524 : vector<16x1024xf32>
      %get3A_526 = arith.constant 0 : index
      %get3A_527 = arith.constant 105472 : index
      %get3A_528 = vector.load %arg1[%get3A_526, %get3A_527] : memref<16x131072xf32, #tpu.memory_space<vmem>>, vector<16x1024xf32>
      %exp3A_529 = math.exp %get3A_528 : vector<16x1024xf32>
      %add3A_530 = arith.addf %add3A_525, %exp3A_529 : vector<16x1024xf32>
      %get3A_531 = arith.constant 0 : index
      %get3A_532 = arith.constant 106496 : index
      %get3A_533 = vector.load %arg1[%get3A_531, %get3A_532] : memref<16x131072xf32, #tpu.memory_space<vmem>>, vector<16x1024xf32>
      %exp3A_534 = math.exp %get3A_533 : vector<16x1024xf32>
      %add3A_535 = arith.addf %add3A_530, %exp3A_534 : vector<16x1024xf32>
      %get3A_536 = arith.constant 0 : index
      %get3A_537 = arith.constant 107520 : index
      %get3A_538 = vector.load %arg1[%get3A_536, %get3A_537] : memref<16x131072xf32, #tpu.memory_space<vmem>>, vector<16x1024xf32>
      %exp3A_539 = math.exp %get3A_538 : vector<16x1024xf32>
      %add3A_540 = arith.addf %add3A_535, %exp3A_539 : vector<16x1024xf32>
      %get3A_541 = arith.constant 0 : index
      %get3A_542 = arith.constant 108544 : index
      %get3A_543 = vector.load %arg1[%get3A_541, %get3A_542] : memref<16x131072xf32, #tpu.memory_space<vmem>>, vector<16x1024xf32>
      %exp3A_544 = math.exp %get3A_543 : vector<16x1024xf32>
      %add3A_545 = arith.addf %add3A_540, %exp3A_544 : vector<16x1024xf32>
      %get3A_546 = arith.constant 0 : index
      %get3A_547 = arith.constant 109568 : index
      %get3A_548 = vector.load %arg1[%get3A_546, %get3A_547] : memref<16x131072xf32, #tpu.memory_space<vmem>>, vector<16x1024xf32>
      %exp3A_549 = math.exp %get3A_548 : vector<16x1024xf32>
      %add3A_550 = arith.addf %add3A_545, %exp3A_549 : vector<16x1024xf32>
      %get3A_551 = arith.constant 0 : index
      %get3A_552 = arith.constant 110592 : index
      %get3A_553 = vector.load %arg1[%get3A_551, %get3A_552] : memref<16x131072xf32, #tpu.memory_space<vmem>>, vector<16x1024xf32>
      %exp3A_554 = math.exp %get3A_553 : vector<16x1024xf32>
      %add3A_555 = arith.addf %add3A_550, %exp3A_554 : vector<16x1024xf32>
      %get3A_556 = arith.constant 0 : index
      %get3A_557 = arith.constant 111616 : index
      %get3A_558 = vector.load %arg1[%get3A_556, %get3A_557] : memref<16x131072xf32, #tpu.memory_space<vmem>>, vector<16x1024xf32>
      %exp3A_559 = math.exp %get3A_558 : vector<16x1024xf32>
      %add3A_560 = arith.addf %add3A_555, %exp3A_559 : vector<16x1024xf32>
      %get3A_561 = arith.constant 0 : index
      %get3A_562 = arith.constant 112640 : index
      %get3A_563 = vector.load %arg1[%get3A_561, %get3A_562] : memref<16x131072xf32, #tpu.memory_space<vmem>>, vector<16x1024xf32>
      %exp3A_564 = math.exp %get3A_563 : vector<16x1024xf32>
      %add3A_565 = arith.addf %add3A_560, %exp3A_564 : vector<16x1024xf32>
      %get3A_566 = arith.constant 0 : index
      %get3A_567 = arith.constant 113664 : index
      %get3A_568 = vector.load %arg1[%get3A_566, %get3A_567] : memref<16x131072xf32, #tpu.memory_space<vmem>>, vector<16x1024xf32>
      %exp3A_569 = math.exp %get3A_568 : vector<16x1024xf32>
      %add3A_570 = arith.addf %add3A_565, %exp3A_569 : vector<16x1024xf32>
      %get3A_571 = arith.constant 0 : index
      %get3A_572 = arith.constant 114688 : index
      %get3A_573 = vector.load %arg1[%get3A_571, %get3A_572] : memref<16x131072xf32, #tpu.memory_space<vmem>>, vector<16x1024xf32>
      %exp3A_574 = math.exp %get3A_573 : vector<16x1024xf32>
      %add3A_575 = arith.addf %add3A_570, %exp3A_574 : vector<16x1024xf32>
      %get3A_576 = arith.constant 0 : index
      %get3A_577 = arith.constant 115712 : index
      %get3A_578 = vector.load %arg1[%get3A_576, %get3A_577] : memref<16x131072xf32, #tpu.memory_space<vmem>>, vector<16x1024xf32>
      %exp3A_579 = math.exp %get3A_578 : vector<16x1024xf32>
      %add3A_580 = arith.addf %add3A_575, %exp3A_579 : vector<16x1024xf32>
      %get3A_581 = arith.constant 0 : index
      %get3A_582 = arith.constant 116736 : index
      %get3A_583 = vector.load %arg1[%get3A_581, %get3A_582] : memref<16x131072xf32, #tpu.memory_space<vmem>>, vector<16x1024xf32>
      %exp3A_584 = math.exp %get3A_583 : vector<16x1024xf32>
      %add3A_585 = arith.addf %add3A_580, %exp3A_584 : vector<16x1024xf32>
      %get3A_586 = arith.constant 0 : index
      %get3A_587 = arith.constant 117760 : index
      %get3A_588 = vector.load %arg1[%get3A_586, %get3A_587] : memref<16x131072xf32, #tpu.memory_space<vmem>>, vector<16x1024xf32>
      %exp3A_589 = math.exp %get3A_588 : vector<16x1024xf32>
      %add3A_590 = arith.addf %add3A_585, %exp3A_589 : vector<16x1024xf32>
      %get3A_591 = arith.constant 0 : index
      %get3A_592 = arith.constant 118784 : index
      %get3A_593 = vector.load %arg1[%get3A_591, %get3A_592] : memref<16x131072xf32, #tpu.memory_space<vmem>>, vector<16x1024xf32>
      %exp3A_594 = math.exp %get3A_593 : vector<16x1024xf32>
      %add3A_595 = arith.addf %add3A_590, %exp3A_594 : vector<16x1024xf32>
      %get3A_596 = arith.constant 0 : index
      %get3A_597 = arith.constant 119808 : index
      %get3A_598 = vector.load %arg1[%get3A_596, %get3A_597] : memref<16x131072xf32, #tpu.memory_space<vmem>>, vector<16x1024xf32>
      %exp3A_599 = math.exp %get3A_598 : vector<16x1024xf32>
      %add3A_600 = arith.addf %add3A_595, %exp3A_599 : vector<16x1024xf32>
      %get3A_601 = arith.constant 0 : index
      %get3A_602 = arith.constant 120832 : index
      %get3A_603 = vector.load %arg1[%get3A_601, %get3A_602] : memref<16x131072xf32, #tpu.memory_space<vmem>>, vector<16x1024xf32>
      %exp3A_604 = math.exp %get3A_603 : vector<16x1024xf32>
      %add3A_605 = arith.addf %add3A_600, %exp3A_604 : vector<16x1024xf32>
      %get3A_606 = arith.constant 0 : index
      %get3A_607 = arith.constant 121856 : index
      %get3A_608 = vector.load %arg1[%get3A_606, %get3A_607] : memref<16x131072xf32, #tpu.memory_space<vmem>>, vector<16x1024xf32>
      %exp3A_609 = math.exp %get3A_608 : vector<16x1024xf32>
      %add3A_610 = arith.addf %add3A_605, %exp3A_609 : vector<16x1024xf32>
      %get3A_611 = arith.constant 0 : index
      %get3A_612 = arith.constant 122880 : index
      %get3A_613 = vector.load %arg1[%get3A_611, %get3A_612] : memref<16x131072xf32, #tpu.memory_space<vmem>>, vector<16x1024xf32>
      %exp3A_614 = math.exp %get3A_613 : vector<16x1024xf32>
      %add3A_615 = arith.addf %add3A_610, %exp3A_614 : vector<16x1024xf32>
      %get3A_616 = arith.constant 0 : index
      %get3A_617 = arith.constant 123904 : index
      %get3A_618 = vector.load %arg1[%get3A_616, %get3A_617] : memref<16x131072xf32, #tpu.memory_space<vmem>>, vector<16x1024xf32>
      %exp3A_619 = math.exp %get3A_618 : vector<16x1024xf32>
      %add3A_620 = arith.addf %add3A_615, %exp3A_619 : vector<16x1024xf32>
      %get3A_621 = arith.constant 0 : index
      %get3A_622 = arith.constant 124928 : index
      %get3A_623 = vector.load %arg1[%get3A_621, %get3A_622] : memref<16x131072xf32, #tpu.memory_space<vmem>>, vector<16x1024xf32>
      %exp3A_624 = math.exp %get3A_623 : vector<16x1024xf32>
      %add3A_625 = arith.addf %add3A_620, %exp3A_624 : vector<16x1024xf32>
      %get3A_626 = arith.constant 0 : index
      %get3A_627 = arith.constant 125952 : index
      %get3A_628 = vector.load %arg1[%get3A_626, %get3A_627] : memref<16x131072xf32, #tpu.memory_space<vmem>>, vector<16x1024xf32>
      %exp3A_629 = math.exp %get3A_628 : vector<16x1024xf32>
      %add3A_630 = arith.addf %add3A_625, %exp3A_629 : vector<16x1024xf32>
      %get3A_631 = arith.constant 0 : index
      %get3A_632 = arith.constant 126976 : index
      %get3A_633 = vector.load %arg1[%get3A_631, %get3A_632] : memref<16x131072xf32, #tpu.memory_space<vmem>>, vector<16x1024xf32>
      %exp3A_634 = math.exp %get3A_633 : vector<16x1024xf32>
      %add3A_635 = arith.addf %add3A_630, %exp3A_634 : vector<16x1024xf32>
      %get3A_636 = arith.constant 0 : index
      %get3A_637 = arith.constant 128000 : index
      %get3A_638 = vector.load %arg1[%get3A_636, %get3A_637] : memref<16x131072xf32, #tpu.memory_space<vmem>>, vector<16x1024xf32>
      %exp3A_639 = math.exp %get3A_638 : vector<16x1024xf32>
      %add3A_640 = arith.addf %add3A_635, %exp3A_639 : vector<16x1024xf32>
      %get3A_641 = arith.constant 0 : index
      %get3A_642 = arith.constant 129024 : index
      %get3A_643 = vector.load %arg1[%get3A_641, %get3A_642] : memref<16x131072xf32, #tpu.memory_space<vmem>>, vector<16x1024xf32>
      %exp3A_644 = math.exp %get3A_643 : vector<16x1024xf32>
      %add3A_645 = arith.addf %add3A_640, %exp3A_644 : vector<16x1024xf32>
      %get3A_646 = arith.constant 0 : index
      %get3A_647 = arith.constant 130048 : index
      %get3A_648 = vector.load %arg1[%get3A_646, %get3A_647] : memref<16x131072xf32, #tpu.memory_space<vmem>>, vector<16x1024xf32>
      %exp3A_649 = math.exp %get3A_648 : vector<16x1024xf32>
      %add3A_650 = arith.addf %add3A_645, %exp3A_649 : vector<16x1024xf32>
      %swap3A = arith.constant 0 : index
      %swap3A_651 = arith.constant 0 : index
      %swap3A_652 = vector.load %arg3[%swap3A, %swap3A_651] : memref<16x1024xf32, #tpu.memory_space<vmem>>, vector<16x1024xf32>
      tpu.vector_store %arg3[%swap3A, %swap3A_651], %add3A_650 {strides = array<i32>} : memref<16x1024xf32, #tpu.memory_space<vmem>>, vector<16x1024xf32>,
    } else {
    }
    %eq3A_6 = arith.constant 4 : i32
    %eq3A_7 = arith.cmpi eq, %arg0, %eq3A_6 : i32
    %convert_element_type3A_8 = arith.extui %eq3A_7 : i1 to i32
    %cond3A_9 = arith.constant 0 : i32
    %cond3A_10 = arith.cmpi ne, %convert_element_type3A_8, %cond3A_9 : i32
    scf.if %cond3A_10 {
      %iota3A = tpu.iota {dimensions = array<i32: 1>} : vector<16x1024xi32>
      %get3A = arith.constant 0 : index
      %get3A_11 = arith.constant 0 : index
      %get3A_12 = vector.load %arg3[%get3A, %get3A_11] : memref<16x1024xf32, #tpu.memory_space<vmem>>, vector<16x1024xf32>
      %get3A_13 = arith.constant 0 : index
      %get3A_14 = arith.constant 0 : index
      %get3A_15 = vector.load %arg1[%get3A_13, %get3A_14] : memref<16x131072xf32, #tpu.memory_space<vmem>>, vector<16x1024xf32>
      %exp3A = math.exp %get3A_15 : vector<16x1024xf32>
      %add3A = arith.constant 917504 : i32
      %add3A_16 = vector.broadcast %add3A : i32 to vector<16x1024xi32>
      %add3A_17 = arith.addi %iota3A, %add3A_16 : vector<16x1024xi32>
      %lt3A_18 = arith.constant 1000000 : i32
      %lt3A_19 = vector.broadcast %lt3A_18 : i32 to vector<16x1024xi32>
      %lt3A_20 = arith.cmpi slt, %add3A_17, %lt3A_19 : vector<16x1024xi32>
      %jit3A = arith.constant 0.000000e+00 : f32
      %broadcast_in_dim3A = vector.broadcast %jit3A : f32 to vector<16x1024xf32>
      %select_n3A = arith.select %lt3A_20, %exp3A, %broadcast_in_dim3A : vector<16x1024xi1>, vector<16x1024xf32>
      %add3A_21 = arith.addf %get3A_12, %select_n3A : vector<16x1024xf32>
      %get3A_22 = arith.constant 0 : index
      %get3A_23 = arith.constant 1024 : index
      %get3A_24 = vector.load %arg1[%get3A_22, %get3A_23] : memref<16x131072xf32, #tpu.memory_space<vmem>>, vector<16x1024xf32>
      %exp3A_25 = math.exp %get3A_24 : vector<16x1024xf32>
      %add3A_26 = arith.constant 918528 : i32
      %add3A_27 = vector.broadcast %add3A_26 : i32 to vector<16x1024xi32>
      %add3A_28 = arith.addi %iota3A, %add3A_27 : vector<16x1024xi32>
      %lt3A_29 = arith.constant 1000000 : i32
      %lt3A_30 = vector.broadcast %lt3A_29 : i32 to vector<16x1024xi32>
      %lt3A_31 = arith.cmpi slt, %add3A_28, %lt3A_30 : vector<16x1024xi32>
      %jit3A_32 = arith.constant 0.000000e+00 : f32
      %broadcast_in_dim3A_33 = vector.broadcast %jit3A_32 : f32 to vector<16x1024xf32>
      %select_n3A_34 = arith.select %lt3A_31, %exp3A_25, %broadcast_in_dim3A_33 : vector<16x1024xi1>, vector<16x1024xf32>
      %add3A_35 = arith.addf %add3A_21, %select_n3A_34 : vector<16x1024xf32>
      %get3A_36 = arith.constant 0 : index
      %get3A_37 = arith.constant 2048 : index
      %get3A_38 = vector.load %arg1[%get3A_36, %get3A_37] : memref<16x131072xf32, #tpu.memory_space<vmem>>, vector<16x1024xf32>
      %exp3A_39 = math.exp %get3A_38 : vector<16x1024xf32>
      %add3A_40 = arith.constant 919552 : i32
      %add3A_41 = vector.broadcast %add3A_40 : i32 to vector<16x1024xi32>
      %add3A_42 = arith.addi %iota3A, %add3A_41 : vector<16x1024xi32>
      %lt3A_43 = arith.constant 1000000 : i32
      %lt3A_44 = vector.broadcast %lt3A_43 : i32 to vector<16x1024xi32>
      %lt3A_45 = arith.cmpi slt, %add3A_42, %lt3A_44 : vector<16x1024xi32>
      %jit3A_46 = arith.constant 0.000000e+00 : f32
      %broadcast_in_dim3A_47 = vector.broadcast %jit3A_46 : f32 to vector<16x1024xf32>
      %select_n3A_48 = arith.select %lt3A_45, %exp3A_39, %broadcast_in_dim3A_47 : vector<16x1024xi1>, vector<16x1024xf32>
      %add3A_49 = arith.addf %add3A_35, %select_n3A_48 : vector<16x1024xf32>
      %get3A_50 = arith.constant 0 : index
      %get3A_51 = arith.constant 3072 : index
      %get3A_52 = vector.load %arg1[%get3A_50, %get3A_51] : memref<16x131072xf32, #tpu.memory_space<vmem>>, vector<16x1024xf32>
      %exp3A_53 = math.exp %get3A_52 : vector<16x1024xf32>
      %add3A_54 = arith.constant 920576 : i32
      %add3A_55 = vector.broadcast %add3A_54 : i32 to vector<16x1024xi32>
      %add3A_56 = arith.addi %iota3A, %add3A_55 : vector<16x1024xi32>
      %lt3A_57 = arith.constant 1000000 : i32
      %lt3A_58 = vector.broadcast %lt3A_57 : i32 to vector<16x1024xi32>
      %lt3A_59 = arith.cmpi slt, %add3A_56, %lt3A_58 : vector<16x1024xi32>
      %jit3A_60 = arith.constant 0.000000e+00 : f32
      %broadcast_in_dim3A_61 = vector.broadcast %jit3A_60 : f32 to vector<16x1024xf32>
      %select_n3A_62 = arith.select %lt3A_59, %exp3A_53, %broadcast_in_dim3A_61 : vector<16x1024xi1>, vector<16x1024xf32>
      %add3A_63 = arith.addf %add3A_49, %select_n3A_62 : vector<16x1024xf32>
      %get3A_64 = arith.constant 0 : index
      %get3A_65 = arith.constant 4096 : index
      %get3A_66 = vector.load %arg1[%get3A_64, %get3A_65] : memref<16x131072xf32, #tpu.memory_space<vmem>>, vector<16x1024xf32>
      %exp3A_67 = math.exp %get3A_66 : vector<16x1024xf32>
      %add3A_68 = arith.constant 921600 : i32
      %add3A_69 = vector.broadcast %add3A_68 : i32 to vector<16x1024xi32>
      %add3A_70 = arith.addi %iota3A, %add3A_69 : vector<16x1024xi32>
      %lt3A_71 = arith.constant 1000000 : i32
      %lt3A_72 = vector.broadcast %lt3A_71 : i32 to vector<16x1024xi32>
      %lt3A_73 = arith.cmpi slt, %add3A_70, %lt3A_72 : vector<16x1024xi32>
      %jit3A_74 = arith.constant 0.000000e+00 : f32
      %broadcast_in_dim3A_75 = vector.broadcast %jit3A_74 : f32 to vector<16x1024xf32>
      %select_n3A_76 = arith.select %lt3A_73, %exp3A_67, %broadcast_in_dim3A_75 : vector<16x1024xi1>, vector<16x1024xf32>
      %add3A_77 = arith.addf %add3A_63, %select_n3A_76 : vector<16x1024xf32>
      %get3A_78 = arith.constant 0 : index
      %get3A_79 = arith.constant 5120 : index
      %get3A_80 = vector.load %arg1[%get3A_78, %get3A_79] : memref<16x131072xf32, #tpu.memory_space<vmem>>, vector<16x1024xf32>
      %exp3A_81 = math.exp %get3A_80 : vector<16x1024xf32>
      %add3A_82 = arith.constant 922624 : i32
      %add3A_83 = vector.broadcast %add3A_82 : i32 to vector<16x1024xi32>
      %add3A_84 = arith.addi %iota3A, %add3A_83 : vector<16x1024xi32>
      %lt3A_85 = arith.constant 1000000 : i32
      %lt3A_86 = vector.broadcast %lt3A_85 : i32 to vector<16x1024xi32>
      %lt3A_87 = arith.cmpi slt, %add3A_84, %lt3A_86 : vector<16x1024xi32>
      %jit3A_88 = arith.constant 0.000000e+00 : f32
      %broadcast_in_dim3A_89 = vector.broadcast %jit3A_88 : f32 to vector<16x1024xf32>
      %select_n3A_90 = arith.select %lt3A_87, %exp3A_81, %broadcast_in_dim3A_89 : vector<16x1024xi1>, vector<16x1024xf32>
      %add3A_91 = arith.addf %add3A_77, %select_n3A_90 : vector<16x1024xf32>
      %get3A_92 = arith.constant 0 : index
      %get3A_93 = arith.constant 6144 : index
      %get3A_94 = vector.load %arg1[%get3A_92, %get3A_93] : memref<16x131072xf32, #tpu.memory_space<vmem>>, vector<16x1024xf32>
      %exp3A_95 = math.exp %get3A_94 : vector<16x1024xf32>
      %add3A_96 = arith.constant 923648 : i32
      %add3A_97 = vector.broadcast %add3A_96 : i32 to vector<16x1024xi32>
      %add3A_98 = arith.addi %iota3A, %add3A_97 : vector<16x1024xi32>
      %lt3A_99 = arith.constant 1000000 : i32
      %lt3A_100 = vector.broadcast %lt3A_99 : i32 to vector<16x1024xi32>
      %lt3A_101 = arith.cmpi slt, %add3A_98, %lt3A_100 : vector<16x1024xi32>
      %jit3A_102 = arith.constant 0.000000e+00 : f32
      %broadcast_in_dim3A_103 = vector.broadcast %jit3A_102 : f32 to vector<16x1024xf32>
      %select_n3A_104 = arith.select %lt3A_101, %exp3A_95, %broadcast_in_dim3A_103 : vector<16x1024xi1>, vector<16x1024xf32>
      %add3A_105 = arith.addf %add3A_91, %select_n3A_104 : vector<16x1024xf32>
      %get3A_106 = arith.constant 0 : index
      %get3A_107 = arith.constant 7168 : index
      %get3A_108 = vector.load %arg1[%get3A_106, %get3A_107] : memref<16x131072xf32, #tpu.memory_space<vmem>>, vector<16x1024xf32>
      %exp3A_109 = math.exp %get3A_108 : vector<16x1024xf32>
      %add3A_110 = arith.constant 924672 : i32
      %add3A_111 = vector.broadcast %add3A_110 : i32 to vector<16x1024xi32>
      %add3A_112 = arith.addi %iota3A, %add3A_111 : vector<16x1024xi32>
      %lt3A_113 = arith.constant 1000000 : i32
      %lt3A_114 = vector.broadcast %lt3A_113 : i32 to vector<16x1024xi32>
      %lt3A_115 = arith.cmpi slt, %add3A_112, %lt3A_114 : vector<16x1024xi32>
      %jit3A_116 = arith.constant 0.000000e+00 : f32
      %broadcast_in_dim3A_117 = vector.broadcast %jit3A_116 : f32 to vector<16x1024xf32>
      %select_n3A_118 = arith.select %lt3A_115, %exp3A_109, %broadcast_in_dim3A_117 : vector<16x1024xi1>, vector<16x1024xf32>
      %add3A_119 = arith.addf %add3A_105, %select_n3A_118 : vector<16x1024xf32>
      %get3A_120 = arith.constant 0 : index
      %get3A_121 = arith.constant 8192 : index
      %get3A_122 = vector.load %arg1[%get3A_120, %get3A_121] : memref<16x131072xf32, #tpu.memory_space<vmem>>, vector<16x1024xf32>
      %exp3A_123 = math.exp %get3A_122 : vector<16x1024xf32>
      %add3A_124 = arith.constant 925696 : i32
      %add3A_125 = vector.broadcast %add3A_124 : i32 to vector<16x1024xi32>
      %add3A_126 = arith.addi %iota3A, %add3A_125 : vector<16x1024xi32>
      %lt3A_127 = arith.constant 1000000 : i32
      %lt3A_128 = vector.broadcast %lt3A_127 : i32 to vector<16x1024xi32>
      %lt3A_129 = arith.cmpi slt, %add3A_126, %lt3A_128 : vector<16x1024xi32>
      %jit3A_130 = arith.constant 0.000000e+00 : f32
      %broadcast_in_dim3A_131 = vector.broadcast %jit3A_130 : f32 to vector<16x1024xf32>
      %select_n3A_132 = arith.select %lt3A_129, %exp3A_123, %broadcast_in_dim3A_131 : vector<16x1024xi1>, vector<16x1024xf32>
      %add3A_133 = arith.addf %add3A_119, %select_n3A_132 : vector<16x1024xf32>
      %get3A_134 = arith.constant 0 : index
      %get3A_135 = arith.constant 9216 : index
      %get3A_136 = vector.load %arg1[%get3A_134, %get3A_135] : memref<16x131072xf32, #tpu.memory_space<vmem>>, vector<16x1024xf32>
      %exp3A_137 = math.exp %get3A_136 : vector<16x1024xf32>
      %add3A_138 = arith.constant 926720 : i32
      %add3A_139 = vector.broadcast %add3A_138 : i32 to vector<16x1024xi32>
      %add3A_140 = arith.addi %iota3A, %add3A_139 : vector<16x1024xi32>
      %lt3A_141 = arith.constant 1000000 : i32
      %lt3A_142 = vector.broadcast %lt3A_141 : i32 to vector<16x1024xi32>
      %lt3A_143 = arith.cmpi slt, %add3A_140, %lt3A_142 : vector<16x1024xi32>
      %jit3A_144 = arith.constant 0.000000e+00 : f32
      %broadcast_in_dim3A_145 = vector.broadcast %jit3A_144 : f32 to vector<16x1024xf32>
      %select_n3A_146 = arith.select %lt3A_143, %exp3A_137, %broadcast_in_dim3A_145 : vector<16x1024xi1>, vector<16x1024xf32>
      %add3A_147 = arith.addf %add3A_133, %select_n3A_146 : vector<16x1024xf32>
      %get3A_148 = arith.constant 0 : index
      %get3A_149 = arith.constant 10240 : index
      %get3A_150 = vector.load %arg1[%get3A_148, %get3A_149] : memref<16x131072xf32, #tpu.memory_space<vmem>>, vector<16x1024xf32>
      %exp3A_151 = math.exp %get3A_150 : vector<16x1024xf32>
      %add3A_152 = arith.constant 927744 : i32
      %add3A_153 = vector.broadcast %add3A_152 : i32 to vector<16x1024xi32>
      %add3A_154 = arith.addi %iota3A, %add3A_153 : vector<16x1024xi32>
      %lt3A_155 = arith.constant 1000000 : i32
      %lt3A_156 = vector.broadcast %lt3A_155 : i32 to vector<16x1024xi32>
      %lt3A_157 = arith.cmpi slt, %add3A_154, %lt3A_156 : vector<16x1024xi32>
      %jit3A_158 = arith.constant 0.000000e+00 : f32
      %broadcast_in_dim3A_159 = vector.broadcast %jit3A_158 : f32 to vector<16x1024xf32>
      %select_n3A_160 = arith.select %lt3A_157, %exp3A_151, %broadcast_in_dim3A_159 : vector<16x1024xi1>, vector<16x1024xf32>
      %add3A_161 = arith.addf %add3A_147, %select_n3A_160 : vector<16x1024xf32>
      %get3A_162 = arith.constant 0 : index
      %get3A_163 = arith.constant 11264 : index
      %get3A_164 = vector.load %arg1[%get3A_162, %get3A_163] : memref<16x131072xf32, #tpu.memory_space<vmem>>, vector<16x1024xf32>
      %exp3A_165 = math.exp %get3A_164 : vector<16x1024xf32>
      %add3A_166 = arith.constant 928768 : i32
      %add3A_167 = vector.broadcast %add3A_166 : i32 to vector<16x1024xi32>
      %add3A_168 = arith.addi %iota3A, %add3A_167 : vector<16x1024xi32>
      %lt3A_169 = arith.constant 1000000 : i32
      %lt3A_170 = vector.broadcast %lt3A_169 : i32 to vector<16x1024xi32>
      %lt3A_171 = arith.cmpi slt, %add3A_168, %lt3A_170 : vector<16x1024xi32>
      %jit3A_172 = arith.constant 0.000000e+00 : f32
      %broadcast_in_dim3A_173 = vector.broadcast %jit3A_172 : f32 to vector<16x1024xf32>
      %select_n3A_174 = arith.select %lt3A_171, %exp3A_165, %broadcast_in_dim3A_173 : vector<16x1024xi1>, vector<16x1024xf32>
      %add3A_175 = arith.addf %add3A_161, %select_n3A_174 : vector<16x1024xf32>
      %get3A_176 = arith.constant 0 : index
      %get3A_177 = arith.constant 12288 : index
      %get3A_178 = vector.load %arg1[%get3A_176, %get3A_177] : memref<16x131072xf32, #tpu.memory_space<vmem>>, vector<16x1024xf32>
      %exp3A_179 = math.exp %get3A_178 : vector<16x1024xf32>
      %add3A_180 = arith.constant 929792 : i32
      %add3A_181 = vector.broadcast %add3A_180 : i32 to vector<16x1024xi32>
      %add3A_182 = arith.addi %iota3A, %add3A_181 : vector<16x1024xi32>
      %lt3A_183 = arith.constant 1000000 : i32
      %lt3A_184 = vector.broadcast %lt3A_183 : i32 to vector<16x1024xi32>
      %lt3A_185 = arith.cmpi slt, %add3A_182, %lt3A_184 : vector<16x1024xi32>
      %jit3A_186 = arith.constant 0.000000e+00 : f32
      %broadcast_in_dim3A_187 = vector.broadcast %jit3A_186 : f32 to vector<16x1024xf32>
      %select_n3A_188 = arith.select %lt3A_185, %exp3A_179, %broadcast_in_dim3A_187 : vector<16x1024xi1>, vector<16x1024xf32>
      %add3A_189 = arith.addf %add3A_175, %select_n3A_188 : vector<16x1024xf32>
      %get3A_190 = arith.constant 0 : index
      %get3A_191 = arith.constant 13312 : index
      %get3A_192 = vector.load %arg1[%get3A_190, %get3A_191] : memref<16x131072xf32, #tpu.memory_space<vmem>>, vector<16x1024xf32>
      %exp3A_193 = math.exp %get3A_192 : vector<16x1024xf32>
      %add3A_194 = arith.constant 930816 : i32
      %add3A_195 = vector.broadcast %add3A_194 : i32 to vector<16x1024xi32>
      %add3A_196 = arith.addi %iota3A, %add3A_195 : vector<16x1024xi32>
      %lt3A_197 = arith.constant 1000000 : i32
      %lt3A_198 = vector.broadcast %lt3A_197 : i32 to vector<16x1024xi32>
      %lt3A_199 = arith.cmpi slt, %add3A_196, %lt3A_198 : vector<16x1024xi32>
      %jit3A_200 = arith.constant 0.000000e+00 : f32
      %broadcast_in_dim3A_201 = vector.broadcast %jit3A_200 : f32 to vector<16x1024xf32>
      %select_n3A_202 = arith.select %lt3A_199, %exp3A_193, %broadcast_in_dim3A_201 : vector<16x1024xi1>, vector<16x1024xf32>
      %add3A_203 = arith.addf %add3A_189, %select_n3A_202 : vector<16x1024xf32>
      %get3A_204 = arith.constant 0 : index
      %get3A_205 = arith.constant 14336 : index
      %get3A_206 = vector.load %arg1[%get3A_204, %get3A_205] : memref<16x131072xf32, #tpu.memory_space<vmem>>, vector<16x1024xf32>
      %exp3A_207 = math.exp %get3A_206 : vector<16x1024xf32>
      %add3A_208 = arith.constant 931840 : i32
      %add3A_209 = vector.broadcast %add3A_208 : i32 to vector<16x1024xi32>
      %add3A_210 = arith.addi %iota3A, %add3A_209 : vector<16x1024xi32>
      %lt3A_211 = arith.constant 1000000 : i32
      %lt3A_212 = vector.broadcast %lt3A_211 : i32 to vector<16x1024xi32>
      %lt3A_213 = arith.cmpi slt, %add3A_210, %lt3A_212 : vector<16x1024xi32>
      %jit3A_214 = arith.constant 0.000000e+00 : f32
      %broadcast_in_dim3A_215 = vector.broadcast %jit3A_214 : f32 to vector<16x1024xf32>
      %select_n3A_216 = arith.select %lt3A_213, %exp3A_207, %broadcast_in_dim3A_215 : vector<16x1024xi1>, vector<16x1024xf32>
      %add3A_217 = arith.addf %add3A_203, %select_n3A_216 : vector<16x1024xf32>
      %get3A_218 = arith.constant 0 : index
      %get3A_219 = arith.constant 15360 : index
      %get3A_220 = vector.load %arg1[%get3A_218, %get3A_219] : memref<16x131072xf32, #tpu.memory_space<vmem>>, vector<16x1024xf32>
      %exp3A_221 = math.exp %get3A_220 : vector<16x1024xf32>
      %add3A_222 = arith.constant 932864 : i32
      %add3A_223 = vector.broadcast %add3A_222 : i32 to vector<16x1024xi32>
      %add3A_224 = arith.addi %iota3A, %add3A_223 : vector<16x1024xi32>
      %lt3A_225 = arith.constant 1000000 : i32
      %lt3A_226 = vector.broadcast %lt3A_225 : i32 to vector<16x1024xi32>
      %lt3A_227 = arith.cmpi slt, %add3A_224, %lt3A_226 : vector<16x1024xi32>
      %jit3A_228 = arith.constant 0.000000e+00 : f32
      %broadcast_in_dim3A_229 = vector.broadcast %jit3A_228 : f32 to vector<16x1024xf32>
      %select_n3A_230 = arith.select %lt3A_227, %exp3A_221, %broadcast_in_dim3A_229 : vector<16x1024xi1>, vector<16x1024xf32>
      %add3A_231 = arith.addf %add3A_217, %select_n3A_230 : vector<16x1024xf32>
      %get3A_232 = arith.constant 0 : index
      %get3A_233 = arith.constant 16384 : index
      %get3A_234 = vector.load %arg1[%get3A_232, %get3A_233] : memref<16x131072xf32, #tpu.memory_space<vmem>>, vector<16x1024xf32>
      %exp3A_235 = math.exp %get3A_234 : vector<16x1024xf32>
      %add3A_236 = arith.constant 933888 : i32
      %add3A_237 = vector.broadcast %add3A_236 : i32 to vector<16x1024xi32>
      %add3A_238 = arith.addi %iota3A, %add3A_237 : vector<16x1024xi32>
      %lt3A_239 = arith.constant 1000000 : i32
      %lt3A_240 = vector.broadcast %lt3A_239 : i32 to vector<16x1024xi32>
      %lt3A_241 = arith.cmpi slt, %add3A_238, %lt3A_240 : vector<16x1024xi32>
      %jit3A_242 = arith.constant 0.000000e+00 : f32
      %broadcast_in_dim3A_243 = vector.broadcast %jit3A_242 : f32 to vector<16x1024xf32>
      %select_n3A_244 = arith.select %lt3A_241, %exp3A_235, %broadcast_in_dim3A_243 : vector<16x1024xi1>, vector<16x1024xf32>
      %add3A_245 = arith.addf %add3A_231, %select_n3A_244 : vector<16x1024xf32>
      %get3A_246 = arith.constant 0 : index
      %get3A_247 = arith.constant 17408 : index
      %get3A_248 = vector.load %arg1[%get3A_246, %get3A_247] : memref<16x131072xf32, #tpu.memory_space<vmem>>, vector<16x1024xf32>
      %exp3A_249 = math.exp %get3A_248 : vector<16x1024xf32>
      %add3A_250 = arith.constant 934912 : i32
      %add3A_251 = vector.broadcast %add3A_250 : i32 to vector<16x1024xi32>
      %add3A_252 = arith.addi %iota3A, %add3A_251 : vector<16x1024xi32>
      %lt3A_253 = arith.constant 1000000 : i32
      %lt3A_254 = vector.broadcast %lt3A_253 : i32 to vector<16x1024xi32>
      %lt3A_255 = arith.cmpi slt, %add3A_252, %lt3A_254 : vector<16x1024xi32>
      %jit3A_256 = arith.constant 0.000000e+00 : f32
      %broadcast_in_dim3A_257 = vector.broadcast %jit3A_256 : f32 to vector<16x1024xf32>
      %select_n3A_258 = arith.select %lt3A_255, %exp3A_249, %broadcast_in_dim3A_257 : vector<16x1024xi1>, vector<16x1024xf32>
      %add3A_259 = arith.addf %add3A_245, %select_n3A_258 : vector<16x1024xf32>
      %get3A_260 = arith.constant 0 : index
      %get3A_261 = arith.constant 18432 : index
      %get3A_262 = vector.load %arg1[%get3A_260, %get3A_261] : memref<16x131072xf32, #tpu.memory_space<vmem>>, vector<16x1024xf32>
      %exp3A_263 = math.exp %get3A_262 : vector<16x1024xf32>
      %add3A_264 = arith.constant 935936 : i32
      %add3A_265 = vector.broadcast %add3A_264 : i32 to vector<16x1024xi32>
      %add3A_266 = arith.addi %iota3A, %add3A_265 : vector<16x1024xi32>
      %lt3A_267 = arith.constant 1000000 : i32
      %lt3A_268 = vector.broadcast %lt3A_267 : i32 to vector<16x1024xi32>
      %lt3A_269 = arith.cmpi slt, %add3A_266, %lt3A_268 : vector<16x1024xi32>
      %jit3A_270 = arith.constant 0.000000e+00 : f32
      %broadcast_in_dim3A_271 = vector.broadcast %jit3A_270 : f32 to vector<16x1024xf32>
      %select_n3A_272 = arith.select %lt3A_269, %exp3A_263, %broadcast_in_dim3A_271 : vector<16x1024xi1>, vector<16x1024xf32>
      %add3A_273 = arith.addf %add3A_259, %select_n3A_272 : vector<16x1024xf32>
      %get3A_274 = arith.constant 0 : index
      %get3A_275 = arith.constant 19456 : index
      %get3A_276 = vector.load %arg1[%get3A_274, %get3A_275] : memref<16x131072xf32, #tpu.memory_space<vmem>>, vector<16x1024xf32>
      %exp3A_277 = math.exp %get3A_276 : vector<16x1024xf32>
      %add3A_278 = arith.constant 936960 : i32
      %add3A_279 = vector.broadcast %add3A_278 : i32 to vector<16x1024xi32>
      %add3A_280 = arith.addi %iota3A, %add3A_279 : vector<16x1024xi32>
      %lt3A_281 = arith.constant 1000000 : i32
      %lt3A_282 = vector.broadcast %lt3A_281 : i32 to vector<16x1024xi32>
      %lt3A_283 = arith.cmpi slt, %add3A_280, %lt3A_282 : vector<16x1024xi32>
      %jit3A_284 = arith.constant 0.000000e+00 : f32
      %broadcast_in_dim3A_285 = vector.broadcast %jit3A_284 : f32 to vector<16x1024xf32>
      %select_n3A_286 = arith.select %lt3A_283, %exp3A_277, %broadcast_in_dim3A_285 : vector<16x1024xi1>, vector<16x1024xf32>
      %add3A_287 = arith.addf %add3A_273, %select_n3A_286 : vector<16x1024xf32>
      %get3A_288 = arith.constant 0 : index
      %get3A_289 = arith.constant 20480 : index
      %get3A_290 = vector.load %arg1[%get3A_288, %get3A_289] : memref<16x131072xf32, #tpu.memory_space<vmem>>, vector<16x1024xf32>
      %exp3A_291 = math.exp %get3A_290 : vector<16x1024xf32>
      %add3A_292 = arith.constant 937984 : i32
      %add3A_293 = vector.broadcast %add3A_292 : i32 to vector<16x1024xi32>
      %add3A_294 = arith.addi %iota3A, %add3A_293 : vector<16x1024xi32>
      %lt3A_295 = arith.constant 1000000 : i32
      %lt3A_296 = vector.broadcast %lt3A_295 : i32 to vector<16x1024xi32>
      %lt3A_297 = arith.cmpi slt, %add3A_294, %lt3A_296 : vector<16x1024xi32>
      %jit3A_298 = arith.constant 0.000000e+00 : f32
      %broadcast_in_dim3A_299 = vector.broadcast %jit3A_298 : f32 to vector<16x1024xf32>
      %select_n3A_300 = arith.select %lt3A_297, %exp3A_291, %broadcast_in_dim3A_299 : vector<16x1024xi1>, vector<16x1024xf32>
      %add3A_301 = arith.addf %add3A_287, %select_n3A_300 : vector<16x1024xf32>
      %get3A_302 = arith.constant 0 : index
      %get3A_303 = arith.constant 21504 : index
      %get3A_304 = vector.load %arg1[%get3A_302, %get3A_303] : memref<16x131072xf32, #tpu.memory_space<vmem>>, vector<16x1024xf32>
      %exp3A_305 = math.exp %get3A_304 : vector<16x1024xf32>
      %add3A_306 = arith.constant 939008 : i32
      %add3A_307 = vector.broadcast %add3A_306 : i32 to vector<16x1024xi32>
      %add3A_308 = arith.addi %iota3A, %add3A_307 : vector<16x1024xi32>
      %lt3A_309 = arith.constant 1000000 : i32
      %lt3A_310 = vector.broadcast %lt3A_309 : i32 to vector<16x1024xi32>
      %lt3A_311 = arith.cmpi slt, %add3A_308, %lt3A_310 : vector<16x1024xi32>
      %jit3A_312 = arith.constant 0.000000e+00 : f32
      %broadcast_in_dim3A_313 = vector.broadcast %jit3A_312 : f32 to vector<16x1024xf32>
      %select_n3A_314 = arith.select %lt3A_311, %exp3A_305, %broadcast_in_dim3A_313 : vector<16x1024xi1>, vector<16x1024xf32>
      %add3A_315 = arith.addf %add3A_301, %select_n3A_314 : vector<16x1024xf32>
      %get3A_316 = arith.constant 0 : index
      %get3A_317 = arith.constant 22528 : index
      %get3A_318 = vector.load %arg1[%get3A_316, %get3A_317] : memref<16x131072xf32, #tpu.memory_space<vmem>>, vector<16x1024xf32>
      %exp3A_319 = math.exp %get3A_318 : vector<16x1024xf32>
      %add3A_320 = arith.constant 940032 : i32
      %add3A_321 = vector.broadcast %add3A_320 : i32 to vector<16x1024xi32>
      %add3A_322 = arith.addi %iota3A, %add3A_321 : vector<16x1024xi32>
      %lt3A_323 = arith.constant 1000000 : i32
      %lt3A_324 = vector.broadcast %lt3A_323 : i32 to vector<16x1024xi32>
      %lt3A_325 = arith.cmpi slt, %add3A_322, %lt3A_324 : vector<16x1024xi32>
      %jit3A_326 = arith.constant 0.000000e+00 : f32
      %broadcast_in_dim3A_327 = vector.broadcast %jit3A_326 : f32 to vector<16x1024xf32>
      %select_n3A_328 = arith.select %lt3A_325, %exp3A_319, %broadcast_in_dim3A_327 : vector<16x1024xi1>, vector<16x1024xf32>
      %add3A_329 = arith.addf %add3A_315, %select_n3A_328 : vector<16x1024xf32>
      %get3A_330 = arith.constant 0 : index
      %get3A_331 = arith.constant 23552 : index
      %get3A_332 = vector.load %arg1[%get3A_330, %get3A_331] : memref<16x131072xf32, #tpu.memory_space<vmem>>, vector<16x1024xf32>
      %exp3A_333 = math.exp %get3A_332 : vector<16x1024xf32>
      %add3A_334 = arith.constant 941056 : i32
      %add3A_335 = vector.broadcast %add3A_334 : i32 to vector<16x1024xi32>
      %add3A_336 = arith.addi %iota3A, %add3A_335 : vector<16x1024xi32>
      %lt3A_337 = arith.constant 1000000 : i32
      %lt3A_338 = vector.broadcast %lt3A_337 : i32 to vector<16x1024xi32>
      %lt3A_339 = arith.cmpi slt, %add3A_336, %lt3A_338 : vector<16x1024xi32>
      %jit3A_340 = arith.constant 0.000000e+00 : f32
      %broadcast_in_dim3A_341 = vector.broadcast %jit3A_340 : f32 to vector<16x1024xf32>
      %select_n3A_342 = arith.select %lt3A_339, %exp3A_333, %broadcast_in_dim3A_341 : vector<16x1024xi1>, vector<16x1024xf32>
      %add3A_343 = arith.addf %add3A_329, %select_n3A_342 : vector<16x1024xf32>
      %get3A_344 = arith.constant 0 : index
      %get3A_345 = arith.constant 24576 : index
      %get3A_346 = vector.load %arg1[%get3A_344, %get3A_345] : memref<16x131072xf32, #tpu.memory_space<vmem>>, vector<16x1024xf32>
      %exp3A_347 = math.exp %get3A_346 : vector<16x1024xf32>
      %add3A_348 = arith.constant 942080 : i32
      %add3A_349 = vector.broadcast %add3A_348 : i32 to vector<16x1024xi32>
      %add3A_350 = arith.addi %iota3A, %add3A_349 : vector<16x1024xi32>
      %lt3A_351 = arith.constant 1000000 : i32
      %lt3A_352 = vector.broadcast %lt3A_351 : i32 to vector<16x1024xi32>
      %lt3A_353 = arith.cmpi slt, %add3A_350, %lt3A_352 : vector<16x1024xi32>
      %jit3A_354 = arith.constant 0.000000e+00 : f32
      %broadcast_in_dim3A_355 = vector.broadcast %jit3A_354 : f32 to vector<16x1024xf32>
      %select_n3A_356 = arith.select %lt3A_353, %exp3A_347, %broadcast_in_dim3A_355 : vector<16x1024xi1>, vector<16x1024xf32>
      %add3A_357 = arith.addf %add3A_343, %select_n3A_356 : vector<16x1024xf32>
      %get3A_358 = arith.constant 0 : index
      %get3A_359 = arith.constant 25600 : index
      %get3A_360 = vector.load %arg1[%get3A_358, %get3A_359] : memref<16x131072xf32, #tpu.memory_space<vmem>>, vector<16x1024xf32>
      %exp3A_361 = math.exp %get3A_360 : vector<16x1024xf32>
      %add3A_362 = arith.constant 943104 : i32
      %add3A_363 = vector.broadcast %add3A_362 : i32 to vector<16x1024xi32>
      %add3A_364 = arith.addi %iota3A, %add3A_363 : vector<16x1024xi32>
      %lt3A_365 = arith.constant 1000000 : i32
      %lt3A_366 = vector.broadcast %lt3A_365 : i32 to vector<16x1024xi32>
      %lt3A_367 = arith.cmpi slt, %add3A_364, %lt3A_366 : vector<16x1024xi32>
      %jit3A_368 = arith.constant 0.000000e+00 : f32
      %broadcast_in_dim3A_369 = vector.broadcast %jit3A_368 : f32 to vector<16x1024xf32>
      %select_n3A_370 = arith.select %lt3A_367, %exp3A_361, %broadcast_in_dim3A_369 : vector<16x1024xi1>, vector<16x1024xf32>
      %add3A_371 = arith.addf %add3A_357, %select_n3A_370 : vector<16x1024xf32>
      %get3A_372 = arith.constant 0 : index
      %get3A_373 = arith.constant 26624 : index
      %get3A_374 = vector.load %arg1[%get3A_372, %get3A_373] : memref<16x131072xf32, #tpu.memory_space<vmem>>, vector<16x1024xf32>
      %exp3A_375 = math.exp %get3A_374 : vector<16x1024xf32>
      %add3A_376 = arith.constant 944128 : i32
      %add3A_377 = vector.broadcast %add3A_376 : i32 to vector<16x1024xi32>
      %add3A_378 = arith.addi %iota3A, %add3A_377 : vector<16x1024xi32>
      %lt3A_379 = arith.constant 1000000 : i32
      %lt3A_380 = vector.broadcast %lt3A_379 : i32 to vector<16x1024xi32>
      %lt3A_381 = arith.cmpi slt, %add3A_378, %lt3A_380 : vector<16x1024xi32>
      %jit3A_382 = arith.constant 0.000000e+00 : f32
      %broadcast_in_dim3A_383 = vector.broadcast %jit3A_382 : f32 to vector<16x1024xf32>
      %select_n3A_384 = arith.select %lt3A_381, %exp3A_375, %broadcast_in_dim3A_383 : vector<16x1024xi1>, vector<16x1024xf32>
      %add3A_385 = arith.addf %add3A_371, %select_n3A_384 : vector<16x1024xf32>
      %get3A_386 = arith.constant 0 : index
      %get3A_387 = arith.constant 27648 : index
      %get3A_388 = vector.load %arg1[%get3A_386, %get3A_387] : memref<16x131072xf32, #tpu.memory_space<vmem>>, vector<16x1024xf32>
      %exp3A_389 = math.exp %get3A_388 : vector<16x1024xf32>
      %add3A_390 = arith.constant 945152 : i32
      %add3A_391 = vector.broadcast %add3A_390 : i32 to vector<16x1024xi32>
      %add3A_392 = arith.addi %iota3A, %add3A_391 : vector<16x1024xi32>
      %lt3A_393 = arith.constant 1000000 : i32
      %lt3A_394 = vector.broadcast %lt3A_393 : i32 to vector<16x1024xi32>
      %lt3A_395 = arith.cmpi slt, %add3A_392, %lt3A_394 : vector<16x1024xi32>
      %jit3A_396 = arith.constant 0.000000e+00 : f32
      %broadcast_in_dim3A_397 = vector.broadcast %jit3A_396 : f32 to vector<16x1024xf32>
      %select_n3A_398 = arith.select %lt3A_395, %exp3A_389, %broadcast_in_dim3A_397 : vector<16x1024xi1>, vector<16x1024xf32>
      %add3A_399 = arith.addf %add3A_385, %select_n3A_398 : vector<16x1024xf32>
      %get3A_400 = arith.constant 0 : index
      %get3A_401 = arith.constant 28672 : index
      %get3A_402 = vector.load %arg1[%get3A_400, %get3A_401] : memref<16x131072xf32, #tpu.memory_space<vmem>>, vector<16x1024xf32>
      %exp3A_403 = math.exp %get3A_402 : vector<16x1024xf32>
      %add3A_404 = arith.constant 946176 : i32
      %add3A_405 = vector.broadcast %add3A_404 : i32 to vector<16x1024xi32>
      %add3A_406 = arith.addi %iota3A, %add3A_405 : vector<16x1024xi32>
      %lt3A_407 = arith.constant 1000000 : i32
      %lt3A_408 = vector.broadcast %lt3A_407 : i32 to vector<16x1024xi32>
      %lt3A_409 = arith.cmpi slt, %add3A_406, %lt3A_408 : vector<16x1024xi32>
      %jit3A_410 = arith.constant 0.000000e+00 : f32
      %broadcast_in_dim3A_411 = vector.broadcast %jit3A_410 : f32 to vector<16x1024xf32>
      %select_n3A_412 = arith.select %lt3A_409, %exp3A_403, %broadcast_in_dim3A_411 : vector<16x1024xi1>, vector<16x1024xf32>
      %add3A_413 = arith.addf %add3A_399, %select_n3A_412 : vector<16x1024xf32>
      %get3A_414 = arith.constant 0 : index
      %get3A_415 = arith.constant 29696 : index
      %get3A_416 = vector.load %arg1[%get3A_414, %get3A_415] : memref<16x131072xf32, #tpu.memory_space<vmem>>, vector<16x1024xf32>
      %exp3A_417 = math.exp %get3A_416 : vector<16x1024xf32>
      %add3A_418 = arith.constant 947200 : i32
      %add3A_419 = vector.broadcast %add3A_418 : i32 to vector<16x1024xi32>
      %add3A_420 = arith.addi %iota3A, %add3A_419 : vector<16x1024xi32>
      %lt3A_421 = arith.constant 1000000 : i32
      %lt3A_422 = vector.broadcast %lt3A_421 : i32 to vector<16x1024xi32>
      %lt3A_423 = arith.cmpi slt, %add3A_420, %lt3A_422 : vector<16x1024xi32>
      %jit3A_424 = arith.constant 0.000000e+00 : f32
      %broadcast_in_dim3A_425 = vector.broadcast %jit3A_424 : f32 to vector<16x1024xf32>
      %select_n3A_426 = arith.select %lt3A_423, %exp3A_417, %broadcast_in_dim3A_425 : vector<16x1024xi1>, vector<16x1024xf32>
      %add3A_427 = arith.addf %add3A_413, %select_n3A_426 : vector<16x1024xf32>
      %get3A_428 = arith.constant 0 : index
      %get3A_429 = arith.constant 30720 : index
      %get3A_430 = vector.load %arg1[%get3A_428, %get3A_429] : memref<16x131072xf32, #tpu.memory_space<vmem>>, vector<16x1024xf32>
      %exp3A_431 = math.exp %get3A_430 : vector<16x1024xf32>
      %add3A_432 = arith.constant 948224 : i32
      %add3A_433 = vector.broadcast %add3A_432 : i32 to vector<16x1024xi32>
      %add3A_434 = arith.addi %iota3A, %add3A_433 : vector<16x1024xi32>
      %lt3A_435 = arith.constant 1000000 : i32
      %lt3A_436 = vector.broadcast %lt3A_435 : i32 to vector<16x1024xi32>
      %lt3A_437 = arith.cmpi slt, %add3A_434, %lt3A_436 : vector<16x1024xi32>
      %jit3A_438 = arith.constant 0.000000e+00 : f32
      %broadcast_in_dim3A_439 = vector.broadcast %jit3A_438 : f32 to vector<16x1024xf32>
      %select_n3A_440 = arith.select %lt3A_437, %exp3A_431, %broadcast_in_dim3A_439 : vector<16x1024xi1>, vector<16x1024xf32>
      %add3A_441 = arith.addf %add3A_427, %select_n3A_440 : vector<16x1024xf32>
      %get3A_442 = arith.constant 0 : index
      %get3A_443 = arith.constant 31744 : index
      %get3A_444 = vector.load %arg1[%get3A_442, %get3A_443] : memref<16x131072xf32, #tpu.memory_space<vmem>>, vector<16x1024xf32>
      %exp3A_445 = math.exp %get3A_444 : vector<16x1024xf32>
      %add3A_446 = arith.constant 949248 : i32
      %add3A_447 = vector.broadcast %add3A_446 : i32 to vector<16x1024xi32>
      %add3A_448 = arith.addi %iota3A, %add3A_447 : vector<16x1024xi32>
      %lt3A_449 = arith.constant 1000000 : i32
      %lt3A_450 = vector.broadcast %lt3A_449 : i32 to vector<16x1024xi32>
      %lt3A_451 = arith.cmpi slt, %add3A_448, %lt3A_450 : vector<16x1024xi32>
      %jit3A_452 = arith.constant 0.000000e+00 : f32
      %broadcast_in_dim3A_453 = vector.broadcast %jit3A_452 : f32 to vector<16x1024xf32>
      %select_n3A_454 = arith.select %lt3A_451, %exp3A_445, %broadcast_in_dim3A_453 : vector<16x1024xi1>, vector<16x1024xf32>
      %add3A_455 = arith.addf %add3A_441, %select_n3A_454 : vector<16x1024xf32>
      %get3A_456 = arith.constant 0 : index
      %get3A_457 = arith.constant 32768 : index
      %get3A_458 = vector.load %arg1[%get3A_456, %get3A_457] : memref<16x131072xf32, #tpu.memory_space<vmem>>, vector<16x1024xf32>
      %exp3A_459 = math.exp %get3A_458 : vector<16x1024xf32>
      %add3A_460 = arith.constant 950272 : i32
      %add3A_461 = vector.broadcast %add3A_460 : i32 to vector<16x1024xi32>
      %add3A_462 = arith.addi %iota3A, %add3A_461 : vector<16x1024xi32>
      %lt3A_463 = arith.constant 1000000 : i32
      %lt3A_464 = vector.broadcast %lt3A_463 : i32 to vector<16x1024xi32>
      %lt3A_465 = arith.cmpi slt, %add3A_462, %lt3A_464 : vector<16x1024xi32>
      %jit3A_466 = arith.constant 0.000000e+00 : f32
      %broadcast_in_dim3A_467 = vector.broadcast %jit3A_466 : f32 to vector<16x1024xf32>
      %select_n3A_468 = arith.select %lt3A_465, %exp3A_459, %broadcast_in_dim3A_467 : vector<16x1024xi1>, vector<16x1024xf32>
      %add3A_469 = arith.addf %add3A_455, %select_n3A_468 : vector<16x1024xf32>
      %get3A_470 = arith.constant 0 : index
      %get3A_471 = arith.constant 33792 : index
      %get3A_472 = vector.load %arg1[%get3A_470, %get3A_471] : memref<16x131072xf32, #tpu.memory_space<vmem>>, vector<16x1024xf32>
      %exp3A_473 = math.exp %get3A_472 : vector<16x1024xf32>
      %add3A_474 = arith.constant 951296 : i32
      %add3A_475 = vector.broadcast %add3A_474 : i32 to vector<16x1024xi32>
      %add3A_476 = arith.addi %iota3A, %add3A_475 : vector<16x1024xi32>
      %lt3A_477 = arith.constant 1000000 : i32
      %lt3A_478 = vector.broadcast %lt3A_477 : i32 to vector<16x1024xi32>
      %lt3A_479 = arith.cmpi slt, %add3A_476, %lt3A_478 : vector<16x1024xi32>
      %jit3A_480 = arith.constant 0.000000e+00 : f32
      %broadcast_in_dim3A_481 = vector.broadcast %jit3A_480 : f32 to vector<16x1024xf32>
      %select_n3A_482 = arith.select %lt3A_479, %exp3A_473, %broadcast_in_dim3A_481 : vector<16x1024xi1>, vector<16x1024xf32>
      %add3A_483 = arith.addf %add3A_469, %select_n3A_482 : vector<16x1024xf32>
      %get3A_484 = arith.constant 0 : index
      %get3A_485 = arith.constant 34816 : index
      %get3A_486 = vector.load %arg1[%get3A_484, %get3A_485] : memref<16x131072xf32, #tpu.memory_space<vmem>>, vector<16x1024xf32>
      %exp3A_487 = math.exp %get3A_486 : vector<16x1024xf32>
      %add3A_488 = arith.constant 952320 : i32
      %add3A_489 = vector.broadcast %add3A_488 : i32 to vector<16x1024xi32>
      %add3A_490 = arith.addi %iota3A, %add3A_489 : vector<16x1024xi32>
      %lt3A_491 = arith.constant 1000000 : i32
      %lt3A_492 = vector.broadcast %lt3A_491 : i32 to vector<16x1024xi32>
      %lt3A_493 = arith.cmpi slt, %add3A_490, %lt3A_492 : vector<16x1024xi32>
      %jit3A_494 = arith.constant 0.000000e+00 : f32
      %broadcast_in_dim3A_495 = vector.broadcast %jit3A_494 : f32 to vector<16x1024xf32>
      %select_n3A_496 = arith.select %lt3A_493, %exp3A_487, %broadcast_in_dim3A_495 : vector<16x1024xi1>, vector<16x1024xf32>
      %add3A_497 = arith.addf %add3A_483, %select_n3A_496 : vector<16x1024xf32>
      %get3A_498 = arith.constant 0 : index
      %get3A_499 = arith.constant 35840 : index
      %get3A_500 = vector.load %arg1[%get3A_498, %get3A_499] : memref<16x131072xf32, #tpu.memory_space<vmem>>, vector<16x1024xf32>
      %exp3A_501 = math.exp %get3A_500 : vector<16x1024xf32>
      %add3A_502 = arith.constant 953344 : i32
      %add3A_503 = vector.broadcast %add3A_502 : i32 to vector<16x1024xi32>
      %add3A_504 = arith.addi %iota3A, %add3A_503 : vector<16x1024xi32>
      %lt3A_505 = arith.constant 1000000 : i32
      %lt3A_506 = vector.broadcast %lt3A_505 : i32 to vector<16x1024xi32>
      %lt3A_507 = arith.cmpi slt, %add3A_504, %lt3A_506 : vector<16x1024xi32>
      %jit3A_508 = arith.constant 0.000000e+00 : f32
      %broadcast_in_dim3A_509 = vector.broadcast %jit3A_508 : f32 to vector<16x1024xf32>
      %select_n3A_510 = arith.select %lt3A_507, %exp3A_501, %broadcast_in_dim3A_509 : vector<16x1024xi1>, vector<16x1024xf32>
      %add3A_511 = arith.addf %add3A_497, %select_n3A_510 : vector<16x1024xf32>
      %get3A_512 = arith.constant 0 : index
      %get3A_513 = arith.constant 36864 : index
      %get3A_514 = vector.load %arg1[%get3A_512, %get3A_513] : memref<16x131072xf32, #tpu.memory_space<vmem>>, vector<16x1024xf32>
      %exp3A_515 = math.exp %get3A_514 : vector<16x1024xf32>
      %add3A_516 = arith.constant 954368 : i32
      %add3A_517 = vector.broadcast %add3A_516 : i32 to vector<16x1024xi32>
      %add3A_518 = arith.addi %iota3A, %add3A_517 : vector<16x1024xi32>
      %lt3A_519 = arith.constant 1000000 : i32
      %lt3A_520 = vector.broadcast %lt3A_519 : i32 to vector<16x1024xi32>
      %lt3A_521 = arith.cmpi slt, %add3A_518, %lt3A_520 : vector<16x1024xi32>
      %jit3A_522 = arith.constant 0.000000e+00 : f32
      %broadcast_in_dim3A_523 = vector.broadcast %jit3A_522 : f32 to vector<16x1024xf32>
      %select_n3A_524 = arith.select %lt3A_521, %exp3A_515, %broadcast_in_dim3A_523 : vector<16x1024xi1>, vector<16x1024xf32>
      %add3A_525 = arith.addf %add3A_511, %select_n3A_524 : vector<16x1024xf32>
      %get3A_526 = arith.constant 0 : index
      %get3A_527 = arith.constant 37888 : index
      %get3A_528 = vector.load %arg1[%get3A_526, %get3A_527] : memref<16x131072xf32, #tpu.memory_space<vmem>>, vector<16x1024xf32>
      %exp3A_529 = math.exp %get3A_528 : vector<16x1024xf32>
      %add3A_530 = arith.constant 955392 : i32
      %add3A_531 = vector.broadcast %add3A_530 : i32 to vector<16x1024xi32>
      %add3A_532 = arith.addi %iota3A, %add3A_531 : vector<16x1024xi32>
      %lt3A_533 = arith.constant 1000000 : i32
      %lt3A_534 = vector.broadcast %lt3A_533 : i32 to vector<16x1024xi32>
      %lt3A_535 = arith.cmpi slt, %add3A_532, %lt3A_534 : vector<16x1024xi32>
      %jit3A_536 = arith.constant 0.000000e+00 : f32
      %broadcast_in_dim3A_537 = vector.broadcast %jit3A_536 : f32 to vector<16x1024xf32>
      %select_n3A_538 = arith.select %lt3A_535, %exp3A_529, %broadcast_in_dim3A_537 : vector<16x1024xi1>, vector<16x1024xf32>
      %add3A_539 = arith.addf %add3A_525, %select_n3A_538 : vector<16x1024xf32>
      %get3A_540 = arith.constant 0 : index
      %get3A_541 = arith.constant 38912 : index
      %get3A_542 = vector.load %arg1[%get3A_540, %get3A_541] : memref<16x131072xf32, #tpu.memory_space<vmem>>, vector<16x1024xf32>
      %exp3A_543 = math.exp %get3A_542 : vector<16x1024xf32>
      %add3A_544 = arith.constant 956416 : i32
      %add3A_545 = vector.broadcast %add3A_544 : i32 to vector<16x1024xi32>
      %add3A_546 = arith.addi %iota3A, %add3A_545 : vector<16x1024xi32>
      %lt3A_547 = arith.constant 1000000 : i32
      %lt3A_548 = vector.broadcast %lt3A_547 : i32 to vector<16x1024xi32>
      %lt3A_549 = arith.cmpi slt, %add3A_546, %lt3A_548 : vector<16x1024xi32>
      %jit3A_550 = arith.constant 0.000000e+00 : f32
      %broadcast_in_dim3A_551 = vector.broadcast %jit3A_550 : f32 to vector<16x1024xf32>
      %select_n3A_552 = arith.select %lt3A_549, %exp3A_543, %broadcast_in_dim3A_551 : vector<16x1024xi1>, vector<16x1024xf32>
      %add3A_553 = arith.addf %add3A_539, %select_n3A_552 : vector<16x1024xf32>
      %get3A_554 = arith.constant 0 : index
      %get3A_555 = arith.constant 39936 : index
      %get3A_556 = vector.load %arg1[%get3A_554, %get3A_555] : memref<16x131072xf32, #tpu.memory_space<vmem>>, vector<16x1024xf32>
      %exp3A_557 = math.exp %get3A_556 : vector<16x1024xf32>
      %add3A_558 = arith.constant 957440 : i32
      %add3A_559 = vector.broadcast %add3A_558 : i32 to vector<16x1024xi32>
      %add3A_560 = arith.addi %iota3A, %add3A_559 : vector<16x1024xi32>
      %lt3A_561 = arith.constant 1000000 : i32
      %lt3A_562 = vector.broadcast %lt3A_561 : i32 to vector<16x1024xi32>
      %lt3A_563 = arith.cmpi slt, %add3A_560, %lt3A_562 : vector<16x1024xi32>
      %jit3A_564 = arith.constant 0.000000e+00 : f32
      %broadcast_in_dim3A_565 = vector.broadcast %jit3A_564 : f32 to vector<16x1024xf32>
      %select_n3A_566 = arith.select %lt3A_563, %exp3A_557, %broadcast_in_dim3A_565 : vector<16x1024xi1>, vector<16x1024xf32>
      %add3A_567 = arith.addf %add3A_553, %select_n3A_566 : vector<16x1024xf32>
      %get3A_568 = arith.constant 0 : index
      %get3A_569 = arith.constant 40960 : index
      %get3A_570 = vector.load %arg1[%get3A_568, %get3A_569] : memref<16x131072xf32, #tpu.memory_space<vmem>>, vector<16x1024xf32>
      %exp3A_571 = math.exp %get3A_570 : vector<16x1024xf32>
      %add3A_572 = arith.constant 958464 : i32
      %add3A_573 = vector.broadcast %add3A_572 : i32 to vector<16x1024xi32>
      %add3A_574 = arith.addi %iota3A, %add3A_573 : vector<16x1024xi32>
      %lt3A_575 = arith.constant 1000000 : i32
      %lt3A_576 = vector.broadcast %lt3A_575 : i32 to vector<16x1024xi32>
      %lt3A_577 = arith.cmpi slt, %add3A_574, %lt3A_576 : vector<16x1024xi32>
      %jit3A_578 = arith.constant 0.000000e+00 : f32
      %broadcast_in_dim3A_579 = vector.broadcast %jit3A_578 : f32 to vector<16x1024xf32>
      %select_n3A_580 = arith.select %lt3A_577, %exp3A_571, %broadcast_in_dim3A_579 : vector<16x1024xi1>, vector<16x1024xf32>
      %add3A_581 = arith.addf %add3A_567, %select_n3A_580 : vector<16x1024xf32>
      %get3A_582 = arith.constant 0 : index
      %get3A_583 = arith.constant 41984 : index
      %get3A_584 = vector.load %arg1[%get3A_582, %get3A_583] : memref<16x131072xf32, #tpu.memory_space<vmem>>, vector<16x1024xf32>
      %exp3A_585 = math.exp %get3A_584 : vector<16x1024xf32>
      %add3A_586 = arith.constant 959488 : i32
      %add3A_587 = vector.broadcast %add3A_586 : i32 to vector<16x1024xi32>
      %add3A_588 = arith.addi %iota3A, %add3A_587 : vector<16x1024xi32>
      %lt3A_589 = arith.constant 1000000 : i32
      %lt3A_590 = vector.broadcast %lt3A_589 : i32 to vector<16x1024xi32>
      %lt3A_591 = arith.cmpi slt, %add3A_588, %lt3A_590 : vector<16x1024xi32>
      %jit3A_592 = arith.constant 0.000000e+00 : f32
      %broadcast_in_dim3A_593 = vector.broadcast %jit3A_592 : f32 to vector<16x1024xf32>
      %select_n3A_594 = arith.select %lt3A_591, %exp3A_585, %broadcast_in_dim3A_593 : vector<16x1024xi1>, vector<16x1024xf32>
      %add3A_595 = arith.addf %add3A_581, %select_n3A_594 : vector<16x1024xf32>
      %get3A_596 = arith.constant 0 : index
      %get3A_597 = arith.constant 43008 : index
      %get3A_598 = vector.load %arg1[%get3A_596, %get3A_597] : memref<16x131072xf32, #tpu.memory_space<vmem>>, vector<16x1024xf32>
      %exp3A_599 = math.exp %get3A_598 : vector<16x1024xf32>
      %add3A_600 = arith.constant 960512 : i32
      %add3A_601 = vector.broadcast %add3A_600 : i32 to vector<16x1024xi32>
      %add3A_602 = arith.addi %iota3A, %add3A_601 : vector<16x1024xi32>
      %lt3A_603 = arith.constant 1000000 : i32
      %lt3A_604 = vector.broadcast %lt3A_603 : i32 to vector<16x1024xi32>
      %lt3A_605 = arith.cmpi slt, %add3A_602, %lt3A_604 : vector<16x1024xi32>
      %jit3A_606 = arith.constant 0.000000e+00 : f32
      %broadcast_in_dim3A_607 = vector.broadcast %jit3A_606 : f32 to vector<16x1024xf32>
      %select_n3A_608 = arith.select %lt3A_605, %exp3A_599, %broadcast_in_dim3A_607 : vector<16x1024xi1>, vector<16x1024xf32>
      %add3A_609 = arith.addf %add3A_595, %select_n3A_608 : vector<16x1024xf32>
      %get3A_610 = arith.constant 0 : index
      %get3A_611 = arith.constant 44032 : index
      %get3A_612 = vector.load %arg1[%get3A_610, %get3A_611] : memref<16x131072xf32, #tpu.memory_space<vmem>>, vector<16x1024xf32>
      %exp3A_613 = math.exp %get3A_612 : vector<16x1024xf32>
      %add3A_614 = arith.constant 961536 : i32
      %add3A_615 = vector.broadcast %add3A_614 : i32 to vector<16x1024xi32>
      %add3A_616 = arith.addi %iota3A, %add3A_615 : vector<16x1024xi32>
      %lt3A_617 = arith.constant 1000000 : i32
      %lt3A_618 = vector.broadcast %lt3A_617 : i32 to vector<16x1024xi32>
      %lt3A_619 = arith.cmpi slt, %add3A_616, %lt3A_618 : vector<16x1024xi32>
      %jit3A_620 = arith.constant 0.000000e+00 : f32
      %broadcast_in_dim3A_621 = vector.broadcast %jit3A_620 : f32 to vector<16x1024xf32>
      %select_n3A_622 = arith.select %lt3A_619, %exp3A_613, %broadcast_in_dim3A_621 : vector<16x1024xi1>, vector<16x1024xf32>
      %add3A_623 = arith.addf %add3A_609, %select_n3A_622 : vector<16x1024xf32>
      %get3A_624 = arith.constant 0 : index
      %get3A_625 = arith.constant 45056 : index
      %get3A_626 = vector.load %arg1[%get3A_624, %get3A_625] : memref<16x131072xf32, #tpu.memory_space<vmem>>, vector<16x1024xf32>
      %exp3A_627 = math.exp %get3A_626 : vector<16x1024xf32>
      %add3A_628 = arith.constant 962560 : i32
      %add3A_629 = vector.broadcast %add3A_628 : i32 to vector<16x1024xi32>
      %add3A_630 = arith.addi %iota3A, %add3A_629 : vector<16x1024xi32>
      %lt3A_631 = arith.constant 1000000 : i32
      %lt3A_632 = vector.broadcast %lt3A_631 : i32 to vector<16x1024xi32>
      %lt3A_633 = arith.cmpi slt, %add3A_630, %lt3A_632 : vector<16x1024xi32>
      %jit3A_634 = arith.constant 0.000000e+00 : f32
      %broadcast_in_dim3A_635 = vector.broadcast %jit3A_634 : f32 to vector<16x1024xf32>
      %select_n3A_636 = arith.select %lt3A_633, %exp3A_627, %broadcast_in_dim3A_635 : vector<16x1024xi1>, vector<16x1024xf32>
      %add3A_637 = arith.addf %add3A_623, %select_n3A_636 : vector<16x1024xf32>
      %get3A_638 = arith.constant 0 : index
      %get3A_639 = arith.constant 46080 : index
      %get3A_640 = vector.load %arg1[%get3A_638, %get3A_639] : memref<16x131072xf32, #tpu.memory_space<vmem>>, vector<16x1024xf32>
      %exp3A_641 = math.exp %get3A_640 : vector<16x1024xf32>
      %add3A_642 = arith.constant 963584 : i32
      %add3A_643 = vector.broadcast %add3A_642 : i32 to vector<16x1024xi32>
      %add3A_644 = arith.addi %iota3A, %add3A_643 : vector<16x1024xi32>
      %lt3A_645 = arith.constant 1000000 : i32
      %lt3A_646 = vector.broadcast %lt3A_645 : i32 to vector<16x1024xi32>
      %lt3A_647 = arith.cmpi slt, %add3A_644, %lt3A_646 : vector<16x1024xi32>
      %jit3A_648 = arith.constant 0.000000e+00 : f32
      %broadcast_in_dim3A_649 = vector.broadcast %jit3A_648 : f32 to vector<16x1024xf32>
      %select_n3A_650 = arith.select %lt3A_647, %exp3A_641, %broadcast_in_dim3A_649 : vector<16x1024xi1>, vector<16x1024xf32>
      %add3A_651 = arith.addf %add3A_637, %select_n3A_650 : vector<16x1024xf32>
      %get3A_652 = arith.constant 0 : index
      %get3A_653 = arith.constant 47104 : index
      %get3A_654 = vector.load %arg1[%get3A_652, %get3A_653] : memref<16x131072xf32, #tpu.memory_space<vmem>>, vector<16x1024xf32>
      %exp3A_655 = math.exp %get3A_654 : vector<16x1024xf32>
      %add3A_656 = arith.constant 964608 : i32
      %add3A_657 = vector.broadcast %add3A_656 : i32 to vector<16x1024xi32>
      %add3A_658 = arith.addi %iota3A, %add3A_657 : vector<16x1024xi32>
      %lt3A_659 = arith.constant 1000000 : i32
      %lt3A_660 = vector.broadcast %lt3A_659 : i32 to vector<16x1024xi32>
      %lt3A_661 = arith.cmpi slt, %add3A_658, %lt3A_660 : vector<16x1024xi32>
      %jit3A_662 = arith.constant 0.000000e+00 : f32
      %broadcast_in_dim3A_663 = vector.broadcast %jit3A_662 : f32 to vector<16x1024xf32>
      %select_n3A_664 = arith.select %lt3A_661, %exp3A_655, %broadcast_in_dim3A_663 : vector<16x1024xi1>, vector<16x1024xf32>
      %add3A_665 = arith.addf %add3A_651, %select_n3A_664 : vector<16x1024xf32>
      %get3A_666 = arith.constant 0 : index
      %get3A_667 = arith.constant 48128 : index
      %get3A_668 = vector.load %arg1[%get3A_666, %get3A_667] : memref<16x131072xf32, #tpu.memory_space<vmem>>, vector<16x1024xf32>
      %exp3A_669 = math.exp %get3A_668 : vector<16x1024xf32>
      %add3A_670 = arith.constant 965632 : i32
      %add3A_671 = vector.broadcast %add3A_670 : i32 to vector<16x1024xi32>
      %add3A_672 = arith.addi %iota3A, %add3A_671 : vector<16x1024xi32>
      %lt3A_673 = arith.constant 1000000 : i32
      %lt3A_674 = vector.broadcast %lt3A_673 : i32 to vector<16x1024xi32>
      %lt3A_675 = arith.cmpi slt, %add3A_672, %lt3A_674 : vector<16x1024xi32>
      %jit3A_676 = arith.constant 0.000000e+00 : f32
      %broadcast_in_dim3A_677 = vector.broadcast %jit3A_676 : f32 to vector<16x1024xf32>
      %select_n3A_678 = arith.select %lt3A_675, %exp3A_669, %broadcast_in_dim3A_677 : vector<16x1024xi1>, vector<16x1024xf32>
      %add3A_679 = arith.addf %add3A_665, %select_n3A_678 : vector<16x1024xf32>
      %get3A_680 = arith.constant 0 : index
      %get3A_681 = arith.constant 49152 : index
      %get3A_682 = vector.load %arg1[%get3A_680, %get3A_681] : memref<16x131072xf32, #tpu.memory_space<vmem>>, vector<16x1024xf32>
      %exp3A_683 = math.exp %get3A_682 : vector<16x1024xf32>
      %add3A_684 = arith.constant 966656 : i32
      %add3A_685 = vector.broadcast %add3A_684 : i32 to vector<16x1024xi32>
      %add3A_686 = arith.addi %iota3A, %add3A_685 : vector<16x1024xi32>
      %lt3A_687 = arith.constant 1000000 : i32
      %lt3A_688 = vector.broadcast %lt3A_687 : i32 to vector<16x1024xi32>
      %lt3A_689 = arith.cmpi slt, %add3A_686, %lt3A_688 : vector<16x1024xi32>
      %jit3A_690 = arith.constant 0.000000e+00 : f32
      %broadcast_in_dim3A_691 = vector.broadcast %jit3A_690 : f32 to vector<16x1024xf32>
      %select_n3A_692 = arith.select %lt3A_689, %exp3A_683, %broadcast_in_dim3A_691 : vector<16x1024xi1>, vector<16x1024xf32>
      %add3A_693 = arith.addf %add3A_679, %select_n3A_692 : vector<16x1024xf32>
      %get3A_694 = arith.constant 0 : index
      %get3A_695 = arith.constant 50176 : index
      %get3A_696 = vector.load %arg1[%get3A_694, %get3A_695] : memref<16x131072xf32, #tpu.memory_space<vmem>>, vector<16x1024xf32>
      %exp3A_697 = math.exp %get3A_696 : vector<16x1024xf32>
      %add3A_698 = arith.constant 967680 : i32
      %add3A_699 = vector.broadcast %add3A_698 : i32 to vector<16x1024xi32>
      %add3A_700 = arith.addi %iota3A, %add3A_699 : vector<16x1024xi32>
      %lt3A_701 = arith.constant 1000000 : i32
      %lt3A_702 = vector.broadcast %lt3A_701 : i32 to vector<16x1024xi32>
      %lt3A_703 = arith.cmpi slt, %add3A_700, %lt3A_702 : vector<16x1024xi32>
      %jit3A_704 = arith.constant 0.000000e+00 : f32
      %broadcast_in_dim3A_705 = vector.broadcast %jit3A_704 : f32 to vector<16x1024xf32>
      %select_n3A_706 = arith.select %lt3A_703, %exp3A_697, %broadcast_in_dim3A_705 : vector<16x1024xi1>, vector<16x1024xf32>
      %add3A_707 = arith.addf %add3A_693, %select_n3A_706 : vector<16x1024xf32>
      %get3A_708 = arith.constant 0 : index
      %get3A_709 = arith.constant 51200 : index
      %get3A_710 = vector.load %arg1[%get3A_708, %get3A_709] : memref<16x131072xf32, #tpu.memory_space<vmem>>, vector<16x1024xf32>
      %exp3A_711 = math.exp %get3A_710 : vector<16x1024xf32>
      %add3A_712 = arith.constant 968704 : i32
      %add3A_713 = vector.broadcast %add3A_712 : i32 to vector<16x1024xi32>
      %add3A_714 = arith.addi %iota3A, %add3A_713 : vector<16x1024xi32>
      %lt3A_715 = arith.constant 1000000 : i32
      %lt3A_716 = vector.broadcast %lt3A_715 : i32 to vector<16x1024xi32>
      %lt3A_717 = arith.cmpi slt, %add3A_714, %lt3A_716 : vector<16x1024xi32>
      %jit3A_718 = arith.constant 0.000000e+00 : f32
      %broadcast_in_dim3A_719 = vector.broadcast %jit3A_718 : f32 to vector<16x1024xf32>
      %select_n3A_720 = arith.select %lt3A_717, %exp3A_711, %broadcast_in_dim3A_719 : vector<16x1024xi1>, vector<16x1024xf32>
      %add3A_721 = arith.addf %add3A_707, %select_n3A_720 : vector<16x1024xf32>
      %get3A_722 = arith.constant 0 : index
      %get3A_723 = arith.constant 52224 : index
      %get3A_724 = vector.load %arg1[%get3A_722, %get3A_723] : memref<16x131072xf32, #tpu.memory_space<vmem>>, vector<16x1024xf32>
      %exp3A_725 = math.exp %get3A_724 : vector<16x1024xf32>
      %add3A_726 = arith.constant 969728 : i32
      %add3A_727 = vector.broadcast %add3A_726 : i32 to vector<16x1024xi32>
      %add3A_728 = arith.addi %iota3A, %add3A_727 : vector<16x1024xi32>
      %lt3A_729 = arith.constant 1000000 : i32
      %lt3A_730 = vector.broadcast %lt3A_729 : i32 to vector<16x1024xi32>
      %lt3A_731 = arith.cmpi slt, %add3A_728, %lt3A_730 : vector<16x1024xi32>
      %jit3A_732 = arith.constant 0.000000e+00 : f32
      %broadcast_in_dim3A_733 = vector.broadcast %jit3A_732 : f32 to vector<16x1024xf32>
      %select_n3A_734 = arith.select %lt3A_731, %exp3A_725, %broadcast_in_dim3A_733 : vector<16x1024xi1>, vector<16x1024xf32>
      %add3A_735 = arith.addf %add3A_721, %select_n3A_734 : vector<16x1024xf32>
      %get3A_736 = arith.constant 0 : index
      %get3A_737 = arith.constant 53248 : index
      %get3A_738 = vector.load %arg1[%get3A_736, %get3A_737] : memref<16x131072xf32, #tpu.memory_space<vmem>>, vector<16x1024xf32>
      %exp3A_739 = math.exp %get3A_738 : vector<16x1024xf32>
      %add3A_740 = arith.constant 970752 : i32
      %add3A_741 = vector.broadcast %add3A_740 : i32 to vector<16x1024xi32>
      %add3A_742 = arith.addi %iota3A, %add3A_741 : vector<16x1024xi32>
      %lt3A_743 = arith.constant 1000000 : i32
      %lt3A_744 = vector.broadcast %lt3A_743 : i32 to vector<16x1024xi32>
      %lt3A_745 = arith.cmpi slt, %add3A_742, %lt3A_744 : vector<16x1024xi32>
      %jit3A_746 = arith.constant 0.000000e+00 : f32
      %broadcast_in_dim3A_747 = vector.broadcast %jit3A_746 : f32 to vector<16x1024xf32>
      %select_n3A_748 = arith.select %lt3A_745, %exp3A_739, %broadcast_in_dim3A_747 : vector<16x1024xi1>, vector<16x1024xf32>
      %add3A_749 = arith.addf %add3A_735, %select_n3A_748 : vector<16x1024xf32>
      %get3A_750 = arith.constant 0 : index
      %get3A_751 = arith.constant 54272 : index
      %get3A_752 = vector.load %arg1[%get3A_750, %get3A_751] : memref<16x131072xf32, #tpu.memory_space<vmem>>, vector<16x1024xf32>
      %exp3A_753 = math.exp %get3A_752 : vector<16x1024xf32>
      %add3A_754 = arith.constant 971776 : i32
      %add3A_755 = vector.broadcast %add3A_754 : i32 to vector<16x1024xi32>
      %add3A_756 = arith.addi %iota3A, %add3A_755 : vector<16x1024xi32>
      %lt3A_757 = arith.constant 1000000 : i32
      %lt3A_758 = vector.broadcast %lt3A_757 : i32 to vector<16x1024xi32>
      %lt3A_759 = arith.cmpi slt, %add3A_756, %lt3A_758 : vector<16x1024xi32>
      %jit3A_760 = arith.constant 0.000000e+00 : f32
      %broadcast_in_dim3A_761 = vector.broadcast %jit3A_760 : f32 to vector<16x1024xf32>
      %select_n3A_762 = arith.select %lt3A_759, %exp3A_753, %broadcast_in_dim3A_761 : vector<16x1024xi1>, vector<16x1024xf32>
      %add3A_763 = arith.addf %add3A_749, %select_n3A_762 : vector<16x1024xf32>
      %get3A_764 = arith.constant 0 : index
      %get3A_765 = arith.constant 55296 : index
      %get3A_766 = vector.load %arg1[%get3A_764, %get3A_765] : memref<16x131072xf32, #tpu.memory_space<vmem>>, vector<16x1024xf32>
      %exp3A_767 = math.exp %get3A_766 : vector<16x1024xf32>
      %add3A_768 = arith.constant 972800 : i32
      %add3A_769 = vector.broadcast %add3A_768 : i32 to vector<16x1024xi32>
      %add3A_770 = arith.addi %iota3A, %add3A_769 : vector<16x1024xi32>
      %lt3A_771 = arith.constant 1000000 : i32
      %lt3A_772 = vector.broadcast %lt3A_771 : i32 to vector<16x1024xi32>
      %lt3A_773 = arith.cmpi slt, %add3A_770, %lt3A_772 : vector<16x1024xi32>
      %jit3A_774 = arith.constant 0.000000e+00 : f32
      %broadcast_in_dim3A_775 = vector.broadcast %jit3A_774 : f32 to vector<16x1024xf32>
      %select_n3A_776 = arith.select %lt3A_773, %exp3A_767, %broadcast_in_dim3A_775 : vector<16x1024xi1>, vector<16x1024xf32>
      %add3A_777 = arith.addf %add3A_763, %select_n3A_776 : vector<16x1024xf32>
      %get3A_778 = arith.constant 0 : index
      %get3A_779 = arith.constant 56320 : index
      %get3A_780 = vector.load %arg1[%get3A_778, %get3A_779] : memref<16x131072xf32, #tpu.memory_space<vmem>>, vector<16x1024xf32>
      %exp3A_781 = math.exp %get3A_780 : vector<16x1024xf32>
      %add3A_782 = arith.constant 973824 : i32
      %add3A_783 = vector.broadcast %add3A_782 : i32 to vector<16x1024xi32>
      %add3A_784 = arith.addi %iota3A, %add3A_783 : vector<16x1024xi32>
      %lt3A_785 = arith.constant 1000000 : i32
      %lt3A_786 = vector.broadcast %lt3A_785 : i32 to vector<16x1024xi32>
      %lt3A_787 = arith.cmpi slt, %add3A_784, %lt3A_786 : vector<16x1024xi32>
      %jit3A_788 = arith.constant 0.000000e+00 : f32
      %broadcast_in_dim3A_789 = vector.broadcast %jit3A_788 : f32 to vector<16x1024xf32>
      %select_n3A_790 = arith.select %lt3A_787, %exp3A_781, %broadcast_in_dim3A_789 : vector<16x1024xi1>, vector<16x1024xf32>
      %add3A_791 = arith.addf %add3A_777, %select_n3A_790 : vector<16x1024xf32>
      %get3A_792 = arith.constant 0 : index
      %get3A_793 = arith.constant 57344 : index
      %get3A_794 = vector.load %arg1[%get3A_792, %get3A_793] : memref<16x131072xf32, #tpu.memory_space<vmem>>, vector<16x1024xf32>
      %exp3A_795 = math.exp %get3A_794 : vector<16x1024xf32>
      %add3A_796 = arith.constant 974848 : i32
      %add3A_797 = vector.broadcast %add3A_796 : i32 to vector<16x1024xi32>
      %add3A_798 = arith.addi %iota3A, %add3A_797 : vector<16x1024xi32>
      %lt3A_799 = arith.constant 1000000 : i32
      %lt3A_800 = vector.broadcast %lt3A_799 : i32 to vector<16x1024xi32>
      %lt3A_801 = arith.cmpi slt, %add3A_798, %lt3A_800 : vector<16x1024xi32>
      %jit3A_802 = arith.constant 0.000000e+00 : f32
      %broadcast_in_dim3A_803 = vector.broadcast %jit3A_802 : f32 to vector<16x1024xf32>
      %select_n3A_804 = arith.select %lt3A_801, %exp3A_795, %broadcast_in_dim3A_803 : vector<16x1024xi1>, vector<16x1024xf32>
      %add3A_805 = arith.addf %add3A_791, %select_n3A_804 : vector<16x1024xf32>
      %get3A_806 = arith.constant 0 : index
      %get3A_807 = arith.constant 58368 : index
      %get3A_808 = vector.load %arg1[%get3A_806, %get3A_807] : memref<16x131072xf32, #tpu.memory_space<vmem>>, vector<16x1024xf32>
      %exp3A_809 = math.exp %get3A_808 : vector<16x1024xf32>
      %add3A_810 = arith.constant 975872 : i32
      %add3A_811 = vector.broadcast %add3A_810 : i32 to vector<16x1024xi32>
      %add3A_812 = arith.addi %iota3A, %add3A_811 : vector<16x1024xi32>
      %lt3A_813 = arith.constant 1000000 : i32
      %lt3A_814 = vector.broadcast %lt3A_813 : i32 to vector<16x1024xi32>
      %lt3A_815 = arith.cmpi slt, %add3A_812, %lt3A_814 : vector<16x1024xi32>
      %jit3A_816 = arith.constant 0.000000e+00 : f32
      %broadcast_in_dim3A_817 = vector.broadcast %jit3A_816 : f32 to vector<16x1024xf32>
      %select_n3A_818 = arith.select %lt3A_815, %exp3A_809, %broadcast_in_dim3A_817 : vector<16x1024xi1>, vector<16x1024xf32>
      %add3A_819 = arith.addf %add3A_805, %select_n3A_818 : vector<16x1024xf32>
      %get3A_820 = arith.constant 0 : index
      %get3A_821 = arith.constant 59392 : index
      %get3A_822 = vector.load %arg1[%get3A_820, %get3A_821] : memref<16x131072xf32, #tpu.memory_space<vmem>>, vector<16x1024xf32>
      %exp3A_823 = math.exp %get3A_822 : vector<16x1024xf32>
      %add3A_824 = arith.constant 976896 : i32
      %add3A_825 = vector.broadcast %add3A_824 : i32 to vector<16x1024xi32>
      %add3A_826 = arith.addi %iota3A, %add3A_825 : vector<16x1024xi32>
      %lt3A_827 = arith.constant 1000000 : i32
      %lt3A_828 = vector.broadcast %lt3A_827 : i32 to vector<16x1024xi32>
      %lt3A_829 = arith.cmpi slt, %add3A_826, %lt3A_828 : vector<16x1024xi32>
      %jit3A_830 = arith.constant 0.000000e+00 : f32
      %broadcast_in_dim3A_831 = vector.broadcast %jit3A_830 : f32 to vector<16x1024xf32>
      %select_n3A_832 = arith.select %lt3A_829, %exp3A_823, %broadcast_in_dim3A_831 : vector<16x1024xi1>, vector<16x1024xf32>
      %add3A_833 = arith.addf %add3A_819, %select_n3A_832 : vector<16x1024xf32>
      %get3A_834 = arith.constant 0 : index
      %get3A_835 = arith.constant 60416 : index
      %get3A_836 = vector.load %arg1[%get3A_834, %get3A_835] : memref<16x131072xf32, #tpu.memory_space<vmem>>, vector<16x1024xf32>
      %exp3A_837 = math.exp %get3A_836 : vector<16x1024xf32>
      %add3A_838 = arith.constant 977920 : i32
      %add3A_839 = vector.broadcast %add3A_838 : i32 to vector<16x1024xi32>
      %add3A_840 = arith.addi %iota3A, %add3A_839 : vector<16x1024xi32>
      %lt3A_841 = arith.constant 1000000 : i32
      %lt3A_842 = vector.broadcast %lt3A_841 : i32 to vector<16x1024xi32>
      %lt3A_843 = arith.cmpi slt, %add3A_840, %lt3A_842 : vector<16x1024xi32>
      %jit3A_844 = arith.constant 0.000000e+00 : f32
      %broadcast_in_dim3A_845 = vector.broadcast %jit3A_844 : f32 to vector<16x1024xf32>
      %select_n3A_846 = arith.select %lt3A_843, %exp3A_837, %broadcast_in_dim3A_845 : vector<16x1024xi1>, vector<16x1024xf32>
      %add3A_847 = arith.addf %add3A_833, %select_n3A_846 : vector<16x1024xf32>
      %get3A_848 = arith.constant 0 : index
      %get3A_849 = arith.constant 61440 : index
      %get3A_850 = vector.load %arg1[%get3A_848, %get3A_849] : memref<16x131072xf32, #tpu.memory_space<vmem>>, vector<16x1024xf32>
      %exp3A_851 = math.exp %get3A_850 : vector<16x1024xf32>
      %add3A_852 = arith.constant 978944 : i32
      %add3A_853 = vector.broadcast %add3A_852 : i32 to vector<16x1024xi32>
      %add3A_854 = arith.addi %iota3A, %add3A_853 : vector<16x1024xi32>
      %lt3A_855 = arith.constant 1000000 : i32
      %lt3A_856 = vector.broadcast %lt3A_855 : i32 to vector<16x1024xi32>
      %lt3A_857 = arith.cmpi slt, %add3A_854, %lt3A_856 : vector<16x1024xi32>
      %jit3A_858 = arith.constant 0.000000e+00 : f32
      %broadcast_in_dim3A_859 = vector.broadcast %jit3A_858 : f32 to vector<16x1024xf32>
      %select_n3A_860 = arith.select %lt3A_857, %exp3A_851, %broadcast_in_dim3A_859 : vector<16x1024xi1>, vector<16x1024xf32>
      %add3A_861 = arith.addf %add3A_847, %select_n3A_860 : vector<16x1024xf32>
      %get3A_862 = arith.constant 0 : index
      %get3A_863 = arith.constant 62464 : index
      %get3A_864 = vector.load %arg1[%get3A_862, %get3A_863] : memref<16x131072xf32, #tpu.memory_space<vmem>>, vector<16x1024xf32>
      %exp3A_865 = math.exp %get3A_864 : vector<16x1024xf32>
      %add3A_866 = arith.constant 979968 : i32
      %add3A_867 = vector.broadcast %add3A_866 : i32 to vector<16x1024xi32>
      %add3A_868 = arith.addi %iota3A, %add3A_867 : vector<16x1024xi32>
      %lt3A_869 = arith.constant 1000000 : i32
      %lt3A_870 = vector.broadcast %lt3A_869 : i32 to vector<16x1024xi32>
      %lt3A_871 = arith.cmpi slt, %add3A_868, %lt3A_870 : vector<16x1024xi32>
      %jit3A_872 = arith.constant 0.000000e+00 : f32
      %broadcast_in_dim3A_873 = vector.broadcast %jit3A_872 : f32 to vector<16x1024xf32>
      %select_n3A_874 = arith.select %lt3A_871, %exp3A_865, %broadcast_in_dim3A_873 : vector<16x1024xi1>, vector<16x1024xf32>
      %add3A_875 = arith.addf %add3A_861, %select_n3A_874 : vector<16x1024xf32>
      %get3A_876 = arith.constant 0 : index
      %get3A_877 = arith.constant 63488 : index
      %get3A_878 = vector.load %arg1[%get3A_876, %get3A_877] : memref<16x131072xf32, #tpu.memory_space<vmem>>, vector<16x1024xf32>
      %exp3A_879 = math.exp %get3A_878 : vector<16x1024xf32>
      %add3A_880 = arith.constant 980992 : i32
      %add3A_881 = vector.broadcast %add3A_880 : i32 to vector<16x1024xi32>
      %add3A_882 = arith.addi %iota3A, %add3A_881 : vector<16x1024xi32>
      %lt3A_883 = arith.constant 1000000 : i32
      %lt3A_884 = vector.broadcast %lt3A_883 : i32 to vector<16x1024xi32>
      %lt3A_885 = arith.cmpi slt, %add3A_882, %lt3A_884 : vector<16x1024xi32>
      %jit3A_886 = arith.constant 0.000000e+00 : f32
      %broadcast_in_dim3A_887 = vector.broadcast %jit3A_886 : f32 to vector<16x1024xf32>
      %select_n3A_888 = arith.select %lt3A_885, %exp3A_879, %broadcast_in_dim3A_887 : vector<16x1024xi1>, vector<16x1024xf32>
      %add3A_889 = arith.addf %add3A_875, %select_n3A_888 : vector<16x1024xf32>
      %get3A_890 = arith.constant 0 : index
      %get3A_891 = arith.constant 64512 : index
      %get3A_892 = vector.load %arg1[%get3A_890, %get3A_891] : memref<16x131072xf32, #tpu.memory_space<vmem>>, vector<16x1024xf32>
      %exp3A_893 = math.exp %get3A_892 : vector<16x1024xf32>
      %add3A_894 = arith.constant 982016 : i32
      %add3A_895 = vector.broadcast %add3A_894 : i32 to vector<16x1024xi32>
      %add3A_896 = arith.addi %iota3A, %add3A_895 : vector<16x1024xi32>
      %lt3A_897 = arith.constant 1000000 : i32
      %lt3A_898 = vector.broadcast %lt3A_897 : i32 to vector<16x1024xi32>
      %lt3A_899 = arith.cmpi slt, %add3A_896, %lt3A_898 : vector<16x1024xi32>
      %jit3A_900 = arith.constant 0.000000e+00 : f32
      %broadcast_in_dim3A_901 = vector.broadcast %jit3A_900 : f32 to vector<16x1024xf32>
      %select_n3A_902 = arith.select %lt3A_899, %exp3A_893, %broadcast_in_dim3A_901 : vector<16x1024xi1>, vector<16x1024xf32>
      %add3A_903 = arith.addf %add3A_889, %select_n3A_902 : vector<16x1024xf32>
      %get3A_904 = arith.constant 0 : index
      %get3A_905 = arith.constant 65536 : index
      %get3A_906 = vector.load %arg1[%get3A_904, %get3A_905] : memref<16x131072xf32, #tpu.memory_space<vmem>>, vector<16x1024xf32>
      %exp3A_907 = math.exp %get3A_906 : vector<16x1024xf32>
      %add3A_908 = arith.constant 983040 : i32
      %add3A_909 = vector.broadcast %add3A_908 : i32 to vector<16x1024xi32>
      %add3A_910 = arith.addi %iota3A, %add3A_909 : vector<16x1024xi32>
      %lt3A_911 = arith.constant 1000000 : i32
      %lt3A_912 = vector.broadcast %lt3A_911 : i32 to vector<16x1024xi32>
      %lt3A_913 = arith.cmpi slt, %add3A_910, %lt3A_912 : vector<16x1024xi32>
      %jit3A_914 = arith.constant 0.000000e+00 : f32
      %broadcast_in_dim3A_915 = vector.broadcast %jit3A_914 : f32 to vector<16x1024xf32>
      %select_n3A_916 = arith.select %lt3A_913, %exp3A_907, %broadcast_in_dim3A_915 : vector<16x1024xi1>, vector<16x1024xf32>
      %add3A_917 = arith.addf %add3A_903, %select_n3A_916 : vector<16x1024xf32>
      %get3A_918 = arith.constant 0 : index
      %get3A_919 = arith.constant 66560 : index
      %get3A_920 = vector.load %arg1[%get3A_918, %get3A_919] : memref<16x131072xf32, #tpu.memory_space<vmem>>, vector<16x1024xf32>
      %exp3A_921 = math.exp %get3A_920 : vector<16x1024xf32>
      %add3A_922 = arith.constant 984064 : i32
      %add3A_923 = vector.broadcast %add3A_922 : i32 to vector<16x1024xi32>
      %add3A_924 = arith.addi %iota3A, %add3A_923 : vector<16x1024xi32>
      %lt3A_925 = arith.constant 1000000 : i32
      %lt3A_926 = vector.broadcast %lt3A_925 : i32 to vector<16x1024xi32>
      %lt3A_927 = arith.cmpi slt, %add3A_924, %lt3A_926 : vector<16x1024xi32>
      %jit3A_928 = arith.constant 0.000000e+00 : f32
      %broadcast_in_dim3A_929 = vector.broadcast %jit3A_928 : f32 to vector<16x1024xf32>
      %select_n3A_930 = arith.select %lt3A_927, %exp3A_921, %broadcast_in_dim3A_929 : vector<16x1024xi1>, vector<16x1024xf32>
      %add3A_931 = arith.addf %add3A_917, %select_n3A_930 : vector<16x1024xf32>
      %get3A_932 = arith.constant 0 : index
      %get3A_933 = arith.constant 67584 : index
      %get3A_934 = vector.load %arg1[%get3A_932, %get3A_933] : memref<16x131072xf32, #tpu.memory_space<vmem>>, vector<16x1024xf32>
      %exp3A_935 = math.exp %get3A_934 : vector<16x1024xf32>
      %add3A_936 = arith.constant 985088 : i32
      %add3A_937 = vector.broadcast %add3A_936 : i32 to vector<16x1024xi32>
      %add3A_938 = arith.addi %iota3A, %add3A_937 : vector<16x1024xi32>
      %lt3A_939 = arith.constant 1000000 : i32
      %lt3A_940 = vector.broadcast %lt3A_939 : i32 to vector<16x1024xi32>
      %lt3A_941 = arith.cmpi slt, %add3A_938, %lt3A_940 : vector<16x1024xi32>
      %jit3A_942 = arith.constant 0.000000e+00 : f32
      %broadcast_in_dim3A_943 = vector.broadcast %jit3A_942 : f32 to vector<16x1024xf32>
      %select_n3A_944 = arith.select %lt3A_941, %exp3A_935, %broadcast_in_dim3A_943 : vector<16x1024xi1>, vector<16x1024xf32>
      %add3A_945 = arith.addf %add3A_931, %select_n3A_944 : vector<16x1024xf32>
      %get3A_946 = arith.constant 0 : index
      %get3A_947 = arith.constant 68608 : index
      %get3A_948 = vector.load %arg1[%get3A_946, %get3A_947] : memref<16x131072xf32, #tpu.memory_space<vmem>>, vector<16x1024xf32>
      %exp3A_949 = math.exp %get3A_948 : vector<16x1024xf32>
      %add3A_950 = arith.constant 986112 : i32
      %add3A_951 = vector.broadcast %add3A_950 : i32 to vector<16x1024xi32>
      %add3A_952 = arith.addi %iota3A, %add3A_951 : vector<16x1024xi32>
      %lt3A_953 = arith.constant 1000000 : i32
      %lt3A_954 = vector.broadcast %lt3A_953 : i32 to vector<16x1024xi32>
      %lt3A_955 = arith.cmpi slt, %add3A_952, %lt3A_954 : vector<16x1024xi32>
      %jit3A_956 = arith.constant 0.000000e+00 : f32
      %broadcast_in_dim3A_957 = vector.broadcast %jit3A_956 : f32 to vector<16x1024xf32>
      %select_n3A_958 = arith.select %lt3A_955, %exp3A_949, %broadcast_in_dim3A_957 : vector<16x1024xi1>, vector<16x1024xf32>
      %add3A_959 = arith.addf %add3A_945, %select_n3A_958 : vector<16x1024xf32>
      %get3A_960 = arith.constant 0 : index
      %get3A_961 = arith.constant 69632 : index
      %get3A_962 = vector.load %arg1[%get3A_960, %get3A_961] : memref<16x131072xf32, #tpu.memory_space<vmem>>, vector<16x1024xf32>
      %exp3A_963 = math.exp %get3A_962 : vector<16x1024xf32>
      %add3A_964 = arith.constant 987136 : i32
      %add3A_965 = vector.broadcast %add3A_964 : i32 to vector<16x1024xi32>
      %add3A_966 = arith.addi %iota3A, %add3A_965 : vector<16x1024xi32>
      %lt3A_967 = arith.constant 1000000 : i32
      %lt3A_968 = vector.broadcast %lt3A_967 : i32 to vector<16x1024xi32>
      %lt3A_969 = arith.cmpi slt, %add3A_966, %lt3A_968 : vector<16x1024xi32>
      %jit3A_970 = arith.constant 0.000000e+00 : f32
      %broadcast_in_dim3A_971 = vector.broadcast %jit3A_970 : f32 to vector<16x1024xf32>
      %select_n3A_972 = arith.select %lt3A_969, %exp3A_963, %broadcast_in_dim3A_971 : vector<16x1024xi1>, vector<16x1024xf32>
      %add3A_973 = arith.addf %add3A_959, %select_n3A_972 : vector<16x1024xf32>
      %get3A_974 = arith.constant 0 : index
      %get3A_975 = arith.constant 70656 : index
      %get3A_976 = vector.load %arg1[%get3A_974, %get3A_975] : memref<16x131072xf32, #tpu.memory_space<vmem>>, vector<16x1024xf32>
      %exp3A_977 = math.exp %get3A_976 : vector<16x1024xf32>
      %add3A_978 = arith.constant 988160 : i32
      %add3A_979 = vector.broadcast %add3A_978 : i32 to vector<16x1024xi32>
      %add3A_980 = arith.addi %iota3A, %add3A_979 : vector<16x1024xi32>
      %lt3A_981 = arith.constant 1000000 : i32
      %lt3A_982 = vector.broadcast %lt3A_981 : i32 to vector<16x1024xi32>
      %lt3A_983 = arith.cmpi slt, %add3A_980, %lt3A_982 : vector<16x1024xi32>
      %jit3A_984 = arith.constant 0.000000e+00 : f32
      %broadcast_in_dim3A_985 = vector.broadcast %jit3A_984 : f32 to vector<16x1024xf32>
      %select_n3A_986 = arith.select %lt3A_983, %exp3A_977, %broadcast_in_dim3A_985 : vector<16x1024xi1>, vector<16x1024xf32>
      %add3A_987 = arith.addf %add3A_973, %select_n3A_986 : vector<16x1024xf32>
      %get3A_988 = arith.constant 0 : index
      %get3A_989 = arith.constant 71680 : index
      %get3A_990 = vector.load %arg1[%get3A_988, %get3A_989] : memref<16x131072xf32, #tpu.memory_space<vmem>>, vector<16x1024xf32>
      %exp3A_991 = math.exp %get3A_990 : vector<16x1024xf32>
      %add3A_992 = arith.constant 989184 : i32
      %add3A_993 = vector.broadcast %add3A_992 : i32 to vector<16x1024xi32>
      %add3A_994 = arith.addi %iota3A, %add3A_993 : vector<16x1024xi32>
      %lt3A_995 = arith.constant 1000000 : i32
      %lt3A_996 = vector.broadcast %lt3A_995 : i32 to vector<16x1024xi32>
      %lt3A_997 = arith.cmpi slt, %add3A_994, %lt3A_996 : vector<16x1024xi32>
      %jit3A_998 = arith.constant 0.000000e+00 : f32
      %broadcast_in_dim3A_999 = vector.broadcast %jit3A_998 : f32 to vector<16x1024xf32>
      %select_n3A_1000 = arith.select %lt3A_997, %exp3A_991, %broadcast_in_dim3A_999 : vector<16x1024xi1>, vector<16x1024xf32>
      %add3A_1001 = arith.addf %add3A_987, %select_n3A_1000 : vector<16x1024xf32>
      %get3A_1002 = arith.constant 0 : index
      %get3A_1003 = arith.constant 72704 : index
      %get3A_1004 = vector.load %arg1[%get3A_1002, %get3A_1003] : memref<16x131072xf32, #tpu.memory_space<vmem>>, vector<16x1024xf32>
      %exp3A_1005 = math.exp %get3A_1004 : vector<16x1024xf32>
      %add3A_1006 = arith.constant 990208 : i32
      %add3A_1007 = vector.broadcast %add3A_1006 : i32 to vector<16x1024xi32>
      %add3A_1008 = arith.addi %iota3A, %add3A_1007 : vector<16x1024xi32>
      %lt3A_1009 = arith.constant 1000000 : i32
      %lt3A_1010 = vector.broadcast %lt3A_1009 : i32 to vector<16x1024xi32>
      %lt3A_1011 = arith.cmpi slt, %add3A_1008, %lt3A_1010 : vector<16x1024xi32>
      %jit3A_1012 = arith.constant 0.000000e+00 : f32
      %broadcast_in_dim3A_1013 = vector.broadcast %jit3A_1012 : f32 to vector<16x1024xf32>
      %select_n3A_1014 = arith.select %lt3A_1011, %exp3A_1005, %broadcast_in_dim3A_1013 : vector<16x1024xi1>, vector<16x1024xf32>
      %add3A_1015 = arith.addf %add3A_1001, %select_n3A_1014 : vector<16x1024xf32>
      %get3A_1016 = arith.constant 0 : index
      %get3A_1017 = arith.constant 73728 : index
      %get3A_1018 = vector.load %arg1[%get3A_1016, %get3A_1017] : memref<16x131072xf32, #tpu.memory_space<vmem>>, vector<16x1024xf32>
      %exp3A_1019 = math.exp %get3A_1018 : vector<16x1024xf32>
      %add3A_1020 = arith.constant 991232 : i32
      %add3A_1021 = vector.broadcast %add3A_1020 : i32 to vector<16x1024xi32>
      %add3A_1022 = arith.addi %iota3A, %add3A_1021 : vector<16x1024xi32>
      %lt3A_1023 = arith.constant 1000000 : i32
      %lt3A_1024 = vector.broadcast %lt3A_1023 : i32 to vector<16x1024xi32>
      %lt3A_1025 = arith.cmpi slt, %add3A_1022, %lt3A_1024 : vector<16x1024xi32>
      %jit3A_1026 = arith.constant 0.000000e+00 : f32
      %broadcast_in_dim3A_1027 = vector.broadcast %jit3A_1026 : f32 to vector<16x1024xf32>
      %select_n3A_1028 = arith.select %lt3A_1025, %exp3A_1019, %broadcast_in_dim3A_1027 : vector<16x1024xi1>, vector<16x1024xf32>
      %add3A_1029 = arith.addf %add3A_1015, %select_n3A_1028 : vector<16x1024xf32>
      %get3A_1030 = arith.constant 0 : index
      %get3A_1031 = arith.constant 74752 : index
      %get3A_1032 = vector.load %arg1[%get3A_1030, %get3A_1031] : memref<16x131072xf32, #tpu.memory_space<vmem>>, vector<16x1024xf32>
      %exp3A_1033 = math.exp %get3A_1032 : vector<16x1024xf32>
      %add3A_1034 = arith.constant 992256 : i32
      %add3A_1035 = vector.broadcast %add3A_1034 : i32 to vector<16x1024xi32>
      %add3A_1036 = arith.addi %iota3A, %add3A_1035 : vector<16x1024xi32>
      %lt3A_1037 = arith.constant 1000000 : i32
      %lt3A_1038 = vector.broadcast %lt3A_1037 : i32 to vector<16x1024xi32>
      %lt3A_1039 = arith.cmpi slt, %add3A_1036, %lt3A_1038 : vector<16x1024xi32>
      %jit3A_1040 = arith.constant 0.000000e+00 : f32
      %broadcast_in_dim3A_1041 = vector.broadcast %jit3A_1040 : f32 to vector<16x1024xf32>
      %select_n3A_1042 = arith.select %lt3A_1039, %exp3A_1033, %broadcast_in_dim3A_1041 : vector<16x1024xi1>, vector<16x1024xf32>
      %add3A_1043 = arith.addf %add3A_1029, %select_n3A_1042 : vector<16x1024xf32>
      %get3A_1044 = arith.constant 0 : index
      %get3A_1045 = arith.constant 75776 : index
      %get3A_1046 = vector.load %arg1[%get3A_1044, %get3A_1045] : memref<16x131072xf32, #tpu.memory_space<vmem>>, vector<16x1024xf32>
      %exp3A_1047 = math.exp %get3A_1046 : vector<16x1024xf32>
      %add3A_1048 = arith.constant 993280 : i32
      %add3A_1049 = vector.broadcast %add3A_1048 : i32 to vector<16x1024xi32>
      %add3A_1050 = arith.addi %iota3A, %add3A_1049 : vector<16x1024xi32>
      %lt3A_1051 = arith.constant 1000000 : i32
      %lt3A_1052 = vector.broadcast %lt3A_1051 : i32 to vector<16x1024xi32>
      %lt3A_1053 = arith.cmpi slt, %add3A_1050, %lt3A_1052 : vector<16x1024xi32>
      %jit3A_1054 = arith.constant 0.000000e+00 : f32
      %broadcast_in_dim3A_1055 = vector.broadcast %jit3A_1054 : f32 to vector<16x1024xf32>
      %select_n3A_1056 = arith.select %lt3A_1053, %exp3A_1047, %broadcast_in_dim3A_1055 : vector<16x1024xi1>, vector<16x1024xf32>
      %add3A_1057 = arith.addf %add3A_1043, %select_n3A_1056 : vector<16x1024xf32>
      %get3A_1058 = arith.constant 0 : index
      %get3A_1059 = arith.constant 76800 : index
      %get3A_1060 = vector.load %arg1[%get3A_1058, %get3A_1059] : memref<16x131072xf32, #tpu.memory_space<vmem>>, vector<16x1024xf32>
      %exp3A_1061 = math.exp %get3A_1060 : vector<16x1024xf32>
      %add3A_1062 = arith.constant 994304 : i32
      %add3A_1063 = vector.broadcast %add3A_1062 : i32 to vector<16x1024xi32>
      %add3A_1064 = arith.addi %iota3A, %add3A_1063 : vector<16x1024xi32>
      %lt3A_1065 = arith.constant 1000000 : i32
      %lt3A_1066 = vector.broadcast %lt3A_1065 : i32 to vector<16x1024xi32>
      %lt3A_1067 = arith.cmpi slt, %add3A_1064, %lt3A_1066 : vector<16x1024xi32>
      %jit3A_1068 = arith.constant 0.000000e+00 : f32
      %broadcast_in_dim3A_1069 = vector.broadcast %jit3A_1068 : f32 to vector<16x1024xf32>
      %select_n3A_1070 = arith.select %lt3A_1067, %exp3A_1061, %broadcast_in_dim3A_1069 : vector<16x1024xi1>, vector<16x1024xf32>
      %add3A_1071 = arith.addf %add3A_1057, %select_n3A_1070 : vector<16x1024xf32>
      %get3A_1072 = arith.constant 0 : index
      %get3A_1073 = arith.constant 77824 : index
      %get3A_1074 = vector.load %arg1[%get3A_1072, %get3A_1073] : memref<16x131072xf32, #tpu.memory_space<vmem>>, vector<16x1024xf32>
      %exp3A_1075 = math.exp %get3A_1074 : vector<16x1024xf32>
      %add3A_1076 = arith.constant 995328 : i32
      %add3A_1077 = vector.broadcast %add3A_1076 : i32 to vector<16x1024xi32>
      %add3A_1078 = arith.addi %iota3A, %add3A_1077 : vector<16x1024xi32>
      %lt3A_1079 = arith.constant 1000000 : i32
      %lt3A_1080 = vector.broadcast %lt3A_1079 : i32 to vector<16x1024xi32>
      %lt3A_1081 = arith.cmpi slt, %add3A_1078, %lt3A_1080 : vector<16x1024xi32>
      %jit3A_1082 = arith.constant 0.000000e+00 : f32
      %broadcast_in_dim3A_1083 = vector.broadcast %jit3A_1082 : f32 to vector<16x1024xf32>
      %select_n3A_1084 = arith.select %lt3A_1081, %exp3A_1075, %broadcast_in_dim3A_1083 : vector<16x1024xi1>, vector<16x1024xf32>
      %add3A_1085 = arith.addf %add3A_1071, %select_n3A_1084 : vector<16x1024xf32>
      %get3A_1086 = arith.constant 0 : index
      %get3A_1087 = arith.constant 78848 : index
      %get3A_1088 = vector.load %arg1[%get3A_1086, %get3A_1087] : memref<16x131072xf32, #tpu.memory_space<vmem>>, vector<16x1024xf32>
      %exp3A_1089 = math.exp %get3A_1088 : vector<16x1024xf32>
      %add3A_1090 = arith.constant 996352 : i32
      %add3A_1091 = vector.broadcast %add3A_1090 : i32 to vector<16x1024xi32>
      %add3A_1092 = arith.addi %iota3A, %add3A_1091 : vector<16x1024xi32>
      %lt3A_1093 = arith.constant 1000000 : i32
      %lt3A_1094 = vector.broadcast %lt3A_1093 : i32 to vector<16x1024xi32>
      %lt3A_1095 = arith.cmpi slt, %add3A_1092, %lt3A_1094 : vector<16x1024xi32>
      %jit3A_1096 = arith.constant 0.000000e+00 : f32
      %broadcast_in_dim3A_1097 = vector.broadcast %jit3A_1096 : f32 to vector<16x1024xf32>
      %select_n3A_1098 = arith.select %lt3A_1095, %exp3A_1089, %broadcast_in_dim3A_1097 : vector<16x1024xi1>, vector<16x1024xf32>
      %add3A_1099 = arith.addf %add3A_1085, %select_n3A_1098 : vector<16x1024xf32>
      %get3A_1100 = arith.constant 0 : index
      %get3A_1101 = arith.constant 79872 : index
      %get3A_1102 = vector.load %arg1[%get3A_1100, %get3A_1101] : memref<16x131072xf32, #tpu.memory_space<vmem>>, vector<16x1024xf32>
      %exp3A_1103 = math.exp %get3A_1102 : vector<16x1024xf32>
      %add3A_1104 = arith.constant 997376 : i32
      %add3A_1105 = vector.broadcast %add3A_1104 : i32 to vector<16x1024xi32>
      %add3A_1106 = arith.addi %iota3A, %add3A_1105 : vector<16x1024xi32>
      %lt3A_1107 = arith.constant 1000000 : i32
      %lt3A_1108 = vector.broadcast %lt3A_1107 : i32 to vector<16x1024xi32>
      %lt3A_1109 = arith.cmpi slt, %add3A_1106, %lt3A_1108 : vector<16x1024xi32>
      %jit3A_1110 = arith.constant 0.000000e+00 : f32
      %broadcast_in_dim3A_1111 = vector.broadcast %jit3A_1110 : f32 to vector<16x1024xf32>
      %select_n3A_1112 = arith.select %lt3A_1109, %exp3A_1103, %broadcast_in_dim3A_1111 : vector<16x1024xi1>, vector<16x1024xf32>
      %add3A_1113 = arith.addf %add3A_1099, %select_n3A_1112 : vector<16x1024xf32>
      %get3A_1114 = arith.constant 0 : index
      %get3A_1115 = arith.constant 80896 : index
      %get3A_1116 = vector.load %arg1[%get3A_1114, %get3A_1115] : memref<16x131072xf32, #tpu.memory_space<vmem>>, vector<16x1024xf32>
      %exp3A_1117 = math.exp %get3A_1116 : vector<16x1024xf32>
      %add3A_1118 = arith.constant 998400 : i32
      %add3A_1119 = vector.broadcast %add3A_1118 : i32 to vector<16x1024xi32>
      %add3A_1120 = arith.addi %iota3A, %add3A_1119 : vector<16x1024xi32>
      %lt3A_1121 = arith.constant 1000000 : i32
      %lt3A_1122 = vector.broadcast %lt3A_1121 : i32 to vector<16x1024xi32>
      %lt3A_1123 = arith.cmpi slt, %add3A_1120, %lt3A_1122 : vector<16x1024xi32>
      %jit3A_1124 = arith.constant 0.000000e+00 : f32
      %broadcast_in_dim3A_1125 = vector.broadcast %jit3A_1124 : f32 to vector<16x1024xf32>
      %select_n3A_1126 = arith.select %lt3A_1123, %exp3A_1117, %broadcast_in_dim3A_1125 : vector<16x1024xi1>, vector<16x1024xf32>
      %add3A_1127 = arith.addf %add3A_1113, %select_n3A_1126 : vector<16x1024xf32>
      %get3A_1128 = arith.constant 0 : index
      %get3A_1129 = arith.constant 81920 : index
      %get3A_1130 = vector.load %arg1[%get3A_1128, %get3A_1129] : memref<16x131072xf32, #tpu.memory_space<vmem>>, vector<16x1024xf32>
      %exp3A_1131 = math.exp %get3A_1130 : vector<16x1024xf32>
      %add3A_1132 = arith.constant 999424 : i32
      %add3A_1133 = vector.broadcast %add3A_1132 : i32 to vector<16x1024xi32>
      %add3A_1134 = arith.addi %iota3A, %add3A_1133 : vector<16x1024xi32>
      %lt3A_1135 = arith.constant 1000000 : i32
      %lt3A_1136 = vector.broadcast %lt3A_1135 : i32 to vector<16x1024xi32>
      %lt3A_1137 = arith.cmpi slt, %add3A_1134, %lt3A_1136 : vector<16x1024xi32>
      %jit3A_1138 = arith.constant 0.000000e+00 : f32
      %broadcast_in_dim3A_1139 = vector.broadcast %jit3A_1138 : f32 to vector<16x1024xf32>
      %select_n3A_1140 = arith.select %lt3A_1137, %exp3A_1131, %broadcast_in_dim3A_1139 : vector<16x1024xi1>, vector<16x1024xf32>
      %add3A_1141 = arith.addf %add3A_1127, %select_n3A_1140 : vector<16x1024xf32>
      %get3A_1142 = arith.constant 0 : index
      %get3A_1143 = arith.constant 82944 : index
      %get3A_1144 = vector.load %arg1[%get3A_1142, %get3A_1143] : memref<16x131072xf32, #tpu.memory_space<vmem>>, vector<16x1024xf32>
      %exp3A_1145 = math.exp %get3A_1144 : vector<16x1024xf32>
      %add3A_1146 = arith.constant 1000448 : i32
      %add3A_1147 = vector.broadcast %add3A_1146 : i32 to vector<16x1024xi32>
      %add3A_1148 = arith.addi %iota3A, %add3A_1147 : vector<16x1024xi32>
      %lt3A_1149 = arith.constant 1000000 : i32
      %lt3A_1150 = vector.broadcast %lt3A_1149 : i32 to vector<16x1024xi32>
      %lt3A_1151 = arith.cmpi slt, %add3A_1148, %lt3A_1150 : vector<16x1024xi32>
      %jit3A_1152 = arith.constant 0.000000e+00 : f32
      %broadcast_in_dim3A_1153 = vector.broadcast %jit3A_1152 : f32 to vector<16x1024xf32>
      %select_n3A_1154 = arith.select %lt3A_1151, %exp3A_1145, %broadcast_in_dim3A_1153 : vector<16x1024xi1>, vector<16x1024xf32>
      %add3A_1155 = arith.addf %add3A_1141, %select_n3A_1154 : vector<16x1024xf32>
      %get3A_1156 = arith.constant 0 : index
      %get3A_1157 = arith.constant 83968 : index
      %get3A_1158 = vector.load %arg1[%get3A_1156, %get3A_1157] : memref<16x131072xf32, #tpu.memory_space<vmem>>, vector<16x1024xf32>
      %exp3A_1159 = math.exp %get3A_1158 : vector<16x1024xf32>
      %add3A_1160 = arith.constant 1001472 : i32
      %add3A_1161 = vector.broadcast %add3A_1160 : i32 to vector<16x1024xi32>
      %add3A_1162 = arith.addi %iota3A, %add3A_1161 : vector<16x1024xi32>
      %lt3A_1163 = arith.constant 1000000 : i32
      %lt3A_1164 = vector.broadcast %lt3A_1163 : i32 to vector<16x1024xi32>
      %lt3A_1165 = arith.cmpi slt, %add3A_1162, %lt3A_1164 : vector<16x1024xi32>
      %jit3A_1166 = arith.constant 0.000000e+00 : f32
      %broadcast_in_dim3A_1167 = vector.broadcast %jit3A_1166 : f32 to vector<16x1024xf32>
      %select_n3A_1168 = arith.select %lt3A_1165, %exp3A_1159, %broadcast_in_dim3A_1167 : vector<16x1024xi1>, vector<16x1024xf32>
      %add3A_1169 = arith.addf %add3A_1155, %select_n3A_1168 : vector<16x1024xf32>
      %get3A_1170 = arith.constant 0 : index
      %get3A_1171 = arith.constant 84992 : index
      %get3A_1172 = vector.load %arg1[%get3A_1170, %get3A_1171] : memref<16x131072xf32, #tpu.memory_space<vmem>>, vector<16x1024xf32>
      %exp3A_1173 = math.exp %get3A_1172 : vector<16x1024xf32>
      %add3A_1174 = arith.constant 1002496 : i32
      %add3A_1175 = vector.broadcast %add3A_1174 : i32 to vector<16x1024xi32>
      %add3A_1176 = arith.addi %iota3A, %add3A_1175 : vector<16x1024xi32>
      %lt3A_1177 = arith.constant 1000000 : i32
      %lt3A_1178 = vector.broadcast %lt3A_1177 : i32 to vector<16x1024xi32>
      %lt3A_1179 = arith.cmpi slt, %add3A_1176, %lt3A_1178 : vector<16x1024xi32>
      %jit3A_1180 = arith.constant 0.000000e+00 : f32
      %broadcast_in_dim3A_1181 = vector.broadcast %jit3A_1180 : f32 to vector<16x1024xf32>
      %select_n3A_1182 = arith.select %lt3A_1179, %exp3A_1173, %broadcast_in_dim3A_1181 : vector<16x1024xi1>, vector<16x1024xf32>
      %add3A_1183 = arith.addf %add3A_1169, %select_n3A_1182 : vector<16x1024xf32>
      %get3A_1184 = arith.constant 0 : index
      %get3A_1185 = arith.constant 86016 : index
      %get3A_1186 = vector.load %arg1[%get3A_1184, %get3A_1185] : memref<16x131072xf32, #tpu.memory_space<vmem>>, vector<16x1024xf32>
      %exp3A_1187 = math.exp %get3A_1186 : vector<16x1024xf32>
      %add3A_1188 = arith.constant 1003520 : i32
      %add3A_1189 = vector.broadcast %add3A_1188 : i32 to vector<16x1024xi32>
      %add3A_1190 = arith.addi %iota3A, %add3A_1189 : vector<16x1024xi32>
      %lt3A_1191 = arith.constant 1000000 : i32
      %lt3A_1192 = vector.broadcast %lt3A_1191 : i32 to vector<16x1024xi32>
      %lt3A_1193 = arith.cmpi slt, %add3A_1190, %lt3A_1192 : vector<16x1024xi32>
      %jit3A_1194 = arith.constant 0.000000e+00 : f32
      %broadcast_in_dim3A_1195 = vector.broadcast %jit3A_1194 : f32 to vector<16x1024xf32>
      %select_n3A_1196 = arith.select %lt3A_1193, %exp3A_1187, %broadcast_in_dim3A_1195 : vector<16x1024xi1>, vector<16x1024xf32>
      %add3A_1197 = arith.addf %add3A_1183, %select_n3A_1196 : vector<16x1024xf32>
      %get3A_1198 = arith.constant 0 : index
      %get3A_1199 = arith.constant 87040 : index
      %get3A_1200 = vector.load %arg1[%get3A_1198, %get3A_1199] : memref<16x131072xf32, #tpu.memory_space<vmem>>, vector<16x1024xf32>
      %exp3A_1201 = math.exp %get3A_1200 : vector<16x1024xf32>
      %add3A_1202 = arith.constant 1004544 : i32
      %add3A_1203 = vector.broadcast %add3A_1202 : i32 to vector<16x1024xi32>
      %add3A_1204 = arith.addi %iota3A, %add3A_1203 : vector<16x1024xi32>
      %lt3A_1205 = arith.constant 1000000 : i32
      %lt3A_1206 = vector.broadcast %lt3A_1205 : i32 to vector<16x1024xi32>
      %lt3A_1207 = arith.cmpi slt, %add3A_1204, %lt3A_1206 : vector<16x1024xi32>
      %jit3A_1208 = arith.constant 0.000000e+00 : f32
      %broadcast_in_dim3A_1209 = vector.broadcast %jit3A_1208 : f32 to vector<16x1024xf32>
      %select_n3A_1210 = arith.select %lt3A_1207, %exp3A_1201, %broadcast_in_dim3A_1209 : vector<16x1024xi1>, vector<16x1024xf32>
      %add3A_1211 = arith.addf %add3A_1197, %select_n3A_1210 : vector<16x1024xf32>
      %get3A_1212 = arith.constant 0 : index
      %get3A_1213 = arith.constant 88064 : index
      %get3A_1214 = vector.load %arg1[%get3A_1212, %get3A_1213] : memref<16x131072xf32, #tpu.memory_space<vmem>>, vector<16x1024xf32>
      %exp3A_1215 = math.exp %get3A_1214 : vector<16x1024xf32>
      %add3A_1216 = arith.constant 1005568 : i32
      %add3A_1217 = vector.broadcast %add3A_1216 : i32 to vector<16x1024xi32>
      %add3A_1218 = arith.addi %iota3A, %add3A_1217 : vector<16x1024xi32>
      %lt3A_1219 = arith.constant 1000000 : i32
      %lt3A_1220 = vector.broadcast %lt3A_1219 : i32 to vector<16x1024xi32>
      %lt3A_1221 = arith.cmpi slt, %add3A_1218, %lt3A_1220 : vector<16x1024xi32>
      %jit3A_1222 = arith.constant 0.000000e+00 : f32
      %broadcast_in_dim3A_1223 = vector.broadcast %jit3A_1222 : f32 to vector<16x1024xf32>
      %select_n3A_1224 = arith.select %lt3A_1221, %exp3A_1215, %broadcast_in_dim3A_1223 : vector<16x1024xi1>, vector<16x1024xf32>
      %add3A_1225 = arith.addf %add3A_1211, %select_n3A_1224 : vector<16x1024xf32>
      %get3A_1226 = arith.constant 0 : index
      %get3A_1227 = arith.constant 89088 : index
      %get3A_1228 = vector.load %arg1[%get3A_1226, %get3A_1227] : memref<16x131072xf32, #tpu.memory_space<vmem>>, vector<16x1024xf32>
      %exp3A_1229 = math.exp %get3A_1228 : vector<16x1024xf32>
      %add3A_1230 = arith.constant 1006592 : i32
      %add3A_1231 = vector.broadcast %add3A_1230 : i32 to vector<16x1024xi32>
      %add3A_1232 = arith.addi %iota3A, %add3A_1231 : vector<16x1024xi32>
      %lt3A_1233 = arith.constant 1000000 : i32
      %lt3A_1234 = vector.broadcast %lt3A_1233 : i32 to vector<16x1024xi32>
      %lt3A_1235 = arith.cmpi slt, %add3A_1232, %lt3A_1234 : vector<16x1024xi32>
      %jit3A_1236 = arith.constant 0.000000e+00 : f32
      %broadcast_in_dim3A_1237 = vector.broadcast %jit3A_1236 : f32 to vector<16x1024xf32>
      %select_n3A_1238 = arith.select %lt3A_1235, %exp3A_1229, %broadcast_in_dim3A_1237 : vector<16x1024xi1>, vector<16x1024xf32>
      %add3A_1239 = arith.addf %add3A_1225, %select_n3A_1238 : vector<16x1024xf32>
      %get3A_1240 = arith.constant 0 : index
      %get3A_1241 = arith.constant 90112 : index
      %get3A_1242 = vector.load %arg1[%get3A_1240, %get3A_1241] : memref<16x131072xf32, #tpu.memory_space<vmem>>, vector<16x1024xf32>
      %exp3A_1243 = math.exp %get3A_1242 : vector<16x1024xf32>
      %add3A_1244 = arith.constant 1007616 : i32
      %add3A_1245 = vector.broadcast %add3A_1244 : i32 to vector<16x1024xi32>
      %add3A_1246 = arith.addi %iota3A, %add3A_1245 : vector<16x1024xi32>
      %lt3A_1247 = arith.constant 1000000 : i32
      %lt3A_1248 = vector.broadcast %lt3A_1247 : i32 to vector<16x1024xi32>
      %lt3A_1249 = arith.cmpi slt, %add3A_1246, %lt3A_1248 : vector<16x1024xi32>
      %jit3A_1250 = arith.constant 0.000000e+00 : f32
      %broadcast_in_dim3A_1251 = vector.broadcast %jit3A_1250 : f32 to vector<16x1024xf32>
      %select_n3A_1252 = arith.select %lt3A_1249, %exp3A_1243, %broadcast_in_dim3A_1251 : vector<16x1024xi1>, vector<16x1024xf32>
      %add3A_1253 = arith.addf %add3A_1239, %select_n3A_1252 : vector<16x1024xf32>
      %get3A_1254 = arith.constant 0 : index
      %get3A_1255 = arith.constant 91136 : index
      %get3A_1256 = vector.load %arg1[%get3A_1254, %get3A_1255] : memref<16x131072xf32, #tpu.memory_space<vmem>>, vector<16x1024xf32>
      %exp3A_1257 = math.exp %get3A_1256 : vector<16x1024xf32>
      %add3A_1258 = arith.constant 1008640 : i32
      %add3A_1259 = vector.broadcast %add3A_1258 : i32 to vector<16x1024xi32>
      %add3A_1260 = arith.addi %iota3A, %add3A_1259 : vector<16x1024xi32>
      %lt3A_1261 = arith.constant 1000000 : i32
      %lt3A_1262 = vector.broadcast %lt3A_1261 : i32 to vector<16x1024xi32>
      %lt3A_1263 = arith.cmpi slt, %add3A_1260, %lt3A_1262 : vector<16x1024xi32>
      %jit3A_1264 = arith.constant 0.000000e+00 : f32
      %broadcast_in_dim3A_1265 = vector.broadcast %jit3A_1264 : f32 to vector<16x1024xf32>
      %select_n3A_1266 = arith.select %lt3A_1263, %exp3A_1257, %broadcast_in_dim3A_1265 : vector<16x1024xi1>, vector<16x1024xf32>
      %add3A_1267 = arith.addf %add3A_1253, %select_n3A_1266 : vector<16x1024xf32>
      %get3A_1268 = arith.constant 0 : index
      %get3A_1269 = arith.constant 92160 : index
      %get3A_1270 = vector.load %arg1[%get3A_1268, %get3A_1269] : memref<16x131072xf32, #tpu.memory_space<vmem>>, vector<16x1024xf32>
      %exp3A_1271 = math.exp %get3A_1270 : vector<16x1024xf32>
      %add3A_1272 = arith.constant 1009664 : i32
      %add3A_1273 = vector.broadcast %add3A_1272 : i32 to vector<16x1024xi32>
      %add3A_1274 = arith.addi %iota3A, %add3A_1273 : vector<16x1024xi32>
      %lt3A_1275 = arith.constant 1000000 : i32
      %lt3A_1276 = vector.broadcast %lt3A_1275 : i32 to vector<16x1024xi32>
      %lt3A_1277 = arith.cmpi slt, %add3A_1274, %lt3A_1276 : vector<16x1024xi32>
      %jit3A_1278 = arith.constant 0.000000e+00 : f32
      %broadcast_in_dim3A_1279 = vector.broadcast %jit3A_1278 : f32 to vector<16x1024xf32>
      %select_n3A_1280 = arith.select %lt3A_1277, %exp3A_1271, %broadcast_in_dim3A_1279 : vector<16x1024xi1>, vector<16x1024xf32>
      %add3A_1281 = arith.addf %add3A_1267, %select_n3A_1280 : vector<16x1024xf32>
      %get3A_1282 = arith.constant 0 : index
      %get3A_1283 = arith.constant 93184 : index
      %get3A_1284 = vector.load %arg1[%get3A_1282, %get3A_1283] : memref<16x131072xf32, #tpu.memory_space<vmem>>, vector<16x1024xf32>
      %exp3A_1285 = math.exp %get3A_1284 : vector<16x1024xf32>
      %add3A_1286 = arith.constant 1010688 : i32
      %add3A_1287 = vector.broadcast %add3A_1286 : i32 to vector<16x1024xi32>
      %add3A_1288 = arith.addi %iota3A, %add3A_1287 : vector<16x1024xi32>
      %lt3A_1289 = arith.constant 1000000 : i32
      %lt3A_1290 = vector.broadcast %lt3A_1289 : i32 to vector<16x1024xi32>
      %lt3A_1291 = arith.cmpi slt, %add3A_1288, %lt3A_1290 : vector<16x1024xi32>
      %jit3A_1292 = arith.constant 0.000000e+00 : f32
      %broadcast_in_dim3A_1293 = vector.broadcast %jit3A_1292 : f32 to vector<16x1024xf32>
      %select_n3A_1294 = arith.select %lt3A_1291, %exp3A_1285, %broadcast_in_dim3A_1293 : vector<16x1024xi1>, vector<16x1024xf32>
      %add3A_1295 = arith.addf %add3A_1281, %select_n3A_1294 : vector<16x1024xf32>
      %get3A_1296 = arith.constant 0 : index
      %get3A_1297 = arith.constant 94208 : index
      %get3A_1298 = vector.load %arg1[%get3A_1296, %get3A_1297] : memref<16x131072xf32, #tpu.memory_space<vmem>>, vector<16x1024xf32>
      %exp3A_1299 = math.exp %get3A_1298 : vector<16x1024xf32>
      %add3A_1300 = arith.constant 1011712 : i32
      %add3A_1301 = vector.broadcast %add3A_1300 : i32 to vector<16x1024xi32>
      %add3A_1302 = arith.addi %iota3A, %add3A_1301 : vector<16x1024xi32>
      %lt3A_1303 = arith.constant 1000000 : i32
      %lt3A_1304 = vector.broadcast %lt3A_1303 : i32 to vector<16x1024xi32>
      %lt3A_1305 = arith.cmpi slt, %add3A_1302, %lt3A_1304 : vector<16x1024xi32>
      %jit3A_1306 = arith.constant 0.000000e+00 : f32
      %broadcast_in_dim3A_1307 = vector.broadcast %jit3A_1306 : f32 to vector<16x1024xf32>
      %select_n3A_1308 = arith.select %lt3A_1305, %exp3A_1299, %broadcast_in_dim3A_1307 : vector<16x1024xi1>, vector<16x1024xf32>
      %add3A_1309 = arith.addf %add3A_1295, %select_n3A_1308 : vector<16x1024xf32>
      %get3A_1310 = arith.constant 0 : index
      %get3A_1311 = arith.constant 95232 : index
      %get3A_1312 = vector.load %arg1[%get3A_1310, %get3A_1311] : memref<16x131072xf32, #tpu.memory_space<vmem>>, vector<16x1024xf32>
      %exp3A_1313 = math.exp %get3A_1312 : vector<16x1024xf32>
      %add3A_1314 = arith.constant 1012736 : i32
      %add3A_1315 = vector.broadcast %add3A_1314 : i32 to vector<16x1024xi32>
      %add3A_1316 = arith.addi %iota3A, %add3A_1315 : vector<16x1024xi32>
      %lt3A_1317 = arith.constant 1000000 : i32
      %lt3A_1318 = vector.broadcast %lt3A_1317 : i32 to vector<16x1024xi32>
      %lt3A_1319 = arith.cmpi slt, %add3A_1316, %lt3A_1318 : vector<16x1024xi32>
      %jit3A_1320 = arith.constant 0.000000e+00 : f32
      %broadcast_in_dim3A_1321 = vector.broadcast %jit3A_1320 : f32 to vector<16x1024xf32>
      %select_n3A_1322 = arith.select %lt3A_1319, %exp3A_1313, %broadcast_in_dim3A_1321 : vector<16x1024xi1>, vector<16x1024xf32>
      %add3A_1323 = arith.addf %add3A_1309, %select_n3A_1322 : vector<16x1024xf32>
      %get3A_1324 = arith.constant 0 : index
      %get3A_1325 = arith.constant 96256 : index
      %get3A_1326 = vector.load %arg1[%get3A_1324, %get3A_1325] : memref<16x131072xf32, #tpu.memory_space<vmem>>, vector<16x1024xf32>
      %exp3A_1327 = math.exp %get3A_1326 : vector<16x1024xf32>
      %add3A_1328 = arith.constant 1013760 : i32
      %add3A_1329 = vector.broadcast %add3A_1328 : i32 to vector<16x1024xi32>
      %add3A_1330 = arith.addi %iota3A, %add3A_1329 : vector<16x1024xi32>
      %lt3A_1331 = arith.constant 1000000 : i32
      %lt3A_1332 = vector.broadcast %lt3A_1331 : i32 to vector<16x1024xi32>
      %lt3A_1333 = arith.cmpi slt, %add3A_1330, %lt3A_1332 : vector<16x1024xi32>
      %jit3A_1334 = arith.constant 0.000000e+00 : f32
      %broadcast_in_dim3A_1335 = vector.broadcast %jit3A_1334 : f32 to vector<16x1024xf32>
      %select_n3A_1336 = arith.select %lt3A_1333, %exp3A_1327, %broadcast_in_dim3A_1335 : vector<16x1024xi1>, vector<16x1024xf32>
      %add3A_1337 = arith.addf %add3A_1323, %select_n3A_1336 : vector<16x1024xf32>
      %get3A_1338 = arith.constant 0 : index
      %get3A_1339 = arith.constant 97280 : index
      %get3A_1340 = vector.load %arg1[%get3A_1338, %get3A_1339] : memref<16x131072xf32, #tpu.memory_space<vmem>>, vector<16x1024xf32>
      %exp3A_1341 = math.exp %get3A_1340 : vector<16x1024xf32>
      %add3A_1342 = arith.constant 1014784 : i32
      %add3A_1343 = vector.broadcast %add3A_1342 : i32 to vector<16x1024xi32>
      %add3A_1344 = arith.addi %iota3A, %add3A_1343 : vector<16x1024xi32>
      %lt3A_1345 = arith.constant 1000000 : i32
      %lt3A_1346 = vector.broadcast %lt3A_1345 : i32 to vector<16x1024xi32>
      %lt3A_1347 = arith.cmpi slt, %add3A_1344, %lt3A_1346 : vector<16x1024xi32>
      %jit3A_1348 = arith.constant 0.000000e+00 : f32
      %broadcast_in_dim3A_1349 = vector.broadcast %jit3A_1348 : f32 to vector<16x1024xf32>
      %select_n3A_1350 = arith.select %lt3A_1347, %exp3A_1341, %broadcast_in_dim3A_1349 : vector<16x1024xi1>, vector<16x1024xf32>
      %add3A_1351 = arith.addf %add3A_1337, %select_n3A_1350 : vector<16x1024xf32>
      %get3A_1352 = arith.constant 0 : index
      %get3A_1353 = arith.constant 98304 : index
      %get3A_1354 = vector.load %arg1[%get3A_1352, %get3A_1353] : memref<16x131072xf32, #tpu.memory_space<vmem>>, vector<16x1024xf32>
      %exp3A_1355 = math.exp %get3A_1354 : vector<16x1024xf32>
      %add3A_1356 = arith.constant 1015808 : i32
      %add3A_1357 = vector.broadcast %add3A_1356 : i32 to vector<16x1024xi32>
      %add3A_1358 = arith.addi %iota3A, %add3A_1357 : vector<16x1024xi32>
      %lt3A_1359 = arith.constant 1000000 : i32
      %lt3A_1360 = vector.broadcast %lt3A_1359 : i32 to vector<16x1024xi32>
      %lt3A_1361 = arith.cmpi slt, %add3A_1358, %lt3A_1360 : vector<16x1024xi32>
      %jit3A_1362 = arith.constant 0.000000e+00 : f32
      %broadcast_in_dim3A_1363 = vector.broadcast %jit3A_1362 : f32 to vector<16x1024xf32>
      %select_n3A_1364 = arith.select %lt3A_1361, %exp3A_1355, %broadcast_in_dim3A_1363 : vector<16x1024xi1>, vector<16x1024xf32>
      %add3A_1365 = arith.addf %add3A_1351, %select_n3A_1364 : vector<16x1024xf32>
      %get3A_1366 = arith.constant 0 : index
      %get3A_1367 = arith.constant 99328 : index
      %get3A_1368 = vector.load %arg1[%get3A_1366, %get3A_1367] : memref<16x131072xf32, #tpu.memory_space<vmem>>, vector<16x1024xf32>
      %exp3A_1369 = math.exp %get3A_1368 : vector<16x1024xf32>
      %add3A_1370 = arith.constant 1016832 : i32
      %add3A_1371 = vector.broadcast %add3A_1370 : i32 to vector<16x1024xi32>
      %add3A_1372 = arith.addi %iota3A, %add3A_1371 : vector<16x1024xi32>
      %lt3A_1373 = arith.constant 1000000 : i32
      %lt3A_1374 = vector.broadcast %lt3A_1373 : i32 to vector<16x1024xi32>
      %lt3A_1375 = arith.cmpi slt, %add3A_1372, %lt3A_1374 : vector<16x1024xi32>
      %jit3A_1376 = arith.constant 0.000000e+00 : f32
      %broadcast_in_dim3A_1377 = vector.broadcast %jit3A_1376 : f32 to vector<16x1024xf32>
      %select_n3A_1378 = arith.select %lt3A_1375, %exp3A_1369, %broadcast_in_dim3A_1377 : vector<16x1024xi1>, vector<16x1024xf32>
      %add3A_1379 = arith.addf %add3A_1365, %select_n3A_1378 : vector<16x1024xf32>
      %get3A_1380 = arith.constant 0 : index
      %get3A_1381 = arith.constant 100352 : index
      %get3A_1382 = vector.load %arg1[%get3A_1380, %get3A_1381] : memref<16x131072xf32, #tpu.memory_space<vmem>>, vector<16x1024xf32>
      %exp3A_1383 = math.exp %get3A_1382 : vector<16x1024xf32>
      %add3A_1384 = arith.constant 1017856 : i32
      %add3A_1385 = vector.broadcast %add3A_1384 : i32 to vector<16x1024xi32>
      %add3A_1386 = arith.addi %iota3A, %add3A_1385 : vector<16x1024xi32>
      %lt3A_1387 = arith.constant 1000000 : i32
      %lt3A_1388 = vector.broadcast %lt3A_1387 : i32 to vector<16x1024xi32>
      %lt3A_1389 = arith.cmpi slt, %add3A_1386, %lt3A_1388 : vector<16x1024xi32>
      %jit3A_1390 = arith.constant 0.000000e+00 : f32
      %broadcast_in_dim3A_1391 = vector.broadcast %jit3A_1390 : f32 to vector<16x1024xf32>
      %select_n3A_1392 = arith.select %lt3A_1389, %exp3A_1383, %broadcast_in_dim3A_1391 : vector<16x1024xi1>, vector<16x1024xf32>
      %add3A_1393 = arith.addf %add3A_1379, %select_n3A_1392 : vector<16x1024xf32>
      %get3A_1394 = arith.constant 0 : index
      %get3A_1395 = arith.constant 101376 : index
      %get3A_1396 = vector.load %arg1[%get3A_1394, %get3A_1395] : memref<16x131072xf32, #tpu.memory_space<vmem>>, vector<16x1024xf32>
      %exp3A_1397 = math.exp %get3A_1396 : vector<16x1024xf32>
      %add3A_1398 = arith.constant 1018880 : i32
      %add3A_1399 = vector.broadcast %add3A_1398 : i32 to vector<16x1024xi32>
      %add3A_1400 = arith.addi %iota3A, %add3A_1399 : vector<16x1024xi32>
      %lt3A_1401 = arith.constant 1000000 : i32
      %lt3A_1402 = vector.broadcast %lt3A_1401 : i32 to vector<16x1024xi32>
      %lt3A_1403 = arith.cmpi slt, %add3A_1400, %lt3A_1402 : vector<16x1024xi32>
      %jit3A_1404 = arith.constant 0.000000e+00 : f32
      %broadcast_in_dim3A_1405 = vector.broadcast %jit3A_1404 : f32 to vector<16x1024xf32>
      %select_n3A_1406 = arith.select %lt3A_1403, %exp3A_1397, %broadcast_in_dim3A_1405 : vector<16x1024xi1>, vector<16x1024xf32>
      %add3A_1407 = arith.addf %add3A_1393, %select_n3A_1406 : vector<16x1024xf32>
      %get3A_1408 = arith.constant 0 : index
      %get3A_1409 = arith.constant 102400 : index
      %get3A_1410 = vector.load %arg1[%get3A_1408, %get3A_1409] : memref<16x131072xf32, #tpu.memory_space<vmem>>, vector<16x1024xf32>
      %exp3A_1411 = math.exp %get3A_1410 : vector<16x1024xf32>
      %add3A_1412 = arith.constant 1019904 : i32
      %add3A_1413 = vector.broadcast %add3A_1412 : i32 to vector<16x1024xi32>
      %add3A_1414 = arith.addi %iota3A, %add3A_1413 : vector<16x1024xi32>
      %lt3A_1415 = arith.constant 1000000 : i32
      %lt3A_1416 = vector.broadcast %lt3A_1415 : i32 to vector<16x1024xi32>
      %lt3A_1417 = arith.cmpi slt, %add3A_1414, %lt3A_1416 : vector<16x1024xi32>
      %jit3A_1418 = arith.constant 0.000000e+00 : f32
      %broadcast_in_dim3A_1419 = vector.broadcast %jit3A_1418 : f32 to vector<16x1024xf32>
      %select_n3A_1420 = arith.select %lt3A_1417, %exp3A_1411, %broadcast_in_dim3A_1419 : vector<16x1024xi1>, vector<16x1024xf32>
      %add3A_1421 = arith.addf %add3A_1407, %select_n3A_1420 : vector<16x1024xf32>
      %get3A_1422 = arith.constant 0 : index
      %get3A_1423 = arith.constant 103424 : index
      %get3A_1424 = vector.load %arg1[%get3A_1422, %get3A_1423] : memref<16x131072xf32, #tpu.memory_space<vmem>>, vector<16x1024xf32>
      %exp3A_1425 = math.exp %get3A_1424 : vector<16x1024xf32>
      %add3A_1426 = arith.constant 1020928 : i32
      %add3A_1427 = vector.broadcast %add3A_1426 : i32 to vector<16x1024xi32>
      %add3A_1428 = arith.addi %iota3A, %add3A_1427 : vector<16x1024xi32>
      %lt3A_1429 = arith.constant 1000000 : i32
      %lt3A_1430 = vector.broadcast %lt3A_1429 : i32 to vector<16x1024xi32>
      %lt3A_1431 = arith.cmpi slt, %add3A_1428, %lt3A_1430 : vector<16x1024xi32>
      %jit3A_1432 = arith.constant 0.000000e+00 : f32
      %broadcast_in_dim3A_1433 = vector.broadcast %jit3A_1432 : f32 to vector<16x1024xf32>
      %select_n3A_1434 = arith.select %lt3A_1431, %exp3A_1425, %broadcast_in_dim3A_1433 : vector<16x1024xi1>, vector<16x1024xf32>
      %add3A_1435 = arith.addf %add3A_1421, %select_n3A_1434 : vector<16x1024xf32>
      %get3A_1436 = arith.constant 0 : index
      %get3A_1437 = arith.constant 104448 : index
      %get3A_1438 = vector.load %arg1[%get3A_1436, %get3A_1437] : memref<16x131072xf32, #tpu.memory_space<vmem>>, vector<16x1024xf32>
      %exp3A_1439 = math.exp %get3A_1438 : vector<16x1024xf32>
      %add3A_1440 = arith.constant 1021952 : i32
      %add3A_1441 = vector.broadcast %add3A_1440 : i32 to vector<16x1024xi32>
      %add3A_1442 = arith.addi %iota3A, %add3A_1441 : vector<16x1024xi32>
      %lt3A_1443 = arith.constant 1000000 : i32
      %lt3A_1444 = vector.broadcast %lt3A_1443 : i32 to vector<16x1024xi32>
      %lt3A_1445 = arith.cmpi slt, %add3A_1442, %lt3A_1444 : vector<16x1024xi32>
      %jit3A_1446 = arith.constant 0.000000e+00 : f32
      %broadcast_in_dim3A_1447 = vector.broadcast %jit3A_1446 : f32 to vector<16x1024xf32>
      %select_n3A_1448 = arith.select %lt3A_1445, %exp3A_1439, %broadcast_in_dim3A_1447 : vector<16x1024xi1>, vector<16x1024xf32>
      %add3A_1449 = arith.addf %add3A_1435, %select_n3A_1448 : vector<16x1024xf32>
      %get3A_1450 = arith.constant 0 : index
      %get3A_1451 = arith.constant 105472 : index
      %get3A_1452 = vector.load %arg1[%get3A_1450, %get3A_1451] : memref<16x131072xf32, #tpu.memory_space<vmem>>, vector<16x1024xf32>
      %exp3A_1453 = math.exp %get3A_1452 : vector<16x1024xf32>
      %add3A_1454 = arith.constant 1022976 : i32
      %add3A_1455 = vector.broadcast %add3A_1454 : i32 to vector<16x1024xi32>
      %add3A_1456 = arith.addi %iota3A, %add3A_1455 : vector<16x1024xi32>
      %lt3A_1457 = arith.constant 1000000 : i32
      %lt3A_1458 = vector.broadcast %lt3A_1457 : i32 to vector<16x1024xi32>
      %lt3A_1459 = arith.cmpi slt, %add3A_1456, %lt3A_1458 : vector<16x1024xi32>
      %jit3A_1460 = arith.constant 0.000000e+00 : f32
      %broadcast_in_dim3A_1461 = vector.broadcast %jit3A_1460 : f32 to vector<16x1024xf32>
      %select_n3A_1462 = arith.select %lt3A_1459, %exp3A_1453, %broadcast_in_dim3A_1461 : vector<16x1024xi1>, vector<16x1024xf32>
      %add3A_1463 = arith.addf %add3A_1449, %select_n3A_1462 : vector<16x1024xf32>
      %get3A_1464 = arith.constant 0 : index
      %get3A_1465 = arith.constant 106496 : index
      %get3A_1466 = vector.load %arg1[%get3A_1464, %get3A_1465] : memref<16x131072xf32, #tpu.memory_space<vmem>>, vector<16x1024xf32>
      %exp3A_1467 = math.exp %get3A_1466 : vector<16x1024xf32>
      %add3A_1468 = arith.constant 1024000 : i32
      %add3A_1469 = vector.broadcast %add3A_1468 : i32 to vector<16x1024xi32>
      %add3A_1470 = arith.addi %iota3A, %add3A_1469 : vector<16x1024xi32>
      %lt3A_1471 = arith.constant 1000000 : i32
      %lt3A_1472 = vector.broadcast %lt3A_1471 : i32 to vector<16x1024xi32>
      %lt3A_1473 = arith.cmpi slt, %add3A_1470, %lt3A_1472 : vector<16x1024xi32>
      %jit3A_1474 = arith.constant 0.000000e+00 : f32
      %broadcast_in_dim3A_1475 = vector.broadcast %jit3A_1474 : f32 to vector<16x1024xf32>
      %select_n3A_1476 = arith.select %lt3A_1473, %exp3A_1467, %broadcast_in_dim3A_1475 : vector<16x1024xi1>, vector<16x1024xf32>
      %add3A_1477 = arith.addf %add3A_1463, %select_n3A_1476 : vector<16x1024xf32>
      %get3A_1478 = arith.constant 0 : index
      %get3A_1479 = arith.constant 107520 : index
      %get3A_1480 = vector.load %arg1[%get3A_1478, %get3A_1479] : memref<16x131072xf32, #tpu.memory_space<vmem>>, vector<16x1024xf32>
      %exp3A_1481 = math.exp %get3A_1480 : vector<16x1024xf32>
      %add3A_1482 = arith.constant 1025024 : i32
      %add3A_1483 = vector.broadcast %add3A_1482 : i32 to vector<16x1024xi32>
      %add3A_1484 = arith.addi %iota3A, %add3A_1483 : vector<16x1024xi32>
      %lt3A_1485 = arith.constant 1000000 : i32
      %lt3A_1486 = vector.broadcast %lt3A_1485 : i32 to vector<16x1024xi32>
      %lt3A_1487 = arith.cmpi slt, %add3A_1484, %lt3A_1486 : vector<16x1024xi32>
      %jit3A_1488 = arith.constant 0.000000e+00 : f32
      %broadcast_in_dim3A_1489 = vector.broadcast %jit3A_1488 : f32 to vector<16x1024xf32>
      %select_n3A_1490 = arith.select %lt3A_1487, %exp3A_1481, %broadcast_in_dim3A_1489 : vector<16x1024xi1>, vector<16x1024xf32>
      %add3A_1491 = arith.addf %add3A_1477, %select_n3A_1490 : vector<16x1024xf32>
      %get3A_1492 = arith.constant 0 : index
      %get3A_1493 = arith.constant 108544 : index
      %get3A_1494 = vector.load %arg1[%get3A_1492, %get3A_1493] : memref<16x131072xf32, #tpu.memory_space<vmem>>, vector<16x1024xf32>
      %exp3A_1495 = math.exp %get3A_1494 : vector<16x1024xf32>
      %add3A_1496 = arith.constant 1026048 : i32
      %add3A_1497 = vector.broadcast %add3A_1496 : i32 to vector<16x1024xi32>
      %add3A_1498 = arith.addi %iota3A, %add3A_1497 : vector<16x1024xi32>
      %lt3A_1499 = arith.constant 1000000 : i32
      %lt3A_1500 = vector.broadcast %lt3A_1499 : i32 to vector<16x1024xi32>
      %lt3A_1501 = arith.cmpi slt, %add3A_1498, %lt3A_1500 : vector<16x1024xi32>
      %jit3A_1502 = arith.constant 0.000000e+00 : f32
      %broadcast_in_dim3A_1503 = vector.broadcast %jit3A_1502 : f32 to vector<16x1024xf32>
      %select_n3A_1504 = arith.select %lt3A_1501, %exp3A_1495, %broadcast_in_dim3A_1503 : vector<16x1024xi1>, vector<16x1024xf32>
      %add3A_1505 = arith.addf %add3A_1491, %select_n3A_1504 : vector<16x1024xf32>
      %get3A_1506 = arith.constant 0 : index
      %get3A_1507 = arith.constant 109568 : index
      %get3A_1508 = vector.load %arg1[%get3A_1506, %get3A_1507] : memref<16x131072xf32, #tpu.memory_space<vmem>>, vector<16x1024xf32>
      %exp3A_1509 = math.exp %get3A_1508 : vector<16x1024xf32>
      %add3A_1510 = arith.constant 1027072 : i32
      %add3A_1511 = vector.broadcast %add3A_1510 : i32 to vector<16x1024xi32>
      %add3A_1512 = arith.addi %iota3A, %add3A_1511 : vector<16x1024xi32>
      %lt3A_1513 = arith.constant 1000000 : i32
      %lt3A_1514 = vector.broadcast %lt3A_1513 : i32 to vector<16x1024xi32>
      %lt3A_1515 = arith.cmpi slt, %add3A_1512, %lt3A_1514 : vector<16x1024xi32>
      %jit3A_1516 = arith.constant 0.000000e+00 : f32
      %broadcast_in_dim3A_1517 = vector.broadcast %jit3A_1516 : f32 to vector<16x1024xf32>
      %select_n3A_1518 = arith.select %lt3A_1515, %exp3A_1509, %broadcast_in_dim3A_1517 : vector<16x1024xi1>, vector<16x1024xf32>
      %add3A_1519 = arith.addf %add3A_1505, %select_n3A_1518 : vector<16x1024xf32>
      %get3A_1520 = arith.constant 0 : index
      %get3A_1521 = arith.constant 110592 : index
      %get3A_1522 = vector.load %arg1[%get3A_1520, %get3A_1521] : memref<16x131072xf32, #tpu.memory_space<vmem>>, vector<16x1024xf32>
      %exp3A_1523 = math.exp %get3A_1522 : vector<16x1024xf32>
      %add3A_1524 = arith.constant 1028096 : i32
      %add3A_1525 = vector.broadcast %add3A_1524 : i32 to vector<16x1024xi32>
      %add3A_1526 = arith.addi %iota3A, %add3A_1525 : vector<16x1024xi32>
      %lt3A_1527 = arith.constant 1000000 : i32
      %lt3A_1528 = vector.broadcast %lt3A_1527 : i32 to vector<16x1024xi32>
      %lt3A_1529 = arith.cmpi slt, %add3A_1526, %lt3A_1528 : vector<16x1024xi32>
      %jit3A_1530 = arith.constant 0.000000e+00 : f32
      %broadcast_in_dim3A_1531 = vector.broadcast %jit3A_1530 : f32 to vector<16x1024xf32>
      %select_n3A_1532 = arith.select %lt3A_1529, %exp3A_1523, %broadcast_in_dim3A_1531 : vector<16x1024xi1>, vector<16x1024xf32>
      %add3A_1533 = arith.addf %add3A_1519, %select_n3A_1532 : vector<16x1024xf32>
      %get3A_1534 = arith.constant 0 : index
      %get3A_1535 = arith.constant 111616 : index
      %get3A_1536 = vector.load %arg1[%get3A_1534, %get3A_1535] : memref<16x131072xf32, #tpu.memory_space<vmem>>, vector<16x1024xf32>
      %exp3A_1537 = math.exp %get3A_1536 : vector<16x1024xf32>
      %add3A_1538 = arith.constant 1029120 : i32
      %add3A_1539 = vector.broadcast %add3A_1538 : i32 to vector<16x1024xi32>
      %add3A_1540 = arith.addi %iota3A, %add3A_1539 : vector<16x1024xi32>
      %lt3A_1541 = arith.constant 1000000 : i32
      %lt3A_1542 = vector.broadcast %lt3A_1541 : i32 to vector<16x1024xi32>
      %lt3A_1543 = arith.cmpi slt, %add3A_1540, %lt3A_1542 : vector<16x1024xi32>
      %jit3A_1544 = arith.constant 0.000000e+00 : f32
      %broadcast_in_dim3A_1545 = vector.broadcast %jit3A_1544 : f32 to vector<16x1024xf32>
      %select_n3A_1546 = arith.select %lt3A_1543, %exp3A_1537, %broadcast_in_dim3A_1545 : vector<16x1024xi1>, vector<16x1024xf32>
      %add3A_1547 = arith.addf %add3A_1533, %select_n3A_1546 : vector<16x1024xf32>
      %get3A_1548 = arith.constant 0 : index
      %get3A_1549 = arith.constant 112640 : index
      %get3A_1550 = vector.load %arg1[%get3A_1548, %get3A_1549] : memref<16x131072xf32, #tpu.memory_space<vmem>>, vector<16x1024xf32>
      %exp3A_1551 = math.exp %get3A_1550 : vector<16x1024xf32>
      %add3A_1552 = arith.constant 1030144 : i32
      %add3A_1553 = vector.broadcast %add3A_1552 : i32 to vector<16x1024xi32>
      %add3A_1554 = arith.addi %iota3A, %add3A_1553 : vector<16x1024xi32>
      %lt3A_1555 = arith.constant 1000000 : i32
      %lt3A_1556 = vector.broadcast %lt3A_1555 : i32 to vector<16x1024xi32>
      %lt3A_1557 = arith.cmpi slt, %add3A_1554, %lt3A_1556 : vector<16x1024xi32>
      %jit3A_1558 = arith.constant 0.000000e+00 : f32
      %broadcast_in_dim3A_1559 = vector.broadcast %jit3A_1558 : f32 to vector<16x1024xf32>
      %select_n3A_1560 = arith.select %lt3A_1557, %exp3A_1551, %broadcast_in_dim3A_1559 : vector<16x1024xi1>, vector<16x1024xf32>
      %add3A_1561 = arith.addf %add3A_1547, %select_n3A_1560 : vector<16x1024xf32>
      %get3A_1562 = arith.constant 0 : index
      %get3A_1563 = arith.constant 113664 : index
      %get3A_1564 = vector.load %arg1[%get3A_1562, %get3A_1563] : memref<16x131072xf32, #tpu.memory_space<vmem>>, vector<16x1024xf32>
      %exp3A_1565 = math.exp %get3A_1564 : vector<16x1024xf32>
      %add3A_1566 = arith.constant 1031168 : i32
      %add3A_1567 = vector.broadcast %add3A_1566 : i32 to vector<16x1024xi32>
      %add3A_1568 = arith.addi %iota3A, %add3A_1567 : vector<16x1024xi32>
      %lt3A_1569 = arith.constant 1000000 : i32
      %lt3A_1570 = vector.broadcast %lt3A_1569 : i32 to vector<16x1024xi32>
      %lt3A_1571 = arith.cmpi slt, %add3A_1568, %lt3A_1570 : vector<16x1024xi32>
      %jit3A_1572 = arith.constant 0.000000e+00 : f32
      %broadcast_in_dim3A_1573 = vector.broadcast %jit3A_1572 : f32 to vector<16x1024xf32>
      %select_n3A_1574 = arith.select %lt3A_1571, %exp3A_1565, %broadcast_in_dim3A_1573 : vector<16x1024xi1>, vector<16x1024xf32>
      %add3A_1575 = arith.addf %add3A_1561, %select_n3A_1574 : vector<16x1024xf32>
      %get3A_1576 = arith.constant 0 : index
      %get3A_1577 = arith.constant 114688 : index
      %get3A_1578 = vector.load %arg1[%get3A_1576, %get3A_1577] : memref<16x131072xf32, #tpu.memory_space<vmem>>, vector<16x1024xf32>
      %exp3A_1579 = math.exp %get3A_1578 : vector<16x1024xf32>
      %add3A_1580 = arith.constant 1032192 : i32
      %add3A_1581 = vector.broadcast %add3A_1580 : i32 to vector<16x1024xi32>
      %add3A_1582 = arith.addi %iota3A, %add3A_1581 : vector<16x1024xi32>
      %lt3A_1583 = arith.constant 1000000 : i32
      %lt3A_1584 = vector.broadcast %lt3A_1583 : i32 to vector<16x1024xi32>
      %lt3A_1585 = arith.cmpi slt, %add3A_1582, %lt3A_1584 : vector<16x1024xi32>
      %jit3A_1586 = arith.constant 0.000000e+00 : f32
      %broadcast_in_dim3A_1587 = vector.broadcast %jit3A_1586 : f32 to vector<16x1024xf32>
      %select_n3A_1588 = arith.select %lt3A_1585, %exp3A_1579, %broadcast_in_dim3A_1587 : vector<16x1024xi1>, vector<16x1024xf32>
      %add3A_1589 = arith.addf %add3A_1575, %select_n3A_1588 : vector<16x1024xf32>
      %get3A_1590 = arith.constant 0 : index
      %get3A_1591 = arith.constant 115712 : index
      %get3A_1592 = vector.load %arg1[%get3A_1590, %get3A_1591] : memref<16x131072xf32, #tpu.memory_space<vmem>>, vector<16x1024xf32>
      %exp3A_1593 = math.exp %get3A_1592 : vector<16x1024xf32>
      %add3A_1594 = arith.constant 1033216 : i32
      %add3A_1595 = vector.broadcast %add3A_1594 : i32 to vector<16x1024xi32>
      %add3A_1596 = arith.addi %iota3A, %add3A_1595 : vector<16x1024xi32>
      %lt3A_1597 = arith.constant 1000000 : i32
      %lt3A_1598 = vector.broadcast %lt3A_1597 : i32 to vector<16x1024xi32>
      %lt3A_1599 = arith.cmpi slt, %add3A_1596, %lt3A_1598 : vector<16x1024xi32>
      %jit3A_1600 = arith.constant 0.000000e+00 : f32
      %broadcast_in_dim3A_1601 = vector.broadcast %jit3A_1600 : f32 to vector<16x1024xf32>
      %select_n3A_1602 = arith.select %lt3A_1599, %exp3A_1593, %broadcast_in_dim3A_1601 : vector<16x1024xi1>, vector<16x1024xf32>
      %add3A_1603 = arith.addf %add3A_1589, %select_n3A_1602 : vector<16x1024xf32>
      %get3A_1604 = arith.constant 0 : index
      %get3A_1605 = arith.constant 116736 : index
      %get3A_1606 = vector.load %arg1[%get3A_1604, %get3A_1605] : memref<16x131072xf32, #tpu.memory_space<vmem>>, vector<16x1024xf32>
      %exp3A_1607 = math.exp %get3A_1606 : vector<16x1024xf32>
      %add3A_1608 = arith.constant 1034240 : i32
      %add3A_1609 = vector.broadcast %add3A_1608 : i32 to vector<16x1024xi32>
      %add3A_1610 = arith.addi %iota3A, %add3A_1609 : vector<16x1024xi32>
      %lt3A_1611 = arith.constant 1000000 : i32
      %lt3A_1612 = vector.broadcast %lt3A_1611 : i32 to vector<16x1024xi32>
      %lt3A_1613 = arith.cmpi slt, %add3A_1610, %lt3A_1612 : vector<16x1024xi32>
      %jit3A_1614 = arith.constant 0.000000e+00 : f32
      %broadcast_in_dim3A_1615 = vector.broadcast %jit3A_1614 : f32 to vector<16x1024xf32>
      %select_n3A_1616 = arith.select %lt3A_1613, %exp3A_1607, %broadcast_in_dim3A_1615 : vector<16x1024xi1>, vector<16x1024xf32>
      %add3A_1617 = arith.addf %add3A_1603, %select_n3A_1616 : vector<16x1024xf32>
      %get3A_1618 = arith.constant 0 : index
      %get3A_1619 = arith.constant 117760 : index
      %get3A_1620 = vector.load %arg1[%get3A_1618, %get3A_1619] : memref<16x131072xf32, #tpu.memory_space<vmem>>, vector<16x1024xf32>
      %exp3A_1621 = math.exp %get3A_1620 : vector<16x1024xf32>
      %add3A_1622 = arith.constant 1035264 : i32
      %add3A_1623 = vector.broadcast %add3A_1622 : i32 to vector<16x1024xi32>
      %add3A_1624 = arith.addi %iota3A, %add3A_1623 : vector<16x1024xi32>
      %lt3A_1625 = arith.constant 1000000 : i32
      %lt3A_1626 = vector.broadcast %lt3A_1625 : i32 to vector<16x1024xi32>
      %lt3A_1627 = arith.cmpi slt, %add3A_1624, %lt3A_1626 : vector<16x1024xi32>
      %jit3A_1628 = arith.constant 0.000000e+00 : f32
      %broadcast_in_dim3A_1629 = vector.broadcast %jit3A_1628 : f32 to vector<16x1024xf32>
      %select_n3A_1630 = arith.select %lt3A_1627, %exp3A_1621, %broadcast_in_dim3A_1629 : vector<16x1024xi1>, vector<16x1024xf32>
      %add3A_1631 = arith.addf %add3A_1617, %select_n3A_1630 : vector<16x1024xf32>
      %get3A_1632 = arith.constant 0 : index
      %get3A_1633 = arith.constant 118784 : index
      %get3A_1634 = vector.load %arg1[%get3A_1632, %get3A_1633] : memref<16x131072xf32, #tpu.memory_space<vmem>>, vector<16x1024xf32>
      %exp3A_1635 = math.exp %get3A_1634 : vector<16x1024xf32>
      %add3A_1636 = arith.constant 1036288 : i32
      %add3A_1637 = vector.broadcast %add3A_1636 : i32 to vector<16x1024xi32>
      %add3A_1638 = arith.addi %iota3A, %add3A_1637 : vector<16x1024xi32>
      %lt3A_1639 = arith.constant 1000000 : i32
      %lt3A_1640 = vector.broadcast %lt3A_1639 : i32 to vector<16x1024xi32>
      %lt3A_1641 = arith.cmpi slt, %add3A_1638, %lt3A_1640 : vector<16x1024xi32>
      %jit3A_1642 = arith.constant 0.000000e+00 : f32
      %broadcast_in_dim3A_1643 = vector.broadcast %jit3A_1642 : f32 to vector<16x1024xf32>
      %select_n3A_1644 = arith.select %lt3A_1641, %exp3A_1635, %broadcast_in_dim3A_1643 : vector<16x1024xi1>, vector<16x1024xf32>
      %add3A_1645 = arith.addf %add3A_1631, %select_n3A_1644 : vector<16x1024xf32>
      %get3A_1646 = arith.constant 0 : index
      %get3A_1647 = arith.constant 119808 : index
      %get3A_1648 = vector.load %arg1[%get3A_1646, %get3A_1647] : memref<16x131072xf32, #tpu.memory_space<vmem>>, vector<16x1024xf32>
      %exp3A_1649 = math.exp %get3A_1648 : vector<16x1024xf32>
      %add3A_1650 = arith.constant 1037312 : i32
      %add3A_1651 = vector.broadcast %add3A_1650 : i32 to vector<16x1024xi32>
      %add3A_1652 = arith.addi %iota3A, %add3A_1651 : vector<16x1024xi32>
      %lt3A_1653 = arith.constant 1000000 : i32
      %lt3A_1654 = vector.broadcast %lt3A_1653 : i32 to vector<16x1024xi32>
      %lt3A_1655 = arith.cmpi slt, %add3A_1652, %lt3A_1654 : vector<16x1024xi32>
      %jit3A_1656 = arith.constant 0.000000e+00 : f32
      %broadcast_in_dim3A_1657 = vector.broadcast %jit3A_1656 : f32 to vector<16x1024xf32>
      %select_n3A_1658 = arith.select %lt3A_1655, %exp3A_1649, %broadcast_in_dim3A_1657 : vector<16x1024xi1>, vector<16x1024xf32>
      %add3A_1659 = arith.addf %add3A_1645, %select_n3A_1658 : vector<16x1024xf32>
      %get3A_1660 = arith.constant 0 : index
      %get3A_1661 = arith.constant 120832 : index
      %get3A_1662 = vector.load %arg1[%get3A_1660, %get3A_1661] : memref<16x131072xf32, #tpu.memory_space<vmem>>, vector<16x1024xf32>
      %exp3A_1663 = math.exp %get3A_1662 : vector<16x1024xf32>
      %add3A_1664 = arith.constant 1038336 : i32
      %add3A_1665 = vector.broadcast %add3A_1664 : i32 to vector<16x1024xi32>
      %add3A_1666 = arith.addi %iota3A, %add3A_1665 : vector<16x1024xi32>
      %lt3A_1667 = arith.constant 1000000 : i32
      %lt3A_1668 = vector.broadcast %lt3A_1667 : i32 to vector<16x1024xi32>
      %lt3A_1669 = arith.cmpi slt, %add3A_1666, %lt3A_1668 : vector<16x1024xi32>
      %jit3A_1670 = arith.constant 0.000000e+00 : f32
      %broadcast_in_dim3A_1671 = vector.broadcast %jit3A_1670 : f32 to vector<16x1024xf32>
      %select_n3A_1672 = arith.select %lt3A_1669, %exp3A_1663, %broadcast_in_dim3A_1671 : vector<16x1024xi1>, vector<16x1024xf32>
      %add3A_1673 = arith.addf %add3A_1659, %select_n3A_1672 : vector<16x1024xf32>
      %get3A_1674 = arith.constant 0 : index
      %get3A_1675 = arith.constant 121856 : index
      %get3A_1676 = vector.load %arg1[%get3A_1674, %get3A_1675] : memref<16x131072xf32, #tpu.memory_space<vmem>>, vector<16x1024xf32>
      %exp3A_1677 = math.exp %get3A_1676 : vector<16x1024xf32>
      %add3A_1678 = arith.constant 1039360 : i32
      %add3A_1679 = vector.broadcast %add3A_1678 : i32 to vector<16x1024xi32>
      %add3A_1680 = arith.addi %iota3A, %add3A_1679 : vector<16x1024xi32>
      %lt3A_1681 = arith.constant 1000000 : i32
      %lt3A_1682 = vector.broadcast %lt3A_1681 : i32 to vector<16x1024xi32>
      %lt3A_1683 = arith.cmpi slt, %add3A_1680, %lt3A_1682 : vector<16x1024xi32>
      %jit3A_1684 = arith.constant 0.000000e+00 : f32
      %broadcast_in_dim3A_1685 = vector.broadcast %jit3A_1684 : f32 to vector<16x1024xf32>
      %select_n3A_1686 = arith.select %lt3A_1683, %exp3A_1677, %broadcast_in_dim3A_1685 : vector<16x1024xi1>, vector<16x1024xf32>
      %add3A_1687 = arith.addf %add3A_1673, %select_n3A_1686 : vector<16x1024xf32>
      %get3A_1688 = arith.constant 0 : index
      %get3A_1689 = arith.constant 122880 : index
      %get3A_1690 = vector.load %arg1[%get3A_1688, %get3A_1689] : memref<16x131072xf32, #tpu.memory_space<vmem>>, vector<16x1024xf32>
      %exp3A_1691 = math.exp %get3A_1690 : vector<16x1024xf32>
      %add3A_1692 = arith.constant 1040384 : i32
      %add3A_1693 = vector.broadcast %add3A_1692 : i32 to vector<16x1024xi32>
      %add3A_1694 = arith.addi %iota3A, %add3A_1693 : vector<16x1024xi32>
      %lt3A_1695 = arith.constant 1000000 : i32
      %lt3A_1696 = vector.broadcast %lt3A_1695 : i32 to vector<16x1024xi32>
      %lt3A_1697 = arith.cmpi slt, %add3A_1694, %lt3A_1696 : vector<16x1024xi32>
      %jit3A_1698 = arith.constant 0.000000e+00 : f32
      %broadcast_in_dim3A_1699 = vector.broadcast %jit3A_1698 : f32 to vector<16x1024xf32>
      %select_n3A_1700 = arith.select %lt3A_1697, %exp3A_1691, %broadcast_in_dim3A_1699 : vector<16x1024xi1>, vector<16x1024xf32>
      %add3A_1701 = arith.addf %add3A_1687, %select_n3A_1700 : vector<16x1024xf32>
      %get3A_1702 = arith.constant 0 : index
      %get3A_1703 = arith.constant 123904 : index
      %get3A_1704 = vector.load %arg1[%get3A_1702, %get3A_1703] : memref<16x131072xf32, #tpu.memory_space<vmem>>, vector<16x1024xf32>
      %exp3A_1705 = math.exp %get3A_1704 : vector<16x1024xf32>
      %add3A_1706 = arith.constant 1041408 : i32
      %add3A_1707 = vector.broadcast %add3A_1706 : i32 to vector<16x1024xi32>
      %add3A_1708 = arith.addi %iota3A, %add3A_1707 : vector<16x1024xi32>
      %lt3A_1709 = arith.constant 1000000 : i32
      %lt3A_1710 = vector.broadcast %lt3A_1709 : i32 to vector<16x1024xi32>
      %lt3A_1711 = arith.cmpi slt, %add3A_1708, %lt3A_1710 : vector<16x1024xi32>
      %jit3A_1712 = arith.constant 0.000000e+00 : f32
      %broadcast_in_dim3A_1713 = vector.broadcast %jit3A_1712 : f32 to vector<16x1024xf32>
      %select_n3A_1714 = arith.select %lt3A_1711, %exp3A_1705, %broadcast_in_dim3A_1713 : vector<16x1024xi1>, vector<16x1024xf32>
      %add3A_1715 = arith.addf %add3A_1701, %select_n3A_1714 : vector<16x1024xf32>
      %get3A_1716 = arith.constant 0 : index
      %get3A_1717 = arith.constant 124928 : index
      %get3A_1718 = vector.load %arg1[%get3A_1716, %get3A_1717] : memref<16x131072xf32, #tpu.memory_space<vmem>>, vector<16x1024xf32>
      %exp3A_1719 = math.exp %get3A_1718 : vector<16x1024xf32>
      %add3A_1720 = arith.constant 1042432 : i32
      %add3A_1721 = vector.broadcast %add3A_1720 : i32 to vector<16x1024xi32>
      %add3A_1722 = arith.addi %iota3A, %add3A_1721 : vector<16x1024xi32>
      %lt3A_1723 = arith.constant 1000000 : i32
      %lt3A_1724 = vector.broadcast %lt3A_1723 : i32 to vector<16x1024xi32>
      %lt3A_1725 = arith.cmpi slt, %add3A_1722, %lt3A_1724 : vector<16x1024xi32>
      %jit3A_1726 = arith.constant 0.000000e+00 : f32
      %broadcast_in_dim3A_1727 = vector.broadcast %jit3A_1726 : f32 to vector<16x1024xf32>
      %select_n3A_1728 = arith.select %lt3A_1725, %exp3A_1719, %broadcast_in_dim3A_1727 : vector<16x1024xi1>, vector<16x1024xf32>
      %add3A_1729 = arith.addf %add3A_1715, %select_n3A_1728 : vector<16x1024xf32>
      %get3A_1730 = arith.constant 0 : index
      %get3A_1731 = arith.constant 125952 : index
      %get3A_1732 = vector.load %arg1[%get3A_1730, %get3A_1731] : memref<16x131072xf32, #tpu.memory_space<vmem>>, vector<16x1024xf32>
      %exp3A_1733 = math.exp %get3A_1732 : vector<16x1024xf32>
      %add3A_1734 = arith.constant 1043456 : i32
      %add3A_1735 = vector.broadcast %add3A_1734 : i32 to vector<16x1024xi32>
      %add3A_1736 = arith.addi %iota3A, %add3A_1735 : vector<16x1024xi32>
      %lt3A_1737 = arith.constant 1000000 : i32
      %lt3A_1738 = vector.broadcast %lt3A_1737 : i32 to vector<16x1024xi32>
      %lt3A_1739 = arith.cmpi slt, %add3A_1736, %lt3A_1738 : vector<16x1024xi32>
      %jit3A_1740 = arith.constant 0.000000e+00 : f32
      %broadcast_in_dim3A_1741 = vector.broadcast %jit3A_1740 : f32 to vector<16x1024xf32>
      %select_n3A_1742 = arith.select %lt3A_1739, %exp3A_1733, %broadcast_in_dim3A_1741 : vector<16x1024xi1>, vector<16x1024xf32>
      %add3A_1743 = arith.addf %add3A_1729, %select_n3A_1742 : vector<16x1024xf32>
      %get3A_1744 = arith.constant 0 : index
      %get3A_1745 = arith.constant 126976 : index
      %get3A_1746 = vector.load %arg1[%get3A_1744, %get3A_1745] : memref<16x131072xf32, #tpu.memory_space<vmem>>, vector<16x1024xf32>
      %exp3A_1747 = math.exp %get3A_1746 : vector<16x1024xf32>
      %add3A_1748 = arith.constant 1044480 : i32
      %add3A_1749 = vector.broadcast %add3A_1748 : i32 to vector<16x1024xi32>
      %add3A_1750 = arith.addi %iota3A, %add3A_1749 : vector<16x1024xi32>
      %lt3A_1751 = arith.constant 1000000 : i32
      %lt3A_1752 = vector.broadcast %lt3A_1751 : i32 to vector<16x1024xi32>
      %lt3A_1753 = arith.cmpi slt, %add3A_1750, %lt3A_1752 : vector<16x1024xi32>
      %jit3A_1754 = arith.constant 0.000000e+00 : f32
      %broadcast_in_dim3A_1755 = vector.broadcast %jit3A_1754 : f32 to vector<16x1024xf32>
      %select_n3A_1756 = arith.select %lt3A_1753, %exp3A_1747, %broadcast_in_dim3A_1755 : vector<16x1024xi1>, vector<16x1024xf32>
      %add3A_1757 = arith.addf %add3A_1743, %select_n3A_1756 : vector<16x1024xf32>
      %get3A_1758 = arith.constant 0 : index
      %get3A_1759 = arith.constant 128000 : index
      %get3A_1760 = vector.load %arg1[%get3A_1758, %get3A_1759] : memref<16x131072xf32, #tpu.memory_space<vmem>>, vector<16x1024xf32>
      %exp3A_1761 = math.exp %get3A_1760 : vector<16x1024xf32>
      %add3A_1762 = arith.constant 1045504 : i32
      %add3A_1763 = vector.broadcast %add3A_1762 : i32 to vector<16x1024xi32>
      %add3A_1764 = arith.addi %iota3A, %add3A_1763 : vector<16x1024xi32>
      %lt3A_1765 = arith.constant 1000000 : i32
      %lt3A_1766 = vector.broadcast %lt3A_1765 : i32 to vector<16x1024xi32>
      %lt3A_1767 = arith.cmpi slt, %add3A_1764, %lt3A_1766 : vector<16x1024xi32>
      %jit3A_1768 = arith.constant 0.000000e+00 : f32
      %broadcast_in_dim3A_1769 = vector.broadcast %jit3A_1768 : f32 to vector<16x1024xf32>
      %select_n3A_1770 = arith.select %lt3A_1767, %exp3A_1761, %broadcast_in_dim3A_1769 : vector<16x1024xi1>, vector<16x1024xf32>
      %add3A_1771 = arith.addf %add3A_1757, %select_n3A_1770 : vector<16x1024xf32>
      %get3A_1772 = arith.constant 0 : index
      %get3A_1773 = arith.constant 129024 : index
      %get3A_1774 = vector.load %arg1[%get3A_1772, %get3A_1773] : memref<16x131072xf32, #tpu.memory_space<vmem>>, vector<16x1024xf32>
      %exp3A_1775 = math.exp %get3A_1774 : vector<16x1024xf32>
      %add3A_1776 = arith.constant 1046528 : i32
      %add3A_1777 = vector.broadcast %add3A_1776 : i32 to vector<16x1024xi32>
      %add3A_1778 = arith.addi %iota3A, %add3A_1777 : vector<16x1024xi32>
      %lt3A_1779 = arith.constant 1000000 : i32
      %lt3A_1780 = vector.broadcast %lt3A_1779 : i32 to vector<16x1024xi32>
      %lt3A_1781 = arith.cmpi slt, %add3A_1778, %lt3A_1780 : vector<16x1024xi32>
      %jit3A_1782 = arith.constant 0.000000e+00 : f32
      %broadcast_in_dim3A_1783 = vector.broadcast %jit3A_1782 : f32 to vector<16x1024xf32>
      %select_n3A_1784 = arith.select %lt3A_1781, %exp3A_1775, %broadcast_in_dim3A_1783 : vector<16x1024xi1>, vector<16x1024xf32>
      %add3A_1785 = arith.addf %add3A_1771, %select_n3A_1784 : vector<16x1024xf32>
      %get3A_1786 = arith.constant 0 : index
      %get3A_1787 = arith.constant 130048 : index
      %get3A_1788 = vector.load %arg1[%get3A_1786, %get3A_1787] : memref<16x131072xf32, #tpu.memory_space<vmem>>, vector<16x1024xf32>
      %exp3A_1789 = math.exp %get3A_1788 : vector<16x1024xf32>
      %add3A_1790 = arith.constant 1047552 : i32
      %add3A_1791 = vector.broadcast %add3A_1790 : i32 to vector<16x1024xi32>
      %add3A_1792 = arith.addi %iota3A, %add3A_1791 : vector<16x1024xi32>
      %lt3A_1793 = arith.constant 1000000 : i32
      %lt3A_1794 = vector.broadcast %lt3A_1793 : i32 to vector<16x1024xi32>
      %lt3A_1795 = arith.cmpi slt, %add3A_1792, %lt3A_1794 : vector<16x1024xi32>
      %jit3A_1796 = arith.constant 0.000000e+00 : f32
      %broadcast_in_dim3A_1797 = vector.broadcast %jit3A_1796 : f32 to vector<16x1024xf32>
      %select_n3A_1798 = arith.select %lt3A_1795, %exp3A_1789, %broadcast_in_dim3A_1797 : vector<16x1024xi1>, vector<16x1024xf32>
      %add3A_1799 = arith.addf %add3A_1785, %select_n3A_1798 : vector<16x1024xf32>
      %swap3A = arith.constant 0 : index
      %swap3A_1800 = arith.constant 0 : index
      %swap3A_1801 = vector.load %arg2[%swap3A, %swap3A_1800] : memref<16x1024xf32, #tpu.memory_space<vmem>>, vector<16x1024xf32>
      tpu.vector_store %arg2[%swap3A, %swap3A_1800], %add3A_1799 {strides = array<i32>} : memref<16x1024xf32, #tpu.memory_space<vmem>>, vector<16x1024xf32>,
    } else {
    }
    return
  }
  func.func @transform_0(%arg0: i32) -> (i32, i32) {
    %add3A = arith.constant 3 : i32
    %add3A_0 = arith.addi %arg0, %add3A : i32
    %c0_i32 = arith.constant 0 : i32
    %c0_i32_1 = arith.constant 0 : i32
    return %c0_i32, %add3A_0 : i32, i32
  }
  func.func @transform_1(%arg0: i32) -> (i32, i32) {
    %c0_i32 = arith.constant 0 : i32
    %c0_i32_0 = arith.constant 0 : i32
    %c0_i32_1 = arith.constant 0 : i32
    return %c0_i32, %c0_i32_0 : i32, i32
  }
}

</mosaic_0001>

<sc_bundles>
// kernel: kernel.5.cloned.1.call-start
scs
__scs_entry_jumppad:
0x0: {  	(pc) =	sbr.rel $0x88, $3  }
0x1: {  	(tag) =	ssettag $0x0;
	lr =	simm.s32 $0x1  }
0x2: {  	[smem:$0x3F9F] =	sst lr;
	_ =	strace $0xD0000000  }
0x3: {  	_ = 	snop  }
0x4: {  	_ = 	snop  }
0x5: {  	_ = 	snop  }
0x6: {  	_ = 	snop  }
0x7: {  	_ = 	snop  }
__scs_overlays_trampoline_lowered:
0x8: {  	[smem:$0x3FAE] =	sst s0  }
0x9: {  	[smem:$0x3FAF] =	sst s1  }
0xa: {  	[smem:$0x3FB0] =	sst s2  }
0xb: {  	[smem:$0x3FB1] =	sst s3  }
0xc: {  	[smem:$0x3FB2] =	sst s4  }
0xd: {  	[smem:$0x3FB3] =	sst s5  }
0xe: {  	[smem:$0x3FB4] =	sst s6  }
0xf: {  	[smem:$0x3FB5] =	sst s7  }
0x10: {  	[smem:$0x3FB6] =	sst s8  }
0x11: {  	[smem:$0x3FB7] =	sst s9;
	s0 =	simm.s32 @!p0 $0x0  }
0x12: {  	s1 =	sld [smem:$0x3F9D];
	s0 =	simm.s32 @p0 $0x1  }
0x13: {  	[smem:$0x3FB8] =	sst s0;
	s0 =	simm.s32 @!p1 $0x0  }
0x14: {  	s2 =	sld [smem:$0x3F9C];
	s0 =	simm.s32 @p1 $0x1  }
0x15: {  	[smem:$0x3FB9] =	sst s0;
	s0 =	simm.s32 @!p2 $0x0  }
0x16: {  	s3 =	sld [smem:$0x3FDB];
	s0 =	simm.s32 @p2 $0x1  }
0x17: {  	s4 =	simm.s32 $0x1BF5;
	[smem:$0x3FBB] =	sst s0  }
0x18: {  	s0 =	sld [smem:$0x3F9E];
	_ =	swait.ge [sflag:s4], $0x0  }
0x19: {  	s7 =	sld [smem:$0x3F9F]  }
0x1a: {  	s8 =	sadd.s32 $0xFFFFE003, lr  }
0x1b: {  	s9 =	sadd.s32 $0xFFFFFEF7, lr;
	s5 =	simm.s32 $0xFFFFFFFF;
	p2 =	slt.u32 s8, $0xFFFFF086  }
0x1c: {  	p1 =	slt.u32 s9, $0xF7A;
	s5 =	simm.s32 @!p2 $0x0  }
0x1d: {  	s5 =	simm.s32 @p1 $0x1;
	p0 =	seq.s32 s7, s2  }
0x1e: {  	s7 =	smul.u32 @!p0 $0xF7A, s2;
	p2 =	seq.s32 @!p0 s5, $0x0  }
0x1f: {  	s9 =	smul.u32 $0xF7A, s1;
	s8 =	simm.s32 @!p0 $0x1BF5;
	p2 =	por !p2, p0  }
0x20: {  	[sflag:s8] =	ssyncset.s32 @!p0 $0xFFFFF086;
	s6 =	sadd.s32 @!p0 s3, s7;
	s7 =	simm.s32 @!p0 $0x108  }
0x21: {  	s3 =	sadd.s32 s3, s9;
	s6 =	sadd.s32 @!p0 $0x88, s6;
	s7 =	simm.s32 @p2 $0x1082  }
0x22: {  	[simem:s7], [sflag:s8] =	dma.local @!p0 [hbm:s6], $0xF7A  }
0x23: {  	s9 =	sor.u32 $0xD0000000, s2;
	s6 =	simm.s32 $0x108;
	_ =	swait.ge @!p0 [sflag:s8], $0x0  }
0x24: {  	s3 =	sadd.s32 $0x88, s3;
	s6 =	simm.s32 @!p1 $0x1082;
	[sflag:s4] =	ssyncset.s32 $0xFFFFF086  }
0x25: {  	[simem:s6], [sflag:s4] =	dma.local [hbm:s3], $0xF7A  }
0x26: {  	[smem:$0x3F9F] =	sst s1;
	(tag) =	ssettag s2;
	_ =	strace s9  }
0x27: {  	s1 =	sld [smem:$0x3FAF]  }
0x28: {  	s2 =	sld [smem:$0x3FB0]  }
0x29: {  	s4 =	sld [smem:$0x3FB2]  }
0x2a: {  	p0 =	seq.s32 s5, $0x0;
	s5 =	sld [smem:$0x3FB3]  }
0x2b: {  	s6 =	sld [smem:$0x3FB4]  }
0x2c: {  	s7 =	sld [smem:$0x3FB5]  }
0x2d: {  	s3 =	simm.s32 $0x108;
	s8 =	sld [smem:$0x3FB6]  }
0x2e: {  	s3 =	simm.s32 @!p0 $0x1082;
	s9 =	sld [smem:$0x3FB7]  }
0x2f: {  	lr =	sadd.s32 s0, s3;
	s0 =	sld [smem:$0x3FAE]  }
0x30: {  	s3 =	sld [smem:$0x3FB1]  }
0x31: {  	[smem:$0x3FBA] =	sst s10  }
0x32: {  	s10 =	sld [smem:$0x3FB8];
	_ =	sdelay $0x3  }
0x33: {  	p0 =	seq.s32 s10, $0x1;
	s10 =	sld [smem:$0x3FBA];
	_ =	sdelay $0x3  }
0x34: {  	[smem:$0x3FBA] =	sst s10  }
0x35: {  	s10 =	sld [smem:$0x3FB9];
	_ =	sdelay $0x3  }
0x36: {  	p1 =	seq.s32 s10, $0x1;
	s10 =	sld [smem:$0x3FBA];
	_ =	sdelay $0x3  }
0x37: {  	[smem:$0x3FBA] =	sst s10  }
0x38: {  	s10 =	sld [smem:$0x3FBB]  }
0x39: {  	_ = 	snop;
	(pc) =	sbr.ind lr, $3  }
0x3a: {  	_ = 	snop  }
0x3b: {  	_ = 	snop  }
0x3c: {  	p2 =	seq.s32 s10, $0x1;
	s10 =	sld [smem:$0x3FBA]  }
0x3d: {  	_ =	shalt  }
0x3e: {  	_ =	shalt  }
0x3f: {  	_ =	shalt  }
0x40: {  	_ =	shalt  }
0x41: {  	_ =	shalt  }
0x42: {  	_ =	shalt  }
0x43: {  	_ =	shalt  }
0x44: {  	_ =	shalt  }
0x45: {  	_ =	shalt  }
0x46: {  	_ =	shalt  }
0x47: {  	_ =	shalt  }
0x48: {  	_ =	shalt  }
0x49: {  	_ =	shalt  }
0x4a: {  	_ =	shalt  }
0x4b: {  	_ =	shalt  }
0x4c: {  	_ =	shalt  }
0x4d: {  	_ =	shalt  }
0x4e: {  	_ =	shalt  }
0x4f: {  	_ =	shalt  }
0x50: {  	_ =	shalt  }
0x51: {  	_ =	shalt  }
0x52: {  	_ =	shalt  }
0x53: {  	_ =	shalt  }
0x54: {  	_ =	shalt  }
0x55: {  	_ =	shalt  }
0x56: {  	_ =	shalt  }
0x57: {  	_ =	shalt  }
0x58: {  	_ =	shalt  }
0x59: {  	_ =	shalt  }
0x5a: {  	_ =	shalt  }
0x5b: {  	_ =	shalt  }
0x5c: {  	_ =	shalt  }
0x5d: {  	_ =	shalt  }
0x5e: {  	_ =	shalt  }
0x5f: {  	_ =	shalt  }
0x60: {  	_ =	shalt  }
0x61: {  	_ =	shalt  }
0x62: {  	_ =	shalt  }
0x63: {  	_ =	shalt  }
0x64: {  	_ =	shalt  }
0x65: {  	_ =	shalt  }
0x66: {  	_ =	shalt  }
0x67: {  	_ =	shalt  }
0x68: {  	_ =	shalt  }
0x69: {  	_ =	shalt  }
0x6a: {  	_ =	shalt  }
0x6b: {  	_ =	shalt  }
0x6c: {  	_ =	shalt  }
0x6d: {  	_ =	shalt  }
0x6e: {  	_ =	shalt  }
0x6f: {  	_ =	shalt  }
0x70: {  	_ =	shalt  }
0x71: {  	_ =	shalt  }
0x72: {  	_ =	shalt  }
0x73: {  	_ =	shalt  }
0x74: {  	_ =	shalt  }
0x75: {  	_ =	shalt  }
0x76: {  	_ =	shalt  }
0x77: {  	_ =	shalt  }
0x78: {  	_ =	shalt  }
0x79: {  	_ =	shalt  }
0x7a: {  	_ =	shalt  }
0x7b: {  	_ =	shalt  }
0x7c: {  	_ =	shalt  }
0x7d: {  	_ =	shalt  }
0x7e: {  	_ =	shalt  }
0x7f: {  	_ =	shalt  }
0x80: {  	_ =	shalt  }
0x81: {  	_ =	shalt  }
0x82: {  	_ =	shalt  }
0x83: {  	_ =	shalt  }
0x84: {  	_ =	shalt  }
0x85: {  	_ =	shalt  }
0x86: {  	_ =	shalt  }
0x87: {  	_ =	shalt  }
.Lfunc_end0:
.L_simem_size_0:
called_computation_lowered:
.L_overlay_start_0:
0x88: {  	s2 =	sld [smem:$0x3FD9]  }
0x89: {  	s3 =	sld [smem:$0x3FFE];
	_ =	sdelay $0x1  }
0x8a: {  	s1 =	srdreg.scid  }
0x8b: {  	s0 =	sand.u32 $0x1, s1  }
0x8c: {  	s17 =	sshll.u32 s0, $0xA;
	s2 =	sadd.s32 s3, s2  }
0x8d: {  	s2 =	sadd.s32 s2, s17  }
0x8e: {  	[smem:$0x3FC6] =	sst s2  }
0x8f: {  	_ = 	snop  }
0x90: {  	s2 =	sld [smem:$0x3FC9];
	(tm) =	ssettm $0x1  }
0x91: {  	s18 =	sld [smem:$0x3FFB];
	_ =	sdelay $0x3  }
0x92: {  	_ =	strace s18  }
0x93: {  	s3 =	sld [smem:$0x3FFC];
	_ =	sdelay $0x3  }
0x94: {  	_ =	strace s3  }
0x95: {  	s3 =	sld [smem:$0x3FFD];
	_ =	sdelay $0x3  }
0x96: {  	_ =	strace s3  }
0x97: {  	_ =	strace $0x8FFFFFFF  }
0x98: {  	s19 =	sld [smem:$0x3FDB];
	_ =	sdelay $0x1  }
0x99: {  	s4 =	simm.s32 $_scs_section_size  }
0x9a: {  	s5 =	simm.s32 $_size__tile_overlayer_lowered;
	s6 =	simm.s32 $_tile_overlayer_lowered  }
0x9b: {  	s22 =	simm.s32 $0x1BFF;
	s21 =	sshll.u32 s6, $0x1;
	s3 =	sadd.s32 s4, s19  }
0x9c: {  	s7 =	simm.s32 $0x0;
	s20 =	sshll.u32 s5, $0x1;
	s5 =	sadd.s32 s21, s3  }
0x9d: {  	[timem:s7], [sflag:s22] =	dma.local [hbm:s5], s20  }
0x9e: {  	_ =	swait.ge [sflag:s22], s20  }
0x9f: {  	s4 =	ssub.s32 $0x0, s20;
	[sflag:s22] =	ssyncset.done $0x0  }
0xa0: {  	[sflag:s22] =	ssyncadd.s32 s4;
	_ =	sdelay $0x1  }
0xa1: {  	s23 =	simm.s32 $0x1B8B  }
0xa2: {  	_ =	swait.ge [sflag:s23], $0x1  }
0xa3: {  	[sflag:s23] =	ssyncset.done $0x0  }
0xa4: {  	s25 =	simm.s32 $0x1B8E;
	s24 =	sld [smem:$0x3FFE];
	[sflag:s23] =	ssyncadd.s32 $0xFFFFFFFF  }
0xa5: {  	s26 =	simm.s32 $execute0_lowered;
	[smem:$0x3FD2] =	sst s25  }
0xa6: {  	s5 =	sshll.u32 s26, $0x1;
	_ =	strace $0x80000046;
	[dreg:$0x1] =	wrdreg $0xFFFFFFFF  }
0xa7: {  	s28 =	simm.s32 $_size_execute0_lowered;
	s3 =	sadd.s32 s3, s5;
	[dreg:$0x0] =	wrdreg $0x0  }
0xa8: {  	s5 =	sshll.u32 s28, $0x1;
	[dreg:$0x2] =	wrdreg s3  }
0xa9: {  	[dreg:$0x3] =	wrdreg s5  }
0xaa: {  	[dreg:$0x4] =	wrdreg $0xC0  }
0xab: {  	_ =	task [dreg:s7], $0x5FFFF  }
0xac: {  	[dreg:$0x1] =	wrdreg $0xFFFFFFFF  }
0xad: {  	[dreg:$0x0] =	wrdreg $0x60  }
0xae: {  	[dreg:$0x2] =	wrdreg s2  }
0xaf: {  	[dreg:$0x3] =	wrdreg s24  }
0xb0: {  	[dreg:$0x4] =	wrdreg $0x9  }
0xb1: {  	_ =	task.clear_ibuf [dreg:s7], $0x5FFFF;
	_ =	strace $0x90000046  }
0xb2: {  	s29 =	simm.s32 $0x9;
	_ =	strace $0x80000048  }
0xb3: {  	_ =	swait.ge [sflag:s29], $0x1  }
0xb4: {  	[sflag:s29] =	ssyncadd.s32 $0xFFFFFFFF  }
0xb5: {  	_ =	strace $0x90000048  }
0xb6: {  	_ =	sfence  }
0xb7: {  	s30 =	sld [smem:$0x0];
	_ =	sdelay $0x2  }
0xb8: {  	s31 =	sshll.u32 s1, $0xD;
	s1 =	sshrl.u32 s1, $0x2  }
0xb9: {  	s3 =	sand.u32 $0x4000, s31;
	s1 =	sadd.s32 s1, s30  }
0xba: {  	s0 =	sor.u32 s3, s0;
	s1 =	sshll.u32 s1, $0x11  }
0xbb: {  	s0 =	sor.u32 s1, s0  }
0xbc: {  	s0 =	sadd.s32 $0x8F2B, s0  }
0xbd: {  	[sflag:s0] =	ssyncadd.remote.s32 $0x1  }
0xbe: {  	_ =	sfence.sel $0xFFFF  }
0xbf: {  	[dreg:$0x0] =	wrdreg $0xFFFFFFFF;
	(pc) =	sbr.abs _section_cstart, $3  }
0xc0: {  	[dreg:$0x1] =	wrdreg $0xFFFFFFFF  }
0xc1: {  	_ =	task.clear_ibuf [dreg:s7], $0x2FFFF;
	_ =	strace $0x9FFFFFFF  }
0xc2: {  	(tm) =	ssettm $0x7FFFFFFF  }
0xc3: {  	_ =	shalt  }
tec
execute0_lowered:
.L_overlay_start_1:
0x0: {  	(tag) =	ssettag $0x1  }
0x1: {  	s3 =	rddreg [dreg:$0x0]  }
0x2: {  	s0 =	srdreg.scid;
	s4 =	rddreg [dreg:$0x1]  }
0x3: {  	s1 =	stileid.u32;
	s2 =	simm.s32 $0x0;
	s21 =	simm.s32 $0x1  }
0x4: {  	s22 =	simm.s32 $0x2;
	s24 =	simm.s32 $0x400;
	s25 =	simm.s32 $0x6000  }
0x5: {  	s26 =	simm.s32 $0x3;
	s28 =	simm.s32 $0x0;
	s0 =	sand.u32 $0x1, s0  }
0x6: {  	[smem:$0x7FF] =	sst s2;
	s6 =	sshll.u32 s1, $0x4;
	s5 =	sshll.u32 s0, $0x4  }
0x7: {  	_ =	strace $0x80000047;
	s0 =	ssub.s32 $0x2, s0;
	s15 =	sor.u32 s1, s5  }
0x8: {  	s6 =	sand.u32 $0x70, s6;
	s5 =	smul.u32 $0x18000, s15;
	s17 =	sshll.u32 s15, $0x5  }
0x9: {  	s7 =	sshrl.u32 s0, $0x1;
	s19 =	sadd.s32 s6, s4;
	s20 =	sand.u32 $0x300, s17  }
0xa: {  	s0 =	ssub.s32 s0, s7;
	s5 =	sshrl.u32 s5, $0x3;
	s19 =	sadd.s32 s20, s19  }
0xb: {  	s20 =	smax.u32 s0, $0x1;
	s3 =	sadd.s32 s3, s5;
	s19 =	sadd.s32 $0x600, s19  }
0xc: {  	s4 =	sadd.s32 $0x10, s3;
	s5 =	sadd.s32 $0x20, s3;
	s6 =	sadd.s32 $0x30, s3  }
0xd: {  	s7 =	sadd.s32 $0x40, s3;
	s8 =	sadd.s32 $0x50, s3;
	s9 =	sadd.s32 $0x60, s3  }
0xe: {  	s10 =	sadd.s32 $0x70, s3;
	s11 =	sadd.s32 $0xF4280, s3;
	s12 =	sadd.s32 $0xF4290, s3  }
0xf: {  	s13 =	sadd.s32 $0xF42A0, s3;
	s14 =	sadd.s32 $0xF42B0, s3;
	s15 =	sadd.s32 $0xF42C0, s3  }
0x10: {  	s16 =	sadd.s32 $0xF42D0, s3;
	s17 =	sadd.s32 $0xF42E0, s3;
	s18 =	sadd.s32 $0xF42F0, s3  }
.LBB2_1:
0x11: {  	s0 =	simm.s32 $0x80  }
0x12: {  	s31 =	sadd.s32 $0x0, s3;
	s29 =	simm.s32 $0x100;
	s30 =	simm.s32 $0x0  }
.LBB2_2:
0x13: {  	[tilespmem:s30], [sflag:$0x1] =	stream.linear.gather [hbm4b:s31+s2], $0x80, $0x38;
	[tilespmem:$0x6100] =	vst v63  }
0x14: {  	s31 =	smov.u32 s0;
	s30 =	smov.u32 s29;
	p0 =	sne.s32 s0, $0x2F80  }
.Ltmp0:
0x15: {  	s0 =	sadd.s32 $0x80, s0;
	(pc) =	sbr.rel @p0 .LBB2_2-.Ltmp0, $2  }
0x16: {  	_ =	sdelay $0x2  }
0x17: {  	s29 =	sadd.s32 $0x100, s29;
	s31 =	sadd.s32 s31, s3  }
0x18: {  	[tilespmem:s30], [sflag:$0x1] =	stream.linear.gather [hbm4b:s31+s2], $0x80, $0x38;
	[tilespmem:$0x6100] =	vst v63  }
0x19: {  	s0 =	simm.s32 $0x80  }
0x1a: {  	s29 =	simm.s32 $0x80;
	s31 =	sadd.s32 $0x0, s4;
	s30 =	simm.s32 $0x180  }
.LBB2_4:
0x1b: {  	[tilespmem:s0], [sflag:$0x2] =	stream.linear.gather [hbm4b:s31+s2], $0x80, $0x38;
	[tilespmem:$0x6100] =	vst v63  }
0x1c: {  	s31 =	smov.u32 s29;
	s0 =	smov.u32 s30;
	p0 =	sne.s32 s29, $0x2F80  }
.Ltmp1:
0x1d: {  	s29 =	sadd.s32 $0x80, s29;
	(pc) =	sbr.rel @p0 .LBB2_4-.Ltmp1, $2  }
0x1e: {  	_ =	sdelay $0x2  }
0x1f: {  	s30 =	sadd.s32 $0x100, s30;
	s31 =	sadd.s32 s31, s4  }
0x20: {  	[tilespmem:s0], [sflag:$0x2] =	stream.linear.gather [hbm4b:s31+s2], $0x80, $0x38;
	[tilespmem:$0x6100] =	vst v63  }
0x21: {  	s1 =	simm.s32 $0x0;
	_ =	swait.ge [sflag:s21], $0x3000  }
0x22: {  	s29 =	sand.u32 $0x40, s1;
	s0 =	sand.u32 $0x7F00, s1;
	[sflag:s21] =	ssyncset.done $0x0  }
0x23: {  	s0 =	sor.u32 s29, s0;
	[sflag:s21] =	ssyncadd.s32 $0xFFFFD000  }
0x24: {  	v0 =	vld [tilespmem:s0+$0x0];
	_ =	sdelay $0x1  }
0x25: {  	v1 =	vld [tilespmem:s0+$0x10];
	_ =	sdelay $0x2  }
0x26: {  	v0 =	vmul.f32 $1.442695020e+00, v0  }
0x27: {  	v2 =	vld [tilespmem:s0+$0x20]  }
0x28: {  	v1 =	vmul.f32 $1.442695020e+00, v1;
	(erf) = vpow2.f32 v0  }
0x29: {  	s30 =	simm.s32 $0x40;
	s29 =	simm.s32 $0x80  }
0x2a: {  	s30 =	sand.u32 $0x40, s30;
	s29 =	sand.u32 $0x7F00, s29;
	(erf) = vpow2.f32 v1;
	v1 =	vld [tilespmem:s0+$0x30]  }
0x2b: {  	s23 =	sor.u32 s30, s29  }
0x2c: {  	v0 =	vmul.f32 $1.442695020e+00, v2;
	v2 =	vld [tilespmem:s23+$0x0];
	_ =	sdelay $0x1  }
0x2d: {  	(erf) = vpow2.f32 v0;
	v0 =	vld [tilespmem:s23+$0x10]  }
0x2e: {  	v1 =	vmul.f32 $1.442695020e+00, v1  }
0x2f: {  	v3 =	vld [tilespmem:s23+$0x20]  }
0x30: {  	s29 =	simm.s32 $0x100;
	s30 =	simm.s32 $0x80;
	v4 =	vld [tilespmem:s23+$0x30];
	v2 =	vmul.f32 $1.442695020e+00, v2;
	v7 =	vpop (erf);
	(erf) = vpow2.f32 v1  }
0x31: {  	s30 =	sand.u32 $0x40, s30;
	s29 =	sand.u32 $0x7F00, s29  }
0x32: {  	s29 =	sor.u32 s30, s29;
	v0 =	vmul.f32 $1.442695020e+00, v0;
	(erf) = vpow2.f32 v2  }
0x33: {  	v5 =	vimm.f32 $0.0e+00;
	v6 =	vld [tilespmem:s29+$0x0]  }
0x34: {  	v1 =	vadd.f32 v7, v5;
	v2 =	vmul.f32 $1.442695020e+00, v3;
	v3 =	vpop (erf);
	(erf) = vpow2.f32 v0  }
0x35: {  	v4 =	vmul.f32 $1.442695020e+00, v4;
	v0 =	vld [tilespmem:s29+$0x10]  }
0x36: {  	v3 =	vadd.f32 v3, v1;
	(erf) = vpow2.f32 v2  }
0x37: {  	v5 =	vpop (erf);
	v1 =	vld [tilespmem:s29+$0x20];
	(erf) = vpow2.f32 v4  }
0x38: {  	s31 =	simm.s32 $0x180;
	s30 =	simm.s32 $0x8;
	s0 =	simm.s32 $0xC0;
	v2 =	vmul.f32 $1.442695020e+00, v6;
	v3 =	vadd.f32 v5, v3  }
.LBB2_6:
0x39: {  	s1 =	sand.u32 $0x40, s0;
	s23 =	sand.u32 $0x7F00, s31;
	s30 =	sadd.s32 $0x4, s30;
	v4 =	vld [tilespmem:s29+$0x30];
	v5 =	vpop (erf)  }
0x3a: {  	s29 =	sor.u32 s1, s23;
	p0 =	slt.u32 s30, $0x2FC;
	v0 =	vmul.f32 $1.442695020e+00, v0;
	(erf) = vpow2.f32 v2;
	v2 =	vadd.f32 v5, v3  }
0x3b: {  	v3 =	vld [tilespmem:s29+$0x0];
	v5 =	vpop (erf)  }
.Ltmp2:
0x3c: {  	v1 =	vmul.f32 $1.442695020e+00, v1;
	(erf) = vpow2.f32 v0;
	v2 =	vadd.f32 v5, v2;
	(pc) =	sbr.rel @p0 .LBB2_6-.Ltmp2, $4  }
0x3d: {  	v0 =	vld [tilespmem:s29+$0x10];
	v5 =	vpop (erf)  }
0x3e: {  	v4 =	vmul.f32 $1.442695020e+00, v4;
	(erf) = vpow2.f32 v1;
	v5 =	vadd.f32 v5, v2  }
0x3f: {  	v1 =	vld [tilespmem:s29+$0x20];
	v6 =	vpop (erf)  }
0x40: {  	s31 =	sadd.s32 $0x80, s31;
	s0 =	sadd.s32 $0x40, s0;
	v2 =	vmul.f32 $1.442695020e+00, v3;
	(erf) = vpow2.f32 v4;
	v3 =	vadd.f32 v6, v5  }
0x41: {  	v4 =	vld [tilespmem:s29+$0x30];
	v5 =	vpop (erf)  }
0x42: {  	v0 =	vmul.f32 $1.442695020e+00, v0;
	(erf) = vpow2.f32 v2;
	v53 =	vadd.f32 v5, v3  }
0x43: {  	v54 =	vpop (erf)  }
0x44: {  	v1 =	vmul.f32 $1.442695020e+00, v1;
	(erf) = vpow2.f32 v0;
	v55 =	vadd.f32 v54, v53  }
0x45: {  	v56 =	vpop (erf)  }
0x46: {  	v57 =	vmul.f32 $1.442695020e+00, v4;
	(erf) = vpow2.f32 v1;
	v0 =	vadd.f32 v56, v55  }
0x47: {  	v58 =	vpop (erf)  }
0x48: {  	(erf) = vpow2.f32 v57;
	v0 =	vadd.f32 v58, v0  }
0x49: {  	v59 =	vpop (erf)  }
0x4a: {  	v0 =	vadd.f32 v59, v0  }
0x4b: {  	v60 =	vpop (erf)  }
0x4c: {  	v0 =	vadd.f32 v60, v0  }
0x4d: {  	v61 =	vpop (erf)  }
0x4e: {  	v0 =	vadd.f32 v61, v0  }
0x4f: {  	v62 =	vpop (erf)  }
0x50: {  	v0 =	vadd.f32 v62, v0  }
0x51: {  	v63 =	vpop (erf)  }
0x52: {  	v0 =	vadd.f32 v63, v0  }
0x53: {  	s0 =	simm.s32 $0x0  }
0x54: {  	s29 =	simm.s32 $0x80;
	s31 =	sadd.s32 $0x0, s5;
	s30 =	simm.s32 $0x100;
	[tilespmem:$0x6000] =	vst v0  }
.LBB2_8:
0x55: {  	[tilespmem:s0], [sflag:$0x1] =	stream.linear.gather [hbm4b:s31+s2], $0x80, $0x38;
	[tilespmem:$0x6100] =	vst v63  }
0x56: {  	s1 =	smov.u32 s29;
	s0 =	smov.u32 s30;
	p0 =	sne.s32 s29, $0x2F80  }
.Ltmp3:
0x57: {  	s29 =	sadd.s32 $0x80, s29;
	(pc) =	sbr.rel @p0 .LBB2_8-.Ltmp3, $2  }
0x58: {  	_ =	sdelay $0x2  }
0x59: {  	s30 =	sadd.s32 $0x100, s30;
	s31 =	sadd.s32 s1, s5  }
0x5a: {  	[tilespmem:s0], [sflag:$0x1] =	stream.linear.gather [hbm4b:s31+s2], $0x80, $0x38;
	[tilespmem:$0x6100] =	vst v63  }
0x5b: {  	s23 =	simm.s32 $0x0;
	_ =	swait.ge [sflag:s22], $0x3000  }
0x5c: {  	s1 =	sand.u32 $0x40, s23;
	s0 =	sand.u32 $0x7F00, s23;
	[sflag:s22] =	ssyncset.done $0x0  }
0x5d: {  	s0 =	sor.u32 s1, s0;
	[sflag:s22] =	ssyncadd.s32 $0xFFFFD000  }
0x5e: {  	v0 =	vld [tilespmem:s0+$0x80];
	_ =	sdelay $0x1  }
0x5f: {  	v1 =	vld [tilespmem:s0+$0x90];
	_ =	sdelay $0x2  }
0x60: {  	v0 =	vmul.f32 $1.442695020e+00, v0  }
0x61: {  	v2 =	vld [tilespmem:s0+$0xA0]  }
0x62: {  	v1 =	vmul.f32 $1.442695020e+00, v1;
	(erf) = vpow2.f32 v0  }
0x63: {  	s23 =	simm.s32 $0x40;
	s1 =	simm.s32 $0x80  }
0x64: {  	s23 =	sand.u32 $0x40, s23;
	s1 =	sand.u32 $0x7F00, s1;
	(erf) = vpow2.f32 v1;
	v1 =	vld [tilespmem:s0+$0xB0]  }
0x65: {  	s0 =	sor.u32 s23, s1  }
0x66: {  	v0 =	vmul.f32 $1.442695020e+00, v2;
	v2 =	vld [tilespmem:s0+$0x80];
	_ =	sdelay $0x1  }
0x67: {  	(erf) = vpow2.f32 v0;
	v0 =	vld [tilespmem:s0+$0x90]  }
0x68: {  	v1 =	vmul.f32 $1.442695020e+00, v1  }
0x69: {  	v3 =	vld [tilespmem:s0+$0xA0]  }
0x6a: {  	s1 =	simm.s32 $0x100;
	s23 =	simm.s32 $0x80;
	v4 =	vld [tilespmem:s0+$0xB0];
	v2 =	vmul.f32 $1.442695020e+00, v2;
	v7 =	vpop (erf);
	(erf) = vpow2.f32 v1  }
0x6b: {  	s23 =	sand.u32 $0x40, s23;
	s1 =	sand.u32 $0x7F00, s1  }
0x6c: {  	s29 =	sor.u32 s23, s1;
	v0 =	vmul.f32 $1.442695020e+00, v0;
	(erf) = vpow2.f32 v2  }
0x6d: {  	v5 =	vimm.f32 $0.0e+00;
	v6 =	vld [tilespmem:s29+$0x80]  }
0x6e: {  	v1 =	vadd.f32 v7, v5;
	v2 =	vmul.f32 $1.442695020e+00, v3;
	v3 =	vpop (erf);
	(erf) = vpow2.f32 v0  }
0x6f: {  	v4 =	vmul.f32 $1.442695020e+00, v4;
	v0 =	vld [tilespmem:s29+$0x90]  }
0x70: {  	v3 =	vadd.f32 v3, v1;
	(erf) = vpow2.f32 v2  }
0x71: {  	v5 =	vpop (erf);
	v1 =	vld [tilespmem:s29+$0xA0];
	(erf) = vpow2.f32 v4  }
0x72: {  	s30 =	simm.s32 $0x8;
	s31 =	simm.s32 $0x180;
	s0 =	simm.s32 $0xC0;
	v2 =	vmul.f32 $1.442695020e+00, v6;
	v3 =	vadd.f32 v5, v3  }
.LBB2_10:
0x73: {  	s1 =	sand.u32 $0x40, s0;
	s23 =	sand.u32 $0x7F00, s31;
	s30 =	sadd.s32 $0x4, s30;
	v4 =	vld [tilespmem:s29+$0xB0];
	v5 =	vpop (erf)  }
0x74: {  	s29 =	sor.u32 s1, s23;
	p0 =	slt.u32 s30, $0x2FC;
	v0 =	vmul.f32 $1.442695020e+00, v0;
	(erf) = vpow2.f32 v2;
	v2 =	vadd.f32 v5, v3  }
0x75: {  	v3 =	vld [tilespmem:s29+$0x80];
	v5 =	vpop (erf)  }
.Ltmp4:
0x76: {  	v1 =	vmul.f32 $1.442695020e+00, v1;
	(erf) = vpow2.f32 v0;
	v2 =	vadd.f32 v5, v2;
	(pc) =	sbr.rel @p0 .LBB2_10-.Ltmp4, $4  }
0x77: {  	v0 =	vld [tilespmem:s29+$0x90];
	v5 =	vpop (erf)  }
0x78: {  	v4 =	vmul.f32 $1.442695020e+00, v4;
	(erf) = vpow2.f32 v1;
	v5 =	vadd.f32 v5, v2  }
0x79: {  	v1 =	vld [tilespmem:s29+$0xA0];
	v6 =	vpop (erf)  }
0x7a: {  	s31 =	sadd.s32 $0x80, s31;
	s0 =	sadd.s32 $0x40, s0;
	v2 =	vmul.f32 $1.442695020e+00, v3;
	(erf) = vpow2.f32 v4;
	v3 =	vadd.f32 v6, v5  }
0x7b: {  	v4 =	vld [tilespmem:s29+$0xB0];
	v5 =	vpop (erf)  }
0x7c: {  	v0 =	vmul.f32 $1.442695020e+00, v0;
	(erf) = vpow2.f32 v2;
	v53 =	vadd.f32 v5, v3  }
0x7d: {  	v54 =	vpop (erf)  }
0x7e: {  	v1 =	vmul.f32 $1.442695020e+00, v1;
	(erf) = vpow2.f32 v0;
	v55 =	vadd.f32 v54, v53  }
0x7f: {  	v56 =	vpop (erf)  }
0x80: {  	v57 =	vmul.f32 $1.442695020e+00, v4;
	(erf) = vpow2.f32 v1;
	v0 =	vadd.f32 v56, v55  }
0x81: {  	v58 =	vpop (erf)  }
0x82: {  	(erf) = vpow2.f32 v57;
	v0 =	vadd.f32 v58, v0  }
0x83: {  	v59 =	vpop (erf)  }
0x84: {  	v0 =	vadd.f32 v59, v0  }
0x85: {  	v60 =	vpop (erf)  }
0x86: {  	v0 =	vadd.f32 v60, v0  }
0x87: {  	v61 =	vpop (erf)  }
0x88: {  	v0 =	vadd.f32 v61, v0  }
0x89: {  	v62 =	vpop (erf)  }
0x8a: {  	v0 =	vadd.f32 v62, v0  }
0x8b: {  	v63 =	vpop (erf)  }
0x8c: {  	v0 =	vadd.f32 v63, v0  }
0x8d: {  	s0 =	simm.s32 $0x80  }
0x8e: {  	s29 =	simm.s32 $0x80;
	s31 =	sadd.s32 $0x0, s6;
	s30 =	simm.s32 $0x180;
	[tilespmem:$0x6010] =	vst v0  }
.LBB2_12:
0x8f: {  	[tilespmem:s0], [sflag:$0x2] =	stream.linear.gather [hbm4b:s31+s2], $0x80, $0x38;
	[tilespmem:$0x6100] =	vst v63  }
0x90: {  	s1 =	smov.u32 s29;
	s0 =	smov.u32 s30;
	p0 =	sne.s32 s29, $0x2F80  }
.Ltmp5:
0x91: {  	s29 =	sadd.s32 $0x80, s29;
	(pc) =	sbr.rel @p0 .LBB2_12-.Ltmp5, $2  }
0x92: {  	_ =	sdelay $0x2  }
0x93: {  	s30 =	sadd.s32 $0x100, s30;
	s31 =	sadd.s32 s1, s6  }
0x94: {  	[tilespmem:s0], [sflag:$0x2] =	stream.linear.gather [hbm4b:s31+s2], $0x80, $0x38;
	[tilespmem:$0x6100] =	vst v63  }
0x95: {  	s23 =	simm.s32 $0x0;
	_ =	swait.ge [sflag:s21], $0x3000  }
0x96: {  	s1 =	sand.u32 $0x40, s23;
	s0 =	sand.u32 $0x7F00, s23;
	[sflag:s21] =	ssyncset.done $0x0  }
0x97: {  	s0 =	sor.u32 s1, s0;
	[sflag:s21] =	ssyncadd.s32 $0xFFFFD000  }
0x98: {  	v0 =	vld [tilespmem:s0+$0x0];
	_ =	sdelay $0x1  }
0x99: {  	v1 =	vld [tilespmem:s0+$0x10];
	_ =	sdelay $0x2  }
0x9a: {  	v0 =	vmul.f32 $1.442695020e+00, v0  }
0x9b: {  	v2 =	vld [tilespmem:s0+$0x20]  }
0x9c: {  	v1 =	vmul.f32 $1.442695020e+00, v1;
	(erf) = vpow2.f32 v0  }
0x9d: {  	s23 =	simm.s32 $0x40;
	s1 =	simm.s32 $0x80  }
0x9e: {  	s23 =	sand.u32 $0x40, s23;
	s1 =	sand.u32 $0x7F00, s1;
	(erf) = vpow2.f32 v1;
	v1 =	vld [tilespmem:s0+$0x30]  }
0x9f: {  	s0 =	sor.u32 s23, s1  }
0xa0: {  	v0 =	vmul.f32 $1.442695020e+00, v2;
	v2 =	vld [tilespmem:s0+$0x0];
	_ =	sdelay $0x1  }
0xa1: {  	(erf) = vpow2.f32 v0;
	v0 =	vld [tilespmem:s0+$0x10]  }
0xa2: {  	v1 =	vmul.f32 $1.442695020e+00, v1  }
0xa3: {  	v3 =	vld [tilespmem:s0+$0x20]  }
0xa4: {  	s1 =	simm.s32 $0x100;
	s23 =	simm.s32 $0x80;
	v4 =	vld [tilespmem:s0+$0x30];
	v2 =	vmul.f32 $1.442695020e+00, v2;
	v7 =	vpop (erf);
	(erf) = vpow2.f32 v1  }
0xa5: {  	s23 =	sand.u32 $0x40, s23;
	s1 =	sand.u32 $0x7F00, s1  }
0xa6: {  	s29 =	sor.u32 s23, s1;
	v0 =	vmul.f32 $1.442695020e+00, v0;
	(erf) = vpow2.f32 v2  }
0xa7: {  	v5 =	vimm.f32 $0.0e+00;
	v6 =	vld [tilespmem:s29+$0x0]  }
0xa8: {  	v1 =	vadd.f32 v7, v5;
	v2 =	vmul.f32 $1.442695020e+00, v3;
	v3 =	vpop (erf);
	(erf) = vpow2.f32 v0  }
0xa9: {  	v4 =	vmul.f32 $1.442695020e+00, v4;
	v0 =	vld [tilespmem:s29+$0x10]  }
0xaa: {  	v3 =	vadd.f32 v3, v1;
	(erf) = vpow2.f32 v2  }
0xab: {  	v5 =	vpop (erf);
	v1 =	vld [tilespmem:s29+$0x20];
	(erf) = vpow2.f32 v4  }
0xac: {  	s30 =	simm.s32 $0x8;
	s31 =	simm.s32 $0x180;
	s0 =	simm.s32 $0xC0;
	v2 =	vmul.f32 $1.442695020e+00, v6;
	v3 =	vadd.f32 v5, v3  }
.LBB2_14:
0xad: {  	s1 =	sand.u32 $0x40, s0;
	s23 =	sand.u32 $0x7F00, s31;
	s30 =	sadd.s32 $0x4, s30;
	v4 =	vld [tilespmem:s29+$0x30];
	v5 =	vpop (erf)  }
0xae: {  	s29 =	sor.u32 s1, s23;
	p0 =	slt.u32 s30, $0x2FC;
	v0 =	vmul.f32 $1.442695020e+00, v0;
	(erf) = vpow2.f32 v2;
	v2 =	vadd.f32 v5, v3  }
0xaf: {  	v3 =	vld [tilespmem:s29+$0x0];
	v5 =	vpop (erf)  }
.Ltmp6:
0xb0: {  	v1 =	vmul.f32 $1.442695020e+00, v1;
	(erf) = vpow2.f32 v0;
	v2 =	vadd.f32 v5, v2;
	(pc) =	sbr.rel @p0 .LBB2_14-.Ltmp6, $4  }
0xb1: {  	v0 =	vld [tilespmem:s29+$0x10];
	v5 =	vpop (erf)  }
0xb2: {  	v4 =	vmul.f32 $1.442695020e+00, v4;
	(erf) = vpow2.f32 v1;
	v5 =	vadd.f32 v5, v2  }
0xb3: {  	v1 =	vld [tilespmem:s29+$0x20];
	v6 =	vpop (erf)  }
0xb4: {  	s31 =	sadd.s32 $0x80, s31;
	s0 =	sadd.s32 $0x40, s0;
	v2 =	vmul.f32 $1.442695020e+00, v3;
	(erf) = vpow2.f32 v4;
	v3 =	vadd.f32 v6, v5  }
0xb5: {  	v4 =	vld [tilespmem:s29+$0x30];
	v5 =	vpop (erf)  }
0xb6: {  	v0 =	vmul.f32 $1.442695020e+00, v0;
	(erf) = vpow2.f32 v2;
	v53 =	vadd.f32 v5, v3  }
0xb7: {  	v54 =	vpop (erf)  }
0xb8: {  	v1 =	vmul.f32 $1.442695020e+00, v1;
	(erf) = vpow2.f32 v0;
	v55 =	vadd.f32 v54, v53  }
0xb9: {  	v56 =	vpop (erf)  }
0xba: {  	v57 =	vmul.f32 $1.442695020e+00, v4;
	(erf) = vpow2.f32 v1;
	v0 =	vadd.f32 v56, v55  }
0xbb: {  	v58 =	vpop (erf)  }
0xbc: {  	(erf) = vpow2.f32 v57;
	v0 =	vadd.f32 v58, v0  }
0xbd: {  	v59 =	vpop (erf)  }
0xbe: {  	v0 =	vadd.f32 v59, v0  }
0xbf: {  	v60 =	vpop (erf)  }
0xc0: {  	v0 =	vadd.f32 v60, v0  }
0xc1: {  	v61 =	vpop (erf)  }
0xc2: {  	v0 =	vadd.f32 v61, v0  }
0xc3: {  	v62 =	vpop (erf)  }
0xc4: {  	v0 =	vadd.f32 v62, v0  }
0xc5: {  	v63 =	vpop (erf)  }
0xc6: {  	v0 =	vadd.f32 v63, v0  }
0xc7: {  	s0 =	simm.s32 $0x0  }
0xc8: {  	s29 =	simm.s32 $0x80;
	s31 =	sadd.s32 $0x0, s7;
	s30 =	simm.s32 $0x100;
	[tilespmem:$0x6020] =	vst v0  }
.LBB2_16:
0xc9: {  	[tilespmem:s0], [sflag:$0x1] =	stream.linear.gather [hbm4b:s31+s2], $0x80, $0x38;
	[tilespmem:$0x6100] =	vst v63  }
0xca: {  	s1 =	smov.u32 s29;
	s0 =	smov.u32 s30;
	p0 =	sne.s32 s29, $0x2F80  }
.Ltmp7:
0xcb: {  	s29 =	sadd.s32 $0x80, s29;
	(pc) =	sbr.rel @p0 .LBB2_16-.Ltmp7, $2  }
0xcc: {  	_ =	sdelay $0x2  }
0xcd: {  	s30 =	sadd.s32 $0x100, s30;
	s31 =	sadd.s32 s1, s7  }
0xce: {  	[tilespmem:s0], [sflag:$0x1] =	stream.linear.gather [hbm4b:s31+s2], $0x80, $0x38;
	[tilespmem:$0x6100] =	vst v63  }
0xcf: {  	s23 =	simm.s32 $0x0;
	_ =	swait.ge [sflag:s22], $0x3000  }
0xd0: {  	s1 =	sand.u32 $0x40, s23;
	s0 =	sand.u32 $0x7F00, s23;
	[sflag:s22] =	ssyncset.done $0x0  }
0xd1: {  	s0 =	sor.u32 s1, s0;
	[sflag:s22] =	ssyncadd.s32 $0xFFFFD000  }
0xd2: {  	v0 =	vld [tilespmem:s0+$0x80];
	_ =	sdelay $0x1  }
0xd3: {  	v1 =	vld [tilespmem:s0+$0x90];
	_ =	sdelay $0x2  }
0xd4: {  	v0 =	vmul.f32 $1.442695020e+00, v0  }
0xd5: {  	v2 =	vld [tilespmem:s0+$0xA0]  }
0xd6: {  	v1 =	vmul.f32 $1.442695020e+00, v1;
	(erf) = vpow2.f32 v0  }
0xd7: {  	s23 =	simm.s32 $0x40;
	s1 =	simm.s32 $0x80  }
0xd8: {  	s23 =	sand.u32 $0x40, s23;
	s1 =	sand.u32 $0x7F00, s1;
	(erf) = vpow2.f32 v1;
	v1 =	vld [tilespmem:s0+$0xB0]  }
0xd9: {  	s0 =	sor.u32 s23, s1  }
0xda: {  	v0 =	vmul.f32 $1.442695020e+00, v2;
	v2 =	vld [tilespmem:s0+$0x80];
	_ =	sdelay $0x1  }
0xdb: {  	(erf) = vpow2.f32 v0;
	v0 =	vld [tilespmem:s0+$0x90]  }
0xdc: {  	v1 =	vmul.f32 $1.442695020e+00, v1  }
0xdd: {  	v3 =	vld [tilespmem:s0+$0xA0]  }
0xde: {  	s1 =	simm.s32 $0x100;
	s23 =	simm.s32 $0x80;
	v4 =	vld [tilespmem:s0+$0xB0];
	v2 =	vmul.f32 $1.442695020e+00, v2;
	v7 =	vpop (erf);
	(erf) = vpow2.f32 v1  }
0xdf: {  	s23 =	sand.u32 $0x40, s23;
	s1 =	sand.u32 $0x7F00, s1  }
0xe0: {  	s29 =	sor.u32 s23, s1;
	v0 =	vmul.f32 $1.442695020e+00, v0;
	(erf) = vpow2.f32 v2  }
0xe1: {  	v5 =	vimm.f32 $0.0e+00;
	v6 =	vld [tilespmem:s29+$0x80]  }
0xe2: {  	v1 =	vadd.f32 v7, v5;
	v2 =	vmul.f32 $1.442695020e+00, v3;
	v3 =	vpop (erf);
	(erf) = vpow2.f32 v0  }
0xe3: {  	v4 =	vmul.f32 $1.442695020e+00, v4;
	v0 =	vld [tilespmem:s29+$0x90]  }
0xe4: {  	v3 =	vadd.f32 v3, v1;
	(erf) = vpow2.f32 v2  }
0xe5: {  	v5 =	vpop (erf);
	v1 =	vld [tilespmem:s29+$0xA0];
	(erf) = vpow2.f32 v4  }
0xe6: {  	s30 =	simm.s32 $0x8;
	s31 =	simm.s32 $0x180;
	s0 =	simm.s32 $0xC0;
	v2 =	vmul.f32 $1.442695020e+00, v6;
	v3 =	vadd.f32 v5, v3  }
.LBB2_18:
0xe7: {  	s1 =	sand.u32 $0x40, s0;
	s23 =	sand.u32 $0x7F00, s31;
	s30 =	sadd.s32 $0x4, s30;
	v4 =	vld [tilespmem:s29+$0xB0];
	v5 =	vpop (erf)  }
0xe8: {  	s29 =	sor.u32 s1, s23;
	p0 =	slt.u32 s30, $0x2FC;
	v0 =	vmul.f32 $1.442695020e+00, v0;
	(erf) = vpow2.f32 v2;
	v2 =	vadd.f32 v5, v3  }
0xe9: {  	v3 =	vld [tilespmem:s29+$0x80];
	v5 =	vpop (erf)  }
.Ltmp8:
0xea: {  	v1 =	vmul.f32 $1.442695020e+00, v1;
	(erf) = vpow2.f32 v0;
	v2 =	vadd.f32 v5, v2;
	(pc) =	sbr.rel @p0 .LBB2_18-.Ltmp8, $4  }
0xeb: {  	v0 =	vld [tilespmem:s29+$0x90];
	v5 =	vpop (erf)  }
0xec: {  	v4 =	vmul.f32 $1.442695020e+00, v4;
	(erf) = vpow2.f32 v1;
	v5 =	vadd.f32 v5, v2  }
0xed: {  	v1 =	vld [tilespmem:s29+$0xA0];
	v6 =	vpop (erf)  }
0xee: {  	s31 =	sadd.s32 $0x80, s31;
	s0 =	sadd.s32 $0x40, s0;
	v2 =	vmul.f32 $1.442695020e+00, v3;
	(erf) = vpow2.f32 v4;
	v3 =	vadd.f32 v6, v5  }
0xef: {  	v4 =	vld [tilespmem:s29+$0xB0];
	v5 =	vpop (erf)  }
0xf0: {  	v0 =	vmul.f32 $1.442695020e+00, v0;
	(erf) = vpow2.f32 v2;
	v53 =	vadd.f32 v5, v3  }
0xf1: {  	v54 =	vpop (erf)  }
0xf2: {  	v1 =	vmul.f32 $1.442695020e+00, v1;
	(erf) = vpow2.f32 v0;
	v55 =	vadd.f32 v54, v53  }
0xf3: {  	v56 =	vpop (erf)  }
0xf4: {  	v57 =	vmul.f32 $1.442695020e+00, v4;
	(erf) = vpow2.f32 v1;
	v0 =	vadd.f32 v56, v55  }
0xf5: {  	v58 =	vpop (erf)  }
0xf6: {  	(erf) = vpow2.f32 v57;
	v0 =	vadd.f32 v58, v0  }
0xf7: {  	v59 =	vpop (erf)  }
0xf8: {  	v0 =	vadd.f32 v59, v0  }
0xf9: {  	v60 =	vpop (erf)  }
0xfa: {  	v0 =	vadd.f32 v60, v0  }
0xfb: {  	v61 =	vpop (erf)  }
0xfc: {  	v0 =	vadd.f32 v61, v0  }
0xfd: {  	v62 =	vpop (erf)  }
0xfe: {  	v0 =	vadd.f32 v62, v0  }
0xff: {  	v63 =	vpop (erf)  }
0x100: {  	v0 =	vadd.f32 v63, v0  }
0x101: {  	s0 =	simm.s32 $0x80  }
0x102: {  	s29 =	simm.s32 $0x80;
	s31 =	sadd.s32 $0x0, s8;
	s30 =	simm.s32 $0x180;
	[tilespmem:$0x6030] =	vst v0  }
.LBB2_20:
0x103: {  	[tilespmem:s0], [sflag:$0x2] =	stream.linear.gather [hbm4b:s31+s2], $0x80, $0x38;
	[tilespmem:$0x6100] =	vst v63  }
0x104: {  	s1 =	smov.u32 s29;
	s0 =	smov.u32 s30;
	p0 =	sne.s32 s29, $0x2F80  }
.Ltmp9:
0x105: {  	s29 =	sadd.s32 $0x80, s29;
	(pc) =	sbr.rel @p0 .LBB2_20-.Ltmp9, $2  }
0x106: {  	_ =	sdelay $0x2  }
0x107: {  	s30 =	sadd.s32 $0x100, s30;
	s31 =	sadd.s32 s1, s8  }
0x108: {  	[tilespmem:s0], [sflag:$0x2] =	stream.linear.gather [hbm4b:s31+s2], $0x80, $0x38;
	[tilespmem:$0x6100] =	vst v63  }
0x109: {  	s23 =	simm.s32 $0x0;
	_ =	swait.ge [sflag:s21], $0x3000  }
0x10a: {  	s1 =	sand.u32 $0x40, s23;
	s0 =	sand.u32 $0x7F00, s23;
	[sflag:s21] =	ssyncset.done $0x0  }
0x10b: {  	s0 =	sor.u32 s1, s0;
	[sflag:s21] =	ssyncadd.s32 $0xFFFFD000  }
0x10c: {  	v0 =	vld [tilespmem:s0+$0x0];
	_ =	sdelay $0x1  }
0x10d: {  	v1 =	vld [tilespmem:s0+$0x10];
	_ =	sdelay $0x2  }
0x10e: {  	v0 =	vmul.f32 $1.442695020e+00, v0  }
0x10f: {  	v2 =	vld [tilespmem:s0+$0x20]  }
0x110: {  	v1 =	vmul.f32 $1.442695020e+00, v1;
	(erf) = vpow2.f32 v0  }
0x111: {  	s23 =	simm.s32 $0x40;
	s1 =	simm.s32 $0x80  }
0x112: {  	s23 =	sand.u32 $0x40, s23;
	s1 =	sand.u32 $0x7F00, s1;
	(erf) = vpow2.f32 v1;
	v1 =	vld [tilespmem:s0+$0x30]  }
0x113: {  	s0 =	sor.u32 s23, s1  }
0x114: {  	v0 =	vmul.f32 $1.442695020e+00, v2;
	v2 =	vld [tilespmem:s0+$0x0];
	_ =	sdelay $0x1  }
0x115: {  	(erf) = vpow2.f32 v0;
	v0 =	vld [tilespmem:s0+$0x10]  }
0x116: {  	v1 =	vmul.f32 $1.442695020e+00, v1  }
0x117: {  	v3 =	vld [tilespmem:s0+$0x20]  }
0x118: {  	s1 =	simm.s32 $0x100;
	s23 =	simm.s32 $0x80;
	v4 =	vld [tilespmem:s0+$0x30];
	v2 =	vmul.f32 $1.442695020e+00, v2;
	v7 =	vpop (erf);
	(erf) = vpow2.f32 v1  }
0x119: {  	s23 =	sand.u32 $0x40, s23;
	s1 =	sand.u32 $0x7F00, s1  }
0x11a: {  	s29 =	sor.u32 s23, s1;
	v0 =	vmul.f32 $1.442695020e+00, v0;
	(erf) = vpow2.f32 v2  }
0x11b: {  	v5 =	vimm.f32 $0.0e+00;
	v6 =	vld [tilespmem:s29+$0x0]  }
0x11c: {  	v1 =	vadd.f32 v7, v5;
	v2 =	vmul.f32 $1.442695020e+00, v3;
	v3 =	vpop (erf);
	(erf) = vpow2.f32 v0  }
0x11d: {  	v4 =	vmul.f32 $1.442695020e+00, v4;
	v0 =	vld [tilespmem:s29+$0x10]  }
0x11e: {  	v3 =	vadd.f32 v3, v1;
	(erf) = vpow2.f32 v2  }
0x11f: {  	v5 =	vpop (erf);
	v1 =	vld [tilespmem:s29+$0x20];
	(erf) = vpow2.f32 v4  }
0x120: {  	s30 =	simm.s32 $0x8;
	s31 =	simm.s32 $0x180;
	s0 =	simm.s32 $0xC0;
	v2 =	vmul.f32 $1.442695020e+00, v6;
	v3 =	vadd.f32 v5, v3  }
.LBB2_22:
0x121: {  	s1 =	sand.u32 $0x40, s0;
	s23 =	sand.u32 $0x7F00, s31;
	s30 =	sadd.s32 $0x4, s30;
	v4 =	vld [tilespmem:s29+$0x30];
	v5 =	vpop (erf)  }
0x122: {  	s29 =	sor.u32 s1, s23;
	p0 =	slt.u32 s30, $0x2FC;
	v0 =	vmul.f32 $1.442695020e+00, v0;
	(erf) = vpow2.f32 v2;
	v2 =	vadd.f32 v5, v3  }
0x123: {  	v3 =	vld [tilespmem:s29+$0x0];
	v5 =	vpop (erf)  }
.Ltmp10:
0x124: {  	v1 =	vmul.f32 $1.442695020e+00, v1;
	(erf) = vpow2.f32 v0;
	v2 =	vadd.f32 v5, v2;
	(pc) =	sbr.rel @p0 .LBB2_22-.Ltmp10, $4  }
0x125: {  	v0 =	vld [tilespmem:s29+$0x10];
	v5 =	vpop (erf)  }
0x126: {  	v4 =	vmul.f32 $1.442695020e+00, v4;
	(erf) = vpow2.f32 v1;
	v5 =	vadd.f32 v5, v2  }
0x127: {  	v1 =	vld [tilespmem:s29+$0x20];
	v6 =	vpop (erf)  }
0x128: {  	s31 =	sadd.s32 $0x80, s31;
	s0 =	sadd.s32 $0x40, s0;
	v2 =	vmul.f32 $1.442695020e+00, v3;
	(erf) = vpow2.f32 v4;
	v3 =	vadd.f32 v6, v5  }
0x129: {  	v4 =	vld [tilespmem:s29+$0x30];
	v5 =	vpop (erf)  }
0x12a: {  	v0 =	vmul.f32 $1.442695020e+00, v0;
	(erf) = vpow2.f32 v2;
	v53 =	vadd.f32 v5, v3  }
0x12b: {  	v54 =	vpop (erf)  }
0x12c: {  	v1 =	vmul.f32 $1.442695020e+00, v1;
	(erf) = vpow2.f32 v0;
	v55 =	vadd.f32 v54, v53  }
0x12d: {  	v56 =	vpop (erf)  }
0x12e: {  	v57 =	vmul.f32 $1.442695020e+00, v4;
	(erf) = vpow2.f32 v1;
	v0 =	vadd.f32 v56, v55  }
0x12f: {  	v58 =	vpop (erf)  }
0x130: {  	(erf) = vpow2.f32 v57;
	v0 =	vadd.f32 v58, v0  }
0x131: {  	v59 =	vpop (erf)  }
0x132: {  	v0 =	vadd.f32 v59, v0  }
0x133: {  	v60 =	vpop (erf)  }
0x134: {  	v0 =	vadd.f32 v60, v0  }
0x135: {  	v61 =	vpop (erf)  }
0x136: {  	v0 =	vadd.f32 v61, v0  }
0x137: {  	v62 =	vpop (erf)  }
0x138: {  	v0 =	vadd.f32 v62, v0  }
0x139: {  	v63 =	vpop (erf)  }
0x13a: {  	v0 =	vadd.f32 v63, v0  }
0x13b: {  	s0 =	simm.s32 $0x0  }
0x13c: {  	s29 =	simm.s32 $0x80;
	s31 =	sadd.s32 $0x0, s9;
	s30 =	simm.s32 $0x100;
	[tilespmem:$0x6040] =	vst v0  }
.LBB2_24:
0x13d: {  	[tilespmem:s0], [sflag:$0x1] =	stream.linear.gather [hbm4b:s31+s2], $0x80, $0x38;
	[tilespmem:$0x6100] =	vst v63  }
0x13e: {  	s1 =	smov.u32 s29;
	s0 =	smov.u32 s30;
	p0 =	sne.s32 s29, $0x2F80  }
.Ltmp11:
0x13f: {  	s29 =	sadd.s32 $0x80, s29;
	(pc) =	sbr.rel @p0 .LBB2_24-.Ltmp11, $2  }
0x140: {  	_ =	sdelay $0x2  }
0x141: {  	s30 =	sadd.s32 $0x100, s30;
	s31 =	sadd.s32 s1, s9  }
0x142: {  	[tilespmem:s0], [sflag:$0x1] =	stream.linear.gather [hbm4b:s31+s2], $0x80, $0x38;
	[tilespmem:$0x6100] =	vst v63  }
0x143: {  	s23 =	simm.s32 $0x0;
	_ =	swait.ge [sflag:s22], $0x3000  }
0x144: {  	s1 =	sand.u32 $0x40, s23;
	s0 =	sand.u32 $0x7F00, s23;
	[sflag:s22] =	ssyncset.done $0x0  }
0x145: {  	s0 =	sor.u32 s1, s0;
	[sflag:s22] =	ssyncadd.s32 $0xFFFFD000  }
0x146: {  	v0 =	vld [tilespmem:s0+$0x80];
	_ =	sdelay $0x1  }
0x147: {  	v1 =	vld [tilespmem:s0+$0x90];
	_ =	sdelay $0x2  }
0x148: {  	v0 =	vmul.f32 $1.442695020e+00, v0  }
0x149: {  	v2 =	vld [tilespmem:s0+$0xA0]  }
0x14a: {  	v1 =	vmul.f32 $1.442695020e+00, v1;
	(erf) = vpow2.f32 v0  }
0x14b: {  	s23 =	simm.s32 $0x40;
	s1 =	simm.s32 $0x80  }
0x14c: {  	s23 =	sand.u32 $0x40, s23;
	s1 =	sand.u32 $0x7F00, s1;
	(erf) = vpow2.f32 v1;
	v1 =	vld [tilespmem:s0+$0xB0]  }
0x14d: {  	s0 =	sor.u32 s23, s1  }
0x14e: {  	v0 =	vmul.f32 $1.442695020e+00, v2;
	v2 =	vld [tilespmem:s0+$0x80];
	_ =	sdelay $0x1  }
0x14f: {  	(erf) = vpow2.f32 v0;
	v0 =	vld [tilespmem:s0+$0x90]  }
0x150: {  	v1 =	vmul.f32 $1.442695020e+00, v1  }
0x151: {  	v3 =	vld [tilespmem:s0+$0xA0]  }
0x152: {  	s1 =	simm.s32 $0x100;
	s23 =	simm.s32 $0x80;
	v4 =	vld [tilespmem:s0+$0xB0];
	v2 =	vmul.f32 $1.442695020e+00, v2;
	v7 =	vpop (erf);
	(erf) = vpow2.f32 v1  }
0x153: {  	s23 =	sand.u32 $0x40, s23;
	s1 =	sand.u32 $0x7F00, s1  }
0x154: {  	s29 =	sor.u32 s23, s1;
	v0 =	vmul.f32 $1.442695020e+00, v0;
	(erf) = vpow2.f32 v2  }
0x155: {  	v5 =	vimm.f32 $0.0e+00;
	v6 =	vld [tilespmem:s29+$0x80]  }
0x156: {  	v1 =	vadd.f32 v7, v5;
	v2 =	vmul.f32 $1.442695020e+00, v3;
	v3 =	vpop (erf);
	(erf) = vpow2.f32 v0  }
0x157: {  	v4 =	vmul.f32 $1.442695020e+00, v4;
	v0 =	vld [tilespmem:s29+$0x90]  }
0x158: {  	v3 =	vadd.f32 v3, v1;
	(erf) = vpow2.f32 v2  }
0x159: {  	v5 =	vpop (erf);
	v1 =	vld [tilespmem:s29+$0xA0];
	(erf) = vpow2.f32 v4  }
0x15a: {  	s30 =	simm.s32 $0x8;
	s31 =	simm.s32 $0x180;
	s0 =	simm.s32 $0xC0;
	v2 =	vmul.f32 $1.442695020e+00, v6;
	v3 =	vadd.f32 v5, v3  }
.LBB2_26:
0x15b: {  	s1 =	sand.u32 $0x40, s0;
	s23 =	sand.u32 $0x7F00, s31;
	s30 =	sadd.s32 $0x4, s30;
	v4 =	vld [tilespmem:s29+$0xB0];
	v5 =	vpop (erf)  }
0x15c: {  	s29 =	sor.u32 s1, s23;
	p0 =	slt.u32 s30, $0x2FC;
	v0 =	vmul.f32 $1.442695020e+00, v0;
	(erf) = vpow2.f32 v2;
	v2 =	vadd.f32 v5, v3  }
0x15d: {  	v3 =	vld [tilespmem:s29+$0x80];
	v5 =	vpop (erf)  }
.Ltmp12:
0x15e: {  	v1 =	vmul.f32 $1.442695020e+00, v1;
	(erf) = vpow2.f32 v0;
	v2 =	vadd.f32 v5, v2;
	(pc) =	sbr.rel @p0 .LBB2_26-.Ltmp12, $4  }
0x15f: {  	v0 =	vld [tilespmem:s29+$0x90];
	v5 =	vpop (erf)  }
0x160: {  	v4 =	vmul.f32 $1.442695020e+00, v4;
	(erf) = vpow2.f32 v1;
	v5 =	vadd.f32 v5, v2  }
0x161: {  	v1 =	vld [tilespmem:s29+$0xA0];
	v6 =	vpop (erf)  }
0x162: {  	s31 =	sadd.s32 $0x80, s31;
	s0 =	sadd.s32 $0x40, s0;
	v2 =	vmul.f32 $1.442695020e+00, v3;
	(erf) = vpow2.f32 v4;
	v3 =	vadd.f32 v6, v5  }
0x163: {  	v4 =	vld [tilespmem:s29+$0xB0];
	v5 =	vpop (erf)  }
0x164: {  	v0 =	vmul.f32 $1.442695020e+00, v0;
	(erf) = vpow2.f32 v2;
	v53 =	vadd.f32 v5, v3  }
0x165: {  	v54 =	vpop (erf)  }
0x166: {  	v1 =	vmul.f32 $1.442695020e+00, v1;
	(erf) = vpow2.f32 v0;
	v55 =	vadd.f32 v54, v53  }
0x167: {  	v56 =	vpop (erf)  }
0x168: {  	v57 =	vmul.f32 $1.442695020e+00, v4;
	(erf) = vpow2.f32 v1;
	v0 =	vadd.f32 v56, v55  }
0x169: {  	v58 =	vpop (erf)  }
0x16a: {  	(erf) = vpow2.f32 v57;
	v0 =	vadd.f32 v58, v0  }
0x16b: {  	v59 =	vpop (erf)  }
0x16c: {  	v0 =	vadd.f32 v59, v0  }
0x16d: {  	v60 =	vpop (erf)  }
0x16e: {  	v0 =	vadd.f32 v60, v0  }
0x16f: {  	v61 =	vpop (erf)  }
0x170: {  	v0 =	vadd.f32 v61, v0  }
0x171: {  	v62 =	vpop (erf)  }
0x172: {  	v0 =	vadd.f32 v62, v0  }
0x173: {  	v63 =	vpop (erf)  }
0x174: {  	v0 =	vadd.f32 v63, v0  }
0x175: {  	s0 =	simm.s32 $0x80  }
0x176: {  	s29 =	simm.s32 $0x80;
	s31 =	sadd.s32 $0x0, s10;
	s30 =	simm.s32 $0x180;
	[tilespmem:$0x6050] =	vst v0  }
.LBB2_28:
0x177: {  	[tilespmem:s0], [sflag:$0x2] =	stream.linear.gather [hbm4b:s31+s2], $0x80, $0x38;
	[tilespmem:$0x6100] =	vst v63  }
0x178: {  	s1 =	smov.u32 s29;
	s0 =	smov.u32 s30;
	p0 =	sne.s32 s29, $0x2F80  }
.Ltmp13:
0x179: {  	s29 =	sadd.s32 $0x80, s29;
	(pc) =	sbr.rel @p0 .LBB2_28-.Ltmp13, $2  }
0x17a: {  	_ =	sdelay $0x2  }
0x17b: {  	s30 =	sadd.s32 $0x100, s30;
	s31 =	sadd.s32 s1, s10  }
0x17c: {  	[tilespmem:s0], [sflag:$0x2] =	stream.linear.gather [hbm4b:s31+s2], $0x80, $0x38;
	[tilespmem:$0x6100] =	vst v63  }
0x17d: {  	s23 =	simm.s32 $0x0;
	_ =	swait.ge [sflag:s21], $0x3000  }
0x17e: {  	s1 =	sand.u32 $0x40, s23;
	s0 =	sand.u32 $0x7F00, s23;
	[sflag:s21] =	ssyncset.done $0x0  }
0x17f: {  	s0 =	sor.u32 s1, s0;
	[sflag:s21] =	ssyncadd.s32 $0xFFFFD000  }
0x180: {  	v0 =	vld [tilespmem:s0+$0x0];
	_ =	sdelay $0x1  }
0x181: {  	v1 =	vld [tilespmem:s0+$0x10];
	_ =	sdelay $0x2  }
0x182: {  	v0 =	vmul.f32 $1.442695020e+00, v0  }
0x183: {  	v2 =	vld [tilespmem:s0+$0x20]  }
0x184: {  	v1 =	vmul.f32 $1.442695020e+00, v1;
	(erf) = vpow2.f32 v0  }
0x185: {  	s23 =	simm.s32 $0x40;
	s1 =	simm.s32 $0x80  }
0x186: {  	s23 =	sand.u32 $0x40, s23;
	s1 =	sand.u32 $0x7F00, s1;
	(erf) = vpow2.f32 v1;
	v1 =	vld [tilespmem:s0+$0x30]  }
0x187: {  	s0 =	sor.u32 s23, s1  }
0x188: {  	v0 =	vmul.f32 $1.442695020e+00, v2;
	v2 =	vld [tilespmem:s0+$0x0];
	_ =	sdelay $0x1  }
0x189: {  	(erf) = vpow2.f32 v0;
	v0 =	vld [tilespmem:s0+$0x10]  }
0x18a: {  	v1 =	vmul.f32 $1.442695020e+00, v1  }
0x18b: {  	v3 =	vld [tilespmem:s0+$0x20]  }
0x18c: {  	s1 =	simm.s32 $0x100;
	s23 =	simm.s32 $0x80;
	v4 =	vld [tilespmem:s0+$0x30];
	v2 =	vmul.f32 $1.442695020e+00, v2;
	v7 =	vpop (erf);
	(erf) = vpow2.f32 v1  }
0x18d: {  	s23 =	sand.u32 $0x40, s23;
	s1 =	sand.u32 $0x7F00, s1  }
0x18e: {  	s29 =	sor.u32 s23, s1;
	v0 =	vmul.f32 $1.442695020e+00, v0;
	(erf) = vpow2.f32 v2  }
0x18f: {  	v5 =	vimm.f32 $0.0e+00;
	v6 =	vld [tilespmem:s29+$0x0]  }
0x190: {  	v1 =	vadd.f32 v7, v5;
	v2 =	vmul.f32 $1.442695020e+00, v3;
	v3 =	vpop (erf);
	(erf) = vpow2.f32 v0  }
0x191: {  	v4 =	vmul.f32 $1.442695020e+00, v4;
	v0 =	vld [tilespmem:s29+$0x10]  }
0x192: {  	v3 =	vadd.f32 v3, v1;
	(erf) = vpow2.f32 v2  }
0x193: {  	v5 =	vpop (erf);
	v1 =	vld [tilespmem:s29+$0x20];
	(erf) = vpow2.f32 v4  }
0x194: {  	s30 =	simm.s32 $0x8;
	s31 =	simm.s32 $0x180;
	s0 =	simm.s32 $0xC0;
	v2 =	vmul.f32 $1.442695020e+00, v6;
	v3 =	vadd.f32 v5, v3  }
.LBB2_30:
0x195: {  	s1 =	sand.u32 $0x40, s0;
	s23 =	sand.u32 $0x7F00, s31;
	s30 =	sadd.s32 $0x4, s30;
	v4 =	vld [tilespmem:s29+$0x30];
	v5 =	vpop (erf)  }
0x196: {  	s29 =	sor.u32 s1, s23;
	p0 =	slt.u32 s30, $0x2FC;
	v0 =	vmul.f32 $1.442695020e+00, v0;
	(erf) = vpow2.f32 v2;
	v2 =	vadd.f32 v5, v3  }
0x197: {  	v3 =	vld [tilespmem:s29+$0x0];
	v5 =	vpop (erf)  }
.Ltmp14:
0x198: {  	v1 =	vmul.f32 $1.442695020e+00, v1;
	(erf) = vpow2.f32 v0;
	v2 =	vadd.f32 v5, v2;
	(pc) =	sbr.rel @p0 .LBB2_30-.Ltmp14, $4  }
0x199: {  	v0 =	vld [tilespmem:s29+$0x10];
	v5 =	vpop (erf)  }
0x19a: {  	v4 =	vmul.f32 $1.442695020e+00, v4;
	(erf) = vpow2.f32 v1;
	v5 =	vadd.f32 v5, v2  }
0x19b: {  	v1 =	vld [tilespmem:s29+$0x20];
	v6 =	vpop (erf)  }
0x19c: {  	s31 =	sadd.s32 $0x80, s31;
	s0 =	sadd.s32 $0x40, s0;
	v2 =	vmul.f32 $1.442695020e+00, v3;
	(erf) = vpow2.f32 v4;
	v3 =	vadd.f32 v6, v5  }
0x19d: {  	v4 =	vld [tilespmem:s29+$0x30];
	v5 =	vpop (erf)  }
0x19e: {  	v0 =	vmul.f32 $1.442695020e+00, v0;
	(erf) = vpow2.f32 v2;
	v53 =	vadd.f32 v5, v3  }
0x19f: {  	v54 =	vpop (erf)  }
0x1a0: {  	v1 =	vmul.f32 $1.442695020e+00, v1;
	(erf) = vpow2.f32 v0;
	v55 =	vadd.f32 v54, v53  }
0x1a1: {  	v56 =	vpop (erf)  }
0x1a2: {  	v57 =	vmul.f32 $1.442695020e+00, v4;
	(erf) = vpow2.f32 v1;
	v0 =	vadd.f32 v56, v55  }
0x1a3: {  	v58 =	vpop (erf)  }
0x1a4: {  	(erf) = vpow2.f32 v57;
	v0 =	vadd.f32 v58, v0  }
0x1a5: {  	v59 =	vpop (erf)  }
0x1a6: {  	v0 =	vadd.f32 v59, v0  }
0x1a7: {  	v60 =	vpop (erf)  }
0x1a8: {  	v0 =	vadd.f32 v60, v0  }
0x1a9: {  	v61 =	vpop (erf)  }
0x1aa: {  	v0 =	vadd.f32 v61, v0  }
0x1ab: {  	v62 =	vpop (erf)  }
0x1ac: {  	v0 =	vadd.f32 v62, v0  }
0x1ad: {  	v63 =	vpop (erf)  }
0x1ae: {  	v0 =	vadd.f32 v63, v0  }
0x1af: {  	s0 =	simm.s32 $0x0  }
0x1b0: {  	s29 =	simm.s32 $0x80;
	s31 =	sadd.s32 $0x0, s11;
	s30 =	simm.s32 $0x100;
	[tilespmem:$0x6060] =	vst v0  }
.LBB2_32:
0x1b1: {  	[tilespmem:s0], [sflag:$0x1] =	stream.linear.gather [hbm4b:s31+s2], $0x80, $0x38;
	[tilespmem:$0x6100] =	vst v63  }
0x1b2: {  	s1 =	smov.u32 s29;
	s0 =	smov.u32 s30;
	p0 =	sne.s32 s29, $0x2F80  }
.Ltmp15:
0x1b3: {  	s29 =	sadd.s32 $0x80, s29;
	(pc) =	sbr.rel @p0 .LBB2_32-.Ltmp15, $2  }
0x1b4: {  	_ =	sdelay $0x2  }
0x1b5: {  	s30 =	sadd.s32 $0x100, s30;
	s31 =	sadd.s32 s1, s11  }
0x1b6: {  	[tilespmem:s0], [sflag:$0x1] =	stream.linear.gather [hbm4b:s31+s2], $0x80, $0x38;
	[tilespmem:$0x6100] =	vst v63  }
0x1b7: {  	s23 =	simm.s32 $0x0;
	_ =	swait.ge [sflag:s22], $0x3000  }
0x1b8: {  	s1 =	sand.u32 $0x40, s23;
	s0 =	sand.u32 $0x7F00, s23;
	[sflag:s22] =	ssyncset.done $0x0  }
0x1b9: {  	s0 =	sor.u32 s1, s0;
	[sflag:s22] =	ssyncadd.s32 $0xFFFFD000  }
0x1ba: {  	v0 =	vld [tilespmem:s0+$0x80];
	_ =	sdelay $0x1  }
0x1bb: {  	v1 =	vld [tilespmem:s0+$0x90];
	_ =	sdelay $0x2  }
0x1bc: {  	v0 =	vmul.f32 $1.442695020e+00, v0  }
0x1bd: {  	v2 =	vld [tilespmem:s0+$0xA0]  }
0x1be: {  	v1 =	vmul.f32 $1.442695020e+00, v1;
	(erf) = vpow2.f32 v0  }
0x1bf: {  	s23 =	simm.s32 $0x40;
	s1 =	simm.s32 $0x80  }
0x1c0: {  	s23 =	sand.u32 $0x40, s23;
	s1 =	sand.u32 $0x7F00, s1;
	(erf) = vpow2.f32 v1;
	v1 =	vld [tilespmem:s0+$0xB0]  }
0x1c1: {  	s0 =	sor.u32 s23, s1  }
0x1c2: {  	v0 =	vmul.f32 $1.442695020e+00, v2;
	v2 =	vld [tilespmem:s0+$0x80];
	_ =	sdelay $0x1  }
0x1c3: {  	(erf) = vpow2.f32 v0;
	v0 =	vld [tilespmem:s0+$0x90]  }
0x1c4: {  	v1 =	vmul.f32 $1.442695020e+00, v1  }
0x1c5: {  	v3 =	vld [tilespmem:s0+$0xA0]  }
0x1c6: {  	s1 =	simm.s32 $0x100;
	s23 =	simm.s32 $0x80;
	v4 =	vld [tilespmem:s0+$0xB0];
	v2 =	vmul.f32 $1.442695020e+00, v2;
	v7 =	vpop (erf);
	(erf) = vpow2.f32 v1  }
0x1c7: {  	s23 =	sand.u32 $0x40, s23;
	s1 =	sand.u32 $0x7F00, s1  }
0x1c8: {  	s29 =	sor.u32 s23, s1;
	v0 =	vmul.f32 $1.442695020e+00, v0;
	(erf) = vpow2.f32 v2  }
0x1c9: {  	v5 =	vimm.f32 $0.0e+00;
	v6 =	vld [tilespmem:s29+$0x80]  }
0x1ca: {  	v1 =	vadd.f32 v7, v5;
	v2 =	vmul.f32 $1.442695020e+00, v3;
	v3 =	vpop (erf);
	(erf) = vpow2.f32 v0  }
0x1cb: {  	v4 =	vmul.f32 $1.442695020e+00, v4;
	v0 =	vld [tilespmem:s29+$0x90]  }
0x1cc: {  	v3 =	vadd.f32 v3, v1;
	(erf) = vpow2.f32 v2  }
0x1cd: {  	v5 =	vpop (erf);
	v1 =	vld [tilespmem:s29+$0xA0];
	(erf) = vpow2.f32 v4  }
0x1ce: {  	s30 =	simm.s32 $0x8;
	s31 =	simm.s32 $0x180;
	s0 =	simm.s32 $0xC0;
	v2 =	vmul.f32 $1.442695020e+00, v6;
	v3 =	vadd.f32 v5, v3  }
.LBB2_34:
0x1cf: {  	s1 =	sand.u32 $0x40, s0;
	s23 =	sand.u32 $0x7F00, s31;
	s30 =	sadd.s32 $0x4, s30;
	v4 =	vld [tilespmem:s29+$0xB0];
	v5 =	vpop (erf)  }
0x1d0: {  	s29 =	sor.u32 s1, s23;
	p0 =	slt.u32 s30, $0x2FC;
	v0 =	vmul.f32 $1.442695020e+00, v0;
	(erf) = vpow2.f32 v2;
	v2 =	vadd.f32 v5, v3  }
0x1d1: {  	v3 =	vld [tilespmem:s29+$0x80];
	v5 =	vpop (erf)  }
.Ltmp16:
0x1d2: {  	v1 =	vmul.f32 $1.442695020e+00, v1;
	(erf) = vpow2.f32 v0;
	v2 =	vadd.f32 v5, v2;
	(pc) =	sbr.rel @p0 .LBB2_34-.Ltmp16, $4  }
0x1d3: {  	v0 =	vld [tilespmem:s29+$0x90];
	v5 =	vpop (erf)  }
0x1d4: {  	v4 =	vmul.f32 $1.442695020e+00, v4;
	(erf) = vpow2.f32 v1;
	v5 =	vadd.f32 v5, v2  }
0x1d5: {  	v1 =	vld [tilespmem:s29+$0xA0];
	v6 =	vpop (erf)  }
0x1d6: {  	s31 =	sadd.s32 $0x80, s31;
	s0 =	sadd.s32 $0x40, s0;
	v2 =	vmul.f32 $1.442695020e+00, v3;
	(erf) = vpow2.f32 v4;
	v3 =	vadd.f32 v6, v5  }
0x1d7: {  	v4 =	vld [tilespmem:s29+$0xB0];
	v5 =	vpop (erf)  }
0x1d8: {  	v0 =	vmul.f32 $1.442695020e+00, v0;
	(erf) = vpow2.f32 v2;
	v53 =	vadd.f32 v5, v3  }
0x1d9: {  	v54 =	vpop (erf)  }
0x1da: {  	v1 =	vmul.f32 $1.442695020e+00, v1;
	(erf) = vpow2.f32 v0;
	v55 =	vadd.f32 v54, v53  }
0x1db: {  	v56 =	vpop (erf)  }
0x1dc: {  	v57 =	vmul.f32 $1.442695020e+00, v4;
	(erf) = vpow2.f32 v1;
	v0 =	vadd.f32 v56, v55  }
0x1dd: {  	v58 =	vpop (erf)  }
0x1de: {  	(erf) = vpow2.f32 v57;
	v0 =	vadd.f32 v58, v0  }
0x1df: {  	v59 =	vpop (erf)  }
0x1e0: {  	v0 =	vadd.f32 v59, v0  }
0x1e1: {  	v60 =	vpop (erf)  }
0x1e2: {  	v0 =	vadd.f32 v60, v0  }
0x1e3: {  	v61 =	vpop (erf)  }
0x1e4: {  	v0 =	vadd.f32 v61, v0  }
0x1e5: {  	v62 =	vpop (erf)  }
0x1e6: {  	v0 =	vadd.f32 v62, v0  }
0x1e7: {  	v63 =	vpop (erf)  }
0x1e8: {  	v0 =	vadd.f32 v63, v0  }
0x1e9: {  	s0 =	simm.s32 $0x80  }
0x1ea: {  	s29 =	simm.s32 $0x80;
	s31 =	sadd.s32 $0x0, s12;
	s30 =	simm.s32 $0x180;
	[tilespmem:$0x6070] =	vst v0  }
.LBB2_36:
0x1eb: {  	[tilespmem:s0], [sflag:$0x2] =	stream.linear.gather [hbm4b:s31+s2], $0x80, $0x38;
	[tilespmem:$0x6100] =	vst v63  }
0x1ec: {  	s1 =	smov.u32 s29;
	s0 =	smov.u32 s30;
	p0 =	sne.s32 s29, $0x2F80  }
.Ltmp17:
0x1ed: {  	s29 =	sadd.s32 $0x80, s29;
	(pc) =	sbr.rel @p0 .LBB2_36-.Ltmp17, $2  }
0x1ee: {  	_ =	sdelay $0x2  }
0x1ef: {  	s30 =	sadd.s32 $0x100, s30;
	s31 =	sadd.s32 s1, s12  }
0x1f0: {  	[tilespmem:s0], [sflag:$0x2] =	stream.linear.gather [hbm4b:s31+s2], $0x80, $0x38;
	[tilespmem:$0x6100] =	vst v63  }
0x1f1: {  	s23 =	simm.s32 $0x0;
	_ =	swait.ge [sflag:s21], $0x3000  }
0x1f2: {  	s1 =	sand.u32 $0x40, s23;
	s0 =	sand.u32 $0x7F00, s23;
	[sflag:s21] =	ssyncset.done $0x0  }
0x1f3: {  	s0 =	sor.u32 s1, s0;
	[sflag:s21] =	ssyncadd.s32 $0xFFFFD000  }
0x1f4: {  	v0 =	vld [tilespmem:s0+$0x0];
	_ =	sdelay $0x1  }
0x1f5: {  	v1 =	vld [tilespmem:s0+$0x10];
	_ =	sdelay $0x2  }
0x1f6: {  	v0 =	vmul.f32 $1.442695020e+00, v0  }
0x1f7: {  	v2 =	vld [tilespmem:s0+$0x20]  }
0x1f8: {  	v1 =	vmul.f32 $1.442695020e+00, v1;
	(erf) = vpow2.f32 v0  }
0x1f9: {  	s23 =	simm.s32 $0x40;
	s1 =	simm.s32 $0x80  }
0x1fa: {  	s23 =	sand.u32 $0x40, s23;
	s1 =	sand.u32 $0x7F00, s1;
	(erf) = vpow2.f32 v1;
	v1 =	vld [tilespmem:s0+$0x30]  }
0x1fb: {  	s0 =	sor.u32 s23, s1  }
0x1fc: {  	v0 =	vmul.f32 $1.442695020e+00, v2;
	v2 =	vld [tilespmem:s0+$0x0];
	_ =	sdelay $0x1  }
0x1fd: {  	(erf) = vpow2.f32 v0;
	v0 =	vld [tilespmem:s0+$0x10]  }
0x1fe: {  	v1 =	vmul.f32 $1.442695020e+00, v1  }
0x1ff: {  	v3 =	vld [tilespmem:s0+$0x20]  }
0x200: {  	s1 =	simm.s32 $0x100;
	s23 =	simm.s32 $0x80;
	v4 =	vld [tilespmem:s0+$0x30];
	v2 =	vmul.f32 $1.442695020e+00, v2;
	v7 =	vpop (erf);
	(erf) = vpow2.f32 v1  }
0x201: {  	s23 =	sand.u32 $0x40, s23;
	s1 =	sand.u32 $0x7F00, s1  }
0x202: {  	s29 =	sor.u32 s23, s1;
	v0 =	vmul.f32 $1.442695020e+00, v0;
	(erf) = vpow2.f32 v2  }
0x203: {  	v5 =	vimm.f32 $0.0e+00;
	v6 =	vld [tilespmem:s29+$0x0]  }
0x204: {  	v1 =	vadd.f32 v7, v5;
	v2 =	vmul.f32 $1.442695020e+00, v3;
	v3 =	vpop (erf);
	(erf) = vpow2.f32 v0  }
0x205: {  	v4 =	vmul.f32 $1.442695020e+00, v4;
	v0 =	vld [tilespmem:s29+$0x10]  }
0x206: {  	v3 =	vadd.f32 v3, v1;
	(erf) = vpow2.f32 v2  }
0x207: {  	v5 =	vpop (erf);
	v1 =	vld [tilespmem:s29+$0x20];
	(erf) = vpow2.f32 v4  }
0x208: {  	s30 =	simm.s32 $0x8;
	s31 =	simm.s32 $0x180;
	s0 =	simm.s32 $0xC0;
	v2 =	vmul.f32 $1.442695020e+00, v6;
	v3 =	vadd.f32 v5, v3  }
.LBB2_38:
0x209: {  	s1 =	sand.u32 $0x40, s0;
	s23 =	sand.u32 $0x7F00, s31;
	s30 =	sadd.s32 $0x4, s30;
	v4 =	vld [tilespmem:s29+$0x30];
	v5 =	vpop (erf)  }
0x20a: {  	s29 =	sor.u32 s1, s23;
	p0 =	slt.u32 s30, $0x2FC;
	v0 =	vmul.f32 $1.442695020e+00, v0;
	(erf) = vpow2.f32 v2;
	v2 =	vadd.f32 v5, v3  }
0x20b: {  	v3 =	vld [tilespmem:s29+$0x0];
	v5 =	vpop (erf)  }
.Ltmp18:
0x20c: {  	v1 =	vmul.f32 $1.442695020e+00, v1;
	(erf) = vpow2.f32 v0;
	v2 =	vadd.f32 v5, v2;
	(pc) =	sbr.rel @p0 .LBB2_38-.Ltmp18, $4  }
0x20d: {  	v0 =	vld [tilespmem:s29+$0x10];
	v5 =	vpop (erf)  }
0x20e: {  	v4 =	vmul.f32 $1.442695020e+00, v4;
	(erf) = vpow2.f32 v1;
	v5 =	vadd.f32 v5, v2  }
0x20f: {  	v1 =	vld [tilespmem:s29+$0x20];
	v6 =	vpop (erf)  }
0x210: {  	s31 =	sadd.s32 $0x80, s31;
	s0 =	sadd.s32 $0x40, s0;
	v2 =	vmul.f32 $1.442695020e+00, v3;
	(erf) = vpow2.f32 v4;
	v3 =	vadd.f32 v6, v5  }
0x211: {  	v4 =	vld [tilespmem:s29+$0x30];
	v5 =	vpop (erf)  }
0x212: {  	v0 =	vmul.f32 $1.442695020e+00, v0;
	(erf) = vpow2.f32 v2;
	v53 =	vadd.f32 v5, v3  }
0x213: {  	v54 =	vpop (erf)  }
0x214: {  	v1 =	vmul.f32 $1.442695020e+00, v1;
	(erf) = vpow2.f32 v0;
	v55 =	vadd.f32 v54, v53  }
0x215: {  	v56 =	vpop (erf)  }
0x216: {  	v57 =	vmul.f32 $1.442695020e+00, v4;
	(erf) = vpow2.f32 v1;
	v0 =	vadd.f32 v56, v55  }
0x217: {  	v58 =	vpop (erf)  }
0x218: {  	(erf) = vpow2.f32 v57;
	v0 =	vadd.f32 v58, v0  }
0x219: {  	v59 =	vpop (erf)  }
0x21a: {  	v0 =	vadd.f32 v59, v0  }
0x21b: {  	v60 =	vpop (erf)  }
0x21c: {  	v0 =	vadd.f32 v60, v0  }
0x21d: {  	v61 =	vpop (erf)  }
0x21e: {  	v0 =	vadd.f32 v61, v0  }
0x21f: {  	v62 =	vpop (erf)  }
0x220: {  	v0 =	vadd.f32 v62, v0  }
0x221: {  	v63 =	vpop (erf)  }
0x222: {  	v0 =	vadd.f32 v63, v0  }
0x223: {  	s0 =	simm.s32 $0x0  }
0x224: {  	s29 =	simm.s32 $0x80;
	s31 =	sadd.s32 $0x0, s13;
	s30 =	simm.s32 $0x100;
	[tilespmem:$0x6080] =	vst v0  }
.LBB2_40:
0x225: {  	[tilespmem:s0], [sflag:$0x1] =	stream.linear.gather [hbm4b:s31+s2], $0x80, $0x38;
	[tilespmem:$0x6100] =	vst v63  }
0x226: {  	s1 =	smov.u32 s29;
	s0 =	smov.u32 s30;
	p0 =	sne.s32 s29, $0x2F80  }
.Ltmp19:
0x227: {  	s29 =	sadd.s32 $0x80, s29;
	(pc) =	sbr.rel @p0 .LBB2_40-.Ltmp19, $2  }
0x228: {  	_ =	sdelay $0x2  }
0x229: {  	s30 =	sadd.s32 $0x100, s30;
	s31 =	sadd.s32 s1, s13  }
0x22a: {  	[tilespmem:s0], [sflag:$0x1] =	stream.linear.gather [hbm4b:s31+s2], $0x80, $0x38;
	[tilespmem:$0x6100] =	vst v63  }
0x22b: {  	s23 =	simm.s32 $0x0;
	_ =	swait.ge [sflag:s22], $0x3000  }
0x22c: {  	s1 =	sand.u32 $0x40, s23;
	s0 =	sand.u32 $0x7F00, s23;
	[sflag:s22] =	ssyncset.done $0x0  }
0x22d: {  	s0 =	sor.u32 s1, s0;
	[sflag:s22] =	ssyncadd.s32 $0xFFFFD000  }
0x22e: {  	v0 =	vld [tilespmem:s0+$0x80];
	_ =	sdelay $0x1  }
0x22f: {  	v1 =	vld [tilespmem:s0+$0x90];
	_ =	sdelay $0x2  }
0x230: {  	v0 =	vmul.f32 $1.442695020e+00, v0  }
0x231: {  	v2 =	vld [tilespmem:s0+$0xA0]  }
0x232: {  	v1 =	vmul.f32 $1.442695020e+00, v1;
	(erf) = vpow2.f32 v0  }
0x233: {  	s23 =	simm.s32 $0x40;
	s1 =	simm.s32 $0x80  }
0x234: {  	s23 =	sand.u32 $0x40, s23;
	s1 =	sand.u32 $0x7F00, s1;
	(erf) = vpow2.f32 v1;
	v1 =	vld [tilespmem:s0+$0xB0]  }
0x235: {  	s0 =	sor.u32 s23, s1  }
0x236: {  	v0 =	vmul.f32 $1.442695020e+00, v2;
	v2 =	vld [tilespmem:s0+$0x80];
	_ =	sdelay $0x1  }
0x237: {  	(erf) = vpow2.f32 v0;
	v0 =	vld [tilespmem:s0+$0x90]  }
0x238: {  	v1 =	vmul.f32 $1.442695020e+00, v1  }
0x239: {  	v3 =	vld [tilespmem:s0+$0xA0]  }
0x23a: {  	s1 =	simm.s32 $0x100;
	s23 =	simm.s32 $0x80;
	v4 =	vld [tilespmem:s0+$0xB0];
	v2 =	vmul.f32 $1.442695020e+00, v2;
	v7 =	vpop (erf);
	(erf) = vpow2.f32 v1  }
0x23b: {  	s23 =	sand.u32 $0x40, s23;
	s1 =	sand.u32 $0x7F00, s1  }
0x23c: {  	s29 =	sor.u32 s23, s1;
	v0 =	vmul.f32 $1.442695020e+00, v0;
	(erf) = vpow2.f32 v2  }
0x23d: {  	v5 =	vimm.f32 $0.0e+00;
	v6 =	vld [tilespmem:s29+$0x80]  }
0x23e: {  	v1 =	vadd.f32 v7, v5;
	v2 =	vmul.f32 $1.442695020e+00, v3;
	v3 =	vpop (erf);
	(erf) = vpow2.f32 v0  }
0x23f: {  	v4 =	vmul.f32 $1.442695020e+00, v4;
	v0 =	vld [tilespmem:s29+$0x90]  }
0x240: {  	v3 =	vadd.f32 v3, v1;
	(erf) = vpow2.f32 v2  }
0x241: {  	v5 =	vpop (erf);
	v1 =	vld [tilespmem:s29+$0xA0];
	(erf) = vpow2.f32 v4  }
0x242: {  	s30 =	simm.s32 $0x8;
	s31 =	simm.s32 $0x180;
	s0 =	simm.s32 $0xC0;
	v2 =	vmul.f32 $1.442695020e+00, v6;
	v3 =	vadd.f32 v5, v3  }
.LBB2_42:
0x243: {  	s1 =	sand.u32 $0x40, s0;
	s23 =	sand.u32 $0x7F00, s31;
	s30 =	sadd.s32 $0x4, s30;
	v4 =	vld [tilespmem:s29+$0xB0];
	v5 =	vpop (erf)  }
0x244: {  	s29 =	sor.u32 s1, s23;
	p0 =	slt.u32 s30, $0x2FC;
	v0 =	vmul.f32 $1.442695020e+00, v0;
	(erf) = vpow2.f32 v2;
	v2 =	vadd.f32 v5, v3  }
0x245: {  	v3 =	vld [tilespmem:s29+$0x80];
	v5 =	vpop (erf)  }
.Ltmp20:
0x246: {  	v1 =	vmul.f32 $1.442695020e+00, v1;
	(erf) = vpow2.f32 v0;
	v2 =	vadd.f32 v5, v2;
	(pc) =	sbr.rel @p0 .LBB2_42-.Ltmp20, $4  }
0x247: {  	v0 =	vld [tilespmem:s29+$0x90];
	v5 =	vpop (erf)  }
0x248: {  	v4 =	vmul.f32 $1.442695020e+00, v4;
	(erf) = vpow2.f32 v1;
	v5 =	vadd.f32 v5, v2  }
0x249: {  	v1 =	vld [tilespmem:s29+$0xA0];
	v6 =	vpop (erf)  }
0x24a: {  	s31 =	sadd.s32 $0x80, s31;
	s0 =	sadd.s32 $0x40, s0;
	v2 =	vmul.f32 $1.442695020e+00, v3;
	(erf) = vpow2.f32 v4;
	v3 =	vadd.f32 v6, v5  }
0x24b: {  	v4 =	vld [tilespmem:s29+$0xB0];
	v5 =	vpop (erf)  }
0x24c: {  	v0 =	vmul.f32 $1.442695020e+00, v0;
	(erf) = vpow2.f32 v2;
	v53 =	vadd.f32 v5, v3  }
0x24d: {  	v54 =	vpop (erf)  }
0x24e: {  	v1 =	vmul.f32 $1.442695020e+00, v1;
	(erf) = vpow2.f32 v0;
	v55 =	vadd.f32 v54, v53  }
0x24f: {  	v56 =	vpop (erf)  }
0x250: {  	v57 =	vmul.f32 $1.442695020e+00, v4;
	(erf) = vpow2.f32 v1;
	v0 =	vadd.f32 v56, v55  }
0x251: {  	v58 =	vpop (erf)  }
0x252: {  	(erf) = vpow2.f32 v57;
	v0 =	vadd.f32 v58, v0  }
0x253: {  	v59 =	vpop (erf)  }
0x254: {  	v0 =	vadd.f32 v59, v0  }
0x255: {  	v60 =	vpop (erf)  }
0x256: {  	v0 =	vadd.f32 v60, v0  }
0x257: {  	v61 =	vpop (erf)  }
0x258: {  	v0 =	vadd.f32 v61, v0  }
0x259: {  	v62 =	vpop (erf)  }
0x25a: {  	v0 =	vadd.f32 v62, v0  }
0x25b: {  	v63 =	vpop (erf)  }
0x25c: {  	v0 =	vadd.f32 v63, v0  }
0x25d: {  	s0 =	simm.s32 $0x80  }
0x25e: {  	s29 =	simm.s32 $0x80;
	s31 =	sadd.s32 $0x0, s14;
	s30 =	simm.s32 $0x180;
	[tilespmem:$0x6090] =	vst v0  }
.LBB2_44:
0x25f: {  	[tilespmem:s0], [sflag:$0x2] =	stream.linear.gather [hbm4b:s31+s2], $0x80, $0x38;
	[tilespmem:$0x6100] =	vst v63  }
0x260: {  	s1 =	smov.u32 s29;
	s0 =	smov.u32 s30;
	p0 =	sne.s32 s29, $0x2F80  }
.Ltmp21:
0x261: {  	s29 =	sadd.s32 $0x80, s29;
	(pc) =	sbr.rel @p0 .LBB2_44-.Ltmp21, $2  }
0x262: {  	_ =	sdelay $0x2  }
0x263: {  	s30 =	sadd.s32 $0x100, s30;
	s31 =	sadd.s32 s1, s14  }
0x264: {  	[tilespmem:s0], [sflag:$0x2] =	stream.linear.gather [hbm4b:s31+s2], $0x80, $0x38;
	[tilespmem:$0x6100] =	vst v63  }
0x265: {  	s23 =	simm.s32 $0x0;
	_ =	swait.ge [sflag:s21], $0x3000  }
0x266: {  	s1 =	sand.u32 $0x40, s23;
	s0 =	sand.u32 $0x7F00, s23;
	[sflag:s21] =	ssyncset.done $0x0  }
0x267: {  	s0 =	sor.u32 s1, s0;
	[sflag:s21] =	ssyncadd.s32 $0xFFFFD000  }
0x268: {  	v0 =	vld [tilespmem:s0+$0x0];
	_ =	sdelay $0x1  }
0x269: {  	v1 =	vld [tilespmem:s0+$0x10];
	_ =	sdelay $0x2  }
0x26a: {  	v0 =	vmul.f32 $1.442695020e+00, v0  }
0x26b: {  	v2 =	vld [tilespmem:s0+$0x20]  }
0x26c: {  	v1 =	vmul.f32 $1.442695020e+00, v1;
	(erf) = vpow2.f32 v0  }
0x26d: {  	s23 =	simm.s32 $0x40;
	s1 =	simm.s32 $0x80  }
0x26e: {  	s23 =	sand.u32 $0x40, s23;
	s1 =	sand.u32 $0x7F00, s1;
	(erf) = vpow2.f32 v1;
	v1 =	vld [tilespmem:s0+$0x30]  }
0x26f: {  	s0 =	sor.u32 s23, s1  }
0x270: {  	v0 =	vmul.f32 $1.442695020e+00, v2;
	v2 =	vld [tilespmem:s0+$0x0];
	_ =	sdelay $0x1  }
0x271: {  	(erf) = vpow2.f32 v0;
	v0 =	vld [tilespmem:s0+$0x10]  }
0x272: {  	v1 =	vmul.f32 $1.442695020e+00, v1  }
0x273: {  	v3 =	vld [tilespmem:s0+$0x20]  }
0x274: {  	s1 =	simm.s32 $0x100;
	s23 =	simm.s32 $0x80;
	v4 =	vld [tilespmem:s0+$0x30];
	v2 =	vmul.f32 $1.442695020e+00, v2;
	v7 =	vpop (erf);
	(erf) = vpow2.f32 v1  }
0x275: {  	s23 =	sand.u32 $0x40, s23;
	s1 =	sand.u32 $0x7F00, s1  }
0x276: {  	s29 =	sor.u32 s23, s1;
	v0 =	vmul.f32 $1.442695020e+00, v0;
	(erf) = vpow2.f32 v2  }
0x277: {  	v5 =	vimm.f32 $0.0e+00;
	v6 =	vld [tilespmem:s29+$0x0]  }
0x278: {  	v1 =	vadd.f32 v7, v5;
	v2 =	vmul.f32 $1.442695020e+00, v3;
	v3 =	vpop (erf);
	(erf) = vpow2.f32 v0  }
0x279: {  	v4 =	vmul.f32 $1.442695020e+00, v4;
	v0 =	vld [tilespmem:s29+$0x10]  }
0x27a: {  	v3 =	vadd.f32 v3, v1;
	(erf) = vpow2.f32 v2  }
0x27b: {  	v5 =	vpop (erf);
	v1 =	vld [tilespmem:s29+$0x20];
	(erf) = vpow2.f32 v4  }
0x27c: {  	s30 =	simm.s32 $0x8;
	s31 =	simm.s32 $0x180;
	s0 =	simm.s32 $0xC0;
	v2 =	vmul.f32 $1.442695020e+00, v6;
	v3 =	vadd.f32 v5, v3  }
.LBB2_46:
0x27d: {  	s1 =	sand.u32 $0x40, s0;
	s23 =	sand.u32 $0x7F00, s31;
	s30 =	sadd.s32 $0x4, s30;
	v4 =	vld [tilespmem:s29+$0x30];
	v5 =	vpop (erf)  }
0x27e: {  	s29 =	sor.u32 s1, s23;
	p0 =	slt.u32 s30, $0x2FC;
	v0 =	vmul.f32 $1.442695020e+00, v0;
	(erf) = vpow2.f32 v2;
	v2 =	vadd.f32 v5, v3  }
0x27f: {  	v3 =	vld [tilespmem:s29+$0x0];
	v5 =	vpop (erf)  }
.Ltmp22:
0x280: {  	v1 =	vmul.f32 $1.442695020e+00, v1;
	(erf) = vpow2.f32 v0;
	v2 =	vadd.f32 v5, v2;
	(pc) =	sbr.rel @p0 .LBB2_46-.Ltmp22, $4  }
0x281: {  	v0 =	vld [tilespmem:s29+$0x10];
	v5 =	vpop (erf)  }
0x282: {  	v4 =	vmul.f32 $1.442695020e+00, v4;
	(erf) = vpow2.f32 v1;
	v5 =	vadd.f32 v5, v2  }
0x283: {  	v1 =	vld [tilespmem:s29+$0x20];
	v6 =	vpop (erf)  }
0x284: {  	s31 =	sadd.s32 $0x80, s31;
	s0 =	sadd.s32 $0x40, s0;
	v2 =	vmul.f32 $1.442695020e+00, v3;
	(erf) = vpow2.f32 v4;
	v3 =	vadd.f32 v6, v5  }
0x285: {  	v4 =	vld [tilespmem:s29+$0x30];
	v5 =	vpop (erf)  }
0x286: {  	v0 =	vmul.f32 $1.442695020e+00, v0;
	(erf) = vpow2.f32 v2;
	v53 =	vadd.f32 v5, v3  }
0x287: {  	v54 =	vpop (erf)  }
0x288: {  	v1 =	vmul.f32 $1.442695020e+00, v1;
	(erf) = vpow2.f32 v0;
	v55 =	vadd.f32 v54, v53  }
0x289: {  	v56 =	vpop (erf)  }
0x28a: {  	v57 =	vmul.f32 $1.442695020e+00, v4;
	(erf) = vpow2.f32 v1;
	v0 =	vadd.f32 v56, v55  }
0x28b: {  	v58 =	vpop (erf)  }
0x28c: {  	(erf) = vpow2.f32 v57;
	v0 =	vadd.f32 v58, v0  }
0x28d: {  	v59 =	vpop (erf)  }
0x28e: {  	v0 =	vadd.f32 v59, v0  }
0x28f: {  	v60 =	vpop (erf)  }
0x290: {  	v0 =	vadd.f32 v60, v0  }
0x291: {  	v61 =	vpop (erf)  }
0x292: {  	v0 =	vadd.f32 v61, v0  }
0x293: {  	v62 =	vpop (erf)  }
0x294: {  	v0 =	vadd.f32 v62, v0  }
0x295: {  	v63 =	vpop (erf)  }
0x296: {  	v0 =	vadd.f32 v63, v0  }
0x297: {  	s0 =	simm.s32 $0x0  }
0x298: {  	s29 =	simm.s32 $0x80;
	s31 =	sadd.s32 $0x0, s15;
	s30 =	simm.s32 $0x100;
	[tilespmem:$0x60A0] =	vst v0  }
.LBB2_48:
0x299: {  	[tilespmem:s0], [sflag:$0x1] =	stream.linear.gather [hbm4b:s31+s2], $0x80, $0x38;
	[tilespmem:$0x6100] =	vst v63  }
0x29a: {  	s1 =	smov.u32 s29;
	s0 =	smov.u32 s30;
	p0 =	sne.s32 s29, $0x2F80  }
.Ltmp23:
0x29b: {  	s29 =	sadd.s32 $0x80, s29;
	(pc) =	sbr.rel @p0 .LBB2_48-.Ltmp23, $2  }
0x29c: {  	_ =	sdelay $0x2  }
0x29d: {  	s30 =	sadd.s32 $0x100, s30;
	s31 =	sadd.s32 s1, s15  }
0x29e: {  	[tilespmem:s0], [sflag:$0x1] =	stream.linear.gather [hbm4b:s31+s2], $0x80, $0x38;
	[tilespmem:$0x6100] =	vst v63  }
0x29f: {  	s23 =	simm.s32 $0x0;
	_ =	swait.ge [sflag:s22], $0x3000  }
0x2a0: {  	s1 =	sand.u32 $0x40, s23;
	s0 =	sand.u32 $0x7F00, s23;
	[sflag:s22] =	ssyncset.done $0x0  }
0x2a1: {  	s0 =	sor.u32 s1, s0;
	[sflag:s22] =	ssyncadd.s32 $0xFFFFD000  }
0x2a2: {  	v0 =	vld [tilespmem:s0+$0x80];
	_ =	sdelay $0x1  }
0x2a3: {  	v1 =	vld [tilespmem:s0+$0x90];
	_ =	sdelay $0x2  }
0x2a4: {  	v0 =	vmul.f32 $1.442695020e+00, v0  }
0x2a5: {  	v2 =	vld [tilespmem:s0+$0xA0]  }
0x2a6: {  	v1 =	vmul.f32 $1.442695020e+00, v1;
	(erf) = vpow2.f32 v0  }
0x2a7: {  	s23 =	simm.s32 $0x40;
	s1 =	simm.s32 $0x80  }
0x2a8: {  	s23 =	sand.u32 $0x40, s23;
	s1 =	sand.u32 $0x7F00, s1;
	(erf) = vpow2.f32 v1;
	v1 =	vld [tilespmem:s0+$0xB0]  }
0x2a9: {  	s0 =	sor.u32 s23, s1  }
0x2aa: {  	v0 =	vmul.f32 $1.442695020e+00, v2;
	v2 =	vld [tilespmem:s0+$0x80];
	_ =	sdelay $0x1  }
0x2ab: {  	(erf) = vpow2.f32 v0;
	v0 =	vld [tilespmem:s0+$0x90]  }
0x2ac: {  	v1 =	vmul.f32 $1.442695020e+00, v1  }
0x2ad: {  	v3 =	vld [tilespmem:s0+$0xA0]  }
0x2ae: {  	s1 =	simm.s32 $0x100;
	s23 =	simm.s32 $0x80;
	v4 =	vld [tilespmem:s0+$0xB0];
	v2 =	vmul.f32 $1.442695020e+00, v2;
	v7 =	vpop (erf);
	(erf) = vpow2.f32 v1  }
0x2af: {  	s23 =	sand.u32 $0x40, s23;
	s1 =	sand.u32 $0x7F00, s1  }
0x2b0: {  	s29 =	sor.u32 s23, s1;
	v0 =	vmul.f32 $1.442695020e+00, v0;
	(erf) = vpow2.f32 v2  }
0x2b1: {  	v5 =	vimm.f32 $0.0e+00;
	v6 =	vld [tilespmem:s29+$0x80]  }
0x2b2: {  	v1 =	vadd.f32 v7, v5;
	v2 =	vmul.f32 $1.442695020e+00, v3;
	v3 =	vpop (erf);
	(erf) = vpow2.f32 v0  }
0x2b3: {  	v4 =	vmul.f32 $1.442695020e+00, v4;
	v0 =	vld [tilespmem:s29+$0x90]  }
0x2b4: {  	v3 =	vadd.f32 v3, v1;
	(erf) = vpow2.f32 v2  }
0x2b5: {  	v5 =	vpop (erf);
	v1 =	vld [tilespmem:s29+$0xA0];
	(erf) = vpow2.f32 v4  }
0x2b6: {  	s30 =	simm.s32 $0x8;
	s31 =	simm.s32 $0x180;
	s0 =	simm.s32 $0xC0;
	v2 =	vmul.f32 $1.442695020e+00, v6;
	v3 =	vadd.f32 v5, v3  }
.LBB2_50:
0x2b7: {  	s1 =	sand.u32 $0x40, s0;
	s23 =	sand.u32 $0x7F00, s31;
	s30 =	sadd.s32 $0x4, s30;
	v4 =	vld [tilespmem:s29+$0xB0];
	v5 =	vpop (erf)  }
0x2b8: {  	s29 =	sor.u32 s1, s23;
	p0 =	slt.u32 s30, $0x2FC;
	v0 =	vmul.f32 $1.442695020e+00, v0;
	(erf) = vpow2.f32 v2;
	v2 =	vadd.f32 v5, v3  }
0x2b9: {  	v3 =	vld [tilespmem:s29+$0x80];
	v5 =	vpop (erf)  }
.Ltmp24:
0x2ba: {  	v1 =	vmul.f32 $1.442695020e+00, v1;
	(erf) = vpow2.f32 v0;
	v2 =	vadd.f32 v5, v2;
	(pc) =	sbr.rel @p0 .LBB2_50-.Ltmp24, $4  }
0x2bb: {  	v0 =	vld [tilespmem:s29+$0x90];
	v5 =	vpop (erf)  }
0x2bc: {  	v4 =	vmul.f32 $1.442695020e+00, v4;
	(erf) = vpow2.f32 v1;
	v5 =	vadd.f32 v5, v2  }
0x2bd: {  	v1 =	vld [tilespmem:s29+$0xA0];
	v6 =	vpop (erf)  }
0x2be: {  	s31 =	sadd.s32 $0x80, s31;
	s0 =	sadd.s32 $0x40, s0;
	v2 =	vmul.f32 $1.442695020e+00, v3;
	(erf) = vpow2.f32 v4;
	v3 =	vadd.f32 v6, v5  }
0x2bf: {  	v4 =	vld [tilespmem:s29+$0xB0];
	v5 =	vpop (erf)  }
0x2c0: {  	v0 =	vmul.f32 $1.442695020e+00, v0;
	(erf) = vpow2.f32 v2;
	v53 =	vadd.f32 v5, v3  }
0x2c1: {  	v54 =	vpop (erf)  }
0x2c2: {  	v1 =	vmul.f32 $1.442695020e+00, v1;
	(erf) = vpow2.f32 v0;
	v55 =	vadd.f32 v54, v53  }
0x2c3: {  	v56 =	vpop (erf)  }
0x2c4: {  	v57 =	vmul.f32 $1.442695020e+00, v4;
	(erf) = vpow2.f32 v1;
	v0 =	vadd.f32 v56, v55  }
0x2c5: {  	v58 =	vpop (erf)  }
0x2c6: {  	(erf) = vpow2.f32 v57;
	v0 =	vadd.f32 v58, v0  }
0x2c7: {  	v59 =	vpop (erf)  }
0x2c8: {  	v0 =	vadd.f32 v59, v0  }
0x2c9: {  	v60 =	vpop (erf)  }
0x2ca: {  	v0 =	vadd.f32 v60, v0  }
0x2cb: {  	v61 =	vpop (erf)  }
0x2cc: {  	v0 =	vadd.f32 v61, v0  }
0x2cd: {  	v62 =	vpop (erf)  }
0x2ce: {  	v0 =	vadd.f32 v62, v0  }
0x2cf: {  	v63 =	vpop (erf)  }
0x2d0: {  	v0 =	vadd.f32 v63, v0  }
0x2d1: {  	s0 =	simm.s32 $0x80  }
0x2d2: {  	s29 =	simm.s32 $0x80;
	s31 =	sadd.s32 $0x0, s16;
	s30 =	simm.s32 $0x180;
	[tilespmem:$0x60B0] =	vst v0  }
.LBB2_52:
0x2d3: {  	[tilespmem:s0], [sflag:$0x2] =	stream.linear.gather [hbm4b:s31+s2], $0x80, $0x38;
	[tilespmem:$0x6100] =	vst v63  }
0x2d4: {  	s1 =	smov.u32 s29;
	s0 =	smov.u32 s30;
	p0 =	sne.s32 s29, $0x2F80  }
.Ltmp25:
0x2d5: {  	s29 =	sadd.s32 $0x80, s29;
	(pc) =	sbr.rel @p0 .LBB2_52-.Ltmp25, $2  }
0x2d6: {  	_ =	sdelay $0x2  }
0x2d7: {  	s30 =	sadd.s32 $0x100, s30;
	s31 =	sadd.s32 s1, s16  }
0x2d8: {  	[tilespmem:s0], [sflag:$0x2] =	stream.linear.gather [hbm4b:s31+s2], $0x80, $0x38;
	[tilespmem:$0x6100] =	vst v63  }
0x2d9: {  	s23 =	simm.s32 $0x0;
	_ =	swait.ge [sflag:s21], $0x3000  }
0x2da: {  	s1 =	sand.u32 $0x40, s23;
	s0 =	sand.u32 $0x7F00, s23;
	[sflag:s21] =	ssyncset.done $0x0  }
0x2db: {  	s0 =	sor.u32 s1, s0;
	[sflag:s21] =	ssyncadd.s32 $0xFFFFD000  }
0x2dc: {  	v0 =	vld [tilespmem:s0+$0x0];
	_ =	sdelay $0x1  }
0x2dd: {  	v1 =	vld [tilespmem:s0+$0x10];
	_ =	sdelay $0x2  }
0x2de: {  	v0 =	vmul.f32 $1.442695020e+00, v0  }
0x2df: {  	v2 =	vld [tilespmem:s0+$0x20]  }
0x2e0: {  	v1 =	vmul.f32 $1.442695020e+00, v1;
	(erf) = vpow2.f32 v0  }
0x2e1: {  	s23 =	simm.s32 $0x40;
	s1 =	simm.s32 $0x80  }
0x2e2: {  	s23 =	sand.u32 $0x40, s23;
	s1 =	sand.u32 $0x7F00, s1;
	(erf) = vpow2.f32 v1;
	v1 =	vld [tilespmem:s0+$0x30]  }
0x2e3: {  	s0 =	sor.u32 s23, s1  }
0x2e4: {  	v0 =	vmul.f32 $1.442695020e+00, v2;
	v2 =	vld [tilespmem:s0+$0x0];
	_ =	sdelay $0x1  }
0x2e5: {  	(erf) = vpow2.f32 v0;
	v0 =	vld [tilespmem:s0+$0x10]  }
0x2e6: {  	v1 =	vmul.f32 $1.442695020e+00, v1  }
0x2e7: {  	v3 =	vld [tilespmem:s0+$0x20]  }
0x2e8: {  	s1 =	simm.s32 $0x100;
	s23 =	simm.s32 $0x80;
	v4 =	vld [tilespmem:s0+$0x30];
	v2 =	vmul.f32 $1.442695020e+00, v2;
	v7 =	vpop (erf);
	(erf) = vpow2.f32 v1  }
0x2e9: {  	s23 =	sand.u32 $0x40, s23;
	s1 =	sand.u32 $0x7F00, s1  }
0x2ea: {  	s29 =	sor.u32 s23, s1;
	v0 =	vmul.f32 $1.442695020e+00, v0;
	(erf) = vpow2.f32 v2  }
0x2eb: {  	v5 =	vimm.f32 $0.0e+00;
	v6 =	vld [tilespmem:s29+$0x0]  }
0x2ec: {  	v1 =	vadd.f32 v7, v5;
	v2 =	vmul.f32 $1.442695020e+00, v3;
	v3 =	vpop (erf);
	(erf) = vpow2.f32 v0  }
0x2ed: {  	v4 =	vmul.f32 $1.442695020e+00, v4;
	v0 =	vld [tilespmem:s29+$0x10]  }
0x2ee: {  	v3 =	vadd.f32 v3, v1;
	(erf) = vpow2.f32 v2  }
0x2ef: {  	v5 =	vpop (erf);
	v1 =	vld [tilespmem:s29+$0x20];
	(erf) = vpow2.f32 v4  }
0x2f0: {  	s30 =	simm.s32 $0x8;
	s31 =	simm.s32 $0x180;
	s0 =	simm.s32 $0xC0;
	v2 =	vmul.f32 $1.442695020e+00, v6;
	v3 =	vadd.f32 v5, v3  }
.LBB2_54:
0x2f1: {  	s1 =	sand.u32 $0x40, s0;
	s23 =	sand.u32 $0x7F00, s31;
	s30 =	sadd.s32 $0x4, s30;
	v4 =	vld [tilespmem:s29+$0x30];
	v5 =	vpop (erf)  }
0x2f2: {  	s29 =	sor.u32 s1, s23;
	p0 =	slt.u32 s30, $0x2FC;
	v0 =	vmul.f32 $1.442695020e+00, v0;
	(erf) = vpow2.f32 v2;
	v2 =	vadd.f32 v5, v3  }
0x2f3: {  	v3 =	vld [tilespmem:s29+$0x0];
	v5 =	vpop (erf)  }
.Ltmp26:
0x2f4: {  	v1 =	vmul.f32 $1.442695020e+00, v1;
	(erf) = vpow2.f32 v0;
	v2 =	vadd.f32 v5, v2;
	(pc) =	sbr.rel @p0 .LBB2_54-.Ltmp26, $4  }
0x2f5: {  	v0 =	vld [tilespmem:s29+$0x10];
	v5 =	vpop (erf)  }
0x2f6: {  	v4 =	vmul.f32 $1.442695020e+00, v4;
	(erf) = vpow2.f32 v1;
	v5 =	vadd.f32 v5, v2  }
0x2f7: {  	v1 =	vld [tilespmem:s29+$0x20];
	v6 =	vpop (erf)  }
0x2f8: {  	s31 =	sadd.s32 $0x80, s31;
	s0 =	sadd.s32 $0x40, s0;
	v2 =	vmul.f32 $1.442695020e+00, v3;
	(erf) = vpow2.f32 v4;
	v3 =	vadd.f32 v6, v5  }
0x2f9: {  	v4 =	vld [tilespmem:s29+$0x30];
	v5 =	vpop (erf)  }
0x2fa: {  	v0 =	vmul.f32 $1.442695020e+00, v0;
	(erf) = vpow2.f32 v2;
	v53 =	vadd.f32 v5, v3  }
0x2fb: {  	v54 =	vpop (erf)  }
0x2fc: {  	v1 =	vmul.f32 $1.442695020e+00, v1;
	(erf) = vpow2.f32 v0;
	v55 =	vadd.f32 v54, v53  }
0x2fd: {  	v56 =	vpop (erf)  }
0x2fe: {  	v57 =	vmul.f32 $1.442695020e+00, v4;
	(erf) = vpow2.f32 v1;
	v0 =	vadd.f32 v56, v55  }
0x2ff: {  	v58 =	vpop (erf)  }
0x300: {  	(erf) = vpow2.f32 v57;
	v0 =	vadd.f32 v58, v0  }
0x301: {  	v59 =	vpop (erf)  }
0x302: {  	v0 =	vadd.f32 v59, v0  }
0x303: {  	v60 =	vpop (erf)  }
0x304: {  	v0 =	vadd.f32 v60, v0  }
0x305: {  	v61 =	vpop (erf)  }
0x306: {  	v0 =	vadd.f32 v61, v0  }
0x307: {  	v62 =	vpop (erf)  }
0x308: {  	v0 =	vadd.f32 v62, v0  }
0x309: {  	v63 =	vpop (erf)  }
0x30a: {  	v0 =	vadd.f32 v63, v0  }
0x30b: {  	s0 =	simm.s32 $0x0  }
0x30c: {  	s29 =	simm.s32 $0x80;
	s31 =	sadd.s32 $0x0, s17;
	s30 =	simm.s32 $0x100;
	[tilespmem:$0x60C0] =	vst v0  }
.LBB2_56:
0x30d: {  	[tilespmem:s0], [sflag:$0x1] =	stream.linear.gather [hbm4b:s31+s2], $0x80, $0x38;
	[tilespmem:$0x6100] =	vst v63  }
0x30e: {  	s1 =	smov.u32 s29;
	s0 =	smov.u32 s30;
	p0 =	sne.s32 s29, $0x2F80  }
.Ltmp27:
0x30f: {  	s29 =	sadd.s32 $0x80, s29;
	(pc) =	sbr.rel @p0 .LBB2_56-.Ltmp27, $2  }
0x310: {  	_ =	sdelay $0x2  }
0x311: {  	s30 =	sadd.s32 $0x100, s30;
	s31 =	sadd.s32 s1, s17  }
0x312: {  	[tilespmem:s0], [sflag:$0x1] =	stream.linear.gather [hbm4b:s31+s2], $0x80, $0x38;
	[tilespmem:$0x6100] =	vst v63  }
0x313: {  	s23 =	simm.s32 $0x0;
	_ =	swait.ge [sflag:s22], $0x3000  }
0x314: {  	s1 =	sand.u32 $0x40, s23;
	s0 =	sand.u32 $0x7F00, s23;
	[sflag:s22] =	ssyncset.done $0x0  }
0x315: {  	s0 =	sor.u32 s1, s0;
	[sflag:s22] =	ssyncadd.s32 $0xFFFFD000  }
0x316: {  	v0 =	vld [tilespmem:s0+$0x80];
	_ =	sdelay $0x1  }
0x317: {  	v1 =	vld [tilespmem:s0+$0x90];
	_ =	sdelay $0x2  }
0x318: {  	v0 =	vmul.f32 $1.442695020e+00, v0  }
0x319: {  	v2 =	vld [tilespmem:s0+$0xA0]  }
0x31a: {  	v1 =	vmul.f32 $1.442695020e+00, v1;
	(erf) = vpow2.f32 v0  }
0x31b: {  	s23 =	simm.s32 $0x40;
	s1 =	simm.s32 $0x80  }
0x31c: {  	s23 =	sand.u32 $0x40, s23;
	s1 =	sand.u32 $0x7F00, s1;
	(erf) = vpow2.f32 v1;
	v1 =	vld [tilespmem:s0+$0xB0]  }
0x31d: {  	s0 =	sor.u32 s23, s1  }
0x31e: {  	v0 =	vmul.f32 $1.442695020e+00, v2;
	v2 =	vld [tilespmem:s0+$0x80];
	_ =	sdelay $0x1  }
0x31f: {  	(erf) = vpow2.f32 v0;
	v0 =	vld [tilespmem:s0+$0x90]  }
0x320: {  	v1 =	vmul.f32 $1.442695020e+00, v1  }
0x321: {  	v3 =	vld [tilespmem:s0+$0xA0]  }
0x322: {  	s1 =	simm.s32 $0x100;
	s23 =	simm.s32 $0x80;
	v4 =	vld [tilespmem:s0+$0xB0];
	v2 =	vmul.f32 $1.442695020e+00, v2;
	v7 =	vpop (erf);
	(erf) = vpow2.f32 v1  }
0x323: {  	s23 =	sand.u32 $0x40, s23;
	s1 =	sand.u32 $0x7F00, s1  }
0x324: {  	s29 =	sor.u32 s23, s1;
	v0 =	vmul.f32 $1.442695020e+00, v0;
	(erf) = vpow2.f32 v2  }
0x325: {  	v5 =	vimm.f32 $0.0e+00;
	v6 =	vld [tilespmem:s29+$0x80]  }
0x326: {  	v1 =	vadd.f32 v7, v5;
	v2 =	vmul.f32 $1.442695020e+00, v3;
	v3 =	vpop (erf);
	(erf) = vpow2.f32 v0  }
0x327: {  	v4 =	vmul.f32 $1.442695020e+00, v4;
	v0 =	vld [tilespmem:s29+$0x90]  }
0x328: {  	v3 =	vadd.f32 v3, v1;
	(erf) = vpow2.f32 v2  }
0x329: {  	v5 =	vpop (erf);
	v1 =	vld [tilespmem:s29+$0xA0];
	(erf) = vpow2.f32 v4  }
0x32a: {  	s30 =	simm.s32 $0x8;
	s31 =	simm.s32 $0x180;
	s0 =	simm.s32 $0xC0;
	v2 =	vmul.f32 $1.442695020e+00, v6;
	v3 =	vadd.f32 v5, v3  }
.LBB2_58:
0x32b: {  	s1 =	sand.u32 $0x40, s0;
	s23 =	sand.u32 $0x7F00, s31;
	s30 =	sadd.s32 $0x4, s30;
	v4 =	vld [tilespmem:s29+$0xB0];
	v5 =	vpop (erf)  }
0x32c: {  	s29 =	sor.u32 s1, s23;
	p0 =	slt.u32 s30, $0x2FC;
	v0 =	vmul.f32 $1.442695020e+00, v0;
	(erf) = vpow2.f32 v2;
	v2 =	vadd.f32 v5, v3  }
0x32d: {  	v3 =	vld [tilespmem:s29+$0x80];
	v5 =	vpop (erf)  }
.Ltmp28:
0x32e: {  	v1 =	vmul.f32 $1.442695020e+00, v1;
	(erf) = vpow2.f32 v0;
	v2 =	vadd.f32 v5, v2;
	(pc) =	sbr.rel @p0 .LBB2_58-.Ltmp28, $4  }
0x32f: {  	v0 =	vld [tilespmem:s29+$0x90];
	v5 =	vpop (erf)  }
0x330: {  	v4 =	vmul.f32 $1.442695020e+00, v4;
	(erf) = vpow2.f32 v1;
	v5 =	vadd.f32 v5, v2  }
0x331: {  	v1 =	vld [tilespmem:s29+$0xA0];
	v6 =	vpop (erf)  }
0x332: {  	s31 =	sadd.s32 $0x80, s31;
	s0 =	sadd.s32 $0x40, s0;
	v2 =	vmul.f32 $1.442695020e+00, v3;
	(erf) = vpow2.f32 v4;
	v3 =	vadd.f32 v6, v5  }
0x333: {  	v4 =	vld [tilespmem:s29+$0xB0];
	v5 =	vpop (erf)  }
0x334: {  	v0 =	vmul.f32 $1.442695020e+00, v0;
	(erf) = vpow2.f32 v2;
	v53 =	vadd.f32 v5, v3  }
0x335: {  	v54 =	vpop (erf)  }
0x336: {  	v1 =	vmul.f32 $1.442695020e+00, v1;
	(erf) = vpow2.f32 v0;
	v55 =	vadd.f32 v54, v53  }
0x337: {  	v56 =	vpop (erf)  }
0x338: {  	v57 =	vmul.f32 $1.442695020e+00, v4;
	(erf) = vpow2.f32 v1;
	v0 =	vadd.f32 v56, v55  }
0x339: {  	v58 =	vpop (erf)  }
0x33a: {  	(erf) = vpow2.f32 v57;
	v0 =	vadd.f32 v58, v0  }
0x33b: {  	v59 =	vpop (erf)  }
0x33c: {  	v0 =	vadd.f32 v59, v0  }
0x33d: {  	v60 =	vpop (erf)  }
0x33e: {  	v0 =	vadd.f32 v60, v0  }
0x33f: {  	v61 =	vpop (erf)  }
0x340: {  	v0 =	vadd.f32 v61, v0  }
0x341: {  	v62 =	vpop (erf)  }
0x342: {  	v0 =	vadd.f32 v62, v0  }
0x343: {  	v63 =	vpop (erf)  }
0x344: {  	v0 =	vadd.f32 v63, v0  }
0x345: {  	s0 =	simm.s32 $0x80  }
0x346: {  	s29 =	simm.s32 $0x80;
	s31 =	sadd.s32 $0x0, s18;
	s30 =	simm.s32 $0x180;
	[tilespmem:$0x60D0] =	vst v0  }
.LBB2_60:
0x347: {  	[tilespmem:s0], [sflag:$0x2] =	stream.linear.gather [hbm4b:s31+s2], $0x80, $0x38;
	[tilespmem:$0x6100] =	vst v63  }
0x348: {  	s1 =	smov.u32 s29;
	s0 =	smov.u32 s30;
	p0 =	sne.s32 s29, $0x2F80  }
.Ltmp29:
0x349: {  	s29 =	sadd.s32 $0x80, s29;
	(pc) =	sbr.rel @p0 .LBB2_60-.Ltmp29, $2  }
0x34a: {  	_ =	sdelay $0x2  }
0x34b: {  	s30 =	sadd.s32 $0x100, s30;
	s31 =	sadd.s32 s1, s18  }
0x34c: {  	[tilespmem:s0], [sflag:$0x2] =	stream.linear.gather [hbm4b:s31+s2], $0x80, $0x38;
	[tilespmem:$0x6100] =	vst v63  }
0x34d: {  	s23 =	simm.s32 $0x0;
	_ =	swait.ge [sflag:s21], $0x3000  }
0x34e: {  	s1 =	sand.u32 $0x40, s23;
	s0 =	sand.u32 $0x7F00, s23;
	[sflag:s21] =	ssyncset.done $0x0  }
0x34f: {  	s0 =	sor.u32 s1, s0;
	[sflag:s21] =	ssyncadd.s32 $0xFFFFD000  }
0x350: {  	v0 =	vld [tilespmem:s0+$0x0];
	_ =	sdelay $0x1  }
0x351: {  	v1 =	vld [tilespmem:s0+$0x10];
	_ =	sdelay $0x2  }
0x352: {  	v0 =	vmul.f32 $1.442695020e+00, v0  }
0x353: {  	v2 =	vld [tilespmem:s0+$0x20]  }
0x354: {  	v1 =	vmul.f32 $1.442695020e+00, v1;
	(erf) = vpow2.f32 v0  }
0x355: {  	s23 =	simm.s32 $0x40;
	s1 =	simm.s32 $0x80  }
0x356: {  	s23 =	sand.u32 $0x40, s23;
	s1 =	sand.u32 $0x7F00, s1;
	(erf) = vpow2.f32 v1;
	v1 =	vld [tilespmem:s0+$0x30]  }
0x357: {  	s0 =	sor.u32 s23, s1  }
0x358: {  	v0 =	vmul.f32 $1.442695020e+00, v2;
	v2 =	vld [tilespmem:s0+$0x0];
	_ =	sdelay $0x1  }
0x359: {  	(erf) = vpow2.f32 v0;
	v0 =	vld [tilespmem:s0+$0x10]  }
0x35a: {  	v1 =	vmul.f32 $1.442695020e+00, v1  }
0x35b: {  	v3 =	vld [tilespmem:s0+$0x20]  }
0x35c: {  	s1 =	simm.s32 $0x100;
	s23 =	simm.s32 $0x80;
	v4 =	vld [tilespmem:s0+$0x30];
	v2 =	vmul.f32 $1.442695020e+00, v2;
	v7 =	vpop (erf);
	(erf) = vpow2.f32 v1  }
0x35d: {  	s23 =	sand.u32 $0x40, s23;
	s1 =	sand.u32 $0x7F00, s1  }
0x35e: {  	s29 =	sor.u32 s23, s1;
	v0 =	vmul.f32 $1.442695020e+00, v0;
	(erf) = vpow2.f32 v2  }
0x35f: {  	v5 =	vimm.f32 $0.0e+00;
	v6 =	vld [tilespmem:s29+$0x0]  }
0x360: {  	v1 =	vadd.f32 v7, v5;
	v2 =	vmul.f32 $1.442695020e+00, v3;
	v3 =	vpop (erf);
	(erf) = vpow2.f32 v0  }
0x361: {  	v4 =	vmul.f32 $1.442695020e+00, v4;
	v0 =	vld [tilespmem:s29+$0x10]  }
0x362: {  	v3 =	vadd.f32 v3, v1;
	(erf) = vpow2.f32 v2  }
0x363: {  	v5 =	vpop (erf);
	v1 =	vld [tilespmem:s29+$0x20];
	(erf) = vpow2.f32 v4  }
0x364: {  	s30 =	simm.s32 $0x8;
	s31 =	simm.s32 $0x180;
	s0 =	simm.s32 $0xC0;
	v2 =	vmul.f32 $1.442695020e+00, v6;
	v3 =	vadd.f32 v5, v3  }
.LBB2_62:
0x365: {  	s1 =	sand.u32 $0x40, s0;
	s23 =	sand.u32 $0x7F00, s31;
	s30 =	sadd.s32 $0x4, s30;
	v4 =	vld [tilespmem:s29+$0x30];
	v5 =	vpop (erf)  }
0x366: {  	s29 =	sor.u32 s1, s23;
	p0 =	slt.u32 s30, $0x2FC;
	v0 =	vmul.f32 $1.442695020e+00, v0;
	(erf) = vpow2.f32 v2;
	v2 =	vadd.f32 v5, v3  }
0x367: {  	v3 =	vld [tilespmem:s29+$0x0];
	v5 =	vpop (erf)  }
.Ltmp30:
0x368: {  	v1 =	vmul.f32 $1.442695020e+00, v1;
	(erf) = vpow2.f32 v0;
	v2 =	vadd.f32 v5, v2;
	(pc) =	sbr.rel @p0 .LBB2_62-.Ltmp30, $4  }
0x369: {  	v0 =	vld [tilespmem:s29+$0x10];
	v5 =	vpop (erf)  }
0x36a: {  	v4 =	vmul.f32 $1.442695020e+00, v4;
	(erf) = vpow2.f32 v1;
	v5 =	vadd.f32 v5, v2  }
0x36b: {  	v1 =	vld [tilespmem:s29+$0x20];
	v6 =	vpop (erf)  }
0x36c: {  	s31 =	sadd.s32 $0x80, s31;
	s0 =	sadd.s32 $0x40, s0;
	v2 =	vmul.f32 $1.442695020e+00, v3;
	(erf) = vpow2.f32 v4;
	v3 =	vadd.f32 v6, v5  }
0x36d: {  	v5 =	vpop (erf)  }
0x36e: {  	v4 =	vld [tilespmem:s29+$0x30];
	(erf) = vpow2.f32 v2;
	v2 =	vadd.f32 v5, v3  }
0x36f: {  	v0 =	vmul.f32 $1.442695020e+00, v0  }
0x370: {  	v3 =	vpop (erf);
	v1 =	vmul.f32 $1.442695020e+00, v1  }
0x371: {  	(erf) = vpow2.f32 v0;
	v0 =	vadd.f32 v3, v2  }
0x372: {  	v2 =	vpop (erf)  }
0x373: {  	v3 =	vmul.f32 $1.442695020e+00, v4;
	(erf) = vpow2.f32 v1;
	v0 =	vadd.f32 v2, v0  }
0x374: {  	v1 =	vpop (erf)  }
0x375: {  	(erf) = vpow2.f32 v3;
	v0 =	vadd.f32 v1, v0  }
0x376: {  	v1 =	vpop (erf)  }
0x377: {  	v0 =	vadd.f32 v1, v0  }
0x378: {  	v1 =	vpop (erf)  }
0x379: {  	v0 =	vadd.f32 v1, v0  }
0x37a: {  	v1 =	vpop (erf)  }
0x37b: {  	v0 =	vadd.f32 v1, v0  }
0x37c: {  	v1 =	vpop (erf)  }
0x37d: {  	v0 =	vadd.f32 v1, v0  }
0x37e: {  	v1 =	vpop (erf)  }
0x37f: {  	v0 =	vadd.f32 v1, v0;
	_ =	sdelay $0x1  }
0x380: {  	[tilespmem:$0x60E0] =	vst v0  }
0x381: {  	s0 =	simm.s32 $0x0;
	_ =	swait.ge [sflag:s22], $0x3000  }
0x382: {  	s1 =	sand.u32 $0x40, s0;
	s0 =	sand.u32 $0x7F00, s0;
	[sflag:s22] =	ssyncset.done $0x0  }
0x383: {  	s0 =	sor.u32 s1, s0;
	[sflag:s22] =	ssyncadd.s32 $0xFFFFD000  }
0x384: {  	v0 =	vld [tilespmem:s0+$0x80]  }
0x385: {  	v1 =	vld [tilespmem:s0+$0x90];
	_ =	sdelay $0x3  }
0x386: {  	v2 =	vld [tilespmem:s0+$0xA0];
	v0 =	vmul.f32 $1.442695020e+00, v0  }
0x387: {  	v1 =	vmul.f32 $1.442695020e+00, v1  }
0x388: {  	s23 =	simm.s32 $0x40;
	s1 =	simm.s32 $0x80;
	(erf) = vpow2.f32 v0  }
0x389: {  	s23 =	sand.u32 $0x40, s23;
	s1 =	sand.u32 $0x7F00, s1;
	(erf) = vpow2.f32 v1;
	v1 =	vld [tilespmem:s0+$0xB0]  }
0x38a: {  	s0 =	sor.u32 s23, s1  }
0x38b: {  	v0 =	vmul.f32 $1.442695020e+00, v2;
	v2 =	vld [tilespmem:s0+$0x80];
	_ =	sdelay $0x1  }
0x38c: {  	(erf) = vpow2.f32 v0;
	v0 =	vld [tilespmem:s0+$0x90]  }
0x38d: {  	v1 =	vmul.f32 $1.442695020e+00, v1  }
0x38e: {  	v3 =	vld [tilespmem:s0+$0xA0]  }
0x38f: {  	s1 =	simm.s32 $0x100;
	s23 =	simm.s32 $0x80;
	v4 =	vld [tilespmem:s0+$0xB0];
	v2 =	vmul.f32 $1.442695020e+00, v2;
	(erf) = vpow2.f32 v1  }
0x390: {  	s23 =	sand.u32 $0x40, s23;
	s1 =	sand.u32 $0x7F00, s1  }
0x391: {  	s29 =	sor.u32 s23, s1;
	v0 =	vmul.f32 $1.442695020e+00, v0;
	(erf) = vpow2.f32 v2  }
0x392: {  	v5 =	vimm.f32 $0.0e+00;
	v6 =	vld [tilespmem:s29+$0x80];
	v7 =	vpop (erf)  }
0x393: {  	v2 =	vmul.f32 $1.442695020e+00, v3;
	v1 =	vadd.f32 v7, v5;
	(erf) = vpow2.f32 v0  }
0x394: {  	v4 =	vmul.f32 $1.442695020e+00, v4;
	v3 =	vpop (erf);
	v0 =	vld [tilespmem:s29+$0x90]  }
0x395: {  	(erf) = vpow2.f32 v2;
	v3 =	vadd.f32 v3, v1  }
0x396: {  	v5 =	vpop (erf);
	v1 =	vld [tilespmem:s29+$0xA0];
	(erf) = vpow2.f32 v4  }
0x397: {  	s30 =	simm.s32 $0x8;
	s31 =	simm.s32 $0x180;
	s0 =	simm.s32 $0xC0;
	v2 =	vmul.f32 $1.442695020e+00, v6;
	v3 =	vadd.f32 v5, v3  }
.LBB2_64:
0x398: {  	s1 =	sand.u32 $0x40, s0;
	s23 =	sand.u32 $0x7F00, s31;
	s30 =	sadd.s32 $0x4, s30;
	v4 =	vld [tilespmem:s29+$0xB0];
	v5 =	vpop (erf)  }
0x399: {  	s29 =	sor.u32 s1, s23;
	p0 =	slt.u32 s30, $0x2FC;
	v0 =	vmul.f32 $1.442695020e+00, v0;
	(erf) = vpow2.f32 v2;
	v2 =	vadd.f32 v5, v3  }
0x39a: {  	v3 =	vld [tilespmem:s29+$0x80];
	v5 =	vpop (erf)  }
.Ltmp31:
0x39b: {  	v1 =	vmul.f32 $1.442695020e+00, v1;
	(erf) = vpow2.f32 v0;
	v2 =	vadd.f32 v5, v2;
	(pc) =	sbr.rel @p0 .LBB2_64-.Ltmp31, $4  }
0x39c: {  	v0 =	vld [tilespmem:s29+$0x90];
	v5 =	vpop (erf)  }
0x39d: {  	v4 =	vmul.f32 $1.442695020e+00, v4;
	(erf) = vpow2.f32 v1;
	v5 =	vadd.f32 v5, v2  }
0x39e: {  	v1 =	vld [tilespmem:s29+$0xA0];
	v6 =	vpop (erf)  }
0x39f: {  	s31 =	sadd.s32 $0x80, s31;
	s0 =	sadd.s32 $0x40, s0;
	v2 =	vmul.f32 $1.442695020e+00, v3;
	(erf) = vpow2.f32 v4;
	v3 =	vadd.f32 v6, v5  }
0x3a0: {  	v4 =	vld [tilespmem:s29+$0xB0];
	v5 =	vpop (erf)  }
0x3a1: {  	v0 =	vmul.f32 $1.442695020e+00, v0;
	(erf) = vpow2.f32 v2;
	v53 =	vadd.f32 v5, v3  }
0x3a2: {  	v54 =	vpop (erf)  }
0x3a3: {  	v1 =	vmul.f32 $1.442695020e+00, v1;
	(erf) = vpow2.f32 v0;
	v55 =	vadd.f32 v54, v53  }
0x3a4: {  	v56 =	vpop (erf)  }
0x3a5: {  	v57 =	vmul.f32 $1.442695020e+00, v4;
	(erf) = vpow2.f32 v1;
	v0 =	vadd.f32 v56, v55  }
0x3a6: {  	v58 =	vpop (erf)  }
0x3a7: {  	(erf) = vpow2.f32 v57;
	v0 =	vadd.f32 v58, v0  }
0x3a8: {  	v59 =	vpop (erf)  }
0x3a9: {  	v0 =	vadd.f32 v59, v0  }
0x3aa: {  	v60 =	vpop (erf)  }
0x3ab: {  	v0 =	vadd.f32 v60, v0  }
0x3ac: {  	v61 =	vpop (erf)  }
0x3ad: {  	v0 =	vadd.f32 v61, v0  }
0x3ae: {  	v62 =	vpop (erf)  }
0x3af: {  	v0 =	vadd.f32 v62, v0  }
0x3b0: {  	v63 =	vpop (erf)  }
0x3b1: {  	s28 =	sadd.s32 $0x1, s28;
	v0 =	vadd.f32 v63, v0  }
0x3b2: {  	p0 =	sne.s32 s28, s20  }
.Ltmp32:
0x3b3: {  	s0 =	simm.s32 $0x80;
	[tilespmem:$0x60F0] =	vst v0;
	(pc) =	sbr.rel @p0 .LBB2_1-.Ltmp32, $4  }
0x3b4: {  	[hbm4b:s19+s0] =	stream.strided.scatter [tilespmem:s25], [sflag:$0x3], $0x100, s24, s0, $0x38;
	[tilespmem:$0x6100] =	vst v63  }
0x3b5: {  	_ =	swait.ge [sflag:s26], $0x100  }
0x3b6: {  	[sflag:s26] =	ssyncset.done $0x0  }
0x3b7: {  	[sflag:s26] =	ssyncadd.s32 $0xFFFFFF00  }
0x3b8: {  	_ =	sfence.sel $0x180000  }
0x3b9: {  	[bflag:$0x0] =	sbarrier.arrive $0xFFFF  }
0x3ba: {  	_ =	strace $0x90000047  }
0x3bb: {  	s0 =	stileid.u32;
	[bflag:$0x2] =	sbarrier.arrive $0xFFFF  }
0x3bc: {  	p0 =	sne.s32 s0, $0x0;
	s0 =	rddreg [dreg:$0x2]  }
0x3bd: {  	s0 =	sadd.s32 @!p0 $0x100000, s0  }
0x3be: {  	[sflag:s0] =	ssyncadd.tile.s32 @!p0 $0x1;
	_ =	shalt  }
.Lfunc_end2:
_tile_overlayer_lowered:
.L_overlay_start_2:
0x3bf: {  	(tag) =	ssettag $0x2  }
0x3c0: {  	s0 =	rddreg [dreg:$0x0];
	s2 =	stileid.u32  }
0x3c1: {  	s1 =	rddreg [dreg:$0x1];
	p0 =	sne.s32 s2, $0x0  }
0x3c2: {  	s3 =	rddreg [dreg:$0x2];
	[bflag:$0x3] =	sbarrier.arrive $0xFFFF;
	s2 =	simm.s32 @!p0 $0x1C03  }
0x3c3: {  	[timem:s3], [sflag:s2] =	dma.local @!p0 [hbm:s0], s1  }
0x3c4: {  	s0 =	simm.s32 @!p0 $0x3  }
0x3c5: {  	_ =	swait.ge @!p0 [sflag:s0], s1  }
0x3c6: {  	s1 =	ssub.s32 @!p0 $0x0, s1;
	[sflag:s0] =	ssyncset.done @!p0 $0x0  }
0x3c7: {  	[sflag:s0] =	ssyncadd.s32 @!p0 s1  }
0x3c8: {  	[bflag:$0x3] =	sbarrier.arrive $0xFFFF  }
0x3c9: {  	_ =	shalt  }

</sc_bundles>
